<compile_context>
chip_gen: v7x
topology: tpu7x:2x2x1
jax: 0.10.2.dev20260603
libtpu: 0.0.44.dev20260713+nightly
codegen_flags: <defaults>
</compile_context>

<pallas_src>
import functools

import jax
import jax.numpy as jnp
from jax.experimental import pallas as pl
from jax.experimental.pallas import tpu as pltpu
from jax.experimental.pallas import tpu_sc as plsc

_NPOINTS = [4096, 1024, 256, 64]
_RADIUS = [[0.1, 0.5], [0.5, 1.0], [1.0, 2.0], [2.0, 4.0]]
_NSAMPLE = [[16, 32], [16, 32], [16, 32], [16, 32]]




def _fps_body(xyz_ref, out_ref, dist_ref, buf_ref, *, npoint):
    B = xyz_ref.shape[0]
    P = xyz_ref.shape[2]
    NP = out_ref.shape[1]
    x = xyz_ref[:, 0]
    y = xyz_ref[:, 1]
    z = xyz_ref[:, 2]
    n_iota = (jax.lax.broadcasted_iota(jnp.int32, (B, P, 128), 1) * 128
              + jax.lax.broadcasted_iota(jnp.int32, (B, P, 128), 2)
              ).astype(jnp.float32)
    s_iota = (jax.lax.broadcasted_iota(jnp.int32, (B, NP, 128), 1) * 128
              + jax.lax.broadcasted_iota(jnp.int32, (B, NP, 128), 2)
              ).astype(jnp.float32)
    dist_ref[...] = jnp.full((B, P, 128), 1e10, jnp.float32)
    buf_ref[...] = jnp.zeros((B, NP, 128), jnp.float32)

    def body(i, far):
        i_f = i.astype(jnp.float32)
        buf_ref[...] = jnp.where(s_iota == i_f,
                                 jnp.broadcast_to(far, (B, NP, 128)),
                                 buf_ref[...])
        onehot = n_iota == far
        cx = jnp.sum(jnp.where(onehot, x, 0.0), axis=(1, 2), keepdims=True)
        cy = jnp.sum(jnp.where(onehot, y, 0.0), axis=(1, 2), keepdims=True)
        cz = jnp.sum(jnp.where(onehot, z, 0.0), axis=(1, 2), keepdims=True)
        dx = x - cx
        dy = y - cy
        dz = z - cz
        d = dx * dx + dy * dy + dz * dz
        dist = jnp.minimum(dist_ref[...], d)
        dist_ref[...] = dist
        m = jnp.max(dist, axis=(1, 2), keepdims=True)
        far_new = jnp.min(jnp.where(dist == m, n_iota, 1e9),
                          axis=(1, 2), keepdims=True)
        return far_new

    jax.lax.fori_loop(0, npoint, body, jnp.zeros((B, 1, 1), jnp.float32))
    out_ref[...] = buf_ref[...].astype(jnp.int32)


def _fps(xyz, npoint):
    B, N, _ = xyz.shape
    P = N // 128
    NP = max(1, npoint // 128)
    xyzp = xyz.transpose(0, 2, 1).reshape(B, 3, P, 128)
    out = pl.pallas_call(
        functools.partial(_fps_body, npoint=npoint),
        out_shape=jax.ShapeDtypeStruct((B, NP, 128), jnp.int32),
        scratch_shapes=[pltpu.VMEM((B, P, 128), jnp.float32),
                        pltpu.VMEM((B, NP, 128), jnp.float32)],
    )(xyzp)
    return out.reshape(B, NP * 128)[:, :npoint]




def _sqdist(a, b):
    return (jnp.sum(a * a, -1)[:, :, None] + jnp.sum(b * b, -1)[:, None, :]
            - 2.0 * jnp.einsum('bmc,bnc->bmn', a, b))


def _gather(x, idx):
    return jax.vmap(lambda a, i: a[i])(x, idx)




def _ball_query_pair_sc(xyz, new_xyz, r1, r2, S1, S2):
    B, N, _ = xyz.shape
    M = new_xyz.shape[1]
    Q = B * M
    nw_used = min(32, Q // 8)
    qpw = Q // nw_used
    wpb = nw_used // B
    nchunk = N // 16
    r1sq = float(r1) ** 2
    r2sq = float(r2) ** 2

    xyzT = xyz.transpose(0, 2, 1).reshape(B * 3 * N)
    qT = new_xyz.reshape(Q, 3).T.reshape(3 * Q)

    mesh = plsc.VectorSubcoreMesh(core_axis_name="c", subcore_axis_name="s")

    @functools.partial(
        pl.kernel, mesh=mesh,
        out_type=[jax.ShapeDtypeStruct((Q * S1,), jnp.int32),
                  jax.ShapeDtypeStruct((Q * S2,), jnp.int32)],
        scratch_types=[pltpu.VMEM((N,), jnp.float32),
                       pltpu.VMEM((N,), jnp.float32),
                       pltpu.VMEM((N,), jnp.float32),
                       pltpu.VMEM((N,), jnp.float32),
                       pltpu.VMEM((qpw + 16,), jnp.float32),
                       pltpu.VMEM((qpw + 16,), jnp.float32),
                       pltpu.VMEM((qpw + 16,), jnp.float32),
                       pltpu.VMEM((qpw * S1,), jnp.int32),
                       pltpu.VMEM((qpw * S2,), jnp.int32)],
        compiler_params=pltpu.CompilerParams(needs_layout_passes=False),
    )
    def k(xyz_hbm, q_hbm, out1_hbm, out2_hbm,
          xv, yv, zv, ppv, qxv, qyv, qzv, c1v, c2v):
        wid = jax.lax.axis_index("s") * 2 + jax.lax.axis_index("c")

        @pl.when(wid < nw_used)
        def _():
            b = wid // wpb
            qstart = wid * qpw
            pltpu.sync_copy(xyz_hbm.at[pl.ds(b * 3 * N, N)], xv)
            pltpu.sync_copy(xyz_hbm.at[pl.ds(b * 3 * N + N, N)], yv)
            pltpu.sync_copy(xyz_hbm.at[pl.ds(b * 3 * N + 2 * N, N)], zv)
            pltpu.sync_copy(q_hbm.at[pl.ds(qstart, qpw)], qxv.at[pl.ds(0, qpw)])
            pltpu.sync_copy(q_hbm.at[pl.ds(Q + qstart, qpw)], qyv.at[pl.ds(0, qpw)])
            pltpu.sync_copy(q_hbm.at[pl.ds(2 * Q + qstart, qpw)], qzv.at[pl.ds(0, qpw)])
            lane = jax.lax.broadcasted_iota(jnp.int32, (16,), 0)
            big = jnp.int32(2147483647)
            bigv = jnp.full((16,), big, jnp.int32)

            def rnd(v):
                u = jax.lax.bitcast_convert_type(v, jnp.int32)
                r = ((u + jnp.int32(0x7FFF) + ((u >> 16) & jnp.int32(1)))
                     & jnp.int32(-65536))
                return jax.lax.bitcast_convert_type(r, jnp.float32)

            def prep(i, c):
                base = i * 16
                px = xv[pl.ds(base, 16)]
                py = yv[pl.ds(base, 16)]
                pz = zv[pl.ds(base, 16)]
                ppv[pl.ds(base, 16)] = (px * px + py * py) + pz * pz
                xv[pl.ds(base, 16)] = rnd(px)
                yv[pl.ds(base, 16)] = rnd(py)
                zv[pl.ds(base, 16)] = rnd(pz)
                return c

            jax.lax.fori_loop(0, nchunk, prep, 0)

            def qbody(q, carry):
                qx = qxv[pl.ds(q, 16)][0]
                qy = qyv[pl.ds(q, 16)][0]
                qz = qzv[pl.ds(q, 16)][0]
                qq = (qx * qx + qy * qy) + qz * qz
                qxb = rnd(qx)
                qyb = rnd(qy)
                qzb = rnd(qz)

                def body(i, st):
                    a1, lo2, hi2 = st
                    base = i * 16
                    px = xv[pl.ds(base, 16)]
                    py = yv[pl.ds(base, 16)]
                    pz = zv[pl.ds(base, 16)]
                    pp = ppv[pl.ds(base, 16)]
                    ab = (qxb * px + qyb * py) + qzb * pz
                    d = (qq + pp) - 2.0 * ab
                    iv = lane + base
                    k1 = jnp.where(d <= r1sq, iv, big)
                    k2 = jnp.where(d <= r2sq, iv, big)
                    _, c1d = plsc.sort_key_val(big - k1, k1)
                    m1 = jnp.minimum(a1, c1d)
                    a1, _ = plsc.sort_key_val(m1, m1)
                    _, c2d = plsc.sort_key_val(big - k2, k2)
                    t = jnp.minimum(hi2, c2d)
                    _, td = plsc.sort_key_val(big - t, t)
                    mn = jnp.minimum(lo2, td)
                    mx = jnp.maximum(lo2, td)
                    lo2, _ = plsc.sort_key_val(mn, mn)
                    hi2, _ = plsc.sort_key_val(mx, mx)
                    return a1, lo2, hi2

                a1, lo2, hi2 = jax.lax.fori_loop(0, nchunk, body,
                                                 (bigv, bigv, bigv))
                first1 = a1[0]
                f1 = jnp.where(first1 >= big, 0, first1)
                c1v[pl.ds(q * S1, 16)] = jnp.where(a1 >= big, f1, a1)
                first2 = lo2[0]
                f2 = jnp.where(first2 >= big, 0, first2)
                c2v[pl.ds(q * S2, 16)] = jnp.where(lo2 >= big, f2, lo2)
                c2v[pl.ds(q * S2 + 16, 16)] = jnp.where(hi2 >= big, f2, hi2)
                return carry

            jax.lax.fori_loop(0, qpw, qbody, 0)
            pltpu.sync_copy(c1v, out1_hbm.at[pl.ds(qstart * S1, qpw * S1)])
            pltpu.sync_copy(c2v, out2_hbm.at[pl.ds(qstart * S2, qpw * S2)])

    out1, out2 = k(xyzT, qT)
    return out1.reshape(B, M, S1), out2.reshape(B, M, S2)


def _ball_query(radius, nsample, xyz, new_xyz):
    B, N, _ = xyz.shape
    d = _sqdist(new_xyz, xyz)
    ar = jnp.arange(N, dtype=jnp.int32)
    idxf = jnp.where(d <= radius ** 2, ar[None, None, :], jnp.int32(N))
    vals, _ = jax.lax.top_k(-idxf, nsample)
    idx = -vals
    first = idx[:, :, :1]
    first = jnp.where(first >= N, 0, first)
    idx = jnp.where(idx >= N, first, idx)
    return idx


def _bn_relu(x, gamma, beta, eps=1e-5):
    axes = tuple(range(x.ndim - 1))
    m = jnp.mean(x, axis=axes, keepdims=True)
    v = jnp.var(x, axis=axes, keepdims=True)
    return jax.nn.relu(gamma * (x - m) / jnp.sqrt(v + eps) + beta)


def _run_mlp(x, layers):
    for l in layers:
        x = _bn_relu(x @ l['W'], l['gamma'], l['beta'])
    return x


def _three_nn(unknown, known):
    d = _sqdist(unknown, known)
    negd, idx = jax.lax.top_k(-d, 3)
    return -negd, idx


def kernel(pointcloud, sa_params, fp_params):
    xyz = pointcloud[..., :3]
    feats = pointcloud[..., 3:]
    l_xyz = [xyz]
    l_feats = [feats]
    for k in range(4):
        cur_xyz = l_xyz[-1]
        cur_f = l_feats[-1]
        fps_idx = _fps(cur_xyz, _NPOINTS[k])
        new_xyz = _gather(cur_xyz, fps_idx)
        branch_outs = []
        idx_pair = _ball_query_pair_sc(cur_xyz, new_xyz,
                                       _RADIUS[k][0], _RADIUS[k][1],
                                       _NSAMPLE[k][0], _NSAMPLE[k][1])
        for j in range(len(_RADIUS[k])):
            idx = idx_pair[j]
            grouped_xyz = _gather(cur_xyz, idx) - new_xyz[:, :, None, :]
            grouped_f = _gather(cur_f, idx)
            g = jnp.concatenate([grouped_xyz, grouped_f], -1)
            g = _run_mlp(g, sa_params[k][j])
            branch_outs.append(jnp.max(g, axis=2))
        l_xyz.append(new_xyz)
        l_feats.append(jnp.concatenate(branch_outs, -1))
    for i in range(-1, -5, -1):
        unknown = l_xyz[i - 1]
        known = l_xyz[i]
        dist, idx = _three_nn(unknown, known)
        w = 1.0 / (dist + 1e-8)
        w = w / jnp.sum(w, -1, keepdims=True)
        interp = jnp.sum(_gather(l_feats[i], idx) * w[..., None], axis=2)
        f = jnp.concatenate([interp, l_feats[i - 1]], -1)
        l_feats[i - 1] = _run_mlp(f, fp_params[i])
    return jnp.max(l_feats[0], axis=1)

# --- scband reference (transcript-rebuilt; emitter-appended) ---
"""Pipeline reference for scband-point-net2-msg-2156073583005 (READ-ONLY COPY).

The authoritative reference and input builder live on the scoring server;
editing this copy changes nothing except your own understanding.
"""

import jax, jax.numpy as jnp
import numpy as np

NPOINTS = [4096, 1024, 256, 64]
RADIUS = [[0.1, 0.5], [0.5, 1.0], [1.0, 2.0], [2.0, 4.0]]
NSAMPLE = [[16, 32], [16, 32], [16, 32], [16, 32]]
MLPS = [[[16, 16, 32], [32, 32, 64]], [[64, 64, 128], [64, 96, 128]], [[128, 196, 256], [128, 196, 256]], [[256, 256, 512], [256, 384, 512]]]
FP_MLPS = [[128, 128], [256, 256], [512, 512], [512, 512]]


def build_specs():
    channel_in = 1
    sa_specs = []
    skip = [1]
    for k in range(4):
        branches = []
        out = 0
        for mlp in MLPS[k]:
            branches.append([channel_in + 3] + list(mlp))
            out += mlp[-1]
        sa_specs.append(branches)
        skip.append(out)
        channel_in = out
    fp_specs = []
    for k in range(4):
        pre = FP_MLPS[k + 1][-1] if k + 1 < 4 else channel_in
        fp_specs.append([pre + skip[k]] + list(FP_MLPS[k]))
    return sa_specs, fp_specs


def sqdist(a, b):
    return jnp.sum(a * a, -1)[:, :, None] + jnp.sum(b * b, -1)[:, None, :] - 2.0 * jnp.einsum('bmc,bnc->bmn', a, b)


def gather(x, idx):
    return jax.vmap(lambda a, i: a[i])(x, idx)


def fps(xyz, npoint):
    B, N, _ = xyz.shape
    def body(i, state):
        idx, dist, far = state
        idx = idx.at[:, i].set(far)
        centroid = gather(xyz, far[:, None])
        d = jnp.sum((xyz - centroid) ** 2, -1)
        dist = jnp.minimum(dist, d)
        far = jnp.argmax(dist, -1).astype(jnp.int32)
        return idx, dist, far
    idx0 = jnp.zeros((B, npoint), jnp.int32)
    dist0 = jnp.full((B, N), 1e10, jnp.float32)
    far0 = jnp.zeros((B,), jnp.int32)
    idx, _, _ = jax.lax.fori_loop(0, npoint, body, (idx0, dist0, far0))
    return idx


def ball_query(radius, nsample, xyz, new_xyz):
    B, N, _ = xyz.shape
    d = sqdist(new_xyz, xyz)
    ar = jnp.arange(N, dtype=jnp.int32)
    idxf = jnp.where(d <= radius ** 2, ar[None, None, :], jnp.int32(N))
    vals, _ = jax.lax.top_k(-idxf, nsample)
    idx = -vals
    first = idx[:, :, :1]
    first = jnp.where(first >= N, 0, first)
    idx = jnp.where(idx >= N, first, idx)
    return idx


def bn_relu(x, gamma, beta, eps=1e-5):
    axes = tuple(range(x.ndim - 1))
    m = jnp.mean(x, axis=axes, keepdims=True)
    v = jnp.var(x, axis=axes, keepdims=True)
    return jax.nn.relu(gamma * (x - m) / jnp.sqrt(v + eps) + beta)


def run_mlp(x, layers):
    for l in layers:
        x = bn_relu(x @ l['W'], l['gamma'], l['beta'])
    return x


def three_nn(unknown, known):
    d = sqdist(unknown, known)
    negd, idx = jax.lax.top_k(-d, 3)
    return -negd, idx


def forward(pointcloud, sa_params, fp_params):
    xyz = pointcloud[..., :3]
    feats = pointcloud[..., 3:]
    l_xyz = [xyz]
    l_feats = [feats]
    for k in range(4):
        cur_xyz = l_xyz[-1]
        cur_f = l_feats[-1]
        sg_xyz = jax.lax.stop_gradient(cur_xyz)
        fps_idx = fps(sg_xyz, NPOINTS[k])
        new_xyz = gather(cur_xyz, fps_idx)
        branch_outs = []
        for j in range(len(RADIUS[k])):
            idx = ball_query(RADIUS[k][j], NSAMPLE[k][j], sg_xyz, jax.lax.stop_gradient(new_xyz))
            grouped_xyz = gather(cur_xyz, idx) - new_xyz[:, :, None, :]
            grouped_f = gather(cur_f, idx)
            g = jnp.concatenate([grouped_xyz, grouped_f], -1)
            g = run_mlp(g, sa_params[k][j])
            branch_outs.append(jnp.max(g, axis=2))
        l_xyz.append(new_xyz)
        l_feats.append(jnp.concatenate(branch_outs, -1))
    for i in range(-1, -5, -1):
        unknown = l_xyz[i - 1]
        known = l_xyz[i]
        dist, idx = three_nn(jax.lax.stop_gradient(unknown), jax.lax.stop_gradient(known))
        w = 1.0 / (dist + 1e-8)
        w = w / jnp.sum(w, -1, keepdims=True)
        interp = jnp.sum(gather(l_feats[i], idx) * w[..., None], axis=2)
        f = jnp.concatenate([interp, l_feats[i - 1]], -1)
        l_feats[i - 1] = run_mlp(f, fp_params[i])
    point_features = l_feats[0]
    return jnp.max(point_features, axis=1)


def setup_inputs(seed: int = 0):
    key = jax.random.key(seed)
    keys = jax.random.split(key, 256)
    kc = [0]
    def nk():
        kc[0] += 1
        return keys[kc[0]]
    pointcloud = jax.random.normal(keys[0], (2, 16384, 4), dtype=jnp.float32)
    sa_specs, fp_specs = build_specs()
    def make_mlp(dims):
        layers = []
        for a, b in zip(dims[:-1], dims[1:]):
            layers.append({'W': jax.random.normal(nk(), (a, b), jnp.float32) * 0.05,
                           'gamma': jnp.ones((b,), jnp.float32),
                           'beta': jnp.zeros((b,), jnp.float32)})
        return layers
    sa_params = [[make_mlp(d) for d in br] for br in sa_specs]
    fp_params = [make_mlp(d) for d in fp_specs]
    return {'pointcloud': pointcloud, 'sa_params': sa_params, 'fp_params': fp_params}


def reference(pointcloud, sa_params, fp_params):
    return forward(pointcloud, sa_params, fp_params)

if __name__ == "__main__":
    import jax
    _d = setup_inputs()
    print(jax.jit(kernel)(*tuple(_d.values())))

</pallas_src>

<mosaic_0001>
#map = affine_map<(d0, d1) -> (0)>
module attributes {stable_mosaic.version = 14 : i64} {
  func.func @k(%arg0: i32, %arg1: i32, %arg2: memref<24576xf32, #tpu.memory_space<hbm>>, %arg3: memref<6144xf32, #tpu.memory_space<hbm>>, %arg4: memref<32768xi32, #tpu.memory_space<hbm>>, %arg5: memref<65536xi32, #tpu.memory_space<hbm>>, %arg6: memref<4096xf32, #tpu.memory_space<vmem>>, %arg7: memref<4096xf32, #tpu.memory_space<vmem>>, %arg8: memref<4096xf32, #tpu.memory_space<vmem>>, %arg9: memref<4096xf32, #tpu.memory_space<vmem>>, %arg10: memref<80xf32, #tpu.memory_space<vmem>>, %arg11: memref<80xf32, #tpu.memory_space<vmem>>, %arg12: memref<80xf32, #tpu.memory_space<vmem>>, %arg13: memref<1024xi32, #tpu.memory_space<vmem>>, %arg14: memref<2048xi32, #tpu.memory_space<vmem>>) attributes {dimension_semantics = [#tpu.dimension_semantics<core_parallel>, #tpu.dimension_semantics<subcore_parallel>], iteration_bounds = array<i64: 2, 16>, scalar_prefetch = 0 : i64, scratch_operands = 9 : i64, tpu.core_type = #tpu.core_type<sc_vector_subcore>, window_params = [{transform_indices = #map}, {transform_indices = #map}, {transform_indices = #map}, {transform_indices = #map}]} {
    %mul3A = arith.constant 2 : i32
    %mul3A_0 = arith.muli %arg1, %mul3A : i32
    %add3A = arith.addi %mul3A_0, %arg0 : i32
    %lt3A = arith.constant 32 : i32
    %lt3A_1 = arith.cmpi slt, %add3A, %lt3A : i32
    %convert_element_type3A = arith.extui %lt3A_1 : i1 to i32
    %cond3A = arith.constant 0 : i32
    %cond3A_2 = arith.cmpi ne, %convert_element_type3A, %cond3A : i32
    scf.if %cond3A_2 {
      %jit3A = arith.constant 16 : i32
      %div3A = arith.divsi %add3A, %jit3A : i32
      %sign3A = arith.constant 0 : i32
      %sign3A_3 = arith.cmpi sgt, %add3A, %sign3A : i32
      %sign3A_4 = arith.extui %sign3A_3 : i1 to i32
      %sign3A_5 = arith.constant 0 : i32
      %sign3A_6 = arith.cmpi slt, %add3A, %sign3A_5 : i32
      %sign3A_7 = arith.extui %sign3A_6 : i1 to i32
      %sign3A_8 = arith.subi %sign3A_4, %sign3A_7 : i32
      %sign3A_9 = arith.constant 0 : i32
      %sign3A_10 = arith.cmpi sgt, %jit3A, %sign3A_9 : i32
      %sign3A_11 = arith.extui %sign3A_10 : i1 to i32
      %sign3A_12 = arith.constant 0 : i32
      %sign3A_13 = arith.cmpi slt, %jit3A, %sign3A_12 : i32
      %sign3A_14 = arith.extui %sign3A_13 : i1 to i32
      %sign3A_15 = arith.subi %sign3A_11, %sign3A_14 : i32
      %ne3A = arith.cmpi ne, %sign3A_8, %sign3A_15 : i32
      %rem3A = arith.remsi %add3A, %jit3A : i32
      %ne3A_16 = arith.constant 0 : i32
      %ne3A_17 = arith.cmpi ne, %rem3A, %ne3A_16 : i32
      %and3A = arith.andi %ne3A, %ne3A_17 : i1
      %sub3A = arith.constant 1 : i32
      %sub3A_18 = arith.subi %div3A, %sub3A : i32
      %select_n3A = arith.select %and3A, %sub3A_18, %div3A : i32
      %mul3A_19 = arith.constant 64 : i32
      %mul3A_20 = arith.muli %add3A, %mul3A_19 : i32
      %mul3A_21 = arith.constant 3 : i32
      %mul3A_22 = arith.muli %select_n3A, %mul3A_21 : i32
      %mul3A_23 = arith.constant 4096 : i32
      %mul3A_24 = arith.muli %mul3A_22, %mul3A_23 : i32
      "tpu.region"() ({
        %run_scoped3A = tpu.sem_alloc : memref<!tpu.dma_semaphore, #tpu.memory_space<semaphore_mem>>
        %dma_start3A = tpu.memref_slice %arg2[%mul3A_24] : memref<24576xf32, #tpu.memory_space<hbm>> -> memref<4096xf32, #tpu.memory_space<hbm>>
        %dma_start3A_58 = tpu.memref_slice %arg2[%mul3A_24] : memref<24576xf32, #tpu.memory_space<hbm>> -> memref<4096xf32, #tpu.memory_space<hbm>>
        tpu.enqueue_dma source(%dma_start3A_58 : memref<4096xf32, #tpu.memory_space<hbm>>) target(%arg6 : memref<4096xf32, #tpu.memory_space<vmem>>) target_semaphore(%run_scoped3A : memref<!tpu.dma_semaphore, #tpu.memory_space<semaphore_mem>>)
        %dma_wait3A = tpu.memref_slice %arg2[%mul3A_24] : memref<24576xf32, #tpu.memory_space<hbm>> -> memref<4096xf32, #tpu.memory_space<hbm>>
        %dma_wait3A_59 = tpu.memref_slice %arg2[%mul3A_24] : memref<24576xf32, #tpu.memory_space<hbm>> -> memref<4096xf32, #tpu.memory_space<hbm>>
        tpu.wait_dma2 semaphore(%run_scoped3A : memref<!tpu.dma_semaphore, #tpu.memory_space<semaphore_mem>>) src(%dma_wait3A_59 : memref<4096xf32, #tpu.memory_space<hbm>>) dst(%arg6 : memref<4096xf32, #tpu.memory_space<vmem>>)
        tpu.yield
      }) : () -> ()
      %mul3A_25 = arith.constant 3 : i32
      %mul3A_26 = arith.muli %select_n3A, %mul3A_25 : i32
      %mul3A_27 = arith.constant 4096 : i32
      %mul3A_28 = arith.muli %mul3A_26, %mul3A_27 : i32
      %add3A_29 = arith.constant 4096 : i32
      %add3A_30 = arith.addi %mul3A_28, %add3A_29 : i32
      "tpu.region"() ({
        %run_scoped3A = tpu.sem_alloc : memref<!tpu.dma_semaphore, #tpu.memory_space<semaphore_mem>>
        %dma_start3A = tpu.memref_slice %arg2[%add3A_30] : memref<24576xf32, #tpu.memory_space<hbm>> -> memref<4096xf32, #tpu.memory_space<hbm>>
        %dma_start3A_58 = tpu.memref_slice %arg2[%add3A_30] : memref<24576xf32, #tpu.memory_space<hbm>> -> memref<4096xf32, #tpu.memory_space<hbm>>
        tpu.enqueue_dma source(%dma_start3A_58 : memref<4096xf32, #tpu.memory_space<hbm>>) target(%arg7 : memref<4096xf32, #tpu.memory_space<vmem>>) target_semaphore(%run_scoped3A : memref<!tpu.dma_semaphore, #tpu.memory_space<semaphore_mem>>)
        %dma_wait3A = tpu.memref_slice %arg2[%add3A_30] : memref<24576xf32, #tpu.memory_space<hbm>> -> memref<4096xf32, #tpu.memory_space<hbm>>
        %dma_wait3A_59 = tpu.memref_slice %arg2[%add3A_30] : memref<24576xf32, #tpu.memory_space<hbm>> -> memref<4096xf32, #tpu.memory_space<hbm>>
        tpu.wait_dma2 semaphore(%run_scoped3A : memref<!tpu.dma_semaphore, #tpu.memory_space<semaphore_mem>>) src(%dma_wait3A_59 : memref<4096xf32, #tpu.memory_space<hbm>>) dst(%arg7 : memref<4096xf32, #tpu.memory_space<vmem>>)
        tpu.yield
      }) : () -> ()
      %mul3A_31 = arith.constant 3 : i32
      %mul3A_32 = arith.muli %select_n3A, %mul3A_31 : i32
      %mul3A_33 = arith.constant 4096 : i32
      %mul3A_34 = arith.muli %mul3A_32, %mul3A_33 : i32
      %add3A_35 = arith.constant 8192 : i32
      %add3A_36 = arith.addi %mul3A_34, %add3A_35 : i32
      "tpu.region"() ({
        %run_scoped3A = tpu.sem_alloc : memref<!tpu.dma_semaphore, #tpu.memory_space<semaphore_mem>>
        %dma_start3A = tpu.memref_slice %arg2[%add3A_36] : memref<24576xf32, #tpu.memory_space<hbm>> -> memref<4096xf32, #tpu.memory_space<hbm>>
        %dma_start3A_58 = tpu.memref_slice %arg2[%add3A_36] : memref<24576xf32, #tpu.memory_space<hbm>> -> memref<4096xf32, #tpu.memory_space<hbm>>
        tpu.enqueue_dma source(%dma_start3A_58 : memref<4096xf32, #tpu.memory_space<hbm>>) target(%arg8 : memref<4096xf32, #tpu.memory_space<vmem>>) target_semaphore(%run_scoped3A : memref<!tpu.dma_semaphore, #tpu.memory_space<semaphore_mem>>)
        %dma_wait3A = tpu.memref_slice %arg2[%add3A_36] : memref<24576xf32, #tpu.memory_space<hbm>> -> memref<4096xf32, #tpu.memory_space<hbm>>
        %dma_wait3A_59 = tpu.memref_slice %arg2[%add3A_36] : memref<24576xf32, #tpu.memory_space<hbm>> -> memref<4096xf32, #tpu.memory_space<hbm>>
        tpu.wait_dma2 semaphore(%run_scoped3A : memref<!tpu.dma_semaphore, #tpu.memory_space<semaphore_mem>>) src(%dma_wait3A_59 : memref<4096xf32, #tpu.memory_space<hbm>>) dst(%arg8 : memref<4096xf32, #tpu.memory_space<vmem>>)
        tpu.yield
      }) : () -> ()
      "tpu.region"() ({
        %run_scoped3A = tpu.sem_alloc : memref<!tpu.dma_semaphore, #tpu.memory_space<semaphore_mem>>
        %dma_start3A = arith.constant 0 : i32
        %dma_start3A_58 = tpu.memref_slice %arg10[%dma_start3A] : memref<80xf32, #tpu.memory_space<vmem>> -> memref<64xf32, #tpu.memory_space<vmem>>
        %dma_start3A_59 = tpu.memref_slice %arg3[%mul3A_20] : memref<6144xf32, #tpu.memory_space<hbm>> -> memref<64xf32, #tpu.memory_space<hbm>>
        %dma_start3A_60 = arith.constant 0 : i32
        %dma_start3A_61 = tpu.memref_slice %arg10[%dma_start3A_60] : memref<80xf32, #tpu.memory_space<vmem>> -> memref<64xf32, #tpu.memory_space<vmem>>
        %dma_start3A_62 = tpu.memref_slice %arg3[%mul3A_20] : memref<6144xf32, #tpu.memory_space<hbm>> -> memref<64xf32, #tpu.memory_space<hbm>>
        tpu.enqueue_dma source(%dma_start3A_62 : memref<64xf32, #tpu.memory_space<hbm>>) target(%dma_start3A_61 : memref<64xf32, #tpu.memory_space<vmem>>) target_semaphore(%run_scoped3A : memref<!tpu.dma_semaphore, #tpu.memory_space<semaphore_mem>>)
        %dma_wait3A = arith.constant 0 : i32
        %dma_wait3A_63 = tpu.memref_slice %arg10[%dma_wait3A] : memref<80xf32, #tpu.memory_space<vmem>> -> memref<64xf32, #tpu.memory_space<vmem>>
        %dma_wait3A_64 = tpu.memref_slice %arg3[%mul3A_20] : memref<6144xf32, #tpu.memory_space<hbm>> -> memref<64xf32, #tpu.memory_space<hbm>>
        %dma_wait3A_65 = arith.constant 0 : i32
        %dma_wait3A_66 = tpu.memref_slice %arg10[%dma_wait3A_65] : memref<80xf32, #tpu.memory_space<vmem>> -> memref<64xf32, #tpu.memory_space<vmem>>
        %dma_wait3A_67 = tpu.memref_slice %arg3[%mul3A_20] : memref<6144xf32, #tpu.memory_space<hbm>> -> memref<64xf32, #tpu.memory_space<hbm>>
        tpu.wait_dma2 semaphore(%run_scoped3A : memref<!tpu.dma_semaphore, #tpu.memory_space<semaphore_mem>>) src(%dma_wait3A_67 : memref<64xf32, #tpu.memory_space<hbm>>) dst(%dma_wait3A_66 : memref<64xf32, #tpu.memory_space<vmem>>)
        tpu.yield
      }) : () -> ()
      %add3A_37 = arith.constant 2048 : i32
      %add3A_38 = arith.addi %add3A_37, %mul3A_20 : i32
      "tpu.region"() ({
        %run_scoped3A = tpu.sem_alloc : memref<!tpu.dma_semaphore, #tpu.memory_space<semaphore_mem>>
        %dma_start3A = arith.constant 0 : i32
        %dma_start3A_58 = tpu.memref_slice %arg11[%dma_start3A] : memref<80xf32, #tpu.memory_space<vmem>> -> memref<64xf32, #tpu.memory_space<vmem>>
        %dma_start3A_59 = tpu.memref_slice %arg3[%add3A_38] : memref<6144xf32, #tpu.memory_space<hbm>> -> memref<64xf32, #tpu.memory_space<hbm>>
        %dma_start3A_60 = arith.constant 0 : i32
        %dma_start3A_61 = tpu.memref_slice %arg11[%dma_start3A_60] : memref<80xf32, #tpu.memory_space<vmem>> -> memref<64xf32, #tpu.memory_space<vmem>>
        %dma_start3A_62 = tpu.memref_slice %arg3[%add3A_38] : memref<6144xf32, #tpu.memory_space<hbm>> -> memref<64xf32, #tpu.memory_space<hbm>>
        tpu.enqueue_dma source(%dma_start3A_62 : memref<64xf32, #tpu.memory_space<hbm>>) target(%dma_start3A_61 : memref<64xf32, #tpu.memory_space<vmem>>) target_semaphore(%run_scoped3A : memref<!tpu.dma_semaphore, #tpu.memory_space<semaphore_mem>>)
        %dma_wait3A = arith.constant 0 : i32
        %dma_wait3A_63 = tpu.memref_slice %arg11[%dma_wait3A] : memref<80xf32, #tpu.memory_space<vmem>> -> memref<64xf32, #tpu.memory_space<vmem>>
        %dma_wait3A_64 = tpu.memref_slice %arg3[%add3A_38] : memref<6144xf32, #tpu.memory_space<hbm>> -> memref<64xf32, #tpu.memory_space<hbm>>
        %dma_wait3A_65 = arith.constant 0 : i32
        %dma_wait3A_66 = tpu.memref_slice %arg11[%dma_wait3A_65] : memref<80xf32, #tpu.memory_space<vmem>> -> memref<64xf32, #tpu.memory_space<vmem>>
        %dma_wait3A_67 = tpu.memref_slice %arg3[%add3A_38] : memref<6144xf32, #tpu.memory_space<hbm>> -> memref<64xf32, #tpu.memory_space<hbm>>
        tpu.wait_dma2 semaphore(%run_scoped3A : memref<!tpu.dma_semaphore, #tpu.memory_space<semaphore_mem>>) src(%dma_wait3A_67 : memref<64xf32, #tpu.memory_space<hbm>>) dst(%dma_wait3A_66 : memref<64xf32, #tpu.memory_space<vmem>>)
        tpu.yield
      }) : () -> ()
      %add3A_39 = arith.constant 4096 : i32
      %add3A_40 = arith.addi %add3A_39, %mul3A_20 : i32
      "tpu.region"() ({
        %run_scoped3A = tpu.sem_alloc : memref<!tpu.dma_semaphore, #tpu.memory_space<semaphore_mem>>
        %dma_start3A = arith.constant 0 : i32
        %dma_start3A_58 = tpu.memref_slice %arg12[%dma_start3A] : memref<80xf32, #tpu.memory_space<vmem>> -> memref<64xf32, #tpu.memory_space<vmem>>
        %dma_start3A_59 = tpu.memref_slice %arg3[%add3A_40] : memref<6144xf32, #tpu.memory_space<hbm>> -> memref<64xf32, #tpu.memory_space<hbm>>
        %dma_start3A_60 = arith.constant 0 : i32
        %dma_start3A_61 = tpu.memref_slice %arg12[%dma_start3A_60] : memref<80xf32, #tpu.memory_space<vmem>> -> memref<64xf32, #tpu.memory_space<vmem>>
        %dma_start3A_62 = tpu.memref_slice %arg3[%add3A_40] : memref<6144xf32, #tpu.memory_space<hbm>> -> memref<64xf32, #tpu.memory_space<hbm>>
        tpu.enqueue_dma source(%dma_start3A_62 : memref<64xf32, #tpu.memory_space<hbm>>) target(%dma_start3A_61 : memref<64xf32, #tpu.memory_space<vmem>>) target_semaphore(%run_scoped3A : memref<!tpu.dma_semaphore, #tpu.memory_space<semaphore_mem>>)
        %dma_wait3A = arith.constant 0 : i32
        %dma_wait3A_63 = tpu.memref_slice %arg12[%dma_wait3A] : memref<80xf32, #tpu.memory_space<vmem>> -> memref<64xf32, #tpu.memory_space<vmem>>
        %dma_wait3A_64 = tpu.memref_slice %arg3[%add3A_40] : memref<6144xf32, #tpu.memory_space<hbm>> -> memref<64xf32, #tpu.memory_space<hbm>>
        %dma_wait3A_65 = arith.constant 0 : i32
        %dma_wait3A_66 = tpu.memref_slice %arg12[%dma_wait3A_65] : memref<80xf32, #tpu.memory_space<vmem>> -> memref<64xf32, #tpu.memory_space<vmem>>
        %dma_wait3A_67 = tpu.memref_slice %arg3[%add3A_40] : memref<6144xf32, #tpu.memory_space<hbm>> -> memref<64xf32, #tpu.memory_space<hbm>>
        tpu.wait_dma2 semaphore(%run_scoped3A : memref<!tpu.dma_semaphore, #tpu.memory_space<semaphore_mem>>) src(%dma_wait3A_67 : memref<64xf32, #tpu.memory_space<hbm>>) dst(%dma_wait3A_66 : memref<64xf32, #tpu.memory_space<vmem>>)
        tpu.yield
      }) : () -> ()
      %iota3A = tpu.iota {dimensions = array<i32: 0>} : vector<16xi32>
      %broadcast_in_dim3A = arith.constant 2147483647 : i32
      %broadcast_in_dim3A_41 = vector.broadcast %broadcast_in_dim3A : i32 to vector<16xi32>
      %scan3A = arith.constant 0 : i32
      %scan3A_42 = arith.constant 0 : i32
      %scan3A_43 = arith.constant 256 : i32
      %scan3A_44 = arith.addi %scan3A_42, %scan3A_43 : i32
      %scan3A_45 = arith.constant 1 : i32
      scf.for %scan3A_58 = %scan3A_42 to %scan3A_44 step %scan3A_45  : i32 {
        %mul3A_59 = arith.constant 16 : i32
        %mul3A_60 = arith.muli %scan3A_58, %mul3A_59 : i32
        %get3A = arith.index_cast %mul3A_60 : i32 to index
        %get3A_61 = tpu.vector_load %arg6[%get3A] {strides = array<i32>} : memref<4096xf32, #tpu.memory_space<vmem>>, vector<16xf32>,
        %get3A_62 = arith.index_cast %mul3A_60 : i32 to index
        %get3A_63 = tpu.vector_load %arg7[%get3A_62] {strides = array<i32>} : memref<4096xf32, #tpu.memory_space<vmem>>, vector<16xf32>,
        %get3A_64 = arith.index_cast %mul3A_60 : i32 to index
        %get3A_65 = tpu.vector_load %arg8[%get3A_64] {strides = array<i32>} : memref<4096xf32, #tpu.memory_space<vmem>>, vector<16xf32>,
        %mul3A_66 = arith.mulf %get3A_61, %get3A_61 : vector<16xf32>
        %mul3A_67 = arith.mulf %get3A_63, %get3A_63 : vector<16xf32>
        %add3A_68 = arith.addf %mul3A_66, %mul3A_67 : vector<16xf32>
        %mul3A_69 = arith.mulf %get3A_65, %get3A_65 : vector<16xf32>
        %add3A_70 = arith.addf %add3A_68, %mul3A_69 : vector<16xf32>
        %swap3A = arith.index_cast %mul3A_60 : i32 to index
        %swap3A_71 = tpu.vector_load %arg9[%swap3A] {strides = array<i32>} : memref<4096xf32, #tpu.memory_space<vmem>>, vector<16xf32>,
        tpu.vector_store %arg9[%swap3A], %add3A_70 {strides = array<i32>} : memref<4096xf32, #tpu.memory_space<vmem>>, vector<16xf32>,
        %bitcast_convert_type3A = tpu.bitcast %get3A_61 : vector<16xf32> -> vector<16xi32>
        %add3A_72 = arith.constant 32767 : i32
        %add3A_73 = vector.broadcast %add3A_72 : i32 to vector<16xi32>
        %add3A_74 = arith.addi %bitcast_convert_type3A, %add3A_73 : vector<16xi32>
        %shift_right_arithmetic3A = arith.constant 16 : i32
        %shift_right_arithmetic3A_75 = vector.broadcast %shift_right_arithmetic3A : i32 to vector<16xi32>
        %shift_right_arithmetic3A_76 = arith.shrsi %bitcast_convert_type3A, %shift_right_arithmetic3A_75 : vector<16xi32>
        %and3A_77 = arith.constant 1 : i32
        %and3A_78 = vector.broadcast %and3A_77 : i32 to vector<16xi32>
        %and3A_79 = arith.andi %shift_right_arithmetic3A_76, %and3A_78 : vector<16xi32>
        %add3A_80 = arith.addi %add3A_74, %and3A_79 : vector<16xi32>
        %and3A_81 = arith.constant -65536 : i32
        %and3A_82 = vector.broadcast %and3A_81 : i32 to vector<16xi32>
        %and3A_83 = arith.andi %add3A_80, %and3A_82 : vector<16xi32>
        %bitcast_convert_type3A_84 = tpu.bitcast %and3A_83 : vector<16xi32> -> vector<16xf32>
        %swap3A_85 = arith.index_cast %mul3A_60 : i32 to index
        %swap3A_86 = tpu.vector_load %arg6[%swap3A_85] {strides = array<i32>} : memref<4096xf32, #tpu.memory_space<vmem>>, vector<16xf32>,
        tpu.vector_store %arg6[%swap3A_85], %bitcast_convert_type3A_84 {strides = array<i32>} : memref<4096xf32, #tpu.memory_space<vmem>>, vector<16xf32>,
        %bitcast_convert_type3A_87 = tpu.bitcast %get3A_63 : vector<16xf32> -> vector<16xi32>
        %add3A_88 = arith.constant 32767 : i32
        %add3A_89 = vector.broadcast %add3A_88 : i32 to vector<16xi32>
        %add3A_90 = arith.addi %bitcast_convert_type3A_87, %add3A_89 : vector<16xi32>
        %shift_right_arithmetic3A_91 = arith.constant 16 : i32
        %shift_right_arithmetic3A_92 = vector.broadcast %shift_right_arithmetic3A_91 : i32 to vector<16xi32>
        %shift_right_arithmetic3A_93 = arith.shrsi %bitcast_convert_type3A_87, %shift_right_arithmetic3A_92 : vector<16xi32>
        %and3A_94 = arith.constant 1 : i32
        %and3A_95 = vector.broadcast %and3A_94 : i32 to vector<16xi32>
        %and3A_96 = arith.andi %shift_right_arithmetic3A_93, %and3A_95 : vector<16xi32>
        %add3A_97 = arith.addi %add3A_90, %and3A_96 : vector<16xi32>
        %and3A_98 = arith.constant -65536 : i32
        %and3A_99 = vector.broadcast %and3A_98 : i32 to vector<16xi32>
        %and3A_100 = arith.andi %add3A_97, %and3A_99 : vector<16xi32>
        %bitcast_convert_type3A_101 = tpu.bitcast %and3A_100 : vector<16xi32> -> vector<16xf32>
        %swap3A_102 = arith.index_cast %mul3A_60 : i32 to index
        %swap3A_103 = tpu.vector_load %arg7[%swap3A_102] {strides = array<i32>} : memref<4096xf32, #tpu.memory_space<vmem>>, vector<16xf32>,
        tpu.vector_store %arg7[%swap3A_102], %bitcast_convert_type3A_101 {strides = array<i32>} : memref<4096xf32, #tpu.memory_space<vmem>>, vector<16xf32>,
        %bitcast_convert_type3A_104 = tpu.bitcast %get3A_65 : vector<16xf32> -> vector<16xi32>
        %add3A_105 = arith.constant 32767 : i32
        %add3A_106 = vector.broadcast %add3A_105 : i32 to vector<16xi32>
        %add3A_107 = arith.addi %bitcast_convert_type3A_104, %add3A_106 : vector<16xi32>
        %shift_right_arithmetic3A_108 = arith.constant 16 : i32
        %shift_right_arithmetic3A_109 = vector.broadcast %shift_right_arithmetic3A_108 : i32 to vector<16xi32>
        %shift_right_arithmetic3A_110 = arith.shrsi %bitcast_convert_type3A_104, %shift_right_arithmetic3A_109 : vector<16xi32>
        %and3A_111 = arith.constant 1 : i32
        %and3A_112 = vector.broadcast %and3A_111 : i32 to vector<16xi32>
        %and3A_113 = arith.andi %shift_right_arithmetic3A_110, %and3A_112 : vector<16xi32>
        %add3A_114 = arith.addi %add3A_107, %and3A_113 : vector<16xi32>
        %and3A_115 = arith.constant -65536 : i32
        %and3A_116 = vector.broadcast %and3A_115 : i32 to vector<16xi32>
        %and3A_117 = arith.andi %add3A_114, %and3A_116 : vector<16xi32>
        %bitcast_convert_type3A_118 = tpu.bitcast %and3A_117 : vector<16xi32> -> vector<16xf32>
        %swap3A_119 = arith.index_cast %mul3A_60 : i32 to index
        %swap3A_120 = tpu.vector_load %arg8[%swap3A_119] {strides = array<i32>} : memref<4096xf32, #tpu.memory_space<vmem>>, vector<16xf32>,
        tpu.vector_store %arg8[%swap3A_119], %bitcast_convert_type3A_118 {strides = array<i32>} : memref<4096xf32, #tpu.memory_space<vmem>>, vector<16xf32>,
      }
      %scan3A_46 = arith.constant 256 : i32
      %scan3A_47 = arith.constant 0 : i32
      %scan3A_48 = arith.constant 2147483647 : i32
      %scan3A_49 = arith.constant 0 : i32
      %scan3A_50 = arith.constant 64 : i32
      %scan3A_51 = arith.addi %scan3A_49, %scan3A_50 : i32
      %scan3A_52 = arith.constant 1 : i32
      scf.for %scan3A_58 = %scan3A_49 to %scan3A_51 step %scan3A_52  : i32 {
        %get3A = arith.index_cast %scan3A_58 : i32 to index
        %get3A_59 = tpu.vector_load %arg10[%get3A] {strides = array<i32>} : memref<80xf32, #tpu.memory_space<vmem>>, vector<16xf32>,
        %slice3A = vector.extract_strided_slice %get3A_59 {offsets = [0], sizes = [1], strides = [1]} : vector<16xf32> to vector<1xf32>
        %squeeze3A = vector.extract %slice3A[0] : f32 from vector<1xf32>
        %get3A_60 = arith.index_cast %scan3A_58 : i32 to index
        %get3A_61 = tpu.vector_load %arg11[%get3A_60] {strides = array<i32>} : memref<80xf32, #tpu.memory_space<vmem>>, vector<16xf32>,
        %slice3A_62 = vector.extract_strided_slice %get3A_61 {offsets = [0], sizes = [1], strides = [1]} : vector<16xf32> to vector<1xf32>
        %squeeze3A_63 = vector.extract %slice3A_62[0] : f32 from vector<1xf32>
        %get3A_64 = arith.index_cast %scan3A_58 : i32 to index
        %get3A_65 = tpu.vector_load %arg12[%get3A_64] {strides = array<i32>} : memref<80xf32, #tpu.memory_space<vmem>>, vector<16xf32>,
        %slice3A_66 = vector.extract_strided_slice %get3A_65 {offsets = [0], sizes = [1], strides = [1]} : vector<16xf32> to vector<1xf32>
        %squeeze3A_67 = vector.extract %slice3A_66[0] : f32 from vector<1xf32>
        %mul3A_68 = arith.mulf %squeeze3A, %squeeze3A : f32
        %mul3A_69 = arith.mulf %squeeze3A_63, %squeeze3A_63 : f32
        %add3A_70 = arith.addf %mul3A_68, %mul3A_69 : f32
        %mul3A_71 = arith.mulf %squeeze3A_67, %squeeze3A_67 : f32
        %add3A_72 = arith.addf %add3A_70, %mul3A_71 : f32
        %bitcast_convert_type3A = arith.bitcast %squeeze3A : f32 to i32
        %add3A_73 = arith.constant 32767 : i32
        %add3A_74 = arith.addi %bitcast_convert_type3A, %add3A_73 : i32
        %shift_right_arithmetic3A = arith.constant 16 : i32
        %shift_right_arithmetic3A_75 = arith.shrsi %bitcast_convert_type3A, %shift_right_arithmetic3A : i32
        %and3A_76 = arith.constant 1 : i32
        %and3A_77 = arith.andi %shift_right_arithmetic3A_75, %and3A_76 : i32
        %add3A_78 = arith.addi %add3A_74, %and3A_77 : i32
        %and3A_79 = arith.constant -65536 : i32
        %and3A_80 = arith.andi %add3A_78, %and3A_79 : i32
        %bitcast_convert_type3A_81 = arith.bitcast %and3A_80 : i32 to f32
        %bitcast_convert_type3A_82 = arith.bitcast %squeeze3A_63 : f32 to i32
        %add3A_83 = arith.constant 32767 : i32
        %add3A_84 = arith.addi %bitcast_convert_type3A_82, %add3A_83 : i32
        %shift_right_arithmetic3A_85 = arith.constant 16 : i32
        %shift_right_arithmetic3A_86 = arith.shrsi %bitcast_convert_type3A_82, %shift_right_arithmetic3A_85 : i32
        %and3A_87 = arith.constant 1 : i32
        %and3A_88 = arith.andi %shift_right_arithmetic3A_86, %and3A_87 : i32
        %add3A_89 = arith.addi %add3A_84, %and3A_88 : i32
        %and3A_90 = arith.constant -65536 : i32
        %and3A_91 = arith.andi %add3A_89, %and3A_90 : i32
        %bitcast_convert_type3A_92 = arith.bitcast %and3A_91 : i32 to f32
        %bitcast_convert_type3A_93 = arith.bitcast %squeeze3A_67 : f32 to i32
        %add3A_94 = arith.constant 32767 : i32
        %add3A_95 = arith.addi %bitcast_convert_type3A_93, %add3A_94 : i32
        %shift_right_arithmetic3A_96 = arith.constant 16 : i32
        %shift_right_arithmetic3A_97 = arith.shrsi %bitcast_convert_type3A_93, %shift_right_arithmetic3A_96 : i32
        %and3A_98 = arith.constant 1 : i32
        %and3A_99 = arith.andi %shift_right_arithmetic3A_97, %and3A_98 : i32
        %add3A_100 = arith.addi %add3A_95, %and3A_99 : i32
        %and3A_101 = arith.constant -65536 : i32
        %and3A_102 = arith.andi %add3A_100, %and3A_101 : i32
        %bitcast_convert_type3A_103 = arith.bitcast %and3A_102 : i32 to f32
        %scan3A_104 = arith.constant 0 : i32
        %scan3A_105 = arith.constant 256 : i32
        %scan3A_106 = arith.addi %scan3A_104, %scan3A_105 : i32
        %scan3A_107 = arith.constant 1 : i32
        %scan3A_108:3 = scf.for %scan3A_144 = %scan3A_104 to %scan3A_106 step %scan3A_107 iter_args(%scan3A_145 = %broadcast_in_dim3A_41, %scan3A_146 = %broadcast_in_dim3A_41, %scan3A_147 = %broadcast_in_dim3A_41) -> (vector<16xi32>, vector<16xi32>, vector<16xi32>)  : i32 {
          %mul3A_148 = arith.constant 16 : i32
          %mul3A_149 = arith.muli %scan3A_144, %mul3A_148 : i32
          %get3A_150 = arith.index_cast %mul3A_149 : i32 to index
          %get3A_151 = tpu.vector_load %arg6[%get3A_150] {strides = array<i32>} : memref<4096xf32, #tpu.memory_space<vmem>>, vector<16xf32>,
          %get3A_152 = arith.index_cast %mul3A_149 : i32 to index
          %get3A_153 = tpu.vector_load %arg7[%get3A_152] {strides = array<i32>} : memref<4096xf32, #tpu.memory_space<vmem>>, vector<16xf32>,
          %get3A_154 = arith.index_cast %mul3A_149 : i32 to index
          %get3A_155 = tpu.vector_load %arg8[%get3A_154] {strides = array<i32>} : memref<4096xf32, #tpu.memory_space<vmem>>, vector<16xf32>,
          %get3A_156 = arith.index_cast %mul3A_149 : i32 to index
          %get3A_157 = tpu.vector_load %arg9[%get3A_156] {strides = array<i32>} : memref<4096xf32, #tpu.memory_space<vmem>>, vector<16xf32>,
          %mul3A_158 = vector.broadcast %bitcast_convert_type3A_81 : f32 to vector<16xf32>
          %mul3A_159 = arith.mulf %mul3A_158, %get3A_151 : vector<16xf32>
          %mul3A_160 = vector.broadcast %bitcast_convert_type3A_92 : f32 to vector<16xf32>
          %mul3A_161 = arith.mulf %mul3A_160, %get3A_153 : vector<16xf32>
          %add3A_162 = arith.addf %mul3A_159, %mul3A_161 : vector<16xf32>
          %mul3A_163 = vector.broadcast %bitcast_convert_type3A_103 : f32 to vector<16xf32>
          %mul3A_164 = arith.mulf %mul3A_163, %get3A_155 : vector<16xf32>
          %add3A_165 = arith.addf %add3A_162, %mul3A_164 : vector<16xf32>
          %add3A_166 = vector.broadcast %add3A_72 : f32 to vector<16xf32>
          %add3A_167 = arith.addf %add3A_166, %get3A_157 : vector<16xf32>
          %mul3A_168 = arith.constant 2.000000e+00 : f32
          %mul3A_169 = vector.broadcast %mul3A_168 : f32 to vector<16xf32>
          %mul3A_170 = arith.mulf %mul3A_169, %add3A_165 : vector<16xf32>
          %sub3A_171 = arith.subf %add3A_167, %mul3A_170 : vector<16xf32>
          %add3A_172 = vector.broadcast %mul3A_149 : i32 to vector<16xi32>
          %add3A_173 = arith.addi %iota3A, %add3A_172 : vector<16xi32>
          %le3A = arith.constant 2.500000e-01 : f32
          %le3A_174 = vector.broadcast %le3A : f32 to vector<16xf32>
          %le3A_175 = arith.cmpf ole, %sub3A_171, %le3A_174 : vector<16xf32>
          %broadcast_in_dim3A_176 = vector.broadcast %scan3A_48 : i32 to vector<16xi32>
          %select_n3A_177 = arith.select %le3A_175, %add3A_173, %broadcast_in_dim3A_176 : vector<16xi1>, vector<16xi32>
          %le3A_178 = arith.constant 1.000000e+00 : f32
          %le3A_179 = vector.broadcast %le3A_178 : f32 to vector<16xf32>
          %le3A_180 = arith.cmpf ole, %sub3A_171, %le3A_179 : vector<16xf32>
          %broadcast_in_dim3A_181 = vector.broadcast %scan3A_48 : i32 to vector<16xi32>
          %select_n3A_182 = arith.select %le3A_180, %add3A_173, %broadcast_in_dim3A_181 : vector<16xi1>, vector<16xi32>
          %sub3A_183 = vector.broadcast %scan3A_48 : i32 to vector<16xi32>
          %sub3A_184 = arith.subi %sub3A_183, %select_n3A_177 : vector<16xi32>
          %masked_sort3A = arith.constant dense<true> : vector<16xi1>
          %masked_sort3A_185 = arith.constant -2147483648 : i32
          %masked_sort3A_186 = vector.broadcast %masked_sort3A_185 : i32 to vector<16xi32>
          %masked_sort3A_187 = arith.xori %sub3A_184, %masked_sort3A_186 : vector<16xi32>
          %masked_sort3A_188, %masked_sort3A_189, %masked_sort3A_190 = tpu.sort %masked_sort3A_187, %select_n3A_177 masked %masked_sort3A : (vector<16xi32>, vector<16xi32>, vector<16xi1>) -> (vector<16xi1>, vector<16xi32>, vector<16xi32>)
          %masked_sort3A_191 = arith.xori %masked_sort3A_189, %masked_sort3A_186 : vector<16xi32>
          %min3A = arith.minsi %scan3A_145, %masked_sort3A_190 : vector<16xi32>
          %masked_sort3A_192 = arith.constant dense<true> : vector<16xi1>
          %masked_sort3A_193 = arith.constant -2147483648 : i32
          %masked_sort3A_194 = vector.broadcast %masked_sort3A_193 : i32 to vector<16xi32>
          %masked_sort3A_195 = arith.xori %min3A, %masked_sort3A_194 : vector<16xi32>
          %masked_sort3A_196, %masked_sort3A_197, %masked_sort3A_198 = tpu.sort %masked_sort3A_195, %min3A masked %masked_sort3A_192 : (vector<16xi32>, vector<16xi32>, vector<16xi1>) -> (vector<16xi1>, vector<16xi32>, vector<16xi32>)
          %masked_sort3A_199 = arith.xori %masked_sort3A_197, %masked_sort3A_194 : vector<16xi32>
          %sub3A_200 = vector.broadcast %scan3A_48 : i32 to vector<16xi32>
          %sub3A_201 = arith.subi %sub3A_200, %select_n3A_182 : vector<16xi32>
          %masked_sort3A_202 = arith.constant dense<true> : vector<16xi1>
          %masked_sort3A_203 = arith.constant -2147483648 : i32
          %masked_sort3A_204 = vector.broadcast %masked_sort3A_203 : i32 to vector<16xi32>
          %masked_sort3A_205 = arith.xori %sub3A_201, %masked_sort3A_204 : vector<16xi32>
          %masked_sort3A_206, %masked_sort3A_207, %masked_sort3A_208 = tpu.sort %masked_sort3A_205, %select_n3A_182 masked %masked_sort3A_202 : (vector<16xi32>, vector<16xi32>, vector<16xi1>) -> (vector<16xi1>, vector<16xi32>, vector<16xi32>)
          %masked_sort3A_209 = arith.xori %masked_sort3A_207, %masked_sort3A_204 : vector<16xi32>
          %min3A_210 = arith.minsi %scan3A_147, %masked_sort3A_208 : vector<16xi32>
          %sub3A_211 = vector.broadcast %scan3A_48 : i32 to vector<16xi32>
          %sub3A_212 = arith.subi %sub3A_211, %min3A_210 : vector<16xi32>
          %masked_sort3A_213 = arith.constant dense<true> : vector<16xi1>
          %masked_sort3A_214 = arith.constant -2147483648 : i32
          %masked_sort3A_215 = vector.broadcast %masked_sort3A_214 : i32 to vector<16xi32>
          %masked_sort3A_216 = arith.xori %sub3A_212, %masked_sort3A_215 : vector<16xi32>
          %masked_sort3A_217, %masked_sort3A_218, %masked_sort3A_219 = tpu.sort %masked_sort3A_216, %min3A_210 masked %masked_sort3A_213 : (vector<16xi32>, vector<16xi32>, vector<16xi1>) -> (vector<16xi1>, vector<16xi32>, vector<16xi32>)
          %masked_sort3A_220 = arith.xori %masked_sort3A_218, %masked_sort3A_215 : vector<16xi32>
          %min3A_221 = arith.minsi %scan3A_146, %masked_sort3A_219 : vector<16xi32>
          %max3A = arith.maxsi %scan3A_146, %masked_sort3A_219 : vector<16xi32>
          %masked_sort3A_222 = arith.constant dense<true> : vector<16xi1>
          %masked_sort3A_223 = arith.constant -2147483648 : i32
          %masked_sort3A_224 = vector.broadcast %masked_sort3A_223 : i32 to vector<16xi32>
          %masked_sort3A_225 = arith.xori %min3A_221, %masked_sort3A_224 : vector<16xi32>
          %masked_sort3A_226, %masked_sort3A_227, %masked_sort3A_228 = tpu.sort %masked_sort3A_225, %min3A_221 masked %masked_sort3A_222 : (vector<16xi32>, vector<16xi32>, vector<16xi1>) -> (vector<16xi1>, vector<16xi32>, vector<16xi32>)
          %masked_sort3A_229 = arith.xori %masked_sort3A_227, %masked_sort3A_224 : vector<16xi32>
          %masked_sort3A_230 = arith.constant dense<true> : vector<16xi1>
          %masked_sort3A_231 = arith.constant -2147483648 : i32
          %masked_sort3A_232 = vector.broadcast %masked_sort3A_231 : i32 to vector<16xi32>
          %masked_sort3A_233 = arith.xori %max3A, %masked_sort3A_232 : vector<16xi32>
          %masked_sort3A_234, %masked_sort3A_235, %masked_sort3A_236 = tpu.sort %masked_sort3A_233, %max3A masked %masked_sort3A_230 : (vector<16xi32>, vector<16xi32>, vector<16xi1>) -> (vector<16xi1>, vector<16xi32>, vector<16xi32>)
          %masked_sort3A_237 = arith.xori %masked_sort3A_235, %masked_sort3A_232 : vector<16xi32>
          scf.yield %masked_sort3A_199, %masked_sort3A_229, %masked_sort3A_237 : vector<16xi32>, vector<16xi32>, vector<16xi32>
        }
        %scan3A_109 = arith.constant 256 : i32
        %slice3A_110 = vector.extract_strided_slice %scan3A_108#0 {offsets = [0], sizes = [1], strides = [1]} : vector<16xi32> to vector<1xi32>
        %squeeze3A_111 = vector.extract %slice3A_110[0] : i32 from vector<1xi32>
        %ge3A = arith.cmpi sge, %squeeze3A_111, %scan3A_48 : i32
        %jit3A_112 = arith.constant 0 : i32
        %select_n3A_113 = arith.select %ge3A, %jit3A_112, %squeeze3A_111 : i32
        %ge3A_114 = vector.broadcast %scan3A_48 : i32 to vector<16xi32>
        %ge3A_115 = arith.cmpi sge, %scan3A_108#0, %ge3A_114 : vector<16xi32>
        %broadcast_in_dim3A_116 = vector.broadcast %select_n3A_113 : i32 to vector<16xi32>
        %select_n3A_117 = arith.select %ge3A_115, %broadcast_in_dim3A_116, %scan3A_108#0 : vector<16xi1>, vector<16xi32>
        %mul3A_118 = arith.constant 16 : i32
        %mul3A_119 = arith.muli %scan3A_58, %mul3A_118 : i32
        %swap3A = arith.index_cast %mul3A_119 : i32 to index
        %swap3A_120 = tpu.vector_load %arg13[%swap3A] {strides = array<i32>} : memref<1024xi32, #tpu.memory_space<vmem>>, vector<16xi32>,
        tpu.vector_store %arg13[%swap3A], %select_n3A_117 {strides = array<i32>} : memref<1024xi32, #tpu.memory_space<vmem>>, vector<16xi32>,
        %slice3A_121 = vector.extract_strided_slice %scan3A_108#1 {offsets = [0], sizes = [1], strides = [1]} : vector<16xi32> to vector<1xi32>
        %squeeze3A_122 = vector.extract %slice3A_121[0] : i32 from vector<1xi32>
        %ge3A_123 = arith.cmpi sge, %squeeze3A_122, %scan3A_48 : i32
        %jit3A_124 = arith.constant 0 : i32
        %select_n3A_125 = arith.select %ge3A_123, %jit3A_124, %squeeze3A_122 : i32
        %ge3A_126 = vector.broadcast %scan3A_48 : i32 to vector<16xi32>
        %ge3A_127 = arith.cmpi sge, %scan3A_108#1, %ge3A_126 : vector<16xi32>
        %broadcast_in_dim3A_128 = vector.broadcast %select_n3A_125 : i32 to vector<16xi32>
        %select_n3A_129 = arith.select %ge3A_127, %broadcast_in_dim3A_128, %scan3A_108#1 : vector<16xi1>, vector<16xi32>
        %mul3A_130 = arith.constant 32 : i32
        %mul3A_131 = arith.muli %scan3A_58, %mul3A_130 : i32
        %swap3A_132 = arith.index_cast %mul3A_131 : i32 to index
        %swap3A_133 = tpu.vector_load %arg14[%swap3A_132] {strides = array<i32>} : memref<2048xi32, #tpu.memory_space<vmem>>, vector<16xi32>,
        tpu.vector_store %arg14[%swap3A_132], %select_n3A_129 {strides = array<i32>} : memref<2048xi32, #tpu.memory_space<vmem>>, vector<16xi32>,
        %ge3A_134 = vector.broadcast %scan3A_48 : i32 to vector<16xi32>
        %ge3A_135 = arith.cmpi sge, %scan3A_108#2, %ge3A_134 : vector<16xi32>
        %broadcast_in_dim3A_136 = vector.broadcast %select_n3A_125 : i32 to vector<16xi32>
        %select_n3A_137 = arith.select %ge3A_135, %broadcast_in_dim3A_136, %scan3A_108#2 : vector<16xi1>, vector<16xi32>
        %mul3A_138 = arith.constant 32 : i32
        %mul3A_139 = arith.muli %scan3A_58, %mul3A_138 : i32
        %add3A_140 = arith.constant 16 : i32
        %add3A_141 = arith.addi %mul3A_139, %add3A_140 : i32
        %swap3A_142 = arith.index_cast %add3A_141 : i32 to index
        %swap3A_143 = tpu.vector_load %arg14[%swap3A_142] {strides = array<i32>} : memref<2048xi32, #tpu.memory_space<vmem>>, vector<16xi32>,
        tpu.vector_store %arg14[%swap3A_142], %select_n3A_137 {strides = array<i32>} : memref<2048xi32, #tpu.memory_space<vmem>>, vector<16xi32>,
      }
      %scan3A_53 = arith.constant 64 : i32
      %mul3A_54 = arith.constant 16 : i32
      %mul3A_55 = arith.muli %mul3A_20, %mul3A_54 : i32
      "tpu.region"() ({
        %run_scoped3A = tpu.sem_alloc : memref<!tpu.dma_semaphore, #tpu.memory_space<semaphore_mem>>
        %dma_start3A = tpu.memref_slice %arg4[%mul3A_55] : memref<32768xi32, #tpu.memory_space<hbm>> -> memref<1024xi32, #tpu.memory_space<hbm>>
        %dma_start3A_58 = tpu.memref_slice %arg4[%mul3A_55] : memref<32768xi32, #tpu.memory_space<hbm>> -> memref<1024xi32, #tpu.memory_space<hbm>>
        tpu.enqueue_dma source(%arg13 : memref<1024xi32, #tpu.memory_space<vmem>>) target(%dma_start3A_58 : memref<1024xi32, #tpu.memory_space<hbm>>) target_semaphore(%run_scoped3A : memref<!tpu.dma_semaphore, #tpu.memory_space<semaphore_mem>>)
        %dma_wait3A = tpu.memref_slice %arg4[%mul3A_55] : memref<32768xi32, #tpu.memory_space<hbm>> -> memref<1024xi32, #tpu.memory_space<hbm>>
        %dma_wait3A_59 = tpu.memref_slice %arg4[%mul3A_55] : memref<32768xi32, #tpu.memory_space<hbm>> -> memref<1024xi32, #tpu.memory_space<hbm>>
        tpu.wait_dma2 semaphore(%run_scoped3A : memref<!tpu.dma_semaphore, #tpu.memory_space<semaphore_mem>>) src(%arg13 : memref<1024xi32, #tpu.memory_space<vmem>>) dst(%dma_wait3A_59 : memref<1024xi32, #tpu.memory_space<hbm>>)
        tpu.yield
      }) : () -> ()
      %mul3A_56 = arith.constant 32 : i32
      %mul3A_57 = arith.muli %mul3A_20, %mul3A_56 : i32
      "tpu.region"() ({
        %run_scoped3A = tpu.sem_alloc : memref<!tpu.dma_semaphore, #tpu.memory_space<semaphore_mem>>
        %dma_start3A = tpu.memref_slice %arg5[%mul3A_57] : memref<65536xi32, #tpu.memory_space<hbm>> -> memref<2048xi32, #tpu.memory_space<hbm>>
        %dma_start3A_58 = tpu.memref_slice %arg5[%mul3A_57] : memref<65536xi32, #tpu.memory_space<hbm>> -> memref<2048xi32, #tpu.memory_space<hbm>>
        tpu.enqueue_dma source(%arg14 : memref<2048xi32, #tpu.memory_space<vmem>>) target(%dma_start3A_58 : memref<2048xi32, #tpu.memory_space<hbm>>) target_semaphore(%run_scoped3A : memref<!tpu.dma_semaphore, #tpu.memory_space<semaphore_mem>>)
        %dma_wait3A = tpu.memref_slice %arg5[%mul3A_57] : memref<65536xi32, #tpu.memory_space<hbm>> -> memref<2048xi32, #tpu.memory_space<hbm>>
        %dma_wait3A_59 = tpu.memref_slice %arg5[%mul3A_57] : memref<65536xi32, #tpu.memory_space<hbm>> -> memref<2048xi32, #tpu.memory_space<hbm>>
        tpu.wait_dma2 semaphore(%run_scoped3A : memref<!tpu.dma_semaphore, #tpu.memory_space<semaphore_mem>>) src(%arg14 : memref<2048xi32, #tpu.memory_space<vmem>>) dst(%dma_wait3A_59 : memref<2048xi32, #tpu.memory_space<hbm>>)
        tpu.yield
      }) : () -> ()
    } else {
    }
    return
  }
}

#map = affine_map<(d0, d1) -> (0)>
module attributes {stable_mosaic.version = 14 : i64} {
  func.func @k(%arg0: i32, %arg1: i32, %arg2: memref<98304xf32, #tpu.memory_space<hbm>>, %arg3: memref<24576xf32, #tpu.memory_space<hbm>>, %arg4: memref<131072xi32, #tpu.memory_space<hbm>>, %arg5: memref<262144xi32, #tpu.memory_space<hbm>>, %arg6: memref<16384xf32, #tpu.memory_space<vmem>>, %arg7: memref<16384xf32, #tpu.memory_space<vmem>>, %arg8: memref<16384xf32, #tpu.memory_space<vmem>>, %arg9: memref<16384xf32, #tpu.memory_space<vmem>>, %arg10: memref<272xf32, #tpu.memory_space<vmem>>, %arg11: memref<272xf32, #tpu.memory_space<vmem>>, %arg12: memref<272xf32, #tpu.memory_space<vmem>>, %arg13: memref<4096xi32, #tpu.memory_space<vmem>>, %arg14: memref<8192xi32, #tpu.memory_space<vmem>>) attributes {dimension_semantics = [#tpu.dimension_semantics<core_parallel>, #tpu.dimension_semantics<subcore_parallel>], iteration_bounds = array<i64: 2, 16>, scalar_prefetch = 0 : i64, scratch_operands = 9 : i64, tpu.core_type = #tpu.core_type<sc_vector_subcore>, window_params = [{transform_indices = #map}, {transform_indices = #map}, {transform_indices = #map}, {transform_indices = #map}]} {
    %mul3A = arith.constant 2 : i32
    %mul3A_0 = arith.muli %arg1, %mul3A : i32
    %add3A = arith.addi %mul3A_0, %arg0 : i32
    %lt3A = arith.constant 32 : i32
    %lt3A_1 = arith.cmpi slt, %add3A, %lt3A : i32
    %convert_element_type3A = arith.extui %lt3A_1 : i1 to i32
    %cond3A = arith.constant 0 : i32
    %cond3A_2 = arith.cmpi ne, %convert_element_type3A, %cond3A : i32
    scf.if %cond3A_2 {
      %jit3A = arith.constant 16 : i32
      %div3A = arith.divsi %add3A, %jit3A : i32
      %sign3A = arith.constant 0 : i32
      %sign3A_3 = arith.cmpi sgt, %add3A, %sign3A : i32
      %sign3A_4 = arith.extui %sign3A_3 : i1 to i32
      %sign3A_5 = arith.constant 0 : i32
      %sign3A_6 = arith.cmpi slt, %add3A, %sign3A_5 : i32
      %sign3A_7 = arith.extui %sign3A_6 : i1 to i32
      %sign3A_8 = arith.subi %sign3A_4, %sign3A_7 : i32
      %sign3A_9 = arith.constant 0 : i32
      %sign3A_10 = arith.cmpi sgt, %jit3A, %sign3A_9 : i32
      %sign3A_11 = arith.extui %sign3A_10 : i1 to i32
      %sign3A_12 = arith.constant 0 : i32
      %sign3A_13 = arith.cmpi slt, %jit3A, %sign3A_12 : i32
      %sign3A_14 = arith.extui %sign3A_13 : i1 to i32
      %sign3A_15 = arith.subi %sign3A_11, %sign3A_14 : i32
      %ne3A = arith.cmpi ne, %sign3A_8, %sign3A_15 : i32
      %rem3A = arith.remsi %add3A, %jit3A : i32
      %ne3A_16 = arith.constant 0 : i32
      %ne3A_17 = arith.cmpi ne, %rem3A, %ne3A_16 : i32
      %and3A = arith.andi %ne3A, %ne3A_17 : i1
      %sub3A = arith.constant 1 : i32
      %sub3A_18 = arith.subi %div3A, %sub3A : i32
      %select_n3A = arith.select %and3A, %sub3A_18, %div3A : i32
      %mul3A_19 = arith.constant 256 : i32
      %mul3A_20 = arith.muli %add3A, %mul3A_19 : i32
      %mul3A_21 = arith.constant 3 : i32
      %mul3A_22 = arith.muli %select_n3A, %mul3A_21 : i32
      %mul3A_23 = arith.constant 16384 : i32
      %mul3A_24 = arith.muli %mul3A_22, %mul3A_23 : i32
      "tpu.region"() ({
        %run_scoped3A = tpu.sem_alloc : memref<!tpu.dma_semaphore, #tpu.memory_space<semaphore_mem>>
        %dma_start3A = tpu.memref_slice %arg2[%mul3A_24] : memref<98304xf32, #tpu.memory_space<hbm>> -> memref<16384xf32, #tpu.memory_space<hbm>>
        %dma_start3A_58 = tpu.memref_slice %arg2[%mul3A_24] : memref<98304xf32, #tpu.memory_space<hbm>> -> memref<16384xf32, #tpu.memory_space<hbm>>
        tpu.enqueue_dma source(%dma_start3A_58 : memref<16384xf32, #tpu.memory_space<hbm>>) target(%arg6 : memref<16384xf32, #tpu.memory_space<vmem>>) target_semaphore(%run_scoped3A : memref<!tpu.dma_semaphore, #tpu.memory_space<semaphore_mem>>)
        %dma_wait3A = tpu.memref_slice %arg2[%mul3A_24] : memref<98304xf32, #tpu.memory_space<hbm>> -> memref<16384xf32, #tpu.memory_space<hbm>>
        %dma_wait3A_59 = tpu.memref_slice %arg2[%mul3A_24] : memref<98304xf32, #tpu.memory_space<hbm>> -> memref<16384xf32, #tpu.memory_space<hbm>>
        tpu.wait_dma2 semaphore(%run_scoped3A : memref<!tpu.dma_semaphore, #tpu.memory_space<semaphore_mem>>) src(%dma_wait3A_59 : memref<16384xf32, #tpu.memory_space<hbm>>) dst(%arg6 : memref<16384xf32, #tpu.memory_space<vmem>>)
        tpu.yield
      }) : () -> ()
      %mul3A_25 = arith.constant 3 : i32
      %mul3A_26 = arith.muli %select_n3A, %mul3A_25 : i32
      %mul3A_27 = arith.constant 16384 : i32
      %mul3A_28 = arith.muli %mul3A_26, %mul3A_27 : i32
      %add3A_29 = arith.constant 16384 : i32
      %add3A_30 = arith.addi %mul3A_28, %add3A_29 : i32
      "tpu.region"() ({
        %run_scoped3A = tpu.sem_alloc : memref<!tpu.dma_semaphore, #tpu.memory_space<semaphore_mem>>
        %dma_start3A = tpu.memref_slice %arg2[%add3A_30] : memref<98304xf32, #tpu.memory_space<hbm>> -> memref<16384xf32, #tpu.memory_space<hbm>>
        %dma_start3A_58 = tpu.memref_slice %arg2[%add3A_30] : memref<98304xf32, #tpu.memory_space<hbm>> -> memref<16384xf32, #tpu.memory_space<hbm>>
        tpu.enqueue_dma source(%dma_start3A_58 : memref<16384xf32, #tpu.memory_space<hbm>>) target(%arg7 : memref<16384xf32, #tpu.memory_space<vmem>>) target_semaphore(%run_scoped3A : memref<!tpu.dma_semaphore, #tpu.memory_space<semaphore_mem>>)
        %dma_wait3A = tpu.memref_slice %arg2[%add3A_30] : memref<98304xf32, #tpu.memory_space<hbm>> -> memref<16384xf32, #tpu.memory_space<hbm>>
        %dma_wait3A_59 = tpu.memref_slice %arg2[%add3A_30] : memref<98304xf32, #tpu.memory_space<hbm>> -> memref<16384xf32, #tpu.memory_space<hbm>>
        tpu.wait_dma2 semaphore(%run_scoped3A : memref<!tpu.dma_semaphore, #tpu.memory_space<semaphore_mem>>) src(%dma_wait3A_59 : memref<16384xf32, #tpu.memory_space<hbm>>) dst(%arg7 : memref<16384xf32, #tpu.memory_space<vmem>>)
        tpu.yield
      }) : () -> ()
      %mul3A_31 = arith.constant 3 : i32
      %mul3A_32 = arith.muli %select_n3A, %mul3A_31 : i32
      %mul3A_33 = arith.constant 16384 : i32
      %mul3A_34 = arith.muli %mul3A_32, %mul3A_33 : i32
      %add3A_35 = arith.constant 32768 : i32
      %add3A_36 = arith.addi %mul3A_34, %add3A_35 : i32
      "tpu.region"() ({
        %run_scoped3A = tpu.sem_alloc : memref<!tpu.dma_semaphore, #tpu.memory_space<semaphore_mem>>
        %dma_start3A = tpu.memref_slice %arg2[%add3A_36] : memref<98304xf32, #tpu.memory_space<hbm>> -> memref<16384xf32, #tpu.memory_space<hbm>>
        %dma_start3A_58 = tpu.memref_slice %arg2[%add3A_36] : memref<98304xf32, #tpu.memory_space<hbm>> -> memref<16384xf32, #tpu.memory_space<hbm>>
        tpu.enqueue_dma source(%dma_start3A_58 : memref<16384xf32, #tpu.memory_space<hbm>>) target(%arg8 : memref<16384xf32, #tpu.memory_space<vmem>>) target_semaphore(%run_scoped3A : memref<!tpu.dma_semaphore, #tpu.memory_space<semaphore_mem>>)
        %dma_wait3A = tpu.memref_slice %arg2[%add3A_36] : memref<98304xf32, #tpu.memory_space<hbm>> -> memref<16384xf32, #tpu.memory_space<hbm>>
        %dma_wait3A_59 = tpu.memref_slice %arg2[%add3A_36] : memref<98304xf32, #tpu.memory_space<hbm>> -> memref<16384xf32, #tpu.memory_space<hbm>>
        tpu.wait_dma2 semaphore(%run_scoped3A : memref<!tpu.dma_semaphore, #tpu.memory_space<semaphore_mem>>) src(%dma_wait3A_59 : memref<16384xf32, #tpu.memory_space<hbm>>) dst(%arg8 : memref<16384xf32, #tpu.memory_space<vmem>>)
        tpu.yield
      }) : () -> ()
      "tpu.region"() ({
        %run_scoped3A = tpu.sem_alloc : memref<!tpu.dma_semaphore, #tpu.memory_space<semaphore_mem>>
        %dma_start3A = arith.constant 0 : i32
        %dma_start3A_58 = tpu.memref_slice %arg10[%dma_start3A] : memref<272xf32, #tpu.memory_space<vmem>> -> memref<256xf32, #tpu.memory_space<vmem>>
        %dma_start3A_59 = tpu.memref_slice %arg3[%mul3A_20] : memref<24576xf32, #tpu.memory_space<hbm>> -> memref<256xf32, #tpu.memory_space<hbm>>
        %dma_start3A_60 = arith.constant 0 : i32
        %dma_start3A_61 = tpu.memref_slice %arg10[%dma_start3A_60] : memref<272xf32, #tpu.memory_space<vmem>> -> memref<256xf32, #tpu.memory_space<vmem>>
        %dma_start3A_62 = tpu.memref_slice %arg3[%mul3A_20] : memref<24576xf32, #tpu.memory_space<hbm>> -> memref<256xf32, #tpu.memory_space<hbm>>
        tpu.enqueue_dma source(%dma_start3A_62 : memref<256xf32, #tpu.memory_space<hbm>>) target(%dma_start3A_61 : memref<256xf32, #tpu.memory_space<vmem>>) target_semaphore(%run_scoped3A : memref<!tpu.dma_semaphore, #tpu.memory_space<semaphore_mem>>)
        %dma_wait3A = arith.constant 0 : i32
        %dma_wait3A_63 = tpu.memref_slice %arg10[%dma_wait3A] : memref<272xf32, #tpu.memory_space<vmem>> -> memref<256xf32, #tpu.memory_space<vmem>>
        %dma_wait3A_64 = tpu.memref_slice %arg3[%mul3A_20] : memref<24576xf32, #tpu.memory_space<hbm>> -> memref<256xf32, #tpu.memory_space<hbm>>
        %dma_wait3A_65 = arith.constant 0 : i32
        %dma_wait3A_66 = tpu.memref_slice %arg10[%dma_wait3A_65] : memref<272xf32, #tpu.memory_space<vmem>> -> memref<256xf32, #tpu.memory_space<vmem>>
        %dma_wait3A_67 = tpu.memref_slice %arg3[%mul3A_20] : memref<24576xf32, #tpu.memory_space<hbm>> -> memref<256xf32, #tpu.memory_space<hbm>>
        tpu.wait_dma2 semaphore(%run_scoped3A : memref<!tpu.dma_semaphore, #tpu.memory_space<semaphore_mem>>) src(%dma_wait3A_67 : memref<256xf32, #tpu.memory_space<hbm>>) dst(%dma_wait3A_66 : memref<256xf32, #tpu.memory_space<vmem>>)
        tpu.yield
      }) : () -> ()
      %add3A_37 = arith.constant 8192 : i32
      %add3A_38 = arith.addi %add3A_37, %mul3A_20 : i32
      "tpu.region"() ({
        %run_scoped3A = tpu.sem_alloc : memref<!tpu.dma_semaphore, #tpu.memory_space<semaphore_mem>>
        %dma_start3A = arith.constant 0 : i32
        %dma_start3A_58 = tpu.memref_slice %arg11[%dma_start3A] : memref<272xf32, #tpu.memory_space<vmem>> -> memref<256xf32, #tpu.memory_space<vmem>>
        %dma_start3A_59 = tpu.memref_slice %arg3[%add3A_38] : memref<24576xf32, #tpu.memory_space<hbm>> -> memref<256xf32, #tpu.memory_space<hbm>>
        %dma_start3A_60 = arith.constant 0 : i32
        %dma_start3A_61 = tpu.memref_slice %arg11[%dma_start3A_60] : memref<272xf32, #tpu.memory_space<vmem>> -> memref<256xf32, #tpu.memory_space<vmem>>
        %dma_start3A_62 = tpu.memref_slice %arg3[%add3A_38] : memref<24576xf32, #tpu.memory_space<hbm>> -> memref<256xf32, #tpu.memory_space<hbm>>
        tpu.enqueue_dma source(%dma_start3A_62 : memref<256xf32, #tpu.memory_space<hbm>>) target(%dma_start3A_61 : memref<256xf32, #tpu.memory_space<vmem>>) target_semaphore(%run_scoped3A : memref<!tpu.dma_semaphore, #tpu.memory_space<semaphore_mem>>)
        %dma_wait3A = arith.constant 0 : i32
        %dma_wait3A_63 = tpu.memref_slice %arg11[%dma_wait3A] : memref<272xf32, #tpu.memory_space<vmem>> -> memref<256xf32, #tpu.memory_space<vmem>>
        %dma_wait3A_64 = tpu.memref_slice %arg3[%add3A_38] : memref<24576xf32, #tpu.memory_space<hbm>> -> memref<256xf32, #tpu.memory_space<hbm>>
        %dma_wait3A_65 = arith.constant 0 : i32
        %dma_wait3A_66 = tpu.memref_slice %arg11[%dma_wait3A_65] : memref<272xf32, #tpu.memory_space<vmem>> -> memref<256xf32, #tpu.memory_space<vmem>>
        %dma_wait3A_67 = tpu.memref_slice %arg3[%add3A_38] : memref<24576xf32, #tpu.memory_space<hbm>> -> memref<256xf32, #tpu.memory_space<hbm>>
        tpu.wait_dma2 semaphore(%run_scoped3A : memref<!tpu.dma_semaphore, #tpu.memory_space<semaphore_mem>>) src(%dma_wait3A_67 : memref<256xf32, #tpu.memory_space<hbm>>) dst(%dma_wait3A_66 : memref<256xf32, #tpu.memory_space<vmem>>)
        tpu.yield
      }) : () -> ()
      %add3A_39 = arith.constant 16384 : i32
      %add3A_40 = arith.addi %add3A_39, %mul3A_20 : i32
      "tpu.region"() ({
        %run_scoped3A = tpu.sem_alloc : memref<!tpu.dma_semaphore, #tpu.memory_space<semaphore_mem>>
        %dma_start3A = arith.constant 0 : i32
        %dma_start3A_58 = tpu.memref_slice %arg12[%dma_start3A] : memref<272xf32, #tpu.memory_space<vmem>> -> memref<256xf32, #tpu.memory_space<vmem>>
        %dma_start3A_59 = tpu.memref_slice %arg3[%add3A_40] : memref<24576xf32, #tpu.memory_space<hbm>> -> memref<256xf32, #tpu.memory_space<hbm>>
        %dma_start3A_60 = arith.constant 0 : i32
        %dma_start3A_61 = tpu.memref_slice %arg12[%dma_start3A_60] : memref<272xf32, #tpu.memory_space<vmem>> -> memref<256xf32, #tpu.memory_space<vmem>>
        %dma_start3A_62 = tpu.memref_slice %arg3[%add3A_40] : memref<24576xf32, #tpu.memory_space<hbm>> -> memref<256xf32, #tpu.memory_space<hbm>>
        tpu.enqueue_dma source(%dma_start3A_62 : memref<256xf32, #tpu.memory_space<hbm>>) target(%dma_start3A_61 : memref<256xf32, #tpu.memory_space<vmem>>) target_semaphore(%run_scoped3A : memref<!tpu.dma_semaphore, #tpu.memory_space<semaphore_mem>>)
        %dma_wait3A = arith.constant 0 : i32
        %dma_wait3A_63 = tpu.memref_slice %arg12[%dma_wait3A] : memref<272xf32, #tpu.memory_space<vmem>> -> memref<256xf32, #tpu.memory_space<vmem>>
        %dma_wait3A_64 = tpu.memref_slice %arg3[%add3A_40] : memref<24576xf32, #tpu.memory_space<hbm>> -> memref<256xf32, #tpu.memory_space<hbm>>
        %dma_wait3A_65 = arith.constant 0 : i32
        %dma_wait3A_66 = tpu.memref_slice %arg12[%dma_wait3A_65] : memref<272xf32, #tpu.memory_space<vmem>> -> memref<256xf32, #tpu.memory_space<vmem>>
        %dma_wait3A_67 = tpu.memref_slice %arg3[%add3A_40] : memref<24576xf32, #tpu.memory_space<hbm>> -> memref<256xf32, #tpu.memory_space<hbm>>
        tpu.wait_dma2 semaphore(%run_scoped3A : memref<!tpu.dma_semaphore, #tpu.memory_space<semaphore_mem>>) src(%dma_wait3A_67 : memref<256xf32, #tpu.memory_space<hbm>>) dst(%dma_wait3A_66 : memref<256xf32, #tpu.memory_space<vmem>>)
        tpu.yield
      }) : () -> ()
      %iota3A = tpu.iota {dimensions = array<i32: 0>} : vector<16xi32>
      %broadcast_in_dim3A = arith.constant 2147483647 : i32
      %broadcast_in_dim3A_41 = vector.broadcast %broadcast_in_dim3A : i32 to vector<16xi32>
      %scan3A = arith.constant 0 : i32
      %scan3A_42 = arith.constant 0 : i32
      %scan3A_43 = arith.constant 1024 : i32
      %scan3A_44 = arith.addi %scan3A_42, %scan3A_43 : i32
      %scan3A_45 = arith.constant 1 : i32
      scf.for %scan3A_58 = %scan3A_42 to %scan3A_44 step %scan3A_45  : i32 {
        %mul3A_59 = arith.constant 16 : i32
        %mul3A_60 = arith.muli %scan3A_58, %mul3A_59 : i32
        %get3A = arith.index_cast %mul3A_60 : i32 to index
        %get3A_61 = tpu.vector_load %arg6[%get3A] {strides = array<i32>} : memref<16384xf32, #tpu.memory_space<vmem>>, vector<16xf32>,
        %get3A_62 = arith.index_cast %mul3A_60 : i32 to index
        %get3A_63 = tpu.vector_load %arg7[%get3A_62] {strides = array<i32>} : memref<16384xf32, #tpu.memory_space<vmem>>, vector<16xf32>,
        %get3A_64 = arith.index_cast %mul3A_60 : i32 to index
        %get3A_65 = tpu.vector_load %arg8[%get3A_64] {strides = array<i32>} : memref<16384xf32, #tpu.memory_space<vmem>>, vector<16xf32>,
        %mul3A_66 = arith.mulf %get3A_61, %get3A_61 : vector<16xf32>
        %mul3A_67 = arith.mulf %get3A_63, %get3A_63 : vector<16xf32>
        %add3A_68 = arith.addf %mul3A_66, %mul3A_67 : vector<16xf32>
        %mul3A_69 = arith.mulf %get3A_65, %get3A_65 : vector<16xf32>
        %add3A_70 = arith.addf %add3A_68, %mul3A_69 : vector<16xf32>
        %swap3A = arith.index_cast %mul3A_60 : i32 to index
        %swap3A_71 = tpu.vector_load %arg9[%swap3A] {strides = array<i32>} : memref<16384xf32, #tpu.memory_space<vmem>>, vector<16xf32>,
        tpu.vector_store %arg9[%swap3A], %add3A_70 {strides = array<i32>} : memref<16384xf32, #tpu.memory_space<vmem>>, vector<16xf32>,
        %bitcast_convert_type3A = tpu.bitcast %get3A_61 : vector<16xf32> -> vector<16xi32>
        %add3A_72 = arith.constant 32767 : i32
        %add3A_73 = vector.broadcast %add3A_72 : i32 to vector<16xi32>
        %add3A_74 = arith.addi %bitcast_convert_type3A, %add3A_73 : vector<16xi32>
        %shift_right_arithmetic3A = arith.constant 16 : i32
        %shift_right_arithmetic3A_75 = vector.broadcast %shift_right_arithmetic3A : i32 to vector<16xi32>
        %shift_right_arithmetic3A_76 = arith.shrsi %bitcast_convert_type3A, %shift_right_arithmetic3A_75 : vector<16xi32>
        %and3A_77 = arith.constant 1 : i32
        %and3A_78 = vector.broadcast %and3A_77 : i32 to vector<16xi32>
        %and3A_79 = arith.andi %shift_right_arithmetic3A_76, %and3A_78 : vector<16xi32>
        %add3A_80 = arith.addi %add3A_74, %and3A_79 : vector<16xi32>
        %and3A_81 = arith.constant -65536 : i32
        %and3A_82 = vector.broadcast %and3A_81 : i32 to vector<16xi32>
        %and3A_83 = arith.andi %add3A_80, %and3A_82 : vector<16xi32>
        %bitcast_convert_type3A_84 = tpu.bitcast %and3A_83 : vector<16xi32> -> vector<16xf32>
        %swap3A_85 = arith.index_cast %mul3A_60 : i32 to index
        %swap3A_86 = tpu.vector_load %arg6[%swap3A_85] {strides = array<i32>} : memref<16384xf32, #tpu.memory_space<vmem>>, vector<16xf32>,
        tpu.vector_store %arg6[%swap3A_85], %bitcast_convert_type3A_84 {strides = array<i32>} : memref<16384xf32, #tpu.memory_space<vmem>>, vector<16xf32>,
        %bitcast_convert_type3A_87 = tpu.bitcast %get3A_63 : vector<16xf32> -> vector<16xi32>
        %add3A_88 = arith.constant 32767 : i32
        %add3A_89 = vector.broadcast %add3A_88 : i32 to vector<16xi32>
        %add3A_90 = arith.addi %bitcast_convert_type3A_87, %add3A_89 : vector<16xi32>
        %shift_right_arithmetic3A_91 = arith.constant 16 : i32
        %shift_right_arithmetic3A_92 = vector.broadcast %shift_right_arithmetic3A_91 : i32 to vector<16xi32>
        %shift_right_arithmetic3A_93 = arith.shrsi %bitcast_convert_type3A_87, %shift_right_arithmetic3A_92 : vector<16xi32>
        %and3A_94 = arith.constant 1 : i32
        %and3A_95 = vector.broadcast %and3A_94 : i32 to vector<16xi32>
        %and3A_96 = arith.andi %shift_right_arithmetic3A_93, %and3A_95 : vector<16xi32>
        %add3A_97 = arith.addi %add3A_90, %and3A_96 : vector<16xi32>
        %and3A_98 = arith.constant -65536 : i32
        %and3A_99 = vector.broadcast %and3A_98 : i32 to vector<16xi32>
        %and3A_100 = arith.andi %add3A_97, %and3A_99 : vector<16xi32>
        %bitcast_convert_type3A_101 = tpu.bitcast %and3A_100 : vector<16xi32> -> vector<16xf32>
        %swap3A_102 = arith.index_cast %mul3A_60 : i32 to index
        %swap3A_103 = tpu.vector_load %arg7[%swap3A_102] {strides = array<i32>} : memref<16384xf32, #tpu.memory_space<vmem>>, vector<16xf32>,
        tpu.vector_store %arg7[%swap3A_102], %bitcast_convert_type3A_101 {strides = array<i32>} : memref<16384xf32, #tpu.memory_space<vmem>>, vector<16xf32>,
        %bitcast_convert_type3A_104 = tpu.bitcast %get3A_65 : vector<16xf32> -> vector<16xi32>
        %add3A_105 = arith.constant 32767 : i32
        %add3A_106 = vector.broadcast %add3A_105 : i32 to vector<16xi32>
        %add3A_107 = arith.addi %bitcast_convert_type3A_104, %add3A_106 : vector<16xi32>
        %shift_right_arithmetic3A_108 = arith.constant 16 : i32
        %shift_right_arithmetic3A_109 = vector.broadcast %shift_right_arithmetic3A_108 : i32 to vector<16xi32>
        %shift_right_arithmetic3A_110 = arith.shrsi %bitcast_convert_type3A_104, %shift_right_arithmetic3A_109 : vector<16xi32>
        %and3A_111 = arith.constant 1 : i32
        %and3A_112 = vector.broadcast %and3A_111 : i32 to vector<16xi32>
        %and3A_113 = arith.andi %shift_right_arithmetic3A_110, %and3A_112 : vector<16xi32>
        %add3A_114 = arith.addi %add3A_107, %and3A_113 : vector<16xi32>
        %and3A_115 = arith.constant -65536 : i32
        %and3A_116 = vector.broadcast %and3A_115 : i32 to vector<16xi32>
        %and3A_117 = arith.andi %add3A_114, %and3A_116 : vector<16xi32>
        %bitcast_convert_type3A_118 = tpu.bitcast %and3A_117 : vector<16xi32> -> vector<16xf32>
        %swap3A_119 = arith.index_cast %mul3A_60 : i32 to index
        %swap3A_120 = tpu.vector_load %arg8[%swap3A_119] {strides = array<i32>} : memref<16384xf32, #tpu.memory_space<vmem>>, vector<16xf32>,
        tpu.vector_store %arg8[%swap3A_119], %bitcast_convert_type3A_118 {strides = array<i32>} : memref<16384xf32, #tpu.memory_space<vmem>>, vector<16xf32>,
      }
      %scan3A_46 = arith.constant 1024 : i32
      %scan3A_47 = arith.constant 0 : i32
      %scan3A_48 = arith.constant 2147483647 : i32
      %scan3A_49 = arith.constant 0 : i32
      %scan3A_50 = arith.constant 256 : i32
      %scan3A_51 = arith.addi %scan3A_49, %scan3A_50 : i32
      %scan3A_52 = arith.constant 1 : i32
      scf.for %scan3A_58 = %scan3A_49 to %scan3A_51 step %scan3A_52  : i32 {
        %get3A = arith.index_cast %scan3A_58 : i32 to index
        %get3A_59 = tpu.vector_load %arg10[%get3A] {strides = array<i32>} : memref<272xf32, #tpu.memory_space<vmem>>, vector<16xf32>,
        %slice3A = vector.extract_strided_slice %get3A_59 {offsets = [0], sizes = [1], strides = [1]} : vector<16xf32> to vector<1xf32>
        %squeeze3A = vector.extract %slice3A[0] : f32 from vector<1xf32>
        %get3A_60 = arith.index_cast %scan3A_58 : i32 to index
        %get3A_61 = tpu.vector_load %arg11[%get3A_60] {strides = array<i32>} : memref<272xf32, #tpu.memory_space<vmem>>, vector<16xf32>,
        %slice3A_62 = vector.extract_strided_slice %get3A_61 {offsets = [0], sizes = [1], strides = [1]} : vector<16xf32> to vector<1xf32>
        %squeeze3A_63 = vector.extract %slice3A_62[0] : f32 from vector<1xf32>
        %get3A_64 = arith.index_cast %scan3A_58 : i32 to index
        %get3A_65 = tpu.vector_load %arg12[%get3A_64] {strides = array<i32>} : memref<272xf32, #tpu.memory_space<vmem>>, vector<16xf32>,
        %slice3A_66 = vector.extract_strided_slice %get3A_65 {offsets = [0], sizes = [1], strides = [1]} : vector<16xf32> to vector<1xf32>
        %squeeze3A_67 = vector.extract %slice3A_66[0] : f32 from vector<1xf32>
        %mul3A_68 = arith.mulf %squeeze3A, %squeeze3A : f32
        %mul3A_69 = arith.mulf %squeeze3A_63, %squeeze3A_63 : f32
        %add3A_70 = arith.addf %mul3A_68, %mul3A_69 : f32
        %mul3A_71 = arith.mulf %squeeze3A_67, %squeeze3A_67 : f32
        %add3A_72 = arith.addf %add3A_70, %mul3A_71 : f32
        %bitcast_convert_type3A = arith.bitcast %squeeze3A : f32 to i32
        %add3A_73 = arith.constant 32767 : i32
        %add3A_74 = arith.addi %bitcast_convert_type3A, %add3A_73 : i32
        %shift_right_arithmetic3A = arith.constant 16 : i32
        %shift_right_arithmetic3A_75 = arith.shrsi %bitcast_convert_type3A, %shift_right_arithmetic3A : i32
        %and3A_76 = arith.constant 1 : i32
        %and3A_77 = arith.andi %shift_right_arithmetic3A_75, %and3A_76 : i32
        %add3A_78 = arith.addi %add3A_74, %and3A_77 : i32
        %and3A_79 = arith.constant -65536 : i32
        %and3A_80 = arith.andi %add3A_78, %and3A_79 : i32
        %bitcast_convert_type3A_81 = arith.bitcast %and3A_80 : i32 to f32
        %bitcast_convert_type3A_82 = arith.bitcast %squeeze3A_63 : f32 to i32
        %add3A_83 = arith.constant 32767 : i32
        %add3A_84 = arith.addi %bitcast_convert_type3A_82, %add3A_83 : i32
        %shift_right_arithmetic3A_85 = arith.constant 16 : i32
        %shift_right_arithmetic3A_86 = arith.shrsi %bitcast_convert_type3A_82, %shift_right_arithmetic3A_85 : i32
        %and3A_87 = arith.constant 1 : i32
        %and3A_88 = arith.andi %shift_right_arithmetic3A_86, %and3A_87 : i32
        %add3A_89 = arith.addi %add3A_84, %and3A_88 : i32
        %and3A_90 = arith.constant -65536 : i32
        %and3A_91 = arith.andi %add3A_89, %and3A_90 : i32
        %bitcast_convert_type3A_92 = arith.bitcast %and3A_91 : i32 to f32
        %bitcast_convert_type3A_93 = arith.bitcast %squeeze3A_67 : f32 to i32
        %add3A_94 = arith.constant 32767 : i32
        %add3A_95 = arith.addi %bitcast_convert_type3A_93, %add3A_94 : i32
        %shift_right_arithmetic3A_96 = arith.constant 16 : i32
        %shift_right_arithmetic3A_97 = arith.shrsi %bitcast_convert_type3A_93, %shift_right_arithmetic3A_96 : i32
        %and3A_98 = arith.constant 1 : i32
        %and3A_99 = arith.andi %shift_right_arithmetic3A_97, %and3A_98 : i32
        %add3A_100 = arith.addi %add3A_95, %and3A_99 : i32
        %and3A_101 = arith.constant -65536 : i32
        %and3A_102 = arith.andi %add3A_100, %and3A_101 : i32
        %bitcast_convert_type3A_103 = arith.bitcast %and3A_102 : i32 to f32
        %scan3A_104 = arith.constant 0 : i32
        %scan3A_105 = arith.constant 1024 : i32
        %scan3A_106 = arith.addi %scan3A_104, %scan3A_105 : i32
        %scan3A_107 = arith.constant 1 : i32
        %scan3A_108:3 = scf.for %scan3A_144 = %scan3A_104 to %scan3A_106 step %scan3A_107 iter_args(%scan3A_145 = %broadcast_in_dim3A_41, %scan3A_146 = %broadcast_in_dim3A_41, %scan3A_147 = %broadcast_in_dim3A_41) -> (vector<16xi32>, vector<16xi32>, vector<16xi32>)  : i32 {
          %mul3A_148 = arith.constant 16 : i32
          %mul3A_149 = arith.muli %scan3A_144, %mul3A_148 : i32
          %get3A_150 = arith.index_cast %mul3A_149 : i32 to index
          %get3A_151 = tpu.vector_load %arg6[%get3A_150] {strides = array<i32>} : memref<16384xf32, #tpu.memory_space<vmem>>, vector<16xf32>,
          %get3A_152 = arith.index_cast %mul3A_149 : i32 to index
          %get3A_153 = tpu.vector_load %arg7[%get3A_152] {strides = array<i32>} : memref<16384xf32, #tpu.memory_space<vmem>>, vector<16xf32>,
          %get3A_154 = arith.index_cast %mul3A_149 : i32 to index
          %get3A_155 = tpu.vector_load %arg8[%get3A_154] {strides = array<i32>} : memref<16384xf32, #tpu.memory_space<vmem>>, vector<16xf32>,
          %get3A_156 = arith.index_cast %mul3A_149 : i32 to index
          %get3A_157 = tpu.vector_load %arg9[%get3A_156] {strides = array<i32>} : memref<16384xf32, #tpu.memory_space<vmem>>, vector<16xf32>,
          %mul3A_158 = vector.broadcast %bitcast_convert_type3A_81 : f32 to vector<16xf32>
          %mul3A_159 = arith.mulf %mul3A_158, %get3A_151 : vector<16xf32>
          %mul3A_160 = vector.broadcast %bitcast_convert_type3A_92 : f32 to vector<16xf32>
          %mul3A_161 = arith.mulf %mul3A_160, %get3A_153 : vector<16xf32>
          %add3A_162 = arith.addf %mul3A_159, %mul3A_161 : vector<16xf32>
          %mul3A_163 = vector.broadcast %bitcast_convert_type3A_103 : f32 to vector<16xf32>
          %mul3A_164 = arith.mulf %mul3A_163, %get3A_155 : vector<16xf32>
          %add3A_165 = arith.addf %add3A_162, %mul3A_164 : vector<16xf32>
          %add3A_166 = vector.broadcast %add3A_72 : f32 to vector<16xf32>
          %add3A_167 = arith.addf %add3A_166, %get3A_157 : vector<16xf32>
          %mul3A_168 = arith.constant 2.000000e+00 : f32
          %mul3A_169 = vector.broadcast %mul3A_168 : f32 to vector<16xf32>
          %mul3A_170 = arith.mulf %mul3A_169, %add3A_165 : vector<16xf32>
          %sub3A_171 = arith.subf %add3A_167, %mul3A_170 : vector<16xf32>
          %add3A_172 = vector.broadcast %mul3A_149 : i32 to vector<16xi32>
          %add3A_173 = arith.addi %iota3A, %add3A_172 : vector<16xi32>
          %le3A = arith.constant 0.00999999977 : f32
          %le3A_174 = vector.broadcast %le3A : f32 to vector<16xf32>
          %le3A_175 = arith.cmpf ole, %sub3A_171, %le3A_174 : vector<16xf32>
          %broadcast_in_dim3A_176 = vector.broadcast %scan3A_48 : i32 to vector<16xi32>
          %select_n3A_177 = arith.select %le3A_175, %add3A_173, %broadcast_in_dim3A_176 : vector<16xi1>, vector<16xi32>
          %le3A_178 = arith.constant 2.500000e-01 : f32
          %le3A_179 = vector.broadcast %le3A_178 : f32 to vector<16xf32>
          %le3A_180 = arith.cmpf ole, %sub3A_171, %le3A_179 : vector<16xf32>
          %broadcast_in_dim3A_181 = vector.broadcast %scan3A_48 : i32 to vector<16xi32>
          %select_n3A_182 = arith.select %le3A_180, %add3A_173, %broadcast_in_dim3A_181 : vector<16xi1>, vector<16xi32>
          %sub3A_183 = vector.broadcast %scan3A_48 : i32 to vector<16xi32>
          %sub3A_184 = arith.subi %sub3A_183, %select_n3A_177 : vector<16xi32>
          %masked_sort3A = arith.constant dense<true> : vector<16xi1>
          %masked_sort3A_185 = arith.constant -2147483648 : i32
          %masked_sort3A_186 = vector.broadcast %masked_sort3A_185 : i32 to vector<16xi32>
          %masked_sort3A_187 = arith.xori %sub3A_184, %masked_sort3A_186 : vector<16xi32>
          %masked_sort3A_188, %masked_sort3A_189, %masked_sort3A_190 = tpu.sort %masked_sort3A_187, %select_n3A_177 masked %masked_sort3A : (vector<16xi32>, vector<16xi32>, vector<16xi1>) -> (vector<16xi1>, vector<16xi32>, vector<16xi32>)
          %masked_sort3A_191 = arith.xori %masked_sort3A_189, %masked_sort3A_186 : vector<16xi32>
          %min3A = arith.minsi %scan3A_145, %masked_sort3A_190 : vector<16xi32>
          %masked_sort3A_192 = arith.constant dense<true> : vector<16xi1>
          %masked_sort3A_193 = arith.constant -2147483648 : i32
          %masked_sort3A_194 = vector.broadcast %masked_sort3A_193 : i32 to vector<16xi32>
          %masked_sort3A_195 = arith.xori %min3A, %masked_sort3A_194 : vector<16xi32>
          %masked_sort3A_196, %masked_sort3A_197, %masked_sort3A_198 = tpu.sort %masked_sort3A_195, %min3A masked %masked_sort3A_192 : (vector<16xi32>, vector<16xi32>, vector<16xi1>) -> (vector<16xi1>, vector<16xi32>, vector<16xi32>)
          %masked_sort3A_199 = arith.xori %masked_sort3A_197, %masked_sort3A_194 : vector<16xi32>
          %sub3A_200 = vector.broadcast %scan3A_48 : i32 to vector<16xi32>
          %sub3A_201 = arith.subi %sub3A_200, %select_n3A_182 : vector<16xi32>
          %masked_sort3A_202 = arith.constant dense<true> : vector<16xi1>
          %masked_sort3A_203 = arith.constant -2147483648 : i32
          %masked_sort3A_204 = vector.broadcast %masked_sort3A_203 : i32 to vector<16xi32>
          %masked_sort3A_205 = arith.xori %sub3A_201, %masked_sort3A_204 : vector<16xi32>
          %masked_sort3A_206, %masked_sort3A_207, %masked_sort3A_208 = tpu.sort %masked_sort3A_205, %select_n3A_182 masked %masked_sort3A_202 : (vector<16xi32>, vector<16xi32>, vector<16xi1>) -> (vector<16xi1>, vector<16xi32>, vector<16xi32>)
          %masked_sort3A_209 = arith.xori %masked_sort3A_207, %masked_sort3A_204 : vector<16xi32>
          %min3A_210 = arith.minsi %scan3A_147, %masked_sort3A_208 : vector<16xi32>
          %sub3A_211 = vector.broadcast %scan3A_48 : i32 to vector<16xi32>
          %sub3A_212 = arith.subi %sub3A_211, %min3A_210 : vector<16xi32>
          %masked_sort3A_213 = arith.constant dense<true> : vector<16xi1>
          %masked_sort3A_214 = arith.constant -2147483648 : i32
          %masked_sort3A_215 = vector.broadcast %masked_sort3A_214 : i32 to vector<16xi32>
          %masked_sort3A_216 = arith.xori %sub3A_212, %masked_sort3A_215 : vector<16xi32>
          %masked_sort3A_217, %masked_sort3A_218, %masked_sort3A_219 = tpu.sort %masked_sort3A_216, %min3A_210 masked %masked_sort3A_213 : (vector<16xi32>, vector<16xi32>, vector<16xi1>) -> (vector<16xi1>, vector<16xi32>, vector<16xi32>)
          %masked_sort3A_220 = arith.xori %masked_sort3A_218, %masked_sort3A_215 : vector<16xi32>
          %min3A_221 = arith.minsi %scan3A_146, %masked_sort3A_219 : vector<16xi32>
          %max3A = arith.maxsi %scan3A_146, %masked_sort3A_219 : vector<16xi32>
          %masked_sort3A_222 = arith.constant dense<true> : vector<16xi1>
          %masked_sort3A_223 = arith.constant -2147483648 : i32
          %masked_sort3A_224 = vector.broadcast %masked_sort3A_223 : i32 to vector<16xi32>
          %masked_sort3A_225 = arith.xori %min3A_221, %masked_sort3A_224 : vector<16xi32>
          %masked_sort3A_226, %masked_sort3A_227, %masked_sort3A_228 = tpu.sort %masked_sort3A_225, %min3A_221 masked %masked_sort3A_222 : (vector<16xi32>, vector<16xi32>, vector<16xi1>) -> (vector<16xi1>, vector<16xi32>, vector<16xi32>)
          %masked_sort3A_229 = arith.xori %masked_sort3A_227, %masked_sort3A_224 : vector<16xi32>
          %masked_sort3A_230 = arith.constant dense<true> : vector<16xi1>
          %masked_sort3A_231 = arith.constant -2147483648 : i32
          %masked_sort3A_232 = vector.broadcast %masked_sort3A_231 : i32 to vector<16xi32>
          %masked_sort3A_233 = arith.xori %max3A, %masked_sort3A_232 : vector<16xi32>
          %masked_sort3A_234, %masked_sort3A_235, %masked_sort3A_236 = tpu.sort %masked_sort3A_233, %max3A masked %masked_sort3A_230 : (vector<16xi32>, vector<16xi32>, vector<16xi1>) -> (vector<16xi1>, vector<16xi32>, vector<16xi32>)
          %masked_sort3A_237 = arith.xori %masked_sort3A_235, %masked_sort3A_232 : vector<16xi32>
          scf.yield %masked_sort3A_199, %masked_sort3A_229, %masked_sort3A_237 : vector<16xi32>, vector<16xi32>, vector<16xi32>
        }
        %scan3A_109 = arith.constant 1024 : i32
        %slice3A_110 = vector.extract_strided_slice %scan3A_108#0 {offsets = [0], sizes = [1], strides = [1]} : vector<16xi32> to vector<1xi32>
        %squeeze3A_111 = vector.extract %slice3A_110[0] : i32 from vector<1xi32>
        %ge3A = arith.cmpi sge, %squeeze3A_111, %scan3A_48 : i32
        %jit3A_112 = arith.constant 0 : i32
        %select_n3A_113 = arith.select %ge3A, %jit3A_112, %squeeze3A_111 : i32
        %ge3A_114 = vector.broadcast %scan3A_48 : i32 to vector<16xi32>
        %ge3A_115 = arith.cmpi sge, %scan3A_108#0, %ge3A_114 : vector<16xi32>
        %broadcast_in_dim3A_116 = vector.broadcast %select_n3A_113 : i32 to vector<16xi32>
        %select_n3A_117 = arith.select %ge3A_115, %broadcast_in_dim3A_116, %scan3A_108#0 : vector<16xi1>, vector<16xi32>
        %mul3A_118 = arith.constant 16 : i32
        %mul3A_119 = arith.muli %scan3A_58, %mul3A_118 : i32
        %swap3A = arith.index_cast %mul3A_119 : i32 to index
        %swap3A_120 = tpu.vector_load %arg13[%swap3A] {strides = array<i32>} : memref<4096xi32, #tpu.memory_space<vmem>>, vector<16xi32>,
        tpu.vector_store %arg13[%swap3A], %select_n3A_117 {strides = array<i32>} : memref<4096xi32, #tpu.memory_space<vmem>>, vector<16xi32>,
        %slice3A_121 = vector.extract_strided_slice %scan3A_108#1 {offsets = [0], sizes = [1], strides = [1]} : vector<16xi32> to vector<1xi32>
        %squeeze3A_122 = vector.extract %slice3A_121[0] : i32 from vector<1xi32>
        %ge3A_123 = arith.cmpi sge, %squeeze3A_122, %scan3A_48 : i32
        %jit3A_124 = arith.constant 0 : i32
        %select_n3A_125 = arith.select %ge3A_123, %jit3A_124, %squeeze3A_122 : i32
        %ge3A_126 = vector.broadcast %scan3A_48 : i32 to vector<16xi32>
        %ge3A_127 = arith.cmpi sge, %scan3A_108#1, %ge3A_126 : vector<16xi32>
        %broadcast_in_dim3A_128 = vector.broadcast %select_n3A_125 : i32 to vector<16xi32>
        %select_n3A_129 = arith.select %ge3A_127, %broadcast_in_dim3A_128, %scan3A_108#1 : vector<16xi1>, vector<16xi32>
        %mul3A_130 = arith.constant 32 : i32
        %mul3A_131 = arith.muli %scan3A_58, %mul3A_130 : i32
        %swap3A_132 = arith.index_cast %mul3A_131 : i32 to index
        %swap3A_133 = tpu.vector_load %arg14[%swap3A_132] {strides = array<i32>} : memref<8192xi32, #tpu.memory_space<vmem>>, vector<16xi32>,
        tpu.vector_store %arg14[%swap3A_132], %select_n3A_129 {strides = array<i32>} : memref<8192xi32, #tpu.memory_space<vmem>>, vector<16xi32>,
        %ge3A_134 = vector.broadcast %scan3A_48 : i32 to vector<16xi32>
        %ge3A_135 = arith.cmpi sge, %scan3A_108#2, %ge3A_134 : vector<16xi32>
        %broadcast_in_dim3A_136 = vector.broadcast %select_n3A_125 : i32 to vector<16xi32>
        %select_n3A_137 = arith.select %ge3A_135, %broadcast_in_dim3A_136, %scan3A_108#2 : vector<16xi1>, vector<16xi32>
        %mul3A_138 = arith.constant 32 : i32
        %mul3A_139 = arith.muli %scan3A_58, %mul3A_138 : i32
        %add3A_140 = arith.constant 16 : i32
        %add3A_141 = arith.addi %mul3A_139, %add3A_140 : i32
        %swap3A_142 = arith.index_cast %add3A_141 : i32 to index
        %swap3A_143 = tpu.vector_load %arg14[%swap3A_142] {strides = array<i32>} : memref<8192xi32, #tpu.memory_space<vmem>>, vector<16xi32>,
        tpu.vector_store %arg14[%swap3A_142], %select_n3A_137 {strides = array<i32>} : memref<8192xi32, #tpu.memory_space<vmem>>, vector<16xi32>,
      }
      %scan3A_53 = arith.constant 256 : i32
      %mul3A_54 = arith.constant 16 : i32
      %mul3A_55 = arith.muli %mul3A_20, %mul3A_54 : i32
      "tpu.region"() ({
        %run_scoped3A = tpu.sem_alloc : memref<!tpu.dma_semaphore, #tpu.memory_space<semaphore_mem>>
        %dma_start3A = tpu.memref_slice %arg4[%mul3A_55] : memref<131072xi32, #tpu.memory_space<hbm>> -> memref<4096xi32, #tpu.memory_space<hbm>>
        %dma_start3A_58 = tpu.memref_slice %arg4[%mul3A_55] : memref<131072xi32, #tpu.memory_space<hbm>> -> memref<4096xi32, #tpu.memory_space<hbm>>
        tpu.enqueue_dma source(%arg13 : memref<4096xi32, #tpu.memory_space<vmem>>) target(%dma_start3A_58 : memref<4096xi32, #tpu.memory_space<hbm>>) target_semaphore(%run_scoped3A : memref<!tpu.dma_semaphore, #tpu.memory_space<semaphore_mem>>)
        %dma_wait3A = tpu.memref_slice %arg4[%mul3A_55] : memref<131072xi32, #tpu.memory_space<hbm>> -> memref<4096xi32, #tpu.memory_space<hbm>>
        %dma_wait3A_59 = tpu.memref_slice %arg4[%mul3A_55] : memref<131072xi32, #tpu.memory_space<hbm>> -> memref<4096xi32, #tpu.memory_space<hbm>>
        tpu.wait_dma2 semaphore(%run_scoped3A : memref<!tpu.dma_semaphore, #tpu.memory_space<semaphore_mem>>) src(%arg13 : memref<4096xi32, #tpu.memory_space<vmem>>) dst(%dma_wait3A_59 : memref<4096xi32, #tpu.memory_space<hbm>>)
        tpu.yield
      }) : () -> ()
      %mul3A_56 = arith.constant 32 : i32
      %mul3A_57 = arith.muli %mul3A_20, %mul3A_56 : i32
      "tpu.region"() ({
        %run_scoped3A = tpu.sem_alloc : memref<!tpu.dma_semaphore, #tpu.memory_space<semaphore_mem>>
        %dma_start3A = tpu.memref_slice %arg5[%mul3A_57] : memref<262144xi32, #tpu.memory_space<hbm>> -> memref<8192xi32, #tpu.memory_space<hbm>>
        %dma_start3A_58 = tpu.memref_slice %arg5[%mul3A_57] : memref<262144xi32, #tpu.memory_space<hbm>> -> memref<8192xi32, #tpu.memory_space<hbm>>
        tpu.enqueue_dma source(%arg14 : memref<8192xi32, #tpu.memory_space<vmem>>) target(%dma_start3A_58 : memref<8192xi32, #tpu.memory_space<hbm>>) target_semaphore(%run_scoped3A : memref<!tpu.dma_semaphore, #tpu.memory_space<semaphore_mem>>)
        %dma_wait3A = tpu.memref_slice %arg5[%mul3A_57] : memref<262144xi32, #tpu.memory_space<hbm>> -> memref<8192xi32, #tpu.memory_space<hbm>>
        %dma_wait3A_59 = tpu.memref_slice %arg5[%mul3A_57] : memref<262144xi32, #tpu.memory_space<hbm>> -> memref<8192xi32, #tpu.memory_space<hbm>>
        tpu.wait_dma2 semaphore(%run_scoped3A : memref<!tpu.dma_semaphore, #tpu.memory_space<semaphore_mem>>) src(%arg14 : memref<8192xi32, #tpu.memory_space<vmem>>) dst(%dma_wait3A_59 : memref<8192xi32, #tpu.memory_space<hbm>>)
        tpu.yield
      }) : () -> ()
    } else {
    }
    return
  }
}

#map = affine_map<(d0, d1) -> (0)>
module attributes {stable_mosaic.version = 14 : i64} {
  func.func @k(%arg0: i32, %arg1: i32, %arg2: memref<6144xf32, #tpu.memory_space<hbm>>, %arg3: memref<1536xf32, #tpu.memory_space<hbm>>, %arg4: memref<8192xi32, #tpu.memory_space<hbm>>, %arg5: memref<16384xi32, #tpu.memory_space<hbm>>, %arg6: memref<1024xf32, #tpu.memory_space<vmem>>, %arg7: memref<1024xf32, #tpu.memory_space<vmem>>, %arg8: memref<1024xf32, #tpu.memory_space<vmem>>, %arg9: memref<1024xf32, #tpu.memory_space<vmem>>, %arg10: memref<32xf32, #tpu.memory_space<vmem>>, %arg11: memref<32xf32, #tpu.memory_space<vmem>>, %arg12: memref<32xf32, #tpu.memory_space<vmem>>, %arg13: memref<256xi32, #tpu.memory_space<vmem>>, %arg14: memref<512xi32, #tpu.memory_space<vmem>>) attributes {dimension_semantics = [#tpu.dimension_semantics<core_parallel>, #tpu.dimension_semantics<subcore_parallel>], iteration_bounds = array<i64: 2, 16>, scalar_prefetch = 0 : i64, scratch_operands = 9 : i64, tpu.core_type = #tpu.core_type<sc_vector_subcore>, window_params = [{transform_indices = #map}, {transform_indices = #map}, {transform_indices = #map}, {transform_indices = #map}]} {
    %mul3A = arith.constant 2 : i32
    %mul3A_0 = arith.muli %arg1, %mul3A : i32
    %add3A = arith.addi %mul3A_0, %arg0 : i32
    %lt3A = arith.constant 32 : i32
    %lt3A_1 = arith.cmpi slt, %add3A, %lt3A : i32
    %convert_element_type3A = arith.extui %lt3A_1 : i1 to i32
    %cond3A = arith.constant 0 : i32
    %cond3A_2 = arith.cmpi ne, %convert_element_type3A, %cond3A : i32
    scf.if %cond3A_2 {
      %jit3A = arith.constant 16 : i32
      %div3A = arith.divsi %add3A, %jit3A : i32
      %sign3A = arith.constant 0 : i32
      %sign3A_3 = arith.cmpi sgt, %add3A, %sign3A : i32
      %sign3A_4 = arith.extui %sign3A_3 : i1 to i32
      %sign3A_5 = arith.constant 0 : i32
      %sign3A_6 = arith.cmpi slt, %add3A, %sign3A_5 : i32
      %sign3A_7 = arith.extui %sign3A_6 : i1 to i32
      %sign3A_8 = arith.subi %sign3A_4, %sign3A_7 : i32
      %sign3A_9 = arith.constant 0 : i32
      %sign3A_10 = arith.cmpi sgt, %jit3A, %sign3A_9 : i32
      %sign3A_11 = arith.extui %sign3A_10 : i1 to i32
      %sign3A_12 = arith.constant 0 : i32
      %sign3A_13 = arith.cmpi slt, %jit3A, %sign3A_12 : i32
      %sign3A_14 = arith.extui %sign3A_13 : i1 to i32
      %sign3A_15 = arith.subi %sign3A_11, %sign3A_14 : i32
      %ne3A = arith.cmpi ne, %sign3A_8, %sign3A_15 : i32
      %rem3A = arith.remsi %add3A, %jit3A : i32
      %ne3A_16 = arith.constant 0 : i32
      %ne3A_17 = arith.cmpi ne, %rem3A, %ne3A_16 : i32
      %and3A = arith.andi %ne3A, %ne3A_17 : i1
      %sub3A = arith.constant 1 : i32
      %sub3A_18 = arith.subi %div3A, %sub3A : i32
      %select_n3A = arith.select %and3A, %sub3A_18, %div3A : i32
      %mul3A_19 = arith.constant 16 : i32
      %mul3A_20 = arith.muli %add3A, %mul3A_19 : i32
      %mul3A_21 = arith.constant 3 : i32
      %mul3A_22 = arith.muli %select_n3A, %mul3A_21 : i32
      %mul3A_23 = arith.constant 1024 : i32
      %mul3A_24 = arith.muli %mul3A_22, %mul3A_23 : i32
      "tpu.region"() ({
        %run_scoped3A = tpu.sem_alloc : memref<!tpu.dma_semaphore, #tpu.memory_space<semaphore_mem>>
        %dma_start3A = tpu.memref_slice %arg2[%mul3A_24] : memref<6144xf32, #tpu.memory_space<hbm>> -> memref<1024xf32, #tpu.memory_space<hbm>>
        %dma_start3A_58 = tpu.memref_slice %arg2[%mul3A_24] : memref<6144xf32, #tpu.memory_space<hbm>> -> memref<1024xf32, #tpu.memory_space<hbm>>
        tpu.enqueue_dma source(%dma_start3A_58 : memref<1024xf32, #tpu.memory_space<hbm>>) target(%arg6 : memref<1024xf32, #tpu.memory_space<vmem>>) target_semaphore(%run_scoped3A : memref<!tpu.dma_semaphore, #tpu.memory_space<semaphore_mem>>)
        %dma_wait3A = tpu.memref_slice %arg2[%mul3A_24] : memref<6144xf32, #tpu.memory_space<hbm>> -> memref<1024xf32, #tpu.memory_space<hbm>>
        %dma_wait3A_59 = tpu.memref_slice %arg2[%mul3A_24] : memref<6144xf32, #tpu.memory_space<hbm>> -> memref<1024xf32, #tpu.memory_space<hbm>>
        tpu.wait_dma2 semaphore(%run_scoped3A : memref<!tpu.dma_semaphore, #tpu.memory_space<semaphore_mem>>) src(%dma_wait3A_59 : memref<1024xf32, #tpu.memory_space<hbm>>) dst(%arg6 : memref<1024xf32, #tpu.memory_space<vmem>>)
        tpu.yield
      }) : () -> ()
      %mul3A_25 = arith.constant 3 : i32
      %mul3A_26 = arith.muli %select_n3A, %mul3A_25 : i32
      %mul3A_27 = arith.constant 1024 : i32
      %mul3A_28 = arith.muli %mul3A_26, %mul3A_27 : i32
      %add3A_29 = arith.constant 1024 : i32
      %add3A_30 = arith.addi %mul3A_28, %add3A_29 : i32
      "tpu.region"() ({
        %run_scoped3A = tpu.sem_alloc : memref<!tpu.dma_semaphore, #tpu.memory_space<semaphore_mem>>
        %dma_start3A = tpu.memref_slice %arg2[%add3A_30] : memref<6144xf32, #tpu.memory_space<hbm>> -> memref<1024xf32, #tpu.memory_space<hbm>>
        %dma_start3A_58 = tpu.memref_slice %arg2[%add3A_30] : memref<6144xf32, #tpu.memory_space<hbm>> -> memref<1024xf32, #tpu.memory_space<hbm>>
        tpu.enqueue_dma source(%dma_start3A_58 : memref<1024xf32, #tpu.memory_space<hbm>>) target(%arg7 : memref<1024xf32, #tpu.memory_space<vmem>>) target_semaphore(%run_scoped3A : memref<!tpu.dma_semaphore, #tpu.memory_space<semaphore_mem>>)
        %dma_wait3A = tpu.memref_slice %arg2[%add3A_30] : memref<6144xf32, #tpu.memory_space<hbm>> -> memref<1024xf32, #tpu.memory_space<hbm>>
        %dma_wait3A_59 = tpu.memref_slice %arg2[%add3A_30] : memref<6144xf32, #tpu.memory_space<hbm>> -> memref<1024xf32, #tpu.memory_space<hbm>>
        tpu.wait_dma2 semaphore(%run_scoped3A : memref<!tpu.dma_semaphore, #tpu.memory_space<semaphore_mem>>) src(%dma_wait3A_59 : memref<1024xf32, #tpu.memory_space<hbm>>) dst(%arg7 : memref<1024xf32, #tpu.memory_space<vmem>>)
        tpu.yield
      }) : () -> ()
      %mul3A_31 = arith.constant 3 : i32
      %mul3A_32 = arith.muli %select_n3A, %mul3A_31 : i32
      %mul3A_33 = arith.constant 1024 : i32
      %mul3A_34 = arith.muli %mul3A_32, %mul3A_33 : i32
      %add3A_35 = arith.constant 2048 : i32
      %add3A_36 = arith.addi %mul3A_34, %add3A_35 : i32
      "tpu.region"() ({
        %run_scoped3A = tpu.sem_alloc : memref<!tpu.dma_semaphore, #tpu.memory_space<semaphore_mem>>
        %dma_start3A = tpu.memref_slice %arg2[%add3A_36] : memref<6144xf32, #tpu.memory_space<hbm>> -> memref<1024xf32, #tpu.memory_space<hbm>>
        %dma_start3A_58 = tpu.memref_slice %arg2[%add3A_36] : memref<6144xf32, #tpu.memory_space<hbm>> -> memref<1024xf32, #tpu.memory_space<hbm>>
        tpu.enqueue_dma source(%dma_start3A_58 : memref<1024xf32, #tpu.memory_space<hbm>>) target(%arg8 : memref<1024xf32, #tpu.memory_space<vmem>>) target_semaphore(%run_scoped3A : memref<!tpu.dma_semaphore, #tpu.memory_space<semaphore_mem>>)
        %dma_wait3A = tpu.memref_slice %arg2[%add3A_36] : memref<6144xf32, #tpu.memory_space<hbm>> -> memref<1024xf32, #tpu.memory_space<hbm>>
        %dma_wait3A_59 = tpu.memref_slice %arg2[%add3A_36] : memref<6144xf32, #tpu.memory_space<hbm>> -> memref<1024xf32, #tpu.memory_space<hbm>>
        tpu.wait_dma2 semaphore(%run_scoped3A : memref<!tpu.dma_semaphore, #tpu.memory_space<semaphore_mem>>) src(%dma_wait3A_59 : memref<1024xf32, #tpu.memory_space<hbm>>) dst(%arg8 : memref<1024xf32, #tpu.memory_space<vmem>>)
        tpu.yield
      }) : () -> ()
      "tpu.region"() ({
        %run_scoped3A = tpu.sem_alloc : memref<!tpu.dma_semaphore, #tpu.memory_space<semaphore_mem>>
        %dma_start3A = arith.constant 0 : i32
        %dma_start3A_58 = tpu.memref_slice %arg10[%dma_start3A] : memref<32xf32, #tpu.memory_space<vmem>> -> memref<16xf32, #tpu.memory_space<vmem>>
        %dma_start3A_59 = tpu.memref_slice %arg3[%mul3A_20] : memref<1536xf32, #tpu.memory_space<hbm>> -> memref<16xf32, #tpu.memory_space<hbm>>
        %dma_start3A_60 = arith.constant 0 : i32
        %dma_start3A_61 = tpu.memref_slice %arg10[%dma_start3A_60] : memref<32xf32, #tpu.memory_space<vmem>> -> memref<16xf32, #tpu.memory_space<vmem>>
        %dma_start3A_62 = tpu.memref_slice %arg3[%mul3A_20] : memref<1536xf32, #tpu.memory_space<hbm>> -> memref<16xf32, #tpu.memory_space<hbm>>
        tpu.enqueue_dma source(%dma_start3A_62 : memref<16xf32, #tpu.memory_space<hbm>>) target(%dma_start3A_61 : memref<16xf32, #tpu.memory_space<vmem>>) target_semaphore(%run_scoped3A : memref<!tpu.dma_semaphore, #tpu.memory_space<semaphore_mem>>)
        %dma_wait3A = arith.constant 0 : i32
        %dma_wait3A_63 = tpu.memref_slice %arg10[%dma_wait3A] : memref<32xf32, #tpu.memory_space<vmem>> -> memref<16xf32, #tpu.memory_space<vmem>>
        %dma_wait3A_64 = tpu.memref_slice %arg3[%mul3A_20] : memref<1536xf32, #tpu.memory_space<hbm>> -> memref<16xf32, #tpu.memory_space<hbm>>
        %dma_wait3A_65 = arith.constant 0 : i32
        %dma_wait3A_66 = tpu.memref_slice %arg10[%dma_wait3A_65] : memref<32xf32, #tpu.memory_space<vmem>> -> memref<16xf32, #tpu.memory_space<vmem>>
        %dma_wait3A_67 = tpu.memref_slice %arg3[%mul3A_20] : memref<1536xf32, #tpu.memory_space<hbm>> -> memref<16xf32, #tpu.memory_space<hbm>>
        tpu.wait_dma2 semaphore(%run_scoped3A : memref<!tpu.dma_semaphore, #tpu.memory_space<semaphore_mem>>) src(%dma_wait3A_67 : memref<16xf32, #tpu.memory_space<hbm>>) dst(%dma_wait3A_66 : memref<16xf32, #tpu.memory_space<vmem>>)
        tpu.yield
      }) : () -> ()
      %add3A_37 = arith.constant 512 : i32
      %add3A_38 = arith.addi %add3A_37, %mul3A_20 : i32
      "tpu.region"() ({
        %run_scoped3A = tpu.sem_alloc : memref<!tpu.dma_semaphore, #tpu.memory_space<semaphore_mem>>
        %dma_start3A = arith.constant 0 : i32
        %dma_start3A_58 = tpu.memref_slice %arg11[%dma_start3A] : memref<32xf32, #tpu.memory_space<vmem>> -> memref<16xf32, #tpu.memory_space<vmem>>
        %dma_start3A_59 = tpu.memref_slice %arg3[%add3A_38] : memref<1536xf32, #tpu.memory_space<hbm>> -> memref<16xf32, #tpu.memory_space<hbm>>
        %dma_start3A_60 = arith.constant 0 : i32
        %dma_start3A_61 = tpu.memref_slice %arg11[%dma_start3A_60] : memref<32xf32, #tpu.memory_space<vmem>> -> memref<16xf32, #tpu.memory_space<vmem>>
        %dma_start3A_62 = tpu.memref_slice %arg3[%add3A_38] : memref<1536xf32, #tpu.memory_space<hbm>> -> memref<16xf32, #tpu.memory_space<hbm>>
        tpu.enqueue_dma source(%dma_start3A_62 : memref<16xf32, #tpu.memory_space<hbm>>) target(%dma_start3A_61 : memref<16xf32, #tpu.memory_space<vmem>>) target_semaphore(%run_scoped3A : memref<!tpu.dma_semaphore, #tpu.memory_space<semaphore_mem>>)
        %dma_wait3A = arith.constant 0 : i32
        %dma_wait3A_63 = tpu.memref_slice %arg11[%dma_wait3A] : memref<32xf32, #tpu.memory_space<vmem>> -> memref<16xf32, #tpu.memory_space<vmem>>
        %dma_wait3A_64 = tpu.memref_slice %arg3[%add3A_38] : memref<1536xf32, #tpu.memory_space<hbm>> -> memref<16xf32, #tpu.memory_space<hbm>>
        %dma_wait3A_65 = arith.constant 0 : i32
        %dma_wait3A_66 = tpu.memref_slice %arg11[%dma_wait3A_65] : memref<32xf32, #tpu.memory_space<vmem>> -> memref<16xf32, #tpu.memory_space<vmem>>
        %dma_wait3A_67 = tpu.memref_slice %arg3[%add3A_38] : memref<1536xf32, #tpu.memory_space<hbm>> -> memref<16xf32, #tpu.memory_space<hbm>>
        tpu.wait_dma2 semaphore(%run_scoped3A : memref<!tpu.dma_semaphore, #tpu.memory_space<semaphore_mem>>) src(%dma_wait3A_67 : memref<16xf32, #tpu.memory_space<hbm>>) dst(%dma_wait3A_66 : memref<16xf32, #tpu.memory_space<vmem>>)
        tpu.yield
      }) : () -> ()
      %add3A_39 = arith.constant 1024 : i32
      %add3A_40 = arith.addi %add3A_39, %mul3A_20 : i32
      "tpu.region"() ({
        %run_scoped3A = tpu.sem_alloc : memref<!tpu.dma_semaphore, #tpu.memory_space<semaphore_mem>>
        %dma_start3A = arith.constant 0 : i32
        %dma_start3A_58 = tpu.memref_slice %arg12[%dma_start3A] : memref<32xf32, #tpu.memory_space<vmem>> -> memref<16xf32, #tpu.memory_space<vmem>>
        %dma_start3A_59 = tpu.memref_slice %arg3[%add3A_40] : memref<1536xf32, #tpu.memory_space<hbm>> -> memref<16xf32, #tpu.memory_space<hbm>>
        %dma_start3A_60 = arith.constant 0 : i32
        %dma_start3A_61 = tpu.memref_slice %arg12[%dma_start3A_60] : memref<32xf32, #tpu.memory_space<vmem>> -> memref<16xf32, #tpu.memory_space<vmem>>
        %dma_start3A_62 = tpu.memref_slice %arg3[%add3A_40] : memref<1536xf32, #tpu.memory_space<hbm>> -> memref<16xf32, #tpu.memory_space<hbm>>
        tpu.enqueue_dma source(%dma_start3A_62 : memref<16xf32, #tpu.memory_space<hbm>>) target(%dma_start3A_61 : memref<16xf32, #tpu.memory_space<vmem>>) target_semaphore(%run_scoped3A : memref<!tpu.dma_semaphore, #tpu.memory_space<semaphore_mem>>)
        %dma_wait3A = arith.constant 0 : i32
        %dma_wait3A_63 = tpu.memref_slice %arg12[%dma_wait3A] : memref<32xf32, #tpu.memory_space<vmem>> -> memref<16xf32, #tpu.memory_space<vmem>>
        %dma_wait3A_64 = tpu.memref_slice %arg3[%add3A_40] : memref<1536xf32, #tpu.memory_space<hbm>> -> memref<16xf32, #tpu.memory_space<hbm>>
        %dma_wait3A_65 = arith.constant 0 : i32
        %dma_wait3A_66 = tpu.memref_slice %arg12[%dma_wait3A_65] : memref<32xf32, #tpu.memory_space<vmem>> -> memref<16xf32, #tpu.memory_space<vmem>>
        %dma_wait3A_67 = tpu.memref_slice %arg3[%add3A_40] : memref<1536xf32, #tpu.memory_space<hbm>> -> memref<16xf32, #tpu.memory_space<hbm>>
        tpu.wait_dma2 semaphore(%run_scoped3A : memref<!tpu.dma_semaphore, #tpu.memory_space<semaphore_mem>>) src(%dma_wait3A_67 : memref<16xf32, #tpu.memory_space<hbm>>) dst(%dma_wait3A_66 : memref<16xf32, #tpu.memory_space<vmem>>)
        tpu.yield
      }) : () -> ()
      %iota3A = tpu.iota {dimensions = array<i32: 0>} : vector<16xi32>
      %broadcast_in_dim3A = arith.constant 2147483647 : i32
      %broadcast_in_dim3A_41 = vector.broadcast %broadcast_in_dim3A : i32 to vector<16xi32>
      %scan3A = arith.constant 0 : i32
      %scan3A_42 = arith.constant 0 : i32
      %scan3A_43 = arith.constant 64 : i32
      %scan3A_44 = arith.addi %scan3A_42, %scan3A_43 : i32
      %scan3A_45 = arith.constant 1 : i32
      scf.for %scan3A_58 = %scan3A_42 to %scan3A_44 step %scan3A_45  : i32 {
        %mul3A_59 = arith.constant 16 : i32
        %mul3A_60 = arith.muli %scan3A_58, %mul3A_59 : i32
        %get3A = arith.index_cast %mul3A_60 : i32 to index
        %get3A_61 = tpu.vector_load %arg6[%get3A] {strides = array<i32>} : memref<1024xf32, #tpu.memory_space<vmem>>, vector<16xf32>,
        %get3A_62 = arith.index_cast %mul3A_60 : i32 to index
        %get3A_63 = tpu.vector_load %arg7[%get3A_62] {strides = array<i32>} : memref<1024xf32, #tpu.memory_space<vmem>>, vector<16xf32>,
        %get3A_64 = arith.index_cast %mul3A_60 : i32 to index
        %get3A_65 = tpu.vector_load %arg8[%get3A_64] {strides = array<i32>} : memref<1024xf32, #tpu.memory_space<vmem>>, vector<16xf32>,
        %mul3A_66 = arith.mulf %get3A_61, %get3A_61 : vector<16xf32>
        %mul3A_67 = arith.mulf %get3A_63, %get3A_63 : vector<16xf32>
        %add3A_68 = arith.addf %mul3A_66, %mul3A_67 : vector<16xf32>
        %mul3A_69 = arith.mulf %get3A_65, %get3A_65 : vector<16xf32>
        %add3A_70 = arith.addf %add3A_68, %mul3A_69 : vector<16xf32>
        %swap3A = arith.index_cast %mul3A_60 : i32 to index
        %swap3A_71 = tpu.vector_load %arg9[%swap3A] {strides = array<i32>} : memref<1024xf32, #tpu.memory_space<vmem>>, vector<16xf32>,
        tpu.vector_store %arg9[%swap3A], %add3A_70 {strides = array<i32>} : memref<1024xf32, #tpu.memory_space<vmem>>, vector<16xf32>,
        %bitcast_convert_type3A = tpu.bitcast %get3A_61 : vector<16xf32> -> vector<16xi32>
        %add3A_72 = arith.constant 32767 : i32
        %add3A_73 = vector.broadcast %add3A_72 : i32 to vector<16xi32>
        %add3A_74 = arith.addi %bitcast_convert_type3A, %add3A_73 : vector<16xi32>
        %shift_right_arithmetic3A = arith.constant 16 : i32
        %shift_right_arithmetic3A_75 = vector.broadcast %shift_right_arithmetic3A : i32 to vector<16xi32>
        %shift_right_arithmetic3A_76 = arith.shrsi %bitcast_convert_type3A, %shift_right_arithmetic3A_75 : vector<16xi32>
        %and3A_77 = arith.constant 1 : i32
        %and3A_78 = vector.broadcast %and3A_77 : i32 to vector<16xi32>
        %and3A_79 = arith.andi %shift_right_arithmetic3A_76, %and3A_78 : vector<16xi32>
        %add3A_80 = arith.addi %add3A_74, %and3A_79 : vector<16xi32>
        %and3A_81 = arith.constant -65536 : i32
        %and3A_82 = vector.broadcast %and3A_81 : i32 to vector<16xi32>
        %and3A_83 = arith.andi %add3A_80, %and3A_82 : vector<16xi32>
        %bitcast_convert_type3A_84 = tpu.bitcast %and3A_83 : vector<16xi32> -> vector<16xf32>
        %swap3A_85 = arith.index_cast %mul3A_60 : i32 to index
        %swap3A_86 = tpu.vector_load %arg6[%swap3A_85] {strides = array<i32>} : memref<1024xf32, #tpu.memory_space<vmem>>, vector<16xf32>,
        tpu.vector_store %arg6[%swap3A_85], %bitcast_convert_type3A_84 {strides = array<i32>} : memref<1024xf32, #tpu.memory_space<vmem>>, vector<16xf32>,
        %bitcast_convert_type3A_87 = tpu.bitcast %get3A_63 : vector<16xf32> -> vector<16xi32>
        %add3A_88 = arith.constant 32767 : i32
        %add3A_89 = vector.broadcast %add3A_88 : i32 to vector<16xi32>
        %add3A_90 = arith.addi %bitcast_convert_type3A_87, %add3A_89 : vector<16xi32>
        %shift_right_arithmetic3A_91 = arith.constant 16 : i32
        %shift_right_arithmetic3A_92 = vector.broadcast %shift_right_arithmetic3A_91 : i32 to vector<16xi32>
        %shift_right_arithmetic3A_93 = arith.shrsi %bitcast_convert_type3A_87, %shift_right_arithmetic3A_92 : vector<16xi32>
        %and3A_94 = arith.constant 1 : i32
        %and3A_95 = vector.broadcast %and3A_94 : i32 to vector<16xi32>
        %and3A_96 = arith.andi %shift_right_arithmetic3A_93, %and3A_95 : vector<16xi32>
        %add3A_97 = arith.addi %add3A_90, %and3A_96 : vector<16xi32>
        %and3A_98 = arith.constant -65536 : i32
        %and3A_99 = vector.broadcast %and3A_98 : i32 to vector<16xi32>
        %and3A_100 = arith.andi %add3A_97, %and3A_99 : vector<16xi32>
        %bitcast_convert_type3A_101 = tpu.bitcast %and3A_100 : vector<16xi32> -> vector<16xf32>
        %swap3A_102 = arith.index_cast %mul3A_60 : i32 to index
        %swap3A_103 = tpu.vector_load %arg7[%swap3A_102] {strides = array<i32>} : memref<1024xf32, #tpu.memory_space<vmem>>, vector<16xf32>,
        tpu.vector_store %arg7[%swap3A_102], %bitcast_convert_type3A_101 {strides = array<i32>} : memref<1024xf32, #tpu.memory_space<vmem>>, vector<16xf32>,
        %bitcast_convert_type3A_104 = tpu.bitcast %get3A_65 : vector<16xf32> -> vector<16xi32>
        %add3A_105 = arith.constant 32767 : i32
        %add3A_106 = vector.broadcast %add3A_105 : i32 to vector<16xi32>
        %add3A_107 = arith.addi %bitcast_convert_type3A_104, %add3A_106 : vector<16xi32>
        %shift_right_arithmetic3A_108 = arith.constant 16 : i32
        %shift_right_arithmetic3A_109 = vector.broadcast %shift_right_arithmetic3A_108 : i32 to vector<16xi32>
        %shift_right_arithmetic3A_110 = arith.shrsi %bitcast_convert_type3A_104, %shift_right_arithmetic3A_109 : vector<16xi32>
        %and3A_111 = arith.constant 1 : i32
        %and3A_112 = vector.broadcast %and3A_111 : i32 to vector<16xi32>
        %and3A_113 = arith.andi %shift_right_arithmetic3A_110, %and3A_112 : vector<16xi32>
        %add3A_114 = arith.addi %add3A_107, %and3A_113 : vector<16xi32>
        %and3A_115 = arith.constant -65536 : i32
        %and3A_116 = vector.broadcast %and3A_115 : i32 to vector<16xi32>
        %and3A_117 = arith.andi %add3A_114, %and3A_116 : vector<16xi32>
        %bitcast_convert_type3A_118 = tpu.bitcast %and3A_117 : vector<16xi32> -> vector<16xf32>
        %swap3A_119 = arith.index_cast %mul3A_60 : i32 to index
        %swap3A_120 = tpu.vector_load %arg8[%swap3A_119] {strides = array<i32>} : memref<1024xf32, #tpu.memory_space<vmem>>, vector<16xf32>,
        tpu.vector_store %arg8[%swap3A_119], %bitcast_convert_type3A_118 {strides = array<i32>} : memref<1024xf32, #tpu.memory_space<vmem>>, vector<16xf32>,
      }
      %scan3A_46 = arith.constant 64 : i32
      %scan3A_47 = arith.constant 0 : i32
      %scan3A_48 = arith.constant 2147483647 : i32
      %scan3A_49 = arith.constant 0 : i32
      %scan3A_50 = arith.constant 16 : i32
      %scan3A_51 = arith.addi %scan3A_49, %scan3A_50 : i32
      %scan3A_52 = arith.constant 1 : i32
      scf.for %scan3A_58 = %scan3A_49 to %scan3A_51 step %scan3A_52  : i32 {
        %get3A = arith.index_cast %scan3A_58 : i32 to index
        %get3A_59 = tpu.vector_load %arg10[%get3A] {strides = array<i32>} : memref<32xf32, #tpu.memory_space<vmem>>, vector<16xf32>,
        %slice3A = vector.extract_strided_slice %get3A_59 {offsets = [0], sizes = [1], strides = [1]} : vector<16xf32> to vector<1xf32>
        %squeeze3A = vector.extract %slice3A[0] : f32 from vector<1xf32>
        %get3A_60 = arith.index_cast %scan3A_58 : i32 to index
        %get3A_61 = tpu.vector_load %arg11[%get3A_60] {strides = array<i32>} : memref<32xf32, #tpu.memory_space<vmem>>, vector<16xf32>,
        %slice3A_62 = vector.extract_strided_slice %get3A_61 {offsets = [0], sizes = [1], strides = [1]} : vector<16xf32> to vector<1xf32>
        %squeeze3A_63 = vector.extract %slice3A_62[0] : f32 from vector<1xf32>
        %get3A_64 = arith.index_cast %scan3A_58 : i32 to index
        %get3A_65 = tpu.vector_load %arg12[%get3A_64] {strides = array<i32>} : memref<32xf32, #tpu.memory_space<vmem>>, vector<16xf32>,
        %slice3A_66 = vector.extract_strided_slice %get3A_65 {offsets = [0], sizes = [1], strides = [1]} : vector<16xf32> to vector<1xf32>
        %squeeze3A_67 = vector.extract %slice3A_66[0] : f32 from vector<1xf32>
        %mul3A_68 = arith.mulf %squeeze3A, %squeeze3A : f32
        %mul3A_69 = arith.mulf %squeeze3A_63, %squeeze3A_63 : f32
        %add3A_70 = arith.addf %mul3A_68, %mul3A_69 : f32
        %mul3A_71 = arith.mulf %squeeze3A_67, %squeeze3A_67 : f32
        %add3A_72 = arith.addf %add3A_70, %mul3A_71 : f32
        %bitcast_convert_type3A = arith.bitcast %squeeze3A : f32 to i32
        %add3A_73 = arith.constant 32767 : i32
        %add3A_74 = arith.addi %bitcast_convert_type3A, %add3A_73 : i32
        %shift_right_arithmetic3A = arith.constant 16 : i32
        %shift_right_arithmetic3A_75 = arith.shrsi %bitcast_convert_type3A, %shift_right_arithmetic3A : i32
        %and3A_76 = arith.constant 1 : i32
        %and3A_77 = arith.andi %shift_right_arithmetic3A_75, %and3A_76 : i32
        %add3A_78 = arith.addi %add3A_74, %and3A_77 : i32
        %and3A_79 = arith.constant -65536 : i32
        %and3A_80 = arith.andi %add3A_78, %and3A_79 : i32
        %bitcast_convert_type3A_81 = arith.bitcast %and3A_80 : i32 to f32
        %bitcast_convert_type3A_82 = arith.bitcast %squeeze3A_63 : f32 to i32
        %add3A_83 = arith.constant 32767 : i32
        %add3A_84 = arith.addi %bitcast_convert_type3A_82, %add3A_83 : i32
        %shift_right_arithmetic3A_85 = arith.constant 16 : i32
        %shift_right_arithmetic3A_86 = arith.shrsi %bitcast_convert_type3A_82, %shift_right_arithmetic3A_85 : i32
        %and3A_87 = arith.constant 1 : i32
        %and3A_88 = arith.andi %shift_right_arithmetic3A_86, %and3A_87 : i32
        %add3A_89 = arith.addi %add3A_84, %and3A_88 : i32
        %and3A_90 = arith.constant -65536 : i32
        %and3A_91 = arith.andi %add3A_89, %and3A_90 : i32
        %bitcast_convert_type3A_92 = arith.bitcast %and3A_91 : i32 to f32
        %bitcast_convert_type3A_93 = arith.bitcast %squeeze3A_67 : f32 to i32
        %add3A_94 = arith.constant 32767 : i32
        %add3A_95 = arith.addi %bitcast_convert_type3A_93, %add3A_94 : i32
        %shift_right_arithmetic3A_96 = arith.constant 16 : i32
        %shift_right_arithmetic3A_97 = arith.shrsi %bitcast_convert_type3A_93, %shift_right_arithmetic3A_96 : i32
        %and3A_98 = arith.constant 1 : i32
        %and3A_99 = arith.andi %shift_right_arithmetic3A_97, %and3A_98 : i32
        %add3A_100 = arith.addi %add3A_95, %and3A_99 : i32
        %and3A_101 = arith.constant -65536 : i32
        %and3A_102 = arith.andi %add3A_100, %and3A_101 : i32
        %bitcast_convert_type3A_103 = arith.bitcast %and3A_102 : i32 to f32
        %scan3A_104 = arith.constant 0 : i32
        %scan3A_105 = arith.constant 64 : i32
        %scan3A_106 = arith.addi %scan3A_104, %scan3A_105 : i32
        %scan3A_107 = arith.constant 1 : i32
        %scan3A_108:3 = scf.for %scan3A_144 = %scan3A_104 to %scan3A_106 step %scan3A_107 iter_args(%scan3A_145 = %broadcast_in_dim3A_41, %scan3A_146 = %broadcast_in_dim3A_41, %scan3A_147 = %broadcast_in_dim3A_41) -> (vector<16xi32>, vector<16xi32>, vector<16xi32>)  : i32 {
          %mul3A_148 = arith.constant 16 : i32
          %mul3A_149 = arith.muli %scan3A_144, %mul3A_148 : i32
          %get3A_150 = arith.index_cast %mul3A_149 : i32 to index
          %get3A_151 = tpu.vector_load %arg6[%get3A_150] {strides = array<i32>} : memref<1024xf32, #tpu.memory_space<vmem>>, vector<16xf32>,
          %get3A_152 = arith.index_cast %mul3A_149 : i32 to index
          %get3A_153 = tpu.vector_load %arg7[%get3A_152] {strides = array<i32>} : memref<1024xf32, #tpu.memory_space<vmem>>, vector<16xf32>,
          %get3A_154 = arith.index_cast %mul3A_149 : i32 to index
          %get3A_155 = tpu.vector_load %arg8[%get3A_154] {strides = array<i32>} : memref<1024xf32, #tpu.memory_space<vmem>>, vector<16xf32>,
          %get3A_156 = arith.index_cast %mul3A_149 : i32 to index
          %get3A_157 = tpu.vector_load %arg9[%get3A_156] {strides = array<i32>} : memref<1024xf32, #tpu.memory_space<vmem>>, vector<16xf32>,
          %mul3A_158 = vector.broadcast %bitcast_convert_type3A_81 : f32 to vector<16xf32>
          %mul3A_159 = arith.mulf %mul3A_158, %get3A_151 : vector<16xf32>
          %mul3A_160 = vector.broadcast %bitcast_convert_type3A_92 : f32 to vector<16xf32>
          %mul3A_161 = arith.mulf %mul3A_160, %get3A_153 : vector<16xf32>
          %add3A_162 = arith.addf %mul3A_159, %mul3A_161 : vector<16xf32>
          %mul3A_163 = vector.broadcast %bitcast_convert_type3A_103 : f32 to vector<16xf32>
          %mul3A_164 = arith.mulf %mul3A_163, %get3A_155 : vector<16xf32>
          %add3A_165 = arith.addf %add3A_162, %mul3A_164 : vector<16xf32>
          %add3A_166 = vector.broadcast %add3A_72 : f32 to vector<16xf32>
          %add3A_167 = arith.addf %add3A_166, %get3A_157 : vector<16xf32>
          %mul3A_168 = arith.constant 2.000000e+00 : f32
          %mul3A_169 = vector.broadcast %mul3A_168 : f32 to vector<16xf32>
          %mul3A_170 = arith.mulf %mul3A_169, %add3A_165 : vector<16xf32>
          %sub3A_171 = arith.subf %add3A_167, %mul3A_170 : vector<16xf32>
          %add3A_172 = vector.broadcast %mul3A_149 : i32 to vector<16xi32>
          %add3A_173 = arith.addi %iota3A, %add3A_172 : vector<16xi32>
          %le3A = arith.constant 1.000000e+00 : f32
          %le3A_174 = vector.broadcast %le3A : f32 to vector<16xf32>
          %le3A_175 = arith.cmpf ole, %sub3A_171, %le3A_174 : vector<16xf32>
          %broadcast_in_dim3A_176 = vector.broadcast %scan3A_48 : i32 to vector<16xi32>
          %select_n3A_177 = arith.select %le3A_175, %add3A_173, %broadcast_in_dim3A_176 : vector<16xi1>, vector<16xi32>
          %le3A_178 = arith.constant 4.000000e+00 : f32
          %le3A_179 = vector.broadcast %le3A_178 : f32 to vector<16xf32>
          %le3A_180 = arith.cmpf ole, %sub3A_171, %le3A_179 : vector<16xf32>
          %broadcast_in_dim3A_181 = vector.broadcast %scan3A_48 : i32 to vector<16xi32>
          %select_n3A_182 = arith.select %le3A_180, %add3A_173, %broadcast_in_dim3A_181 : vector<16xi1>, vector<16xi32>
          %sub3A_183 = vector.broadcast %scan3A_48 : i32 to vector<16xi32>
          %sub3A_184 = arith.subi %sub3A_183, %select_n3A_177 : vector<16xi32>
          %masked_sort3A = arith.constant dense<true> : vector<16xi1>
          %masked_sort3A_185 = arith.constant -2147483648 : i32
          %masked_sort3A_186 = vector.broadcast %masked_sort3A_185 : i32 to vector<16xi32>
          %masked_sort3A_187 = arith.xori %sub3A_184, %masked_sort3A_186 : vector<16xi32>
          %masked_sort3A_188, %masked_sort3A_189, %masked_sort3A_190 = tpu.sort %masked_sort3A_187, %select_n3A_177 masked %masked_sort3A : (vector<16xi32>, vector<16xi32>, vector<16xi1>) -> (vector<16xi1>, vector<16xi32>, vector<16xi32>)
          %masked_sort3A_191 = arith.xori %masked_sort3A_189, %masked_sort3A_186 : vector<16xi32>
          %min3A = arith.minsi %scan3A_145, %masked_sort3A_190 : vector<16xi32>
          %masked_sort3A_192 = arith.constant dense<true> : vector<16xi1>
          %masked_sort3A_193 = arith.constant -2147483648 : i32
          %masked_sort3A_194 = vector.broadcast %masked_sort3A_193 : i32 to vector<16xi32>
          %masked_sort3A_195 = arith.xori %min3A, %masked_sort3A_194 : vector<16xi32>
          %masked_sort3A_196, %masked_sort3A_197, %masked_sort3A_198 = tpu.sort %masked_sort3A_195, %min3A masked %masked_sort3A_192 : (vector<16xi32>, vector<16xi32>, vector<16xi1>) -> (vector<16xi1>, vector<16xi32>, vector<16xi32>)
          %masked_sort3A_199 = arith.xori %masked_sort3A_197, %masked_sort3A_194 : vector<16xi32>
          %sub3A_200 = vector.broadcast %scan3A_48 : i32 to vector<16xi32>
          %sub3A_201 = arith.subi %sub3A_200, %select_n3A_182 : vector<16xi32>
          %masked_sort3A_202 = arith.constant dense<true> : vector<16xi1>
          %masked_sort3A_203 = arith.constant -2147483648 : i32
          %masked_sort3A_204 = vector.broadcast %masked_sort3A_203 : i32 to vector<16xi32>
          %masked_sort3A_205 = arith.xori %sub3A_201, %masked_sort3A_204 : vector<16xi32>
          %masked_sort3A_206, %masked_sort3A_207, %masked_sort3A_208 = tpu.sort %masked_sort3A_205, %select_n3A_182 masked %masked_sort3A_202 : (vector<16xi32>, vector<16xi32>, vector<16xi1>) -> (vector<16xi1>, vector<16xi32>, vector<16xi32>)
          %masked_sort3A_209 = arith.xori %masked_sort3A_207, %masked_sort3A_204 : vector<16xi32>
          %min3A_210 = arith.minsi %scan3A_147, %masked_sort3A_208 : vector<16xi32>
          %sub3A_211 = vector.broadcast %scan3A_48 : i32 to vector<16xi32>
          %sub3A_212 = arith.subi %sub3A_211, %min3A_210 : vector<16xi32>
          %masked_sort3A_213 = arith.constant dense<true> : vector<16xi1>
          %masked_sort3A_214 = arith.constant -2147483648 : i32
          %masked_sort3A_215 = vector.broadcast %masked_sort3A_214 : i32 to vector<16xi32>
          %masked_sort3A_216 = arith.xori %sub3A_212, %masked_sort3A_215 : vector<16xi32>
          %masked_sort3A_217, %masked_sort3A_218, %masked_sort3A_219 = tpu.sort %masked_sort3A_216, %min3A_210 masked %masked_sort3A_213 : (vector<16xi32>, vector<16xi32>, vector<16xi1>) -> (vector<16xi1>, vector<16xi32>, vector<16xi32>)
          %masked_sort3A_220 = arith.xori %masked_sort3A_218, %masked_sort3A_215 : vector<16xi32>
          %min3A_221 = arith.minsi %scan3A_146, %masked_sort3A_219 : vector<16xi32>
          %max3A = arith.maxsi %scan3A_146, %masked_sort3A_219 : vector<16xi32>
          %masked_sort3A_222 = arith.constant dense<true> : vector<16xi1>
          %masked_sort3A_223 = arith.constant -2147483648 : i32
          %masked_sort3A_224 = vector.broadcast %masked_sort3A_223 : i32 to vector<16xi32>
          %masked_sort3A_225 = arith.xori %min3A_221, %masked_sort3A_224 : vector<16xi32>
          %masked_sort3A_226, %masked_sort3A_227, %masked_sort3A_228 = tpu.sort %masked_sort3A_225, %min3A_221 masked %masked_sort3A_222 : (vector<16xi32>, vector<16xi32>, vector<16xi1>) -> (vector<16xi1>, vector<16xi32>, vector<16xi32>)
          %masked_sort3A_229 = arith.xori %masked_sort3A_227, %masked_sort3A_224 : vector<16xi32>
          %masked_sort3A_230 = arith.constant dense<true> : vector<16xi1>
          %masked_sort3A_231 = arith.constant -2147483648 : i32
          %masked_sort3A_232 = vector.broadcast %masked_sort3A_231 : i32 to vector<16xi32>
          %masked_sort3A_233 = arith.xori %max3A, %masked_sort3A_232 : vector<16xi32>
          %masked_sort3A_234, %masked_sort3A_235, %masked_sort3A_236 = tpu.sort %masked_sort3A_233, %max3A masked %masked_sort3A_230 : (vector<16xi32>, vector<16xi32>, vector<16xi1>) -> (vector<16xi1>, vector<16xi32>, vector<16xi32>)
          %masked_sort3A_237 = arith.xori %masked_sort3A_235, %masked_sort3A_232 : vector<16xi32>
          scf.yield %masked_sort3A_199, %masked_sort3A_229, %masked_sort3A_237 : vector<16xi32>, vector<16xi32>, vector<16xi32>
        }
        %scan3A_109 = arith.constant 64 : i32
        %slice3A_110 = vector.extract_strided_slice %scan3A_108#0 {offsets = [0], sizes = [1], strides = [1]} : vector<16xi32> to vector<1xi32>
        %squeeze3A_111 = vector.extract %slice3A_110[0] : i32 from vector<1xi32>
        %ge3A = arith.cmpi sge, %squeeze3A_111, %scan3A_48 : i32
        %jit3A_112 = arith.constant 0 : i32
        %select_n3A_113 = arith.select %ge3A, %jit3A_112, %squeeze3A_111 : i32
        %ge3A_114 = vector.broadcast %scan3A_48 : i32 to vector<16xi32>
        %ge3A_115 = arith.cmpi sge, %scan3A_108#0, %ge3A_114 : vector<16xi32>
        %broadcast_in_dim3A_116 = vector.broadcast %select_n3A_113 : i32 to vector<16xi32>
        %select_n3A_117 = arith.select %ge3A_115, %broadcast_in_dim3A_116, %scan3A_108#0 : vector<16xi1>, vector<16xi32>
        %mul3A_118 = arith.constant 16 : i32
        %mul3A_119 = arith.muli %scan3A_58, %mul3A_118 : i32
        %swap3A = arith.index_cast %mul3A_119 : i32 to index
        %swap3A_120 = tpu.vector_load %arg13[%swap3A] {strides = array<i32>} : memref<256xi32, #tpu.memory_space<vmem>>, vector<16xi32>,
        tpu.vector_store %arg13[%swap3A], %select_n3A_117 {strides = array<i32>} : memref<256xi32, #tpu.memory_space<vmem>>, vector<16xi32>,
        %slice3A_121 = vector.extract_strided_slice %scan3A_108#1 {offsets = [0], sizes = [1], strides = [1]} : vector<16xi32> to vector<1xi32>
        %squeeze3A_122 = vector.extract %slice3A_121[0] : i32 from vector<1xi32>
        %ge3A_123 = arith.cmpi sge, %squeeze3A_122, %scan3A_48 : i32
        %jit3A_124 = arith.constant 0 : i32
        %select_n3A_125 = arith.select %ge3A_123, %jit3A_124, %squeeze3A_122 : i32
        %ge3A_126 = vector.broadcast %scan3A_48 : i32 to vector<16xi32>
        %ge3A_127 = arith.cmpi sge, %scan3A_108#1, %ge3A_126 : vector<16xi32>
        %broadcast_in_dim3A_128 = vector.broadcast %select_n3A_125 : i32 to vector<16xi32>
        %select_n3A_129 = arith.select %ge3A_127, %broadcast_in_dim3A_128, %scan3A_108#1 : vector<16xi1>, vector<16xi32>
        %mul3A_130 = arith.constant 32 : i32
        %mul3A_131 = arith.muli %scan3A_58, %mul3A_130 : i32
        %swap3A_132 = arith.index_cast %mul3A_131 : i32 to index
        %swap3A_133 = tpu.vector_load %arg14[%swap3A_132] {strides = array<i32>} : memref<512xi32, #tpu.memory_space<vmem>>, vector<16xi32>,
        tpu.vector_store %arg14[%swap3A_132], %select_n3A_129 {strides = array<i32>} : memref<512xi32, #tpu.memory_space<vmem>>, vector<16xi32>,
        %ge3A_134 = vector.broadcast %scan3A_48 : i32 to vector<16xi32>
        %ge3A_135 = arith.cmpi sge, %scan3A_108#2, %ge3A_134 : vector<16xi32>
        %broadcast_in_dim3A_136 = vector.broadcast %select_n3A_125 : i32 to vector<16xi32>
        %select_n3A_137 = arith.select %ge3A_135, %broadcast_in_dim3A_136, %scan3A_108#2 : vector<16xi1>, vector<16xi32>
        %mul3A_138 = arith.constant 32 : i32
        %mul3A_139 = arith.muli %scan3A_58, %mul3A_138 : i32
        %add3A_140 = arith.constant 16 : i32
        %add3A_141 = arith.addi %mul3A_139, %add3A_140 : i32
        %swap3A_142 = arith.index_cast %add3A_141 : i32 to index
        %swap3A_143 = tpu.vector_load %arg14[%swap3A_142] {strides = array<i32>} : memref<512xi32, #tpu.memory_space<vmem>>, vector<16xi32>,
        tpu.vector_store %arg14[%swap3A_142], %select_n3A_137 {strides = array<i32>} : memref<512xi32, #tpu.memory_space<vmem>>, vector<16xi32>,
      }
      %scan3A_53 = arith.constant 16 : i32
      %mul3A_54 = arith.constant 16 : i32
      %mul3A_55 = arith.muli %mul3A_20, %mul3A_54 : i32
      "tpu.region"() ({
        %run_scoped3A = tpu.sem_alloc : memref<!tpu.dma_semaphore, #tpu.memory_space<semaphore_mem>>
        %dma_start3A = tpu.memref_slice %arg4[%mul3A_55] : memref<8192xi32, #tpu.memory_space<hbm>> -> memref<256xi32, #tpu.memory_space<hbm>>
        %dma_start3A_58 = tpu.memref_slice %arg4[%mul3A_55] : memref<8192xi32, #tpu.memory_space<hbm>> -> memref<256xi32, #tpu.memory_space<hbm>>
        tpu.enqueue_dma source(%arg13 : memref<256xi32, #tpu.memory_space<vmem>>) target(%dma_start3A_58 : memref<256xi32, #tpu.memory_space<hbm>>) target_semaphore(%run_scoped3A : memref<!tpu.dma_semaphore, #tpu.memory_space<semaphore_mem>>)
        %dma_wait3A = tpu.memref_slice %arg4[%mul3A_55] : memref<8192xi32, #tpu.memory_space<hbm>> -> memref<256xi32, #tpu.memory_space<hbm>>
        %dma_wait3A_59 = tpu.memref_slice %arg4[%mul3A_55] : memref<8192xi32, #tpu.memory_space<hbm>> -> memref<256xi32, #tpu.memory_space<hbm>>
        tpu.wait_dma2 semaphore(%run_scoped3A : memref<!tpu.dma_semaphore, #tpu.memory_space<semaphore_mem>>) src(%arg13 : memref<256xi32, #tpu.memory_space<vmem>>) dst(%dma_wait3A_59 : memref<256xi32, #tpu.memory_space<hbm>>)
        tpu.yield
      }) : () -> ()
      %mul3A_56 = arith.constant 32 : i32
      %mul3A_57 = arith.muli %mul3A_20, %mul3A_56 : i32
      "tpu.region"() ({
        %run_scoped3A = tpu.sem_alloc : memref<!tpu.dma_semaphore, #tpu.memory_space<semaphore_mem>>
        %dma_start3A = tpu.memref_slice %arg5[%mul3A_57] : memref<16384xi32, #tpu.memory_space<hbm>> -> memref<512xi32, #tpu.memory_space<hbm>>
        %dma_start3A_58 = tpu.memref_slice %arg5[%mul3A_57] : memref<16384xi32, #tpu.memory_space<hbm>> -> memref<512xi32, #tpu.memory_space<hbm>>
        tpu.enqueue_dma source(%arg14 : memref<512xi32, #tpu.memory_space<vmem>>) target(%dma_start3A_58 : memref<512xi32, #tpu.memory_space<hbm>>) target_semaphore(%run_scoped3A : memref<!tpu.dma_semaphore, #tpu.memory_space<semaphore_mem>>)
        %dma_wait3A = tpu.memref_slice %arg5[%mul3A_57] : memref<16384xi32, #tpu.memory_space<hbm>> -> memref<512xi32, #tpu.memory_space<hbm>>
        %dma_wait3A_59 = tpu.memref_slice %arg5[%mul3A_57] : memref<16384xi32, #tpu.memory_space<hbm>> -> memref<512xi32, #tpu.memory_space<hbm>>
        tpu.wait_dma2 semaphore(%run_scoped3A : memref<!tpu.dma_semaphore, #tpu.memory_space<semaphore_mem>>) src(%arg14 : memref<512xi32, #tpu.memory_space<vmem>>) dst(%dma_wait3A_59 : memref<512xi32, #tpu.memory_space<hbm>>)
        tpu.yield
      }) : () -> ()
    } else {
    }
    return
  }
}

#map = affine_map<(d0, d1) -> (0)>
module attributes {stable_mosaic.version = 14 : i64} {
  func.func @k(%arg0: i32, %arg1: i32, %arg2: memref<1536xf32, #tpu.memory_space<hbm>>, %arg3: memref<384xf32, #tpu.memory_space<hbm>>, %arg4: memref<2048xi32, #tpu.memory_space<hbm>>, %arg5: memref<4096xi32, #tpu.memory_space<hbm>>, %arg6: memref<256xf32, #tpu.memory_space<vmem>>, %arg7: memref<256xf32, #tpu.memory_space<vmem>>, %arg8: memref<256xf32, #tpu.memory_space<vmem>>, %arg9: memref<256xf32, #tpu.memory_space<vmem>>, %arg10: memref<24xf32, #tpu.memory_space<vmem>>, %arg11: memref<24xf32, #tpu.memory_space<vmem>>, %arg12: memref<24xf32, #tpu.memory_space<vmem>>, %arg13: memref<128xi32, #tpu.memory_space<vmem>>, %arg14: memref<256xi32, #tpu.memory_space<vmem>>) attributes {dimension_semantics = [#tpu.dimension_semantics<core_parallel>, #tpu.dimension_semantics<subcore_parallel>], iteration_bounds = array<i64: 2, 16>, scalar_prefetch = 0 : i64, scratch_operands = 9 : i64, tpu.core_type = #tpu.core_type<sc_vector_subcore>, window_params = [{transform_indices = #map}, {transform_indices = #map}, {transform_indices = #map}, {transform_indices = #map}]} {
    %mul3A = arith.constant 2 : i32
    %mul3A_0 = arith.muli %arg1, %mul3A : i32
    %add3A = arith.addi %mul3A_0, %arg0 : i32
    %lt3A = arith.constant 16 : i32
    %lt3A_1 = arith.cmpi slt, %add3A, %lt3A : i32
    %convert_element_type3A = arith.extui %lt3A_1 : i1 to i32
    %cond3A = arith.constant 0 : i32
    %cond3A_2 = arith.cmpi ne, %convert_element_type3A, %cond3A : i32
    scf.if %cond3A_2 {
      %jit3A = arith.constant 8 : i32
      %div3A = arith.divsi %add3A, %jit3A : i32
      %sign3A = arith.constant 0 : i32
      %sign3A_3 = arith.cmpi sgt, %add3A, %sign3A : i32
      %sign3A_4 = arith.extui %sign3A_3 : i1 to i32
      %sign3A_5 = arith.constant 0 : i32
      %sign3A_6 = arith.cmpi slt, %add3A, %sign3A_5 : i32
      %sign3A_7 = arith.extui %sign3A_6 : i1 to i32
      %sign3A_8 = arith.subi %sign3A_4, %sign3A_7 : i32
      %sign3A_9 = arith.constant 0 : i32
      %sign3A_10 = arith.cmpi sgt, %jit3A, %sign3A_9 : i32
      %sign3A_11 = arith.extui %sign3A_10 : i1 to i32
      %sign3A_12 = arith.constant 0 : i32
      %sign3A_13 = arith.cmpi slt, %jit3A, %sign3A_12 : i32
      %sign3A_14 = arith.extui %sign3A_13 : i1 to i32
      %sign3A_15 = arith.subi %sign3A_11, %sign3A_14 : i32
      %ne3A = arith.cmpi ne, %sign3A_8, %sign3A_15 : i32
      %rem3A = arith.remsi %add3A, %jit3A : i32
      %ne3A_16 = arith.constant 0 : i32
      %ne3A_17 = arith.cmpi ne, %rem3A, %ne3A_16 : i32
      %and3A = arith.andi %ne3A, %ne3A_17 : i1
      %sub3A = arith.constant 1 : i32
      %sub3A_18 = arith.subi %div3A, %sub3A : i32
      %select_n3A = arith.select %and3A, %sub3A_18, %div3A : i32
      %mul3A_19 = arith.constant 8 : i32
      %mul3A_20 = arith.muli %add3A, %mul3A_19 : i32
      %mul3A_21 = arith.constant 3 : i32
      %mul3A_22 = arith.muli %select_n3A, %mul3A_21 : i32
      %mul3A_23 = arith.constant 256 : i32
      %mul3A_24 = arith.muli %mul3A_22, %mul3A_23 : i32
      "tpu.region"() ({
        %run_scoped3A = tpu.sem_alloc : memref<!tpu.dma_semaphore, #tpu.memory_space<semaphore_mem>>
        %dma_start3A = tpu.memref_slice %arg2[%mul3A_24] : memref<1536xf32, #tpu.memory_space<hbm>> -> memref<256xf32, #tpu.memory_space<hbm>>
        %dma_start3A_58 = tpu.memref_slice %arg2[%mul3A_24] : memref<1536xf32, #tpu.memory_space<hbm>> -> memref<256xf32, #tpu.memory_space<hbm>>
        tpu.enqueue_dma source(%dma_start3A_58 : memref<256xf32, #tpu.memory_space<hbm>>) target(%arg6 : memref<256xf32, #tpu.memory_space<vmem>>) target_semaphore(%run_scoped3A : memref<!tpu.dma_semaphore, #tpu.memory_space<semaphore_mem>>)
        %dma_wait3A = tpu.memref_slice %arg2[%mul3A_24] : memref<1536xf32, #tpu.memory_space<hbm>> -> memref<256xf32, #tpu.memory_space<hbm>>
        %dma_wait3A_59 = tpu.memref_slice %arg2[%mul3A_24] : memref<1536xf32, #tpu.memory_space<hbm>> -> memref<256xf32, #tpu.memory_space<hbm>>
        tpu.wait_dma2 semaphore(%run_scoped3A : memref<!tpu.dma_semaphore, #tpu.memory_space<semaphore_mem>>) src(%dma_wait3A_59 : memref<256xf32, #tpu.memory_space<hbm>>) dst(%arg6 : memref<256xf32, #tpu.memory_space<vmem>>)
        tpu.yield
      }) : () -> ()
      %mul3A_25 = arith.constant 3 : i32
      %mul3A_26 = arith.muli %select_n3A, %mul3A_25 : i32
      %mul3A_27 = arith.constant 256 : i32
      %mul3A_28 = arith.muli %mul3A_26, %mul3A_27 : i32
      %add3A_29 = arith.constant 256 : i32
      %add3A_30 = arith.addi %mul3A_28, %add3A_29 : i32
      "tpu.region"() ({
        %run_scoped3A = tpu.sem_alloc : memref<!tpu.dma_semaphore, #tpu.memory_space<semaphore_mem>>
        %dma_start3A = tpu.memref_slice %arg2[%add3A_30] : memref<1536xf32, #tpu.memory_space<hbm>> -> memref<256xf32, #tpu.memory_space<hbm>>
        %dma_start3A_58 = tpu.memref_slice %arg2[%add3A_30] : memref<1536xf32, #tpu.memory_space<hbm>> -> memref<256xf32, #tpu.memory_space<hbm>>
        tpu.enqueue_dma source(%dma_start3A_58 : memref<256xf32, #tpu.memory_space<hbm>>) target(%arg7 : memref<256xf32, #tpu.memory_space<vmem>>) target_semaphore(%run_scoped3A : memref<!tpu.dma_semaphore, #tpu.memory_space<semaphore_mem>>)
        %dma_wait3A = tpu.memref_slice %arg2[%add3A_30] : memref<1536xf32, #tpu.memory_space<hbm>> -> memref<256xf32, #tpu.memory_space<hbm>>
        %dma_wait3A_59 = tpu.memref_slice %arg2[%add3A_30] : memref<1536xf32, #tpu.memory_space<hbm>> -> memref<256xf32, #tpu.memory_space<hbm>>
        tpu.wait_dma2 semaphore(%run_scoped3A : memref<!tpu.dma_semaphore, #tpu.memory_space<semaphore_mem>>) src(%dma_wait3A_59 : memref<256xf32, #tpu.memory_space<hbm>>) dst(%arg7 : memref<256xf32, #tpu.memory_space<vmem>>)
        tpu.yield
      }) : () -> ()
      %mul3A_31 = arith.constant 3 : i32
      %mul3A_32 = arith.muli %select_n3A, %mul3A_31 : i32
      %mul3A_33 = arith.constant 256 : i32
      %mul3A_34 = arith.muli %mul3A_32, %mul3A_33 : i32
      %add3A_35 = arith.constant 512 : i32
      %add3A_36 = arith.addi %mul3A_34, %add3A_35 : i32
      "tpu.region"() ({
        %run_scoped3A = tpu.sem_alloc : memref<!tpu.dma_semaphore, #tpu.memory_space<semaphore_mem>>
        %dma_start3A = tpu.memref_slice %arg2[%add3A_36] : memref<1536xf32, #tpu.memory_space<hbm>> -> memref<256xf32, #tpu.memory_space<hbm>>
        %dma_start3A_58 = tpu.memref_slice %arg2[%add3A_36] : memref<1536xf32, #tpu.memory_space<hbm>> -> memref<256xf32, #tpu.memory_space<hbm>>
        tpu.enqueue_dma source(%dma_start3A_58 : memref<256xf32, #tpu.memory_space<hbm>>) target(%arg8 : memref<256xf32, #tpu.memory_space<vmem>>) target_semaphore(%run_scoped3A : memref<!tpu.dma_semaphore, #tpu.memory_space<semaphore_mem>>)
        %dma_wait3A = tpu.memref_slice %arg2[%add3A_36] : memref<1536xf32, #tpu.memory_space<hbm>> -> memref<256xf32, #tpu.memory_space<hbm>>
        %dma_wait3A_59 = tpu.memref_slice %arg2[%add3A_36] : memref<1536xf32, #tpu.memory_space<hbm>> -> memref<256xf32, #tpu.memory_space<hbm>>
        tpu.wait_dma2 semaphore(%run_scoped3A : memref<!tpu.dma_semaphore, #tpu.memory_space<semaphore_mem>>) src(%dma_wait3A_59 : memref<256xf32, #tpu.memory_space<hbm>>) dst(%arg8 : memref<256xf32, #tpu.memory_space<vmem>>)
        tpu.yield
      }) : () -> ()
      "tpu.region"() ({
        %run_scoped3A = tpu.sem_alloc : memref<!tpu.dma_semaphore, #tpu.memory_space<semaphore_mem>>
        %dma_start3A = arith.constant 0 : i32
        %dma_start3A_58 = tpu.memref_slice %arg10[%dma_start3A] : memref<24xf32, #tpu.memory_space<vmem>> -> memref<8xf32, #tpu.memory_space<vmem>>
        %dma_start3A_59 = tpu.memref_slice %arg3[%mul3A_20] : memref<384xf32, #tpu.memory_space<hbm>> -> memref<8xf32, #tpu.memory_space<hbm>>
        %dma_start3A_60 = arith.constant 0 : i32
        %dma_start3A_61 = tpu.memref_slice %arg10[%dma_start3A_60] : memref<24xf32, #tpu.memory_space<vmem>> -> memref<8xf32, #tpu.memory_space<vmem>>
        %dma_start3A_62 = tpu.memref_slice %arg3[%mul3A_20] : memref<384xf32, #tpu.memory_space<hbm>> -> memref<8xf32, #tpu.memory_space<hbm>>
        tpu.enqueue_dma source(%dma_start3A_62 : memref<8xf32, #tpu.memory_space<hbm>>) target(%dma_start3A_61 : memref<8xf32, #tpu.memory_space<vmem>>) target_semaphore(%run_scoped3A : memref<!tpu.dma_semaphore, #tpu.memory_space<semaphore_mem>>)
        %dma_wait3A = arith.constant 0 : i32
        %dma_wait3A_63 = tpu.memref_slice %arg10[%dma_wait3A] : memref<24xf32, #tpu.memory_space<vmem>> -> memref<8xf32, #tpu.memory_space<vmem>>
        %dma_wait3A_64 = tpu.memref_slice %arg3[%mul3A_20] : memref<384xf32, #tpu.memory_space<hbm>> -> memref<8xf32, #tpu.memory_space<hbm>>
        %dma_wait3A_65 = arith.constant 0 : i32
        %dma_wait3A_66 = tpu.memref_slice %arg10[%dma_wait3A_65] : memref<24xf32, #tpu.memory_space<vmem>> -> memref<8xf32, #tpu.memory_space<vmem>>
        %dma_wait3A_67 = tpu.memref_slice %arg3[%mul3A_20] : memref<384xf32, #tpu.memory_space<hbm>> -> memref<8xf32, #tpu.memory_space<hbm>>
        tpu.wait_dma2 semaphore(%run_scoped3A : memref<!tpu.dma_semaphore, #tpu.memory_space<semaphore_mem>>) src(%dma_wait3A_67 : memref<8xf32, #tpu.memory_space<hbm>>) dst(%dma_wait3A_66 : memref<8xf32, #tpu.memory_space<vmem>>)
        tpu.yield
      }) : () -> ()
      %add3A_37 = arith.constant 128 : i32
      %add3A_38 = arith.addi %add3A_37, %mul3A_20 : i32
      "tpu.region"() ({
        %run_scoped3A = tpu.sem_alloc : memref<!tpu.dma_semaphore, #tpu.memory_space<semaphore_mem>>
        %dma_start3A = arith.constant 0 : i32
        %dma_start3A_58 = tpu.memref_slice %arg11[%dma_start3A] : memref<24xf32, #tpu.memory_space<vmem>> -> memref<8xf32, #tpu.memory_space<vmem>>
        %dma_start3A_59 = tpu.memref_slice %arg3[%add3A_38] : memref<384xf32, #tpu.memory_space<hbm>> -> memref<8xf32, #tpu.memory_space<hbm>>
        %dma_start3A_60 = arith.constant 0 : i32
        %dma_start3A_61 = tpu.memref_slice %arg11[%dma_start3A_60] : memref<24xf32, #tpu.memory_space<vmem>> -> memref<8xf32, #tpu.memory_space<vmem>>
        %dma_start3A_62 = tpu.memref_slice %arg3[%add3A_38] : memref<384xf32, #tpu.memory_space<hbm>> -> memref<8xf32, #tpu.memory_space<hbm>>
        tpu.enqueue_dma source(%dma_start3A_62 : memref<8xf32, #tpu.memory_space<hbm>>) target(%dma_start3A_61 : memref<8xf32, #tpu.memory_space<vmem>>) target_semaphore(%run_scoped3A : memref<!tpu.dma_semaphore, #tpu.memory_space<semaphore_mem>>)
        %dma_wait3A = arith.constant 0 : i32
        %dma_wait3A_63 = tpu.memref_slice %arg11[%dma_wait3A] : memref<24xf32, #tpu.memory_space<vmem>> -> memref<8xf32, #tpu.memory_space<vmem>>
        %dma_wait3A_64 = tpu.memref_slice %arg3[%add3A_38] : memref<384xf32, #tpu.memory_space<hbm>> -> memref<8xf32, #tpu.memory_space<hbm>>
        %dma_wait3A_65 = arith.constant 0 : i32
        %dma_wait3A_66 = tpu.memref_slice %arg11[%dma_wait3A_65] : memref<24xf32, #tpu.memory_space<vmem>> -> memref<8xf32, #tpu.memory_space<vmem>>
        %dma_wait3A_67 = tpu.memref_slice %arg3[%add3A_38] : memref<384xf32, #tpu.memory_space<hbm>> -> memref<8xf32, #tpu.memory_space<hbm>>
        tpu.wait_dma2 semaphore(%run_scoped3A : memref<!tpu.dma_semaphore, #tpu.memory_space<semaphore_mem>>) src(%dma_wait3A_67 : memref<8xf32, #tpu.memory_space<hbm>>) dst(%dma_wait3A_66 : memref<8xf32, #tpu.memory_space<vmem>>)
        tpu.yield
      }) : () -> ()
      %add3A_39 = arith.constant 256 : i32
      %add3A_40 = arith.addi %add3A_39, %mul3A_20 : i32
      "tpu.region"() ({
        %run_scoped3A = tpu.sem_alloc : memref<!tpu.dma_semaphore, #tpu.memory_space<semaphore_mem>>
        %dma_start3A = arith.constant 0 : i32
        %dma_start3A_58 = tpu.memref_slice %arg12[%dma_start3A] : memref<24xf32, #tpu.memory_space<vmem>> -> memref<8xf32, #tpu.memory_space<vmem>>
        %dma_start3A_59 = tpu.memref_slice %arg3[%add3A_40] : memref<384xf32, #tpu.memory_space<hbm>> -> memref<8xf32, #tpu.memory_space<hbm>>
        %dma_start3A_60 = arith.constant 0 : i32
        %dma_start3A_61 = tpu.memref_slice %arg12[%dma_start3A_60] : memref<24xf32, #tpu.memory_space<vmem>> -> memref<8xf32, #tpu.memory_space<vmem>>
        %dma_start3A_62 = tpu.memref_slice %arg3[%add3A_40] : memref<384xf32, #tpu.memory_space<hbm>> -> memref<8xf32, #tpu.memory_space<hbm>>
        tpu.enqueue_dma source(%dma_start3A_62 : memref<8xf32, #tpu.memory_space<hbm>>) target(%dma_start3A_61 : memref<8xf32, #tpu.memory_space<vmem>>) target_semaphore(%run_scoped3A : memref<!tpu.dma_semaphore, #tpu.memory_space<semaphore_mem>>)
        %dma_wait3A = arith.constant 0 : i32
        %dma_wait3A_63 = tpu.memref_slice %arg12[%dma_wait3A] : memref<24xf32, #tpu.memory_space<vmem>> -> memref<8xf32, #tpu.memory_space<vmem>>
        %dma_wait3A_64 = tpu.memref_slice %arg3[%add3A_40] : memref<384xf32, #tpu.memory_space<hbm>> -> memref<8xf32, #tpu.memory_space<hbm>>
        %dma_wait3A_65 = arith.constant 0 : i32
        %dma_wait3A_66 = tpu.memref_slice %arg12[%dma_wait3A_65] : memref<24xf32, #tpu.memory_space<vmem>> -> memref<8xf32, #tpu.memory_space<vmem>>
        %dma_wait3A_67 = tpu.memref_slice %arg3[%add3A_40] : memref<384xf32, #tpu.memory_space<hbm>> -> memref<8xf32, #tpu.memory_space<hbm>>
        tpu.wait_dma2 semaphore(%run_scoped3A : memref<!tpu.dma_semaphore, #tpu.memory_space<semaphore_mem>>) src(%dma_wait3A_67 : memref<8xf32, #tpu.memory_space<hbm>>) dst(%dma_wait3A_66 : memref<8xf32, #tpu.memory_space<vmem>>)
        tpu.yield
      }) : () -> ()
      %iota3A = tpu.iota {dimensions = array<i32: 0>} : vector<16xi32>
      %broadcast_in_dim3A = arith.constant 2147483647 : i32
      %broadcast_in_dim3A_41 = vector.broadcast %broadcast_in_dim3A : i32 to vector<16xi32>
      %scan3A = arith.constant 0 : i32
      %scan3A_42 = arith.constant 0 : i32
      %scan3A_43 = arith.constant 16 : i32
      %scan3A_44 = arith.addi %scan3A_42, %scan3A_43 : i32
      %scan3A_45 = arith.constant 1 : i32
      scf.for %scan3A_58 = %scan3A_42 to %scan3A_44 step %scan3A_45  : i32 {
        %mul3A_59 = arith.constant 16 : i32
        %mul3A_60 = arith.muli %scan3A_58, %mul3A_59 : i32
        %get3A = arith.index_cast %mul3A_60 : i32 to index
        %get3A_61 = tpu.vector_load %arg6[%get3A] {strides = array<i32>} : memref<256xf32, #tpu.memory_space<vmem>>, vector<16xf32>,
        %get3A_62 = arith.index_cast %mul3A_60 : i32 to index
        %get3A_63 = tpu.vector_load %arg7[%get3A_62] {strides = array<i32>} : memref<256xf32, #tpu.memory_space<vmem>>, vector<16xf32>,
        %get3A_64 = arith.index_cast %mul3A_60 : i32 to index
        %get3A_65 = tpu.vector_load %arg8[%get3A_64] {strides = array<i32>} : memref<256xf32, #tpu.memory_space<vmem>>, vector<16xf32>,
        %mul3A_66 = arith.mulf %get3A_61, %get3A_61 : vector<16xf32>
        %mul3A_67 = arith.mulf %get3A_63, %get3A_63 : vector<16xf32>
        %add3A_68 = arith.addf %mul3A_66, %mul3A_67 : vector<16xf32>
        %mul3A_69 = arith.mulf %get3A_65, %get3A_65 : vector<16xf32>
        %add3A_70 = arith.addf %add3A_68, %mul3A_69 : vector<16xf32>
        %swap3A = arith.index_cast %mul3A_60 : i32 to index
        %swap3A_71 = tpu.vector_load %arg9[%swap3A] {strides = array<i32>} : memref<256xf32, #tpu.memory_space<vmem>>, vector<16xf32>,
        tpu.vector_store %arg9[%swap3A], %add3A_70 {strides = array<i32>} : memref<256xf32, #tpu.memory_space<vmem>>, vector<16xf32>,
        %bitcast_convert_type3A = tpu.bitcast %get3A_61 : vector<16xf32> -> vector<16xi32>
        %add3A_72 = arith.constant 32767 : i32
        %add3A_73 = vector.broadcast %add3A_72 : i32 to vector<16xi32>
        %add3A_74 = arith.addi %bitcast_convert_type3A, %add3A_73 : vector<16xi32>
        %shift_right_arithmetic3A = arith.constant 16 : i32
        %shift_right_arithmetic3A_75 = vector.broadcast %shift_right_arithmetic3A : i32 to vector<16xi32>
        %shift_right_arithmetic3A_76 = arith.shrsi %bitcast_convert_type3A, %shift_right_arithmetic3A_75 : vector<16xi32>
        %and3A_77 = arith.constant 1 : i32
        %and3A_78 = vector.broadcast %and3A_77 : i32 to vector<16xi32>
        %and3A_79 = arith.andi %shift_right_arithmetic3A_76, %and3A_78 : vector<16xi32>
        %add3A_80 = arith.addi %add3A_74, %and3A_79 : vector<16xi32>
        %and3A_81 = arith.constant -65536 : i32
        %and3A_82 = vector.broadcast %and3A_81 : i32 to vector<16xi32>
        %and3A_83 = arith.andi %add3A_80, %and3A_82 : vector<16xi32>
        %bitcast_convert_type3A_84 = tpu.bitcast %and3A_83 : vector<16xi32> -> vector<16xf32>
        %swap3A_85 = arith.index_cast %mul3A_60 : i32 to index
        %swap3A_86 = tpu.vector_load %arg6[%swap3A_85] {strides = array<i32>} : memref<256xf32, #tpu.memory_space<vmem>>, vector<16xf32>,
        tpu.vector_store %arg6[%swap3A_85], %bitcast_convert_type3A_84 {strides = array<i32>} : memref<256xf32, #tpu.memory_space<vmem>>, vector<16xf32>,
        %bitcast_convert_type3A_87 = tpu.bitcast %get3A_63 : vector<16xf32> -> vector<16xi32>
        %add3A_88 = arith.constant 32767 : i32
        %add3A_89 = vector.broadcast %add3A_88 : i32 to vector<16xi32>
        %add3A_90 = arith.addi %bitcast_convert_type3A_87, %add3A_89 : vector<16xi32>
        %shift_right_arithmetic3A_91 = arith.constant 16 : i32
        %shift_right_arithmetic3A_92 = vector.broadcast %shift_right_arithmetic3A_91 : i32 to vector<16xi32>
        %shift_right_arithmetic3A_93 = arith.shrsi %bitcast_convert_type3A_87, %shift_right_arithmetic3A_92 : vector<16xi32>
        %and3A_94 = arith.constant 1 : i32
        %and3A_95 = vector.broadcast %and3A_94 : i32 to vector<16xi32>
        %and3A_96 = arith.andi %shift_right_arithmetic3A_93, %and3A_95 : vector<16xi32>
        %add3A_97 = arith.addi %add3A_90, %and3A_96 : vector<16xi32>
        %and3A_98 = arith.constant -65536 : i32
        %and3A_99 = vector.broadcast %and3A_98 : i32 to vector<16xi32>
        %and3A_100 = arith.andi %add3A_97, %and3A_99 : vector<16xi32>
        %bitcast_convert_type3A_101 = tpu.bitcast %and3A_100 : vector<16xi32> -> vector<16xf32>
        %swap3A_102 = arith.index_cast %mul3A_60 : i32 to index
        %swap3A_103 = tpu.vector_load %arg7[%swap3A_102] {strides = array<i32>} : memref<256xf32, #tpu.memory_space<vmem>>, vector<16xf32>,
        tpu.vector_store %arg7[%swap3A_102], %bitcast_convert_type3A_101 {strides = array<i32>} : memref<256xf32, #tpu.memory_space<vmem>>, vector<16xf32>,
        %bitcast_convert_type3A_104 = tpu.bitcast %get3A_65 : vector<16xf32> -> vector<16xi32>
        %add3A_105 = arith.constant 32767 : i32
        %add3A_106 = vector.broadcast %add3A_105 : i32 to vector<16xi32>
        %add3A_107 = arith.addi %bitcast_convert_type3A_104, %add3A_106 : vector<16xi32>
        %shift_right_arithmetic3A_108 = arith.constant 16 : i32
        %shift_right_arithmetic3A_109 = vector.broadcast %shift_right_arithmetic3A_108 : i32 to vector<16xi32>
        %shift_right_arithmetic3A_110 = arith.shrsi %bitcast_convert_type3A_104, %shift_right_arithmetic3A_109 : vector<16xi32>
        %and3A_111 = arith.constant 1 : i32
        %and3A_112 = vector.broadcast %and3A_111 : i32 to vector<16xi32>
        %and3A_113 = arith.andi %shift_right_arithmetic3A_110, %and3A_112 : vector<16xi32>
        %add3A_114 = arith.addi %add3A_107, %and3A_113 : vector<16xi32>
        %and3A_115 = arith.constant -65536 : i32
        %and3A_116 = vector.broadcast %and3A_115 : i32 to vector<16xi32>
        %and3A_117 = arith.andi %add3A_114, %and3A_116 : vector<16xi32>
        %bitcast_convert_type3A_118 = tpu.bitcast %and3A_117 : vector<16xi32> -> vector<16xf32>
        %swap3A_119 = arith.index_cast %mul3A_60 : i32 to index
        %swap3A_120 = tpu.vector_load %arg8[%swap3A_119] {strides = array<i32>} : memref<256xf32, #tpu.memory_space<vmem>>, vector<16xf32>,
        tpu.vector_store %arg8[%swap3A_119], %bitcast_convert_type3A_118 {strides = array<i32>} : memref<256xf32, #tpu.memory_space<vmem>>, vector<16xf32>,
      }
      %scan3A_46 = arith.constant 16 : i32
      %scan3A_47 = arith.constant 0 : i32
      %scan3A_48 = arith.constant 2147483647 : i32
      %scan3A_49 = arith.constant 0 : i32
      %scan3A_50 = arith.constant 8 : i32
      %scan3A_51 = arith.addi %scan3A_49, %scan3A_50 : i32
      %scan3A_52 = arith.constant 1 : i32
      scf.for %scan3A_58 = %scan3A_49 to %scan3A_51 step %scan3A_52  : i32 {
        %get3A = arith.index_cast %scan3A_58 : i32 to index
        %get3A_59 = tpu.vector_load %arg10[%get3A] {strides = array<i32>} : memref<24xf32, #tpu.memory_space<vmem>>, vector<16xf32>,
        %slice3A = vector.extract_strided_slice %get3A_59 {offsets = [0], sizes = [1], strides = [1]} : vector<16xf32> to vector<1xf32>
        %squeeze3A = vector.extract %slice3A[0] : f32 from vector<1xf32>
        %get3A_60 = arith.index_cast %scan3A_58 : i32 to index
        %get3A_61 = tpu.vector_load %arg11[%get3A_60] {strides = array<i32>} : memref<24xf32, #tpu.memory_space<vmem>>, vector<16xf32>,
        %slice3A_62 = vector.extract_strided_slice %get3A_61 {offsets = [0], sizes = [1], strides = [1]} : vector<16xf32> to vector<1xf32>
        %squeeze3A_63 = vector.extract %slice3A_62[0] : f32 from vector<1xf32>
        %get3A_64 = arith.index_cast %scan3A_58 : i32 to index
        %get3A_65 = tpu.vector_load %arg12[%get3A_64] {strides = array<i32>} : memref<24xf32, #tpu.memory_space<vmem>>, vector<16xf32>,
        %slice3A_66 = vector.extract_strided_slice %get3A_65 {offsets = [0], sizes = [1], strides = [1]} : vector<16xf32> to vector<1xf32>
        %squeeze3A_67 = vector.extract %slice3A_66[0] : f32 from vector<1xf32>
        %mul3A_68 = arith.mulf %squeeze3A, %squeeze3A : f32
        %mul3A_69 = arith.mulf %squeeze3A_63, %squeeze3A_63 : f32
        %add3A_70 = arith.addf %mul3A_68, %mul3A_69 : f32
        %mul3A_71 = arith.mulf %squeeze3A_67, %squeeze3A_67 : f32
        %add3A_72 = arith.addf %add3A_70, %mul3A_71 : f32
        %bitcast_convert_type3A = arith.bitcast %squeeze3A : f32 to i32
        %add3A_73 = arith.constant 32767 : i32
        %add3A_74 = arith.addi %bitcast_convert_type3A, %add3A_73 : i32
        %shift_right_arithmetic3A = arith.constant 16 : i32
        %shift_right_arithmetic3A_75 = arith.shrsi %bitcast_convert_type3A, %shift_right_arithmetic3A : i32
        %and3A_76 = arith.constant 1 : i32
        %and3A_77 = arith.andi %shift_right_arithmetic3A_75, %and3A_76 : i32
        %add3A_78 = arith.addi %add3A_74, %and3A_77 : i32
        %and3A_79 = arith.constant -65536 : i32
        %and3A_80 = arith.andi %add3A_78, %and3A_79 : i32
        %bitcast_convert_type3A_81 = arith.bitcast %and3A_80 : i32 to f32
        %bitcast_convert_type3A_82 = arith.bitcast %squeeze3A_63 : f32 to i32
        %add3A_83 = arith.constant 32767 : i32
        %add3A_84 = arith.addi %bitcast_convert_type3A_82, %add3A_83 : i32
        %shift_right_arithmetic3A_85 = arith.constant 16 : i32
        %shift_right_arithmetic3A_86 = arith.shrsi %bitcast_convert_type3A_82, %shift_right_arithmetic3A_85 : i32
        %and3A_87 = arith.constant 1 : i32
        %and3A_88 = arith.andi %shift_right_arithmetic3A_86, %and3A_87 : i32
        %add3A_89 = arith.addi %add3A_84, %and3A_88 : i32
        %and3A_90 = arith.constant -65536 : i32
        %and3A_91 = arith.andi %add3A_89, %and3A_90 : i32
        %bitcast_convert_type3A_92 = arith.bitcast %and3A_91 : i32 to f32
        %bitcast_convert_type3A_93 = arith.bitcast %squeeze3A_67 : f32 to i32
        %add3A_94 = arith.constant 32767 : i32
        %add3A_95 = arith.addi %bitcast_convert_type3A_93, %add3A_94 : i32
        %shift_right_arithmetic3A_96 = arith.constant 16 : i32
        %shift_right_arithmetic3A_97 = arith.shrsi %bitcast_convert_type3A_93, %shift_right_arithmetic3A_96 : i32
        %and3A_98 = arith.constant 1 : i32
        %and3A_99 = arith.andi %shift_right_arithmetic3A_97, %and3A_98 : i32
        %add3A_100 = arith.addi %add3A_95, %and3A_99 : i32
        %and3A_101 = arith.constant -65536 : i32
        %and3A_102 = arith.andi %add3A_100, %and3A_101 : i32
        %bitcast_convert_type3A_103 = arith.bitcast %and3A_102 : i32 to f32
        %scan3A_104 = arith.constant 0 : i32
        %scan3A_105 = arith.constant 16 : i32
        %scan3A_106 = arith.addi %scan3A_104, %scan3A_105 : i32
        %scan3A_107 = arith.constant 1 : i32
        %scan3A_108:3 = scf.for %scan3A_144 = %scan3A_104 to %scan3A_106 step %scan3A_107 iter_args(%scan3A_145 = %broadcast_in_dim3A_41, %scan3A_146 = %broadcast_in_dim3A_41, %scan3A_147 = %broadcast_in_dim3A_41) -> (vector<16xi32>, vector<16xi32>, vector<16xi32>)  : i32 {
          %mul3A_148 = arith.constant 16 : i32
          %mul3A_149 = arith.muli %scan3A_144, %mul3A_148 : i32
          %get3A_150 = arith.index_cast %mul3A_149 : i32 to index
          %get3A_151 = tpu.vector_load %arg6[%get3A_150] {strides = array<i32>} : memref<256xf32, #tpu.memory_space<vmem>>, vector<16xf32>,
          %get3A_152 = arith.index_cast %mul3A_149 : i32 to index
          %get3A_153 = tpu.vector_load %arg7[%get3A_152] {strides = array<i32>} : memref<256xf32, #tpu.memory_space<vmem>>, vector<16xf32>,
          %get3A_154 = arith.index_cast %mul3A_149 : i32 to index
          %get3A_155 = tpu.vector_load %arg8[%get3A_154] {strides = array<i32>} : memref<256xf32, #tpu.memory_space<vmem>>, vector<16xf32>,
          %get3A_156 = arith.index_cast %mul3A_149 : i32 to index
          %get3A_157 = tpu.vector_load %arg9[%get3A_156] {strides = array<i32>} : memref<256xf32, #tpu.memory_space<vmem>>, vector<16xf32>,
          %mul3A_158 = vector.broadcast %bitcast_convert_type3A_81 : f32 to vector<16xf32>
          %mul3A_159 = arith.mulf %mul3A_158, %get3A_151 : vector<16xf32>
          %mul3A_160 = vector.broadcast %bitcast_convert_type3A_92 : f32 to vector<16xf32>
          %mul3A_161 = arith.mulf %mul3A_160, %get3A_153 : vector<16xf32>
          %add3A_162 = arith.addf %mul3A_159, %mul3A_161 : vector<16xf32>
          %mul3A_163 = vector.broadcast %bitcast_convert_type3A_103 : f32 to vector<16xf32>
          %mul3A_164 = arith.mulf %mul3A_163, %get3A_155 : vector<16xf32>
          %add3A_165 = arith.addf %add3A_162, %mul3A_164 : vector<16xf32>
          %add3A_166 = vector.broadcast %add3A_72 : f32 to vector<16xf32>
          %add3A_167 = arith.addf %add3A_166, %get3A_157 : vector<16xf32>
          %mul3A_168 = arith.constant 2.000000e+00 : f32
          %mul3A_169 = vector.broadcast %mul3A_168 : f32 to vector<16xf32>
          %mul3A_170 = arith.mulf %mul3A_169, %add3A_165 : vector<16xf32>
          %sub3A_171 = arith.subf %add3A_167, %mul3A_170 : vector<16xf32>
          %add3A_172 = vector.broadcast %mul3A_149 : i32 to vector<16xi32>
          %add3A_173 = arith.addi %iota3A, %add3A_172 : vector<16xi32>
          %le3A = arith.constant 4.000000e+00 : f32
          %le3A_174 = vector.broadcast %le3A : f32 to vector<16xf32>
          %le3A_175 = arith.cmpf ole, %sub3A_171, %le3A_174 : vector<16xf32>
          %broadcast_in_dim3A_176 = vector.broadcast %scan3A_48 : i32 to vector<16xi32>
          %select_n3A_177 = arith.select %le3A_175, %add3A_173, %broadcast_in_dim3A_176 : vector<16xi1>, vector<16xi32>
          %le3A_178 = arith.constant 1.600000e+01 : f32
          %le3A_179 = vector.broadcast %le3A_178 : f32 to vector<16xf32>
          %le3A_180 = arith.cmpf ole, %sub3A_171, %le3A_179 : vector<16xf32>
          %broadcast_in_dim3A_181 = vector.broadcast %scan3A_48 : i32 to vector<16xi32>
          %select_n3A_182 = arith.select %le3A_180, %add3A_173, %broadcast_in_dim3A_181 : vector<16xi1>, vector<16xi32>
          %sub3A_183 = vector.broadcast %scan3A_48 : i32 to vector<16xi32>
          %sub3A_184 = arith.subi %sub3A_183, %select_n3A_177 : vector<16xi32>
          %masked_sort3A = arith.constant dense<true> : vector<16xi1>
          %masked_sort3A_185 = arith.constant -2147483648 : i32
          %masked_sort3A_186 = vector.broadcast %masked_sort3A_185 : i32 to vector<16xi32>
          %masked_sort3A_187 = arith.xori %sub3A_184, %masked_sort3A_186 : vector<16xi32>
          %masked_sort3A_188, %masked_sort3A_189, %masked_sort3A_190 = tpu.sort %masked_sort3A_187, %select_n3A_177 masked %masked_sort3A : (vector<16xi32>, vector<16xi32>, vector<16xi1>) -> (vector<16xi1>, vector<16xi32>, vector<16xi32>)
          %masked_sort3A_191 = arith.xori %masked_sort3A_189, %masked_sort3A_186 : vector<16xi32>
          %min3A = arith.minsi %scan3A_145, %masked_sort3A_190 : vector<16xi32>
          %masked_sort3A_192 = arith.constant dense<true> : vector<16xi1>
          %masked_sort3A_193 = arith.constant -2147483648 : i32
          %masked_sort3A_194 = vector.broadcast %masked_sort3A_193 : i32 to vector<16xi32>
          %masked_sort3A_195 = arith.xori %min3A, %masked_sort3A_194 : vector<16xi32>
          %masked_sort3A_196, %masked_sort3A_197, %masked_sort3A_198 = tpu.sort %masked_sort3A_195, %min3A masked %masked_sort3A_192 : (vector<16xi32>, vector<16xi32>, vector<16xi1>) -> (vector<16xi1>, vector<16xi32>, vector<16xi32>)
          %masked_sort3A_199 = arith.xori %masked_sort3A_197, %masked_sort3A_194 : vector<16xi32>
          %sub3A_200 = vector.broadcast %scan3A_48 : i32 to vector<16xi32>
          %sub3A_201 = arith.subi %sub3A_200, %select_n3A_182 : vector<16xi32>
          %masked_sort3A_202 = arith.constant dense<true> : vector<16xi1>
          %masked_sort3A_203 = arith.constant -2147483648 : i32
          %masked_sort3A_204 = vector.broadcast %masked_sort3A_203 : i32 to vector<16xi32>
          %masked_sort3A_205 = arith.xori %sub3A_201, %masked_sort3A_204 : vector<16xi32>
          %masked_sort3A_206, %masked_sort3A_207, %masked_sort3A_208 = tpu.sort %masked_sort3A_205, %select_n3A_182 masked %masked_sort3A_202 : (vector<16xi32>, vector<16xi32>, vector<16xi1>) -> (vector<16xi1>, vector<16xi32>, vector<16xi32>)
          %masked_sort3A_209 = arith.xori %masked_sort3A_207, %masked_sort3A_204 : vector<16xi32>
          %min3A_210 = arith.minsi %scan3A_147, %masked_sort3A_208 : vector<16xi32>
          %sub3A_211 = vector.broadcast %scan3A_48 : i32 to vector<16xi32>
          %sub3A_212 = arith.subi %sub3A_211, %min3A_210 : vector<16xi32>
          %masked_sort3A_213 = arith.constant dense<true> : vector<16xi1>
          %masked_sort3A_214 = arith.constant -2147483648 : i32
          %masked_sort3A_215 = vector.broadcast %masked_sort3A_214 : i32 to vector<16xi32>
          %masked_sort3A_216 = arith.xori %sub3A_212, %masked_sort3A_215 : vector<16xi32>
          %masked_sort3A_217, %masked_sort3A_218, %masked_sort3A_219 = tpu.sort %masked_sort3A_216, %min3A_210 masked %masked_sort3A_213 : (vector<16xi32>, vector<16xi32>, vector<16xi1>) -> (vector<16xi1>, vector<16xi32>, vector<16xi32>)
          %masked_sort3A_220 = arith.xori %masked_sort3A_218, %masked_sort3A_215 : vector<16xi32>
          %min3A_221 = arith.minsi %scan3A_146, %masked_sort3A_219 : vector<16xi32>
          %max3A = arith.maxsi %scan3A_146, %masked_sort3A_219 : vector<16xi32>
          %masked_sort3A_222 = arith.constant dense<true> : vector<16xi1>
          %masked_sort3A_223 = arith.constant -2147483648 : i32
          %masked_sort3A_224 = vector.broadcast %masked_sort3A_223 : i32 to vector<16xi32>
          %masked_sort3A_225 = arith.xori %min3A_221, %masked_sort3A_224 : vector<16xi32>
          %masked_sort3A_226, %masked_sort3A_227, %masked_sort3A_228 = tpu.sort %masked_sort3A_225, %min3A_221 masked %masked_sort3A_222 : (vector<16xi32>, vector<16xi32>, vector<16xi1>) -> (vector<16xi1>, vector<16xi32>, vector<16xi32>)
          %masked_sort3A_229 = arith.xori %masked_sort3A_227, %masked_sort3A_224 : vector<16xi32>
          %masked_sort3A_230 = arith.constant dense<true> : vector<16xi1>
          %masked_sort3A_231 = arith.constant -2147483648 : i32
          %masked_sort3A_232 = vector.broadcast %masked_sort3A_231 : i32 to vector<16xi32>
          %masked_sort3A_233 = arith.xori %max3A, %masked_sort3A_232 : vector<16xi32>
          %masked_sort3A_234, %masked_sort3A_235, %masked_sort3A_236 = tpu.sort %masked_sort3A_233, %max3A masked %masked_sort3A_230 : (vector<16xi32>, vector<16xi32>, vector<16xi1>) -> (vector<16xi1>, vector<16xi32>, vector<16xi32>)
          %masked_sort3A_237 = arith.xori %masked_sort3A_235, %masked_sort3A_232 : vector<16xi32>
          scf.yield %masked_sort3A_199, %masked_sort3A_229, %masked_sort3A_237 : vector<16xi32>, vector<16xi32>, vector<16xi32>
        }
        %scan3A_109 = arith.constant 16 : i32
        %slice3A_110 = vector.extract_strided_slice %scan3A_108#0 {offsets = [0], sizes = [1], strides = [1]} : vector<16xi32> to vector<1xi32>
        %squeeze3A_111 = vector.extract %slice3A_110[0] : i32 from vector<1xi32>
        %ge3A = arith.cmpi sge, %squeeze3A_111, %scan3A_48 : i32
        %jit3A_112 = arith.constant 0 : i32
        %select_n3A_113 = arith.select %ge3A, %jit3A_112, %squeeze3A_111 : i32
        %ge3A_114 = vector.broadcast %scan3A_48 : i32 to vector<16xi32>
        %ge3A_115 = arith.cmpi sge, %scan3A_108#0, %ge3A_114 : vector<16xi32>
        %broadcast_in_dim3A_116 = vector.broadcast %select_n3A_113 : i32 to vector<16xi32>
        %select_n3A_117 = arith.select %ge3A_115, %broadcast_in_dim3A_116, %scan3A_108#0 : vector<16xi1>, vector<16xi32>
        %mul3A_118 = arith.constant 16 : i32
        %mul3A_119 = arith.muli %scan3A_58, %mul3A_118 : i32
        %swap3A = arith.index_cast %mul3A_119 : i32 to index
        %swap3A_120 = tpu.vector_load %arg13[%swap3A] {strides = array<i32>} : memref<128xi32, #tpu.memory_space<vmem>>, vector<16xi32>,
        tpu.vector_store %arg13[%swap3A], %select_n3A_117 {strides = array<i32>} : memref<128xi32, #tpu.memory_space<vmem>>, vector<16xi32>,
        %slice3A_121 = vector.extract_strided_slice %scan3A_108#1 {offsets = [0], sizes = [1], strides = [1]} : vector<16xi32> to vector<1xi32>
        %squeeze3A_122 = vector.extract %slice3A_121[0] : i32 from vector<1xi32>
        %ge3A_123 = arith.cmpi sge, %squeeze3A_122, %scan3A_48 : i32
        %jit3A_124 = arith.constant 0 : i32
        %select_n3A_125 = arith.select %ge3A_123, %jit3A_124, %squeeze3A_122 : i32
        %ge3A_126 = vector.broadcast %scan3A_48 : i32 to vector<16xi32>
        %ge3A_127 = arith.cmpi sge, %scan3A_108#1, %ge3A_126 : vector<16xi32>
        %broadcast_in_dim3A_128 = vector.broadcast %select_n3A_125 : i32 to vector<16xi32>
        %select_n3A_129 = arith.select %ge3A_127, %broadcast_in_dim3A_128, %scan3A_108#1 : vector<16xi1>, vector<16xi32>
        %mul3A_130 = arith.constant 32 : i32
        %mul3A_131 = arith.muli %scan3A_58, %mul3A_130 : i32
        %swap3A_132 = arith.index_cast %mul3A_131 : i32 to index
        %swap3A_133 = tpu.vector_load %arg14[%swap3A_132] {strides = array<i32>} : memref<256xi32, #tpu.memory_space<vmem>>, vector<16xi32>,
        tpu.vector_store %arg14[%swap3A_132], %select_n3A_129 {strides = array<i32>} : memref<256xi32, #tpu.memory_space<vmem>>, vector<16xi32>,
        %ge3A_134 = vector.broadcast %scan3A_48 : i32 to vector<16xi32>
        %ge3A_135 = arith.cmpi sge, %scan3A_108#2, %ge3A_134 : vector<16xi32>
        %broadcast_in_dim3A_136 = vector.broadcast %select_n3A_125 : i32 to vector<16xi32>
        %select_n3A_137 = arith.select %ge3A_135, %broadcast_in_dim3A_136, %scan3A_108#2 : vector<16xi1>, vector<16xi32>
        %mul3A_138 = arith.constant 32 : i32
        %mul3A_139 = arith.muli %scan3A_58, %mul3A_138 : i32
        %add3A_140 = arith.constant 16 : i32
        %add3A_141 = arith.addi %mul3A_139, %add3A_140 : i32
        %swap3A_142 = arith.index_cast %add3A_141 : i32 to index
        %swap3A_143 = tpu.vector_load %arg14[%swap3A_142] {strides = array<i32>} : memref<256xi32, #tpu.memory_space<vmem>>, vector<16xi32>,
        tpu.vector_store %arg14[%swap3A_142], %select_n3A_137 {strides = array<i32>} : memref<256xi32, #tpu.memory_space<vmem>>, vector<16xi32>,
      }
      %scan3A_53 = arith.constant 8 : i32
      %mul3A_54 = arith.constant 16 : i32
      %mul3A_55 = arith.muli %mul3A_20, %mul3A_54 : i32
      "tpu.region"() ({
        %run_scoped3A = tpu.sem_alloc : memref<!tpu.dma_semaphore, #tpu.memory_space<semaphore_mem>>
        %dma_start3A = tpu.memref_slice %arg4[%mul3A_55] : memref<2048xi32, #tpu.memory_space<hbm>> -> memref<128xi32, #tpu.memory_space<hbm>>
        %dma_start3A_58 = tpu.memref_slice %arg4[%mul3A_55] : memref<2048xi32, #tpu.memory_space<hbm>> -> memref<128xi32, #tpu.memory_space<hbm>>
        tpu.enqueue_dma source(%arg13 : memref<128xi32, #tpu.memory_space<vmem>>) target(%dma_start3A_58 : memref<128xi32, #tpu.memory_space<hbm>>) target_semaphore(%run_scoped3A : memref<!tpu.dma_semaphore, #tpu.memory_space<semaphore_mem>>)
        %dma_wait3A = tpu.memref_slice %arg4[%mul3A_55] : memref<2048xi32, #tpu.memory_space<hbm>> -> memref<128xi32, #tpu.memory_space<hbm>>
        %dma_wait3A_59 = tpu.memref_slice %arg4[%mul3A_55] : memref<2048xi32, #tpu.memory_space<hbm>> -> memref<128xi32, #tpu.memory_space<hbm>>
        tpu.wait_dma2 semaphore(%run_scoped3A : memref<!tpu.dma_semaphore, #tpu.memory_space<semaphore_mem>>) src(%arg13 : memref<128xi32, #tpu.memory_space<vmem>>) dst(%dma_wait3A_59 : memref<128xi32, #tpu.memory_space<hbm>>)
        tpu.yield
      }) : () -> ()
      %mul3A_56 = arith.constant 32 : i32
      %mul3A_57 = arith.muli %mul3A_20, %mul3A_56 : i32
      "tpu.region"() ({
        %run_scoped3A = tpu.sem_alloc : memref<!tpu.dma_semaphore, #tpu.memory_space<semaphore_mem>>
        %dma_start3A = tpu.memref_slice %arg5[%mul3A_57] : memref<4096xi32, #tpu.memory_space<hbm>> -> memref<256xi32, #tpu.memory_space<hbm>>
        %dma_start3A_58 = tpu.memref_slice %arg5[%mul3A_57] : memref<4096xi32, #tpu.memory_space<hbm>> -> memref<256xi32, #tpu.memory_space<hbm>>
        tpu.enqueue_dma source(%arg14 : memref<256xi32, #tpu.memory_space<vmem>>) target(%dma_start3A_58 : memref<256xi32, #tpu.memory_space<hbm>>) target_semaphore(%run_scoped3A : memref<!tpu.dma_semaphore, #tpu.memory_space<semaphore_mem>>)
        %dma_wait3A = tpu.memref_slice %arg5[%mul3A_57] : memref<4096xi32, #tpu.memory_space<hbm>> -> memref<256xi32, #tpu.memory_space<hbm>>
        %dma_wait3A_59 = tpu.memref_slice %arg5[%mul3A_57] : memref<4096xi32, #tpu.memory_space<hbm>> -> memref<256xi32, #tpu.memory_space<hbm>>
        tpu.wait_dma2 semaphore(%run_scoped3A : memref<!tpu.dma_semaphore, #tpu.memory_space<semaphore_mem>>) src(%arg14 : memref<256xi32, #tpu.memory_space<vmem>>) dst(%dma_wait3A_59 : memref<256xi32, #tpu.memory_space<hbm>>)
        tpu.yield
      }) : () -> ()
    } else {
    }
    return
  }
}

module attributes {stable_mosaic.version = 14 : i64} {
  func.func @_fps_body(%arg0: memref<2x3x128x128xf32, #tpu.memory_space<vmem>>, %arg1: memref<2x32x128xi32, #tpu.memory_space<vmem>>, %arg2: memref<2x128x128xf32, #tpu.memory_space<vmem>>, %arg3: memref<2x32x128xf32, #tpu.memory_space<vmem>>) attributes {dimension_semantics = [], scalar_prefetch = 0 : i64, scratch_operands = 2 : i64, tpu.core_type = #tpu.core_type<tc>} {
    %get3A = arith.constant 0 : index
    %get3A_0 = arith.constant 0 : index
    %get3A_1 = arith.constant 0 : index
    %get3A_2 = arith.constant 0 : index
    %get3A_3 = vector.load %arg0[%get3A, %get3A_0, %get3A_1, %get3A_2] : memref<2x3x128x128xf32, #tpu.memory_space<vmem>>, vector<2x1x128x128xf32>
    %get3A_4 = vector.shape_cast %get3A_3 : vector<2x1x128x128xf32> to vector<2x128x128xf32>
    %get3A_5 = arith.constant 0 : index
    %get3A_6 = arith.constant 1 : index
    %get3A_7 = arith.constant 0 : index
    %get3A_8 = arith.constant 0 : index
    %get3A_9 = vector.load %arg0[%get3A_5, %get3A_6, %get3A_7, %get3A_8] : memref<2x3x128x128xf32, #tpu.memory_space<vmem>>, vector<2x1x128x128xf32>
    %get3A_10 = vector.shape_cast %get3A_9 : vector<2x1x128x128xf32> to vector<2x128x128xf32>
    %get3A_11 = arith.constant 0 : index
    %get3A_12 = arith.constant 2 : index
    %get3A_13 = arith.constant 0 : index
    %get3A_14 = arith.constant 0 : index
    %get3A_15 = vector.load %arg0[%get3A_11, %get3A_12, %get3A_13, %get3A_14] : memref<2x3x128x128xf32, #tpu.memory_space<vmem>>, vector<2x1x128x128xf32>
    %get3A_16 = vector.shape_cast %get3A_15 : vector<2x1x128x128xf32> to vector<2x128x128xf32>
    %iota3A = tpu.iota {dimensions = array<i32: 1>} : vector<2x128x128xi32>
    %mul3A = arith.constant 128 : i32
    %mul3A_17 = vector.broadcast %mul3A : i32 to vector<2x128x128xi32>
    %mul3A_18 = arith.muli %iota3A, %mul3A_17 : vector<2x128x128xi32>
    %iota3A_19 = tpu.iota {dimensions = array<i32: 2>} : vector<2x128x128xi32>
    %add3A = arith.addi %mul3A_18, %iota3A_19 : vector<2x128x128xi32>
    %convert_element_type3A = arith.sitofp %add3A : vector<2x128x128xi32> to vector<2x128x128xf32>
    %iota3A_20 = tpu.iota {dimensions = array<i32: 1>} : vector<2x32x128xi32>
    %mul3A_21 = arith.constant 128 : i32
    %mul3A_22 = vector.broadcast %mul3A_21 : i32 to vector<2x32x128xi32>
    %mul3A_23 = arith.muli %iota3A_20, %mul3A_22 : vector<2x32x128xi32>
    %iota3A_24 = tpu.iota {dimensions = array<i32: 2>} : vector<2x32x128xi32>
    %add3A_25 = arith.addi %mul3A_23, %iota3A_24 : vector<2x32x128xi32>
    %convert_element_type3A_26 = arith.sitofp %add3A_25 : vector<2x32x128xi32> to vector<2x32x128xf32>
    %broadcast_in_dim3A = arith.constant 1.000000e+10 : f32
    %broadcast_in_dim3A_27 = vector.broadcast %broadcast_in_dim3A : f32 to vector<2x128x128xf32>
    %swap3A = arith.constant 0 : index
    %swap3A_28 = arith.constant 0 : index
    %swap3A_29 = arith.constant 0 : index
    %swap3A_30 = vector.load %arg2[%swap3A, %swap3A_28, %swap3A_29] : memref<2x128x128xf32, #tpu.memory_space<vmem>>, vector<2x128x128xf32>
    tpu.vector_store %arg2[%swap3A, %swap3A_28, %swap3A_29], %broadcast_in_dim3A_27 {strides = array<i32>} : memref<2x128x128xf32, #tpu.memory_space<vmem>>, vector<2x128x128xf32>,
    %broadcast_in_dim3A_31 = arith.constant 0.000000e+00 : f32
    %broadcast_in_dim3A_32 = vector.broadcast %broadcast_in_dim3A_31 : f32 to vector<2x32x128xf32>
    %swap3A_33 = arith.constant 0 : index
    %swap3A_34 = arith.constant 0 : index
    %swap3A_35 = arith.constant 0 : index
    %swap3A_36 = vector.load %arg3[%swap3A_33, %swap3A_34, %swap3A_35] : memref<2x32x128xf32, #tpu.memory_space<vmem>>, vector<2x32x128xf32>
    tpu.vector_store %arg3[%swap3A_33, %swap3A_34, %swap3A_35], %broadcast_in_dim3A_32 {strides = array<i32>} : memref<2x32x128xf32, #tpu.memory_space<vmem>>, vector<2x32x128xf32>,
    %broadcast_in_dim3A_37 = arith.constant 0.000000e+00 : f32
    %broadcast_in_dim3A_38 = vector.broadcast %broadcast_in_dim3A_37 : f32 to vector<2x1x1xf32>
    %scan3A = arith.constant 0 : i32
    %scan3A_39 = arith.constant 4096 : i32
    %scan3A_40 = arith.addi %scan3A, %scan3A_39 : i32
    %scan3A_41 = arith.constant 1 : i32
    %scan3A_42 = scf.for %scan3A_53 = %scan3A to %scan3A_40 step %scan3A_41 iter_args(%scan3A_54 = %broadcast_in_dim3A_38) -> (vector<2x1x1xf32>)  : i32 {
      %convert_element_type3A_55 = arith.sitofp %scan3A_53 : i32 to f32
      %eq3A = vector.broadcast %convert_element_type3A_55 : f32 to vector<2x32x128xf32>
      %eq3A_56 = arith.cmpf oeq, %convert_element_type3A_26, %eq3A : vector<2x32x128xf32>
      %broadcast_in_dim3A_57 = vector.shape_cast %scan3A_54 : vector<2x1x1xf32> to vector<2x1x1xf32>
      %broadcast_in_dim3A_58 = vector.broadcast %broadcast_in_dim3A_57 : vector<2x1x1xf32> to vector<2x32x128xf32>
      %get3A_59 = arith.constant 0 : index
      %get3A_60 = arith.constant 0 : index
      %get3A_61 = arith.constant 0 : index
      %get3A_62 = vector.load %arg3[%get3A_59, %get3A_60, %get3A_61] : memref<2x32x128xf32, #tpu.memory_space<vmem>>, vector<2x32x128xf32>
      %select_n3A = arith.select %eq3A_56, %broadcast_in_dim3A_58, %get3A_62 : vector<2x32x128xi1>, vector<2x32x128xf32>
      %swap3A_63 = arith.constant 0 : index
      %swap3A_64 = arith.constant 0 : index
      %swap3A_65 = arith.constant 0 : index
      %swap3A_66 = vector.load %arg3[%swap3A_63, %swap3A_64, %swap3A_65] : memref<2x32x128xf32, #tpu.memory_space<vmem>>, vector<2x32x128xf32>
      tpu.vector_store %arg3[%swap3A_63, %swap3A_64, %swap3A_65], %select_n3A {strides = array<i32>} : memref<2x32x128xf32, #tpu.memory_space<vmem>>, vector<2x32x128xf32>,
      %eq3A_67 = vector.broadcast %scan3A_54 : vector<2x1x1xf32> to vector<2x128x128xf32>
      %eq3A_68 = arith.cmpf oeq, %convert_element_type3A, %eq3A_67 : vector<2x128x128xf32>
      %jit3A = arith.constant 0.000000e+00 : f32
      %broadcast_in_dim3A_69 = vector.broadcast %jit3A : f32 to vector<2x128x128xf32>
      %select_n3A_70 = arith.select %eq3A_68, %get3A_4, %broadcast_in_dim3A_69 : vector<2x128x128xi1>, vector<2x128x128xf32>
      %reduce_sum3A = arith.constant dense<0.000000e+00> : vector<2xf32>
      %reduce_sum3A_71 = vector.multi_reduction <add>, %select_n3A_70, %reduce_sum3A [1, 2] : vector<2x128x128xf32> to vector<2xf32>
      %broadcast_in_dim3A_72 = vector.shape_cast %reduce_sum3A_71 : vector<2xf32> to vector<2x1x1xf32>
      %jit3A_73 = arith.constant 0.000000e+00 : f32
      %broadcast_in_dim3A_74 = vector.broadcast %jit3A_73 : f32 to vector<2x128x128xf32>
      %select_n3A_75 = arith.select %eq3A_68, %get3A_10, %broadcast_in_dim3A_74 : vector<2x128x128xi1>, vector<2x128x128xf32>
      %reduce_sum3A_76 = arith.constant dense<0.000000e+00> : vector<2xf32>
      %reduce_sum3A_77 = vector.multi_reduction <add>, %select_n3A_75, %reduce_sum3A_76 [1, 2] : vector<2x128x128xf32> to vector<2xf32>
      %broadcast_in_dim3A_78 = vector.shape_cast %reduce_sum3A_77 : vector<2xf32> to vector<2x1x1xf32>
      %jit3A_79 = arith.constant 0.000000e+00 : f32
      %broadcast_in_dim3A_80 = vector.broadcast %jit3A_79 : f32 to vector<2x128x128xf32>
      %select_n3A_81 = arith.select %eq3A_68, %get3A_16, %broadcast_in_dim3A_80 : vector<2x128x128xi1>, vector<2x128x128xf32>
      %reduce_sum3A_82 = arith.constant dense<0.000000e+00> : vector<2xf32>
      %reduce_sum3A_83 = vector.multi_reduction <add>, %select_n3A_81, %reduce_sum3A_82 [1, 2] : vector<2x128x128xf32> to vector<2xf32>
      %broadcast_in_dim3A_84 = vector.shape_cast %reduce_sum3A_83 : vector<2xf32> to vector<2x1x1xf32>
      %sub3A = vector.broadcast %broadcast_in_dim3A_72 : vector<2x1x1xf32> to vector<2x128x128xf32>
      %sub3A_85 = arith.subf %get3A_4, %sub3A : vector<2x128x128xf32>
      %sub3A_86 = vector.broadcast %broadcast_in_dim3A_78 : vector<2x1x1xf32> to vector<2x128x128xf32>
      %sub3A_87 = arith.subf %get3A_10, %sub3A_86 : vector<2x128x128xf32>
      %sub3A_88 = vector.broadcast %broadcast_in_dim3A_84 : vector<2x1x1xf32> to vector<2x128x128xf32>
      %sub3A_89 = arith.subf %get3A_16, %sub3A_88 : vector<2x128x128xf32>
      %mul3A_90 = arith.mulf %sub3A_85, %sub3A_85 : vector<2x128x128xf32>
      %mul3A_91 = arith.mulf %sub3A_87, %sub3A_87 : vector<2x128x128xf32>
      %add3A_92 = arith.addf %mul3A_90, %mul3A_91 : vector<2x128x128xf32>
      %mul3A_93 = arith.mulf %sub3A_89, %sub3A_89 : vector<2x128x128xf32>
      %add3A_94 = arith.addf %add3A_92, %mul3A_93 : vector<2x128x128xf32>
      %get3A_95 = arith.constant 0 : index
      %get3A_96 = arith.constant 0 : index
      %get3A_97 = arith.constant 0 : index
      %get3A_98 = vector.load %arg2[%get3A_95, %get3A_96, %get3A_97] : memref<2x128x128xf32, #tpu.memory_space<vmem>>, vector<2x128x128xf32>
      %min3A = arith.minimumf %get3A_98, %add3A_94 : vector<2x128x128xf32>
      %swap3A_99 = arith.constant 0 : index
      %swap3A_100 = arith.constant 0 : index
      %swap3A_101 = arith.constant 0 : index
      %swap3A_102 = vector.load %arg2[%swap3A_99, %swap3A_100, %swap3A_101] : memref<2x128x128xf32, #tpu.memory_space<vmem>>, vector<2x128x128xf32>
      tpu.vector_store %arg2[%swap3A_99, %swap3A_100, %swap3A_101], %min3A {strides = array<i32>} : memref<2x128x128xf32, #tpu.memory_space<vmem>>, vector<2x128x128xf32>,
      %reduce_max3A = arith.constant dense<0xFF800000> : vector<2xf32>
      %reduce_max3A_103 = vector.multi_reduction <maximumf>, %min3A, %reduce_max3A [1, 2] : vector<2x128x128xf32> to vector<2xf32>
      %broadcast_in_dim3A_104 = vector.shape_cast %reduce_max3A_103 : vector<2xf32> to vector<2x1x1xf32>
      %eq3A_105 = vector.broadcast %broadcast_in_dim3A_104 : vector<2x1x1xf32> to vector<2x128x128xf32>
      %eq3A_106 = arith.cmpf oeq, %min3A, %eq3A_105 : vector<2x128x128xf32>
      %jit3A_107 = arith.constant 1.000000e+09 : f32
      %broadcast_in_dim3A_108 = vector.broadcast %jit3A_107 : f32 to vector<2x128x128xf32>
      %select_n3A_109 = arith.select %eq3A_106, %convert_element_type3A, %broadcast_in_dim3A_108 : vector<2x128x128xi1>, vector<2x128x128xf32>
      %reduce_min3A = arith.constant dense<0x7F800000> : vector<2xf32>
      %reduce_min3A_110 = vector.multi_reduction <minimumf>, %select_n3A_109, %reduce_min3A [1, 2] : vector<2x128x128xf32> to vector<2xf32>
      %broadcast_in_dim3A_111 = vector.shape_cast %reduce_min3A_110 : vector<2xf32> to vector<2x1x1xf32>
      scf.yield %broadcast_in_dim3A_111 : vector<2x1x1xf32>
    }
    %scan3A_43 = arith.constant 4096 : i32
    %get3A_44 = arith.constant 0 : index
    %get3A_45 = arith.constant 0 : index
    %get3A_46 = arith.constant 0 : index
    %get3A_47 = vector.load %arg3[%get3A_44, %get3A_45, %get3A_46] : memref<2x32x128xf32, #tpu.memory_space<vmem>>, vector<2x32x128xf32>
    %convert_element_type3A_48 = arith.fptosi %get3A_47 : vector<2x32x128xf32> to vector<2x32x128xi32>
    %swap3A_49 = arith.constant 0 : index
    %swap3A_50 = arith.constant 0 : index
    %swap3A_51 = arith.constant 0 : index
    %swap3A_52 = vector.load %arg1[%swap3A_49, %swap3A_50, %swap3A_51] : memref<2x32x128xi32, #tpu.memory_space<vmem>>, vector<2x32x128xi32>
    tpu.vector_store %arg1[%swap3A_49, %swap3A_50, %swap3A_51], %convert_element_type3A_48 {strides = array<i32>} : memref<2x32x128xi32, #tpu.memory_space<vmem>>, vector<2x32x128xi32>,
    return
  }
}

module attributes {stable_mosaic.version = 14 : i64} {
  func.func @_fps_body(%arg0: memref<2x3x32x128xf32, #tpu.memory_space<vmem>>, %arg1: memref<2x8x128xi32, #tpu.memory_space<vmem>>, %arg2: memref<2x32x128xf32, #tpu.memory_space<vmem>>, %arg3: memref<2x8x128xf32, #tpu.memory_space<vmem>>) attributes {dimension_semantics = [], scalar_prefetch = 0 : i64, scratch_operands = 2 : i64, tpu.core_type = #tpu.core_type<tc>} {
    %get3A = arith.constant 0 : index
    %get3A_0 = arith.constant 0 : index
    %get3A_1 = arith.constant 0 : index
    %get3A_2 = arith.constant 0 : index
    %get3A_3 = vector.load %arg0[%get3A, %get3A_0, %get3A_1, %get3A_2] : memref<2x3x32x128xf32, #tpu.memory_space<vmem>>, vector<2x1x32x128xf32>
    %get3A_4 = vector.shape_cast %get3A_3 : vector<2x1x32x128xf32> to vector<2x32x128xf32>
    %get3A_5 = arith.constant 0 : index
    %get3A_6 = arith.constant 1 : index
    %get3A_7 = arith.constant 0 : index
    %get3A_8 = arith.constant 0 : index
    %get3A_9 = vector.load %arg0[%get3A_5, %get3A_6, %get3A_7, %get3A_8] : memref<2x3x32x128xf32, #tpu.memory_space<vmem>>, vector<2x1x32x128xf32>
    %get3A_10 = vector.shape_cast %get3A_9 : vector<2x1x32x128xf32> to vector<2x32x128xf32>
    %get3A_11 = arith.constant 0 : index
    %get3A_12 = arith.constant 2 : index
    %get3A_13 = arith.constant 0 : index
    %get3A_14 = arith.constant 0 : index
    %get3A_15 = vector.load %arg0[%get3A_11, %get3A_12, %get3A_13, %get3A_14] : memref<2x3x32x128xf32, #tpu.memory_space<vmem>>, vector<2x1x32x128xf32>
    %get3A_16 = vector.shape_cast %get3A_15 : vector<2x1x32x128xf32> to vector<2x32x128xf32>
    %iota3A = tpu.iota {dimensions = array<i32: 1>} : vector<2x32x128xi32>
    %mul3A = arith.constant 128 : i32
    %mul3A_17 = vector.broadcast %mul3A : i32 to vector<2x32x128xi32>
    %mul3A_18 = arith.muli %iota3A, %mul3A_17 : vector<2x32x128xi32>
    %iota3A_19 = tpu.iota {dimensions = array<i32: 2>} : vector<2x32x128xi32>
    %add3A = arith.addi %mul3A_18, %iota3A_19 : vector<2x32x128xi32>
    %convert_element_type3A = arith.sitofp %add3A : vector<2x32x128xi32> to vector<2x32x128xf32>
    %iota3A_20 = tpu.iota {dimensions = array<i32: 1>} : vector<2x8x128xi32>
    %mul3A_21 = arith.constant 128 : i32
    %mul3A_22 = vector.broadcast %mul3A_21 : i32 to vector<2x8x128xi32>
    %mul3A_23 = arith.muli %iota3A_20, %mul3A_22 : vector<2x8x128xi32>
    %iota3A_24 = tpu.iota {dimensions = array<i32: 2>} : vector<2x8x128xi32>
    %add3A_25 = arith.addi %mul3A_23, %iota3A_24 : vector<2x8x128xi32>
    %convert_element_type3A_26 = arith.sitofp %add3A_25 : vector<2x8x128xi32> to vector<2x8x128xf32>
    %broadcast_in_dim3A = arith.constant 1.000000e+10 : f32
    %broadcast_in_dim3A_27 = vector.broadcast %broadcast_in_dim3A : f32 to vector<2x32x128xf32>
    %swap3A = arith.constant 0 : index
    %swap3A_28 = arith.constant 0 : index
    %swap3A_29 = arith.constant 0 : index
    %swap3A_30 = vector.load %arg2[%swap3A, %swap3A_28, %swap3A_29] : memref<2x32x128xf32, #tpu.memory_space<vmem>>, vector<2x32x128xf32>
    tpu.vector_store %arg2[%swap3A, %swap3A_28, %swap3A_29], %broadcast_in_dim3A_27 {strides = array<i32>} : memref<2x32x128xf32, #tpu.memory_space<vmem>>, vector<2x32x128xf32>,
    %broadcast_in_dim3A_31 = arith.constant 0.000000e+00 : f32
    %broadcast_in_dim3A_32 = vector.broadcast %broadcast_in_dim3A_31 : f32 to vector<2x8x128xf32>
    %swap3A_33 = arith.constant 0 : index
    %swap3A_34 = arith.constant 0 : index
    %swap3A_35 = arith.constant 0 : index
    %swap3A_36 = vector.load %arg3[%swap3A_33, %swap3A_34, %swap3A_35] : memref<2x8x128xf32, #tpu.memory_space<vmem>>, vector<2x8x128xf32>
    tpu.vector_store %arg3[%swap3A_33, %swap3A_34, %swap3A_35], %broadcast_in_dim3A_32 {strides = array<i32>} : memref<2x8x128xf32, #tpu.memory_space<vmem>>, vector<2x8x128xf32>,
    %broadcast_in_dim3A_37 = arith.constant 0.000000e+00 : f32
    %broadcast_in_dim3A_38 = vector.broadcast %broadcast_in_dim3A_37 : f32 to vector<2x1x1xf32>
    %scan3A = arith.constant 0 : i32
    %scan3A_39 = arith.constant 1024 : i32
    %scan3A_40 = arith.addi %scan3A, %scan3A_39 : i32
    %scan3A_41 = arith.constant 1 : i32
    %scan3A_42 = scf.for %scan3A_53 = %scan3A to %scan3A_40 step %scan3A_41 iter_args(%scan3A_54 = %broadcast_in_dim3A_38) -> (vector<2x1x1xf32>)  : i32 {
      %convert_element_type3A_55 = arith.sitofp %scan3A_53 : i32 to f32
      %eq3A = vector.broadcast %convert_element_type3A_55 : f32 to vector<2x8x128xf32>
      %eq3A_56 = arith.cmpf oeq, %convert_element_type3A_26, %eq3A : vector<2x8x128xf32>
      %broadcast_in_dim3A_57 = vector.shape_cast %scan3A_54 : vector<2x1x1xf32> to vector<2x1x1xf32>
      %broadcast_in_dim3A_58 = vector.broadcast %broadcast_in_dim3A_57 : vector<2x1x1xf32> to vector<2x8x128xf32>
      %get3A_59 = arith.constant 0 : index
      %get3A_60 = arith.constant 0 : index
      %get3A_61 = arith.constant 0 : index
      %get3A_62 = vector.load %arg3[%get3A_59, %get3A_60, %get3A_61] : memref<2x8x128xf32, #tpu.memory_space<vmem>>, vector<2x8x128xf32>
      %select_n3A = arith.select %eq3A_56, %broadcast_in_dim3A_58, %get3A_62 : vector<2x8x128xi1>, vector<2x8x128xf32>
      %swap3A_63 = arith.constant 0 : index
      %swap3A_64 = arith.constant 0 : index
      %swap3A_65 = arith.constant 0 : index
      %swap3A_66 = vector.load %arg3[%swap3A_63, %swap3A_64, %swap3A_65] : memref<2x8x128xf32, #tpu.memory_space<vmem>>, vector<2x8x128xf32>
      tpu.vector_store %arg3[%swap3A_63, %swap3A_64, %swap3A_65], %select_n3A {strides = array<i32>} : memref<2x8x128xf32, #tpu.memory_space<vmem>>, vector<2x8x128xf32>,
      %eq3A_67 = vector.broadcast %scan3A_54 : vector<2x1x1xf32> to vector<2x32x128xf32>
      %eq3A_68 = arith.cmpf oeq, %convert_element_type3A, %eq3A_67 : vector<2x32x128xf32>
      %jit3A = arith.constant 0.000000e+00 : f32
      %broadcast_in_dim3A_69 = vector.broadcast %jit3A : f32 to vector<2x32x128xf32>
      %select_n3A_70 = arith.select %eq3A_68, %get3A_4, %broadcast_in_dim3A_69 : vector<2x32x128xi1>, vector<2x32x128xf32>
      %reduce_sum3A = arith.constant dense<0.000000e+00> : vector<2xf32>
      %reduce_sum3A_71 = vector.multi_reduction <add>, %select_n3A_70, %reduce_sum3A [1, 2] : vector<2x32x128xf32> to vector<2xf32>
      %broadcast_in_dim3A_72 = vector.shape_cast %reduce_sum3A_71 : vector<2xf32> to vector<2x1x1xf32>
      %jit3A_73 = arith.constant 0.000000e+00 : f32
      %broadcast_in_dim3A_74 = vector.broadcast %jit3A_73 : f32 to vector<2x32x128xf32>
      %select_n3A_75 = arith.select %eq3A_68, %get3A_10, %broadcast_in_dim3A_74 : vector<2x32x128xi1>, vector<2x32x128xf32>
      %reduce_sum3A_76 = arith.constant dense<0.000000e+00> : vector<2xf32>
      %reduce_sum3A_77 = vector.multi_reduction <add>, %select_n3A_75, %reduce_sum3A_76 [1, 2] : vector<2x32x128xf32> to vector<2xf32>
      %broadcast_in_dim3A_78 = vector.shape_cast %reduce_sum3A_77 : vector<2xf32> to vector<2x1x1xf32>
      %jit3A_79 = arith.constant 0.000000e+00 : f32
      %broadcast_in_dim3A_80 = vector.broadcast %jit3A_79 : f32 to vector<2x32x128xf32>
      %select_n3A_81 = arith.select %eq3A_68, %get3A_16, %broadcast_in_dim3A_80 : vector<2x32x128xi1>, vector<2x32x128xf32>
      %reduce_sum3A_82 = arith.constant dense<0.000000e+00> : vector<2xf32>
      %reduce_sum3A_83 = vector.multi_reduction <add>, %select_n3A_81, %reduce_sum3A_82 [1, 2] : vector<2x32x128xf32> to vector<2xf32>
      %broadcast_in_dim3A_84 = vector.shape_cast %reduce_sum3A_83 : vector<2xf32> to vector<2x1x1xf32>
      %sub3A = vector.broadcast %broadcast_in_dim3A_72 : vector<2x1x1xf32> to vector<2x32x128xf32>
      %sub3A_85 = arith.subf %get3A_4, %sub3A : vector<2x32x128xf32>
      %sub3A_86 = vector.broadcast %broadcast_in_dim3A_78 : vector<2x1x1xf32> to vector<2x32x128xf32>
      %sub3A_87 = arith.subf %get3A_10, %sub3A_86 : vector<2x32x128xf32>
      %sub3A_88 = vector.broadcast %broadcast_in_dim3A_84 : vector<2x1x1xf32> to vector<2x32x128xf32>
      %sub3A_89 = arith.subf %get3A_16, %sub3A_88 : vector<2x32x128xf32>
      %mul3A_90 = arith.mulf %sub3A_85, %sub3A_85 : vector<2x32x128xf32>
      %mul3A_91 = arith.mulf %sub3A_87, %sub3A_87 : vector<2x32x128xf32>
      %add3A_92 = arith.addf %mul3A_90, %mul3A_91 : vector<2x32x128xf32>
      %mul3A_93 = arith.mulf %sub3A_89, %sub3A_89 : vector<2x32x128xf32>
      %add3A_94 = arith.addf %add3A_92, %mul3A_93 : vector<2x32x128xf32>
      %get3A_95 = arith.constant 0 : index
      %get3A_96 = arith.constant 0 : index
      %get3A_97 = arith.constant 0 : index
      %get3A_98 = vector.load %arg2[%get3A_95, %get3A_96, %get3A_97] : memref<2x32x128xf32, #tpu.memory_space<vmem>>, vector<2x32x128xf32>
      %min3A = arith.minimumf %get3A_98, %add3A_94 : vector<2x32x128xf32>
      %swap3A_99 = arith.constant 0 : index
      %swap3A_100 = arith.constant 0 : index
      %swap3A_101 = arith.constant 0 : index
      %swap3A_102 = vector.load %arg2[%swap3A_99, %swap3A_100, %swap3A_101] : memref<2x32x128xf32, #tpu.memory_space<vmem>>, vector<2x32x128xf32>
      tpu.vector_store %arg2[%swap3A_99, %swap3A_100, %swap3A_101], %min3A {strides = array<i32>} : memref<2x32x128xf32, #tpu.memory_space<vmem>>, vector<2x32x128xf32>,
      %reduce_max3A = arith.constant dense<0xFF800000> : vector<2xf32>
      %reduce_max3A_103 = vector.multi_reduction <maximumf>, %min3A, %reduce_max3A [1, 2] : vector<2x32x128xf32> to vector<2xf32>
      %broadcast_in_dim3A_104 = vector.shape_cast %reduce_max3A_103 : vector<2xf32> to vector<2x1x1xf32>
      %eq3A_105 = vector.broadcast %broadcast_in_dim3A_104 : vector<2x1x1xf32> to vector<2x32x128xf32>
      %eq3A_106 = arith.cmpf oeq, %min3A, %eq3A_105 : vector<2x32x128xf32>
      %jit3A_107 = arith.constant 1.000000e+09 : f32
      %broadcast_in_dim3A_108 = vector.broadcast %jit3A_107 : f32 to vector<2x32x128xf32>
      %select_n3A_109 = arith.select %eq3A_106, %convert_element_type3A, %broadcast_in_dim3A_108 : vector<2x32x128xi1>, vector<2x32x128xf32>
      %reduce_min3A = arith.constant dense<0x7F800000> : vector<2xf32>
      %reduce_min3A_110 = vector.multi_reduction <minimumf>, %select_n3A_109, %reduce_min3A [1, 2] : vector<2x32x128xf32> to vector<2xf32>
      %broadcast_in_dim3A_111 = vector.shape_cast %reduce_min3A_110 : vector<2xf32> to vector<2x1x1xf32>
      scf.yield %broadcast_in_dim3A_111 : vector<2x1x1xf32>
    }
    %scan3A_43 = arith.constant 1024 : i32
    %get3A_44 = arith.constant 0 : index
    %get3A_45 = arith.constant 0 : index
    %get3A_46 = arith.constant 0 : index
    %get3A_47 = vector.load %arg3[%get3A_44, %get3A_45, %get3A_46] : memref<2x8x128xf32, #tpu.memory_space<vmem>>, vector<2x8x128xf32>
    %convert_element_type3A_48 = arith.fptosi %get3A_47 : vector<2x8x128xf32> to vector<2x8x128xi32>
    %swap3A_49 = arith.constant 0 : index
    %swap3A_50 = arith.constant 0 : index
    %swap3A_51 = arith.constant 0 : index
    %swap3A_52 = vector.load %arg1[%swap3A_49, %swap3A_50, %swap3A_51] : memref<2x8x128xi32, #tpu.memory_space<vmem>>, vector<2x8x128xi32>
    tpu.vector_store %arg1[%swap3A_49, %swap3A_50, %swap3A_51], %convert_element_type3A_48 {strides = array<i32>} : memref<2x8x128xi32, #tpu.memory_space<vmem>>, vector<2x8x128xi32>,
    return
  }
}

module attributes {stable_mosaic.version = 14 : i64} {
  func.func @_fps_body(%arg0: memref<2x3x8x128xf32, #tpu.memory_space<vmem>>, %arg1: memref<2x2x128xi32, #tpu.memory_space<vmem>>, %arg2: memref<2x8x128xf32, #tpu.memory_space<vmem>>, %arg3: memref<2x2x128xf32, #tpu.memory_space<vmem>>) attributes {dimension_semantics = [], scalar_prefetch = 0 : i64, scratch_operands = 2 : i64, tpu.core_type = #tpu.core_type<tc>} {
    %get3A = arith.constant 0 : index
    %get3A_0 = arith.constant 0 : index
    %get3A_1 = arith.constant 0 : index
    %get3A_2 = arith.constant 0 : index
    %get3A_3 = vector.load %arg0[%get3A, %get3A_0, %get3A_1, %get3A_2] : memref<2x3x8x128xf32, #tpu.memory_space<vmem>>, vector<2x1x8x128xf32>
    %get3A_4 = vector.shape_cast %get3A_3 : vector<2x1x8x128xf32> to vector<2x8x128xf32>
    %get3A_5 = arith.constant 0 : index
    %get3A_6 = arith.constant 1 : index
    %get3A_7 = arith.constant 0 : index
    %get3A_8 = arith.constant 0 : index
    %get3A_9 = vector.load %arg0[%get3A_5, %get3A_6, %get3A_7, %get3A_8] : memref<2x3x8x128xf32, #tpu.memory_space<vmem>>, vector<2x1x8x128xf32>
    %get3A_10 = vector.shape_cast %get3A_9 : vector<2x1x8x128xf32> to vector<2x8x128xf32>
    %get3A_11 = arith.constant 0 : index
    %get3A_12 = arith.constant 2 : index
    %get3A_13 = arith.constant 0 : index
    %get3A_14 = arith.constant 0 : index
    %get3A_15 = vector.load %arg0[%get3A_11, %get3A_12, %get3A_13, %get3A_14] : memref<2x3x8x128xf32, #tpu.memory_space<vmem>>, vector<2x1x8x128xf32>
    %get3A_16 = vector.shape_cast %get3A_15 : vector<2x1x8x128xf32> to vector<2x8x128xf32>
    %iota3A = tpu.iota {dimensions = array<i32: 1>} : vector<2x8x128xi32>
    %mul3A = arith.constant 128 : i32
    %mul3A_17 = vector.broadcast %mul3A : i32 to vector<2x8x128xi32>
    %mul3A_18 = arith.muli %iota3A, %mul3A_17 : vector<2x8x128xi32>
    %iota3A_19 = tpu.iota {dimensions = array<i32: 2>} : vector<2x8x128xi32>
    %add3A = arith.addi %mul3A_18, %iota3A_19 : vector<2x8x128xi32>
    %convert_element_type3A = arith.sitofp %add3A : vector<2x8x128xi32> to vector<2x8x128xf32>
    %iota3A_20 = tpu.iota {dimensions = array<i32: 1>} : vector<2x2x128xi32>
    %mul3A_21 = arith.constant 128 : i32
    %mul3A_22 = vector.broadcast %mul3A_21 : i32 to vector<2x2x128xi32>
    %mul3A_23 = arith.muli %iota3A_20, %mul3A_22 : vector<2x2x128xi32>
    %iota3A_24 = tpu.iota {dimensions = array<i32: 2>} : vector<2x2x128xi32>
    %add3A_25 = arith.addi %mul3A_23, %iota3A_24 : vector<2x2x128xi32>
    %convert_element_type3A_26 = arith.sitofp %add3A_25 : vector<2x2x128xi32> to vector<2x2x128xf32>
    %broadcast_in_dim3A = arith.constant 1.000000e+10 : f32
    %broadcast_in_dim3A_27 = vector.broadcast %broadcast_in_dim3A : f32 to vector<2x8x128xf32>
    %swap3A = arith.constant 0 : index
    %swap3A_28 = arith.constant 0 : index
    %swap3A_29 = arith.constant 0 : index
    %swap3A_30 = vector.load %arg2[%swap3A, %swap3A_28, %swap3A_29] : memref<2x8x128xf32, #tpu.memory_space<vmem>>, vector<2x8x128xf32>
    tpu.vector_store %arg2[%swap3A, %swap3A_28, %swap3A_29], %broadcast_in_dim3A_27 {strides = array<i32>} : memref<2x8x128xf32, #tpu.memory_space<vmem>>, vector<2x8x128xf32>,
    %broadcast_in_dim3A_31 = arith.constant 0.000000e+00 : f32
    %broadcast_in_dim3A_32 = vector.broadcast %broadcast_in_dim3A_31 : f32 to vector<2x2x128xf32>
    %swap3A_33 = arith.constant 0 : index
    %swap3A_34 = arith.constant 0 : index
    %swap3A_35 = arith.constant 0 : index
    %swap3A_36 = vector.load %arg3[%swap3A_33, %swap3A_34, %swap3A_35] : memref<2x2x128xf32, #tpu.memory_space<vmem>>, vector<2x2x128xf32>
    tpu.vector_store %arg3[%swap3A_33, %swap3A_34, %swap3A_35], %broadcast_in_dim3A_32 {strides = array<i32>} : memref<2x2x128xf32, #tpu.memory_space<vmem>>, vector<2x2x128xf32>,
    %broadcast_in_dim3A_37 = arith.constant 0.000000e+00 : f32
    %broadcast_in_dim3A_38 = vector.broadcast %broadcast_in_dim3A_37 : f32 to vector<2x1x1xf32>
    %scan3A = arith.constant 0 : i32
    %scan3A_39 = arith.constant 256 : i32
    %scan3A_40 = arith.addi %scan3A, %scan3A_39 : i32
    %scan3A_41 = arith.constant 1 : i32
    %scan3A_42 = scf.for %scan3A_53 = %scan3A to %scan3A_40 step %scan3A_41 iter_args(%scan3A_54 = %broadcast_in_dim3A_38) -> (vector<2x1x1xf32>)  : i32 {
      %convert_element_type3A_55 = arith.sitofp %scan3A_53 : i32 to f32
      %eq3A = vector.broadcast %convert_element_type3A_55 : f32 to vector<2x2x128xf32>
      %eq3A_56 = arith.cmpf oeq, %convert_element_type3A_26, %eq3A : vector<2x2x128xf32>
      %broadcast_in_dim3A_57 = vector.shape_cast %scan3A_54 : vector<2x1x1xf32> to vector<2x1x1xf32>
      %broadcast_in_dim3A_58 = vector.broadcast %broadcast_in_dim3A_57 : vector<2x1x1xf32> to vector<2x2x128xf32>
      %get3A_59 = arith.constant 0 : index
      %get3A_60 = arith.constant 0 : index
      %get3A_61 = arith.constant 0 : index
      %get3A_62 = vector.load %arg3[%get3A_59, %get3A_60, %get3A_61] : memref<2x2x128xf32, #tpu.memory_space<vmem>>, vector<2x2x128xf32>
      %select_n3A = arith.select %eq3A_56, %broadcast_in_dim3A_58, %get3A_62 : vector<2x2x128xi1>, vector<2x2x128xf32>
      %swap3A_63 = arith.constant 0 : index
      %swap3A_64 = arith.constant 0 : index
      %swap3A_65 = arith.constant 0 : index
      %swap3A_66 = vector.load %arg3[%swap3A_63, %swap3A_64, %swap3A_65] : memref<2x2x128xf32, #tpu.memory_space<vmem>>, vector<2x2x128xf32>
      tpu.vector_store %arg3[%swap3A_63, %swap3A_64, %swap3A_65], %select_n3A {strides = array<i32>} : memref<2x2x128xf32, #tpu.memory_space<vmem>>, vector<2x2x128xf32>,
      %eq3A_67 = vector.broadcast %scan3A_54 : vector<2x1x1xf32> to vector<2x8x128xf32>
      %eq3A_68 = arith.cmpf oeq, %convert_element_type3A, %eq3A_67 : vector<2x8x128xf32>
      %jit3A = arith.constant 0.000000e+00 : f32
      %broadcast_in_dim3A_69 = vector.broadcast %jit3A : f32 to vector<2x8x128xf32>
      %select_n3A_70 = arith.select %eq3A_68, %get3A_4, %broadcast_in_dim3A_69 : vector<2x8x128xi1>, vector<2x8x128xf32>
      %reduce_sum3A = arith.constant dense<0.000000e+00> : vector<2xf32>
      %reduce_sum3A_71 = vector.multi_reduction <add>, %select_n3A_70, %reduce_sum3A [1, 2] : vector<2x8x128xf32> to vector<2xf32>
      %broadcast_in_dim3A_72 = vector.shape_cast %reduce_sum3A_71 : vector<2xf32> to vector<2x1x1xf32>
      %jit3A_73 = arith.constant 0.000000e+00 : f32
      %broadcast_in_dim3A_74 = vector.broadcast %jit3A_73 : f32 to vector<2x8x128xf32>
      %select_n3A_75 = arith.select %eq3A_68, %get3A_10, %broadcast_in_dim3A_74 : vector<2x8x128xi1>, vector<2x8x128xf32>
      %reduce_sum3A_76 = arith.constant dense<0.000000e+00> : vector<2xf32>
      %reduce_sum3A_77 = vector.multi_reduction <add>, %select_n3A_75, %reduce_sum3A_76 [1, 2] : vector<2x8x128xf32> to vector<2xf32>
      %broadcast_in_dim3A_78 = vector.shape_cast %reduce_sum3A_77 : vector<2xf32> to vector<2x1x1xf32>
      %jit3A_79 = arith.constant 0.000000e+00 : f32
      %broadcast_in_dim3A_80 = vector.broadcast %jit3A_79 : f32 to vector<2x8x128xf32>
      %select_n3A_81 = arith.select %eq3A_68, %get3A_16, %broadcast_in_dim3A_80 : vector<2x8x128xi1>, vector<2x8x128xf32>
      %reduce_sum3A_82 = arith.constant dense<0.000000e+00> : vector<2xf32>
      %reduce_sum3A_83 = vector.multi_reduction <add>, %select_n3A_81, %reduce_sum3A_82 [1, 2] : vector<2x8x128xf32> to vector<2xf32>
      %broadcast_in_dim3A_84 = vector.shape_cast %reduce_sum3A_83 : vector<2xf32> to vector<2x1x1xf32>
      %sub3A = vector.broadcast %broadcast_in_dim3A_72 : vector<2x1x1xf32> to vector<2x8x128xf32>
      %sub3A_85 = arith.subf %get3A_4, %sub3A : vector<2x8x128xf32>
      %sub3A_86 = vector.broadcast %broadcast_in_dim3A_78 : vector<2x1x1xf32> to vector<2x8x128xf32>
      %sub3A_87 = arith.subf %get3A_10, %sub3A_86 : vector<2x8x128xf32>
      %sub3A_88 = vector.broadcast %broadcast_in_dim3A_84 : vector<2x1x1xf32> to vector<2x8x128xf32>
      %sub3A_89 = arith.subf %get3A_16, %sub3A_88 : vector<2x8x128xf32>
      %mul3A_90 = arith.mulf %sub3A_85, %sub3A_85 : vector<2x8x128xf32>
      %mul3A_91 = arith.mulf %sub3A_87, %sub3A_87 : vector<2x8x128xf32>
      %add3A_92 = arith.addf %mul3A_90, %mul3A_91 : vector<2x8x128xf32>
      %mul3A_93 = arith.mulf %sub3A_89, %sub3A_89 : vector<2x8x128xf32>
      %add3A_94 = arith.addf %add3A_92, %mul3A_93 : vector<2x8x128xf32>
      %get3A_95 = arith.constant 0 : index
      %get3A_96 = arith.constant 0 : index
      %get3A_97 = arith.constant 0 : index
      %get3A_98 = vector.load %arg2[%get3A_95, %get3A_96, %get3A_97] : memref<2x8x128xf32, #tpu.memory_space<vmem>>, vector<2x8x128xf32>
      %min3A = arith.minimumf %get3A_98, %add3A_94 : vector<2x8x128xf32>
      %swap3A_99 = arith.constant 0 : index
      %swap3A_100 = arith.constant 0 : index
      %swap3A_101 = arith.constant 0 : index
      %swap3A_102 = vector.load %arg2[%swap3A_99, %swap3A_100, %swap3A_101] : memref<2x8x128xf32, #tpu.memory_space<vmem>>, vector<2x8x128xf32>
      tpu.vector_store %arg2[%swap3A_99, %swap3A_100, %swap3A_101], %min3A {strides = array<i32>} : memref<2x8x128xf32, #tpu.memory_space<vmem>>, vector<2x8x128xf32>,
      %reduce_max3A = arith.constant dense<0xFF800000> : vector<2xf32>
      %reduce_max3A_103 = vector.multi_reduction <maximumf>, %min3A, %reduce_max3A [1, 2] : vector<2x8x128xf32> to vector<2xf32>
      %broadcast_in_dim3A_104 = vector.shape_cast %reduce_max3A_103 : vector<2xf32> to vector<2x1x1xf32>
      %eq3A_105 = vector.broadcast %broadcast_in_dim3A_104 : vector<2x1x1xf32> to vector<2x8x128xf32>
      %eq3A_106 = arith.cmpf oeq, %min3A, %eq3A_105 : vector<2x8x128xf32>
      %jit3A_107 = arith.constant 1.000000e+09 : f32
      %broadcast_in_dim3A_108 = vector.broadcast %jit3A_107 : f32 to vector<2x8x128xf32>
      %select_n3A_109 = arith.select %eq3A_106, %convert_element_type3A, %broadcast_in_dim3A_108 : vector<2x8x128xi1>, vector<2x8x128xf32>
      %reduce_min3A = arith.constant dense<0x7F800000> : vector<2xf32>
      %reduce_min3A_110 = vector.multi_reduction <minimumf>, %select_n3A_109, %reduce_min3A [1, 2] : vector<2x8x128xf32> to vector<2xf32>
      %broadcast_in_dim3A_111 = vector.shape_cast %reduce_min3A_110 : vector<2xf32> to vector<2x1x1xf32>
      scf.yield %broadcast_in_dim3A_111 : vector<2x1x1xf32>
    }
    %scan3A_43 = arith.constant 256 : i32
    %get3A_44 = arith.constant 0 : index
    %get3A_45 = arith.constant 0 : index
    %get3A_46 = arith.constant 0 : index
    %get3A_47 = vector.load %arg3[%get3A_44, %get3A_45, %get3A_46] : memref<2x2x128xf32, #tpu.memory_space<vmem>>, vector<2x2x128xf32>
    %convert_element_type3A_48 = arith.fptosi %get3A_47 : vector<2x2x128xf32> to vector<2x2x128xi32>
    %swap3A_49 = arith.constant 0 : index
    %swap3A_50 = arith.constant 0 : index
    %swap3A_51 = arith.constant 0 : index
    %swap3A_52 = vector.load %arg1[%swap3A_49, %swap3A_50, %swap3A_51] : memref<2x2x128xi32, #tpu.memory_space<vmem>>, vector<2x2x128xi32>
    tpu.vector_store %arg1[%swap3A_49, %swap3A_50, %swap3A_51], %convert_element_type3A_48 {strides = array<i32>} : memref<2x2x128xi32, #tpu.memory_space<vmem>>, vector<2x2x128xi32>,
    return
  }
}

module attributes {stable_mosaic.version = 14 : i64} {
  func.func @_fps_body(%arg0: memref<2x3x2x128xf32, #tpu.memory_space<vmem>>, %arg1: memref<2x1x128xi32, #tpu.memory_space<vmem>>, %arg2: memref<2x2x128xf32, #tpu.memory_space<vmem>>, %arg3: memref<2x1x128xf32, #tpu.memory_space<vmem>>) attributes {dimension_semantics = [], scalar_prefetch = 0 : i64, scratch_operands = 2 : i64, tpu.core_type = #tpu.core_type<tc>} {
    %get3A = arith.constant 0 : index
    %get3A_0 = arith.constant 0 : index
    %get3A_1 = arith.constant 0 : index
    %get3A_2 = arith.constant 0 : index
    %get3A_3 = vector.load %arg0[%get3A, %get3A_0, %get3A_1, %get3A_2] : memref<2x3x2x128xf32, #tpu.memory_space<vmem>>, vector<2x1x2x128xf32>
    %get3A_4 = vector.shape_cast %get3A_3 : vector<2x1x2x128xf32> to vector<2x2x128xf32>
    %get3A_5 = arith.constant 0 : index
    %get3A_6 = arith.constant 1 : index
    %get3A_7 = arith.constant 0 : index
    %get3A_8 = arith.constant 0 : index
    %get3A_9 = vector.load %arg0[%get3A_5, %get3A_6, %get3A_7, %get3A_8] : memref<2x3x2x128xf32, #tpu.memory_space<vmem>>, vector<2x1x2x128xf32>
    %get3A_10 = vector.shape_cast %get3A_9 : vector<2x1x2x128xf32> to vector<2x2x128xf32>
    %get3A_11 = arith.constant 0 : index
    %get3A_12 = arith.constant 2 : index
    %get3A_13 = arith.constant 0 : index
    %get3A_14 = arith.constant 0 : index
    %get3A_15 = vector.load %arg0[%get3A_11, %get3A_12, %get3A_13, %get3A_14] : memref<2x3x2x128xf32, #tpu.memory_space<vmem>>, vector<2x1x2x128xf32>
    %get3A_16 = vector.shape_cast %get3A_15 : vector<2x1x2x128xf32> to vector<2x2x128xf32>
    %iota3A = tpu.iota {dimensions = array<i32: 1>} : vector<2x2x128xi32>
    %mul3A = arith.constant 128 : i32
    %mul3A_17 = vector.broadcast %mul3A : i32 to vector<2x2x128xi32>
    %mul3A_18 = arith.muli %iota3A, %mul3A_17 : vector<2x2x128xi32>
    %iota3A_19 = tpu.iota {dimensions = array<i32: 2>} : vector<2x2x128xi32>
    %add3A = arith.addi %mul3A_18, %iota3A_19 : vector<2x2x128xi32>
    %convert_element_type3A = arith.sitofp %add3A : vector<2x2x128xi32> to vector<2x2x128xf32>
    %iota3A_20 = tpu.iota {dimensions = array<i32: 1>} : vector<2x1x128xi32>
    %mul3A_21 = arith.constant 128 : i32
    %mul3A_22 = vector.broadcast %mul3A_21 : i32 to vector<2x1x128xi32>
    %mul3A_23 = arith.muli %iota3A_20, %mul3A_22 : vector<2x1x128xi32>
    %iota3A_24 = tpu.iota {dimensions = array<i32: 2>} : vector<2x1x128xi32>
    %add3A_25 = arith.addi %mul3A_23, %iota3A_24 : vector<2x1x128xi32>
    %convert_element_type3A_26 = arith.sitofp %add3A_25 : vector<2x1x128xi32> to vector<2x1x128xf32>
    %broadcast_in_dim3A = arith.constant 1.000000e+10 : f32
    %broadcast_in_dim3A_27 = vector.broadcast %broadcast_in_dim3A : f32 to vector<2x2x128xf32>
    %swap3A = arith.constant 0 : index
    %swap3A_28 = arith.constant 0 : index
    %swap3A_29 = arith.constant 0 : index
    %swap3A_30 = vector.load %arg2[%swap3A, %swap3A_28, %swap3A_29] : memref<2x2x128xf32, #tpu.memory_space<vmem>>, vector<2x2x128xf32>
    tpu.vector_store %arg2[%swap3A, %swap3A_28, %swap3A_29], %broadcast_in_dim3A_27 {strides = array<i32>} : memref<2x2x128xf32, #tpu.memory_space<vmem>>, vector<2x2x128xf32>,
    %broadcast_in_dim3A_31 = arith.constant 0.000000e+00 : f32
    %broadcast_in_dim3A_32 = vector.broadcast %broadcast_in_dim3A_31 : f32 to vector<2x1x128xf32>
    %swap3A_33 = arith.constant 0 : index
    %swap3A_34 = arith.constant 0 : index
    %swap3A_35 = arith.constant 0 : index
    %swap3A_36 = vector.load %arg3[%swap3A_33, %swap3A_34, %swap3A_35] : memref<2x1x128xf32, #tpu.memory_space<vmem>>, vector<2x1x128xf32>
    tpu.vector_store %arg3[%swap3A_33, %swap3A_34, %swap3A_35], %broadcast_in_dim3A_32 {strides = array<i32>} : memref<2x1x128xf32, #tpu.memory_space<vmem>>, vector<2x1x128xf32>,
    %broadcast_in_dim3A_37 = arith.constant 0.000000e+00 : f32
    %broadcast_in_dim3A_38 = vector.broadcast %broadcast_in_dim3A_37 : f32 to vector<2x1x1xf32>
    %scan3A = arith.constant 0 : i32
    %scan3A_39 = arith.constant 64 : i32
    %scan3A_40 = arith.addi %scan3A, %scan3A_39 : i32
    %scan3A_41 = arith.constant 1 : i32
    %scan3A_42 = scf.for %scan3A_53 = %scan3A to %scan3A_40 step %scan3A_41 iter_args(%scan3A_54 = %broadcast_in_dim3A_38) -> (vector<2x1x1xf32>)  : i32 {
      %convert_element_type3A_55 = arith.sitofp %scan3A_53 : i32 to f32
      %eq3A = vector.broadcast %convert_element_type3A_55 : f32 to vector<2x1x128xf32>
      %eq3A_56 = arith.cmpf oeq, %convert_element_type3A_26, %eq3A : vector<2x1x128xf32>
      %broadcast_in_dim3A_57 = vector.shape_cast %scan3A_54 : vector<2x1x1xf32> to vector<2x1x1xf32>
      %broadcast_in_dim3A_58 = vector.broadcast %broadcast_in_dim3A_57 : vector<2x1x1xf32> to vector<2x1x128xf32>
      %get3A_59 = arith.constant 0 : index
      %get3A_60 = arith.constant 0 : index
      %get3A_61 = arith.constant 0 : index
      %get3A_62 = vector.load %arg3[%get3A_59, %get3A_60, %get3A_61] : memref<2x1x128xf32, #tpu.memory_space<vmem>>, vector<2x1x128xf32>
      %select_n3A = arith.select %eq3A_56, %broadcast_in_dim3A_58, %get3A_62 : vector<2x1x128xi1>, vector<2x1x128xf32>
      %swap3A_63 = arith.constant 0 : index
      %swap3A_64 = arith.constant 0 : index
      %swap3A_65 = arith.constant 0 : index
      %swap3A_66 = vector.load %arg3[%swap3A_63, %swap3A_64, %swap3A_65] : memref<2x1x128xf32, #tpu.memory_space<vmem>>, vector<2x1x128xf32>
      tpu.vector_store %arg3[%swap3A_63, %swap3A_64, %swap3A_65], %select_n3A {strides = array<i32>} : memref<2x1x128xf32, #tpu.memory_space<vmem>>, vector<2x1x128xf32>,
      %eq3A_67 = vector.broadcast %scan3A_54 : vector<2x1x1xf32> to vector<2x2x128xf32>
      %eq3A_68 = arith.cmpf oeq, %convert_element_type3A, %eq3A_67 : vector<2x2x128xf32>
      %jit3A = arith.constant 0.000000e+00 : f32
      %broadcast_in_dim3A_69 = vector.broadcast %jit3A : f32 to vector<2x2x128xf32>
      %select_n3A_70 = arith.select %eq3A_68, %get3A_4, %broadcast_in_dim3A_69 : vector<2x2x128xi1>, vector<2x2x128xf32>
      %reduce_sum3A = arith.constant dense<0.000000e+00> : vector<2xf32>
      %reduce_sum3A_71 = vector.multi_reduction <add>, %select_n3A_70, %reduce_sum3A [1, 2] : vector<2x2x128xf32> to vector<2xf32>
      %broadcast_in_dim3A_72 = vector.shape_cast %reduce_sum3A_71 : vector<2xf32> to vector<2x1x1xf32>
      %jit3A_73 = arith.constant 0.000000e+00 : f32
      %broadcast_in_dim3A_74 = vector.broadcast %jit3A_73 : f32 to vector<2x2x128xf32>
      %select_n3A_75 = arith.select %eq3A_68, %get3A_10, %broadcast_in_dim3A_74 : vector<2x2x128xi1>, vector<2x2x128xf32>
      %reduce_sum3A_76 = arith.constant dense<0.000000e+00> : vector<2xf32>
      %reduce_sum3A_77 = vector.multi_reduction <add>, %select_n3A_75, %reduce_sum3A_76 [1, 2] : vector<2x2x128xf32> to vector<2xf32>
      %broadcast_in_dim3A_78 = vector.shape_cast %reduce_sum3A_77 : vector<2xf32> to vector<2x1x1xf32>
      %jit3A_79 = arith.constant 0.000000e+00 : f32
      %broadcast_in_dim3A_80 = vector.broadcast %jit3A_79 : f32 to vector<2x2x128xf32>
      %select_n3A_81 = arith.select %eq3A_68, %get3A_16, %broadcast_in_dim3A_80 : vector<2x2x128xi1>, vector<2x2x128xf32>
      %reduce_sum3A_82 = arith.constant dense<0.000000e+00> : vector<2xf32>
      %reduce_sum3A_83 = vector.multi_reduction <add>, %select_n3A_81, %reduce_sum3A_82 [1, 2] : vector<2x2x128xf32> to vector<2xf32>
      %broadcast_in_dim3A_84 = vector.shape_cast %reduce_sum3A_83 : vector<2xf32> to vector<2x1x1xf32>
      %sub3A = vector.broadcast %broadcast_in_dim3A_72 : vector<2x1x1xf32> to vector<2x2x128xf32>
      %sub3A_85 = arith.subf %get3A_4, %sub3A : vector<2x2x128xf32>
      %sub3A_86 = vector.broadcast %broadcast_in_dim3A_78 : vector<2x1x1xf32> to vector<2x2x128xf32>
      %sub3A_87 = arith.subf %get3A_10, %sub3A_86 : vector<2x2x128xf32>
      %sub3A_88 = vector.broadcast %broadcast_in_dim3A_84 : vector<2x1x1xf32> to vector<2x2x128xf32>
      %sub3A_89 = arith.subf %get3A_16, %sub3A_88 : vector<2x2x128xf32>
      %mul3A_90 = arith.mulf %sub3A_85, %sub3A_85 : vector<2x2x128xf32>
      %mul3A_91 = arith.mulf %sub3A_87, %sub3A_87 : vector<2x2x128xf32>
      %add3A_92 = arith.addf %mul3A_90, %mul3A_91 : vector<2x2x128xf32>
      %mul3A_93 = arith.mulf %sub3A_89, %sub3A_89 : vector<2x2x128xf32>
      %add3A_94 = arith.addf %add3A_92, %mul3A_93 : vector<2x2x128xf32>
      %get3A_95 = arith.constant 0 : index
      %get3A_96 = arith.constant 0 : index
      %get3A_97 = arith.constant 0 : index
      %get3A_98 = vector.load %arg2[%get3A_95, %get3A_96, %get3A_97] : memref<2x2x128xf32, #tpu.memory_space<vmem>>, vector<2x2x128xf32>
      %min3A = arith.minimumf %get3A_98, %add3A_94 : vector<2x2x128xf32>
      %swap3A_99 = arith.constant 0 : index
      %swap3A_100 = arith.constant 0 : index
      %swap3A_101 = arith.constant 0 : index
      %swap3A_102 = vector.load %arg2[%swap3A_99, %swap3A_100, %swap3A_101] : memref<2x2x128xf32, #tpu.memory_space<vmem>>, vector<2x2x128xf32>
      tpu.vector_store %arg2[%swap3A_99, %swap3A_100, %swap3A_101], %min3A {strides = array<i32>} : memref<2x2x128xf32, #tpu.memory_space<vmem>>, vector<2x2x128xf32>,
      %reduce_max3A = arith.constant dense<0xFF800000> : vector<2xf32>
      %reduce_max3A_103 = vector.multi_reduction <maximumf>, %min3A, %reduce_max3A [1, 2] : vector<2x2x128xf32> to vector<2xf32>
      %broadcast_in_dim3A_104 = vector.shape_cast %reduce_max3A_103 : vector<2xf32> to vector<2x1x1xf32>
      %eq3A_105 = vector.broadcast %broadcast_in_dim3A_104 : vector<2x1x1xf32> to vector<2x2x128xf32>
      %eq3A_106 = arith.cmpf oeq, %min3A, %eq3A_105 : vector<2x2x128xf32>
      %jit3A_107 = arith.constant 1.000000e+09 : f32
      %broadcast_in_dim3A_108 = vector.broadcast %jit3A_107 : f32 to vector<2x2x128xf32>
      %select_n3A_109 = arith.select %eq3A_106, %convert_element_type3A, %broadcast_in_dim3A_108 : vector<2x2x128xi1>, vector<2x2x128xf32>
      %reduce_min3A = arith.constant dense<0x7F800000> : vector<2xf32>
      %reduce_min3A_110 = vector.multi_reduction <minimumf>, %select_n3A_109, %reduce_min3A [1, 2] : vector<2x2x128xf32> to vector<2xf32>
      %broadcast_in_dim3A_111 = vector.shape_cast %reduce_min3A_110 : vector<2xf32> to vector<2x1x1xf32>
      scf.yield %broadcast_in_dim3A_111 : vector<2x1x1xf32>
    }
    %scan3A_43 = arith.constant 64 : i32
    %get3A_44 = arith.constant 0 : index
    %get3A_45 = arith.constant 0 : index
    %get3A_46 = arith.constant 0 : index
    %get3A_47 = vector.load %arg3[%get3A_44, %get3A_45, %get3A_46] : memref<2x1x128xf32, #tpu.memory_space<vmem>>, vector<2x1x128xf32>
    %convert_element_type3A_48 = arith.fptosi %get3A_47 : vector<2x1x128xf32> to vector<2x1x128xi32>
    %swap3A_49 = arith.constant 0 : index
    %swap3A_50 = arith.constant 0 : index
    %swap3A_51 = arith.constant 0 : index
    %swap3A_52 = vector.load %arg1[%swap3A_49, %swap3A_50, %swap3A_51] : memref<2x1x128xi32, #tpu.memory_space<vmem>>, vector<2x1x128xi32>
    tpu.vector_store %arg1[%swap3A_49, %swap3A_50, %swap3A_51], %convert_element_type3A_48 {strides = array<i32>} : memref<2x1x128xi32, #tpu.memory_space<vmem>>, vector<2x1x128xi32>,
    return
  }
}

</mosaic_0001>

<sc_bundles>
// kernel: gather_offload_async_start.1
scs
__scs_entry_jumppad:
0x0: {  	(pc) =	sbr.rel $0x88, $3  }
0x1: {  	(tag) =	ssettag $0x0;
	lr =	simm.s32 $0x1  }
0x2: {  	[smem:$0x3F40] =	sst lr;
	_ =	strace $0xD0000000  }
0x3: {  	_ = 	snop  }
0x4: {  	_ = 	snop  }
0x5: {  	_ = 	snop  }
0x6: {  	_ = 	snop  }
0x7: {  	_ = 	snop  }
__scs_overlays_trampoline_lowered:
0x8: {  	[smem:$0x3F4F] =	sst s0  }
0x9: {  	[smem:$0x3F50] =	sst s1  }
0xa: {  	[smem:$0x3F51] =	sst s2  }
0xb: {  	[smem:$0x3F52] =	sst s3  }
0xc: {  	[smem:$0x3F53] =	sst s4  }
0xd: {  	[smem:$0x3F54] =	sst s5  }
0xe: {  	[smem:$0x3F55] =	sst s6  }
0xf: {  	[smem:$0x3F56] =	sst s7  }
0x10: {  	[smem:$0x3F57] =	sst s8  }
0x11: {  	[smem:$0x3F58] =	sst s9;
	s0 =	simm.s32 @!p0 $0x0  }
0x12: {  	s1 =	sld [smem:$0x3F3E];
	s0 =	simm.s32 @p0 $0x1  }
0x13: {  	[smem:$0x3F59] =	sst s0;
	s0 =	simm.s32 @!p1 $0x0  }
0x14: {  	s2 =	sld [smem:$0x3F3D];
	s0 =	simm.s32 @p1 $0x1  }
0x15: {  	[smem:$0x3F5A] =	sst s0;
	s0 =	simm.s32 @!p2 $0x0  }
0x16: {  	s3 =	sld [smem:$0x3FDB];
	s0 =	simm.s32 @p2 $0x1  }
0x17: {  	s4 =	simm.s32 $0x1BF5;
	[smem:$0x3F5C] =	sst s0  }
0x18: {  	s0 =	sld [smem:$0x3F3F];
	_ =	swait.ge [sflag:s4], $0x0  }
0x19: {  	s7 =	sld [smem:$0x3F40]  }
0x1a: {  	s8 =	sadd.s32 $0xFFFFE003, lr  }
0x1b: {  	s9 =	sadd.s32 $0xFFFFFEF7, lr;
	s5 =	simm.s32 $0xFFFFFFFF;
	p2 =	slt.u32 s8, $0xFFFFF086  }
0x1c: {  	p1 =	slt.u32 s9, $0xF7A;
	s5 =	simm.s32 @!p2 $0x0  }
0x1d: {  	s5 =	simm.s32 @p1 $0x1;
	p0 =	seq.s32 s7, s2  }
0x1e: {  	s7 =	smul.u32 @!p0 $0xF7A, s2;
	p2 =	seq.s32 @!p0 s5, $0x0  }
0x1f: {  	s9 =	smul.u32 $0xF7A, s1;
	s8 =	simm.s32 @!p0 $0x1BF5;
	p2 =	por !p2, p0  }
0x20: {  	[sflag:s8] =	ssyncset.s32 @!p0 $0xFFFFF086;
	s6 =	sadd.s32 @!p0 s3, s7;
	s7 =	simm.s32 @!p0 $0x108  }
0x21: {  	s3 =	sadd.s32 s3, s9;
	s6 =	sadd.s32 @!p0 $0x88, s6;
	s7 =	simm.s32 @p2 $0x1082  }
0x22: {  	[simem:s7], [sflag:s8] =	dma.local @!p0 [hbm:s6], $0xF7A  }
0x23: {  	s9 =	sor.u32 $0xD0000000, s2;
	s6 =	simm.s32 $0x108;
	_ =	swait.ge @!p0 [sflag:s8], $0x0  }
0x24: {  	s3 =	sadd.s32 $0x88, s3;
	s6 =	simm.s32 @!p1 $0x1082;
	[sflag:s4] =	ssyncset.s32 $0xFFFFF086  }
0x25: {  	[simem:s6], [sflag:s4] =	dma.local [hbm:s3], $0xF7A  }
0x26: {  	[smem:$0x3F40] =	sst s1;
	(tag) =	ssettag s2;
	_ =	strace s9  }
0x27: {  	s1 =	sld [smem:$0x3F50]  }
0x28: {  	s2 =	sld [smem:$0x3F51]  }
0x29: {  	s4 =	sld [smem:$0x3F53]  }
0x2a: {  	p0 =	seq.s32 s5, $0x0;
	s5 =	sld [smem:$0x3F54]  }
0x2b: {  	s6 =	sld [smem:$0x3F55]  }
0x2c: {  	s7 =	sld [smem:$0x3F56]  }
0x2d: {  	s3 =	simm.s32 $0x108;
	s8 =	sld [smem:$0x3F57]  }
0x2e: {  	s3 =	simm.s32 @!p0 $0x1082;
	s9 =	sld [smem:$0x3F58]  }
0x2f: {  	lr =	sadd.s32 s0, s3;
	s0 =	sld [smem:$0x3F4F]  }
0x30: {  	s3 =	sld [smem:$0x3F52]  }
0x31: {  	[smem:$0x3F5B] =	sst s10  }
0x32: {  	s10 =	sld [smem:$0x3F59];
	_ =	sdelay $0x3  }
0x33: {  	p0 =	seq.s32 s10, $0x1;
	s10 =	sld [smem:$0x3F5B];
	_ =	sdelay $0x3  }
0x34: {  	[smem:$0x3F5B] =	sst s10  }
0x35: {  	s10 =	sld [smem:$0x3F5A];
	_ =	sdelay $0x3  }
0x36: {  	p1 =	seq.s32 s10, $0x1;
	s10 =	sld [smem:$0x3F5B];
	_ =	sdelay $0x3  }
0x37: {  	[smem:$0x3F5B] =	sst s10  }
0x38: {  	s10 =	sld [smem:$0x3F5C]  }
0x39: {  	_ = 	snop;
	(pc) =	sbr.ind lr, $3  }
0x3a: {  	_ = 	snop  }
0x3b: {  	_ = 	snop  }
0x3c: {  	p2 =	seq.s32 s10, $0x1;
	s10 =	sld [smem:$0x3F5B]  }
0x3d: {  	_ =	shalt  }
0x3e: {  	_ =	shalt  }
0x3f: {  	_ =	shalt  }
0x40: {  	_ =	shalt  }
0x41: {  	_ =	shalt  }
0x42: {  	_ =	shalt  }
0x43: {  	_ =	shalt  }
0x44: {  	_ =	shalt  }
0x45: {  	_ =	shalt  }
0x46: {  	_ =	shalt  }
0x47: {  	_ =	shalt  }
0x48: {  	_ =	shalt  }
0x49: {  	_ =	shalt  }
0x4a: {  	_ =	shalt  }
0x4b: {  	_ =	shalt  }
0x4c: {  	_ =	shalt  }
0x4d: {  	_ =	shalt  }
0x4e: {  	_ =	shalt  }
0x4f: {  	_ =	shalt  }
0x50: {  	_ =	shalt  }
0x51: {  	_ =	shalt  }
0x52: {  	_ =	shalt  }
0x53: {  	_ =	shalt  }
0x54: {  	_ =	shalt  }
0x55: {  	_ =	shalt  }
0x56: {  	_ =	shalt  }
0x57: {  	_ =	shalt  }
0x58: {  	_ =	shalt  }
0x59: {  	_ =	shalt  }
0x5a: {  	_ =	shalt  }
0x5b: {  	_ =	shalt  }
0x5c: {  	_ =	shalt  }
0x5d: {  	_ =	shalt  }
0x5e: {  	_ =	shalt  }
0x5f: {  	_ =	shalt  }
0x60: {  	_ =	shalt  }
0x61: {  	_ =	shalt  }
0x62: {  	_ =	shalt  }
0x63: {  	_ =	shalt  }
0x64: {  	_ =	shalt  }
0x65: {  	_ =	shalt  }
0x66: {  	_ =	shalt  }
0x67: {  	_ =	shalt  }
0x68: {  	_ =	shalt  }
0x69: {  	_ =	shalt  }
0x6a: {  	_ =	shalt  }
0x6b: {  	_ =	shalt  }
0x6c: {  	_ =	shalt  }
0x6d: {  	_ =	shalt  }
0x6e: {  	_ =	shalt  }
0x6f: {  	_ =	shalt  }
0x70: {  	_ =	shalt  }
0x71: {  	_ =	shalt  }
0x72: {  	_ =	shalt  }
0x73: {  	_ =	shalt  }
0x74: {  	_ =	shalt  }
0x75: {  	_ =	shalt  }
0x76: {  	_ =	shalt  }
0x77: {  	_ =	shalt  }
0x78: {  	_ =	shalt  }
0x79: {  	_ =	shalt  }
0x7a: {  	_ =	shalt  }
0x7b: {  	_ =	shalt  }
0x7c: {  	_ =	shalt  }
0x7d: {  	_ =	shalt  }
0x7e: {  	_ =	shalt  }
0x7f: {  	_ =	shalt  }
0x80: {  	_ =	shalt  }
0x81: {  	_ =	shalt  }
0x82: {  	_ =	shalt  }
0x83: {  	_ =	shalt  }
0x84: {  	_ =	shalt  }
0x85: {  	_ =	shalt  }
0x86: {  	_ =	shalt  }
0x87: {  	_ =	shalt  }
.Lfunc_end0:
.L_simem_size_0:
called_computation.2_lowered:
.L_overlay_start_0:
0x88: {  	s2 =	sld [smem:$0x3FD9]  }
0x89: {  	s3 =	sld [smem:$0x3FFE];
	_ =	sdelay $0x1  }
0x8a: {  	s1 =	srdreg.scid  }
0x8b: {  	s0 =	sand.u32 $0x1, s1  }
0x8c: {  	s16 =	sshll.u32 s0, $0xA;
	s2 =	sadd.s32 s3, s2  }
0x8d: {  	s2 =	sadd.s32 s2, s16  }
0x8e: {  	[smem:$0x3F67] =	sst s2  }
0x8f: {  	_ = 	snop  }
0x90: {  	(tm) =	ssettm $0x1  }
0x91: {  	s17 =	sld [smem:$0x3FFB];
	_ =	sdelay $0x3  }
0x92: {  	_ =	strace s17  }
0x93: {  	s2 =	sld [smem:$0x3FFC];
	_ =	sdelay $0x3  }
0x94: {  	_ =	strace s2  }
0x95: {  	s2 =	sld [smem:$0x3FFD];
	_ =	sdelay $0x3  }
0x96: {  	_ =	strace s2  }
0x97: {  	_ =	strace $0x8FFFFFFF  }
0x98: {  	s18 =	sld [smem:$0x3FDB];
	_ =	sdelay $0x1  }
0x99: {  	s19 =	simm.s32 $_scs_section_size  }
0x9a: {  	s4 =	simm.s32 $_size__tile_overlayer_lowered;
	s5 =	simm.s32 $_tile_overlayer_lowered  }
0x9b: {  	s22 =	simm.s32 $0x1BFF;
	s21 =	sshll.u32 s5, $0x1;
	s2 =	sadd.s32 s19, s18  }
0x9c: {  	s6 =	simm.s32 $0x0;
	s20 =	sshll.u32 s4, $0x1;
	s4 =	sadd.s32 s21, s2  }
0x9d: {  	[timem:s6], [sflag:s22] =	dma.local [hbm:s4], s20  }
0x9e: {  	_ =	swait.ge [sflag:s22], s20  }
0x9f: {  	s3 =	ssub.s32 $0x0, s20;
	[sflag:s22] =	ssyncset.done $0x0  }
0xa0: {  	[sflag:s22] =	ssyncadd.s32 s3;
	_ =	sdelay $0x1  }
0xa1: {  	s23 =	simm.s32 $0x1B8B  }
0xa2: {  	_ =	swait.ge [sflag:s23], $0x1  }
0xa3: {  	[sflag:s23] =	ssyncset.done $0x0  }
0xa4: {  	s25 =	simm.s32 $0x1B8E;
	s24 =	sld [smem:$0x3FFE];
	[sflag:s23] =	ssyncadd.s32 $0xFFFFFFFF  }
0xa5: {  	s26 =	simm.s32 $execute0_lowered;
	[smem:$0x3FD2] =	sst s25  }
0xa6: {  	s4 =	sshll.u32 s26, $0x1;
	_ =	strace $0x80000049;
	[dreg:$0x1] =	wrdreg $0xFFFFFFFF  }
0xa7: {  	s28 =	simm.s32 $_size_execute0_lowered;
	s2 =	sadd.s32 s2, s4;
	[dreg:$0x0] =	wrdreg $0x0  }
0xa8: {  	s4 =	sshll.u32 s28, $0x1;
	[dreg:$0x2] =	wrdreg s2  }
0xa9: {  	[dreg:$0x3] =	wrdreg s4  }
0xaa: {  	[dreg:$0x4] =	wrdreg $0xC0  }
0xab: {  	_ =	task [dreg:s6], $0x5FFFF  }
0xac: {  	[dreg:$0x1] =	wrdreg $0xFFFFFFFF  }
0xad: {  	[dreg:$0x0] =	wrdreg $0x60  }
0xae: {  	[dreg:$0x2] =	wrdreg s24  }
0xaf: {  	[dreg:$0x3] =	wrdreg $0x9  }
0xb0: {  	_ =	task.clear_ibuf [dreg:s6], $0x4FFFF;
	_ =	strace $0x90000049  }
0xb1: {  	s29 =	simm.s32 $0x9;
	_ =	strace $0x8000004B  }
0xb2: {  	_ =	swait.ge [sflag:s29], $0x1  }
0xb3: {  	[sflag:s29] =	ssyncadd.s32 $0xFFFFFFFF  }
0xb4: {  	_ =	strace $0x9000004B  }
0xb5: {  	_ =	sfence  }
0xb6: {  	s30 =	sld [smem:$0x0];
	_ =	sdelay $0x2  }
0xb7: {  	s31 =	sshll.u32 s1, $0xD;
	s1 =	sshrl.u32 s1, $0x2  }
0xb8: {  	s3 =	sand.u32 $0x4000, s31;
	s1 =	sadd.s32 s1, s30  }
0xb9: {  	s0 =	sor.u32 s3, s0;
	s1 =	sshll.u32 s1, $0x11  }
0xba: {  	s0 =	sor.u32 s1, s0  }
0xbb: {  	s0 =	sadd.s32 $0x8F2B, s0  }
0xbc: {  	[sflag:s0] =	ssyncadd.remote.s32 $0x1  }
0xbd: {  	_ =	sfence.sel $0xFFFF  }
0xbe: {  	[dreg:$0x0] =	wrdreg $0xFFFFFFFF;
	(pc) =	sbr.abs _section_cstart, $3  }
0xbf: {  	[dreg:$0x1] =	wrdreg $0xFFFFFFFF  }
0xc0: {  	_ =	task.clear_ibuf [dreg:s6], $0x2FFFF;
	_ =	strace $0x9FFFFFFF  }
0xc1: {  	(tm) =	ssettm $0x7FFFFFFF  }
tec
execute0_lowered:
.L_overlay_start_1:
0x0: {  	(tag) =	ssettag $0x1  }
0x1: {  	s2 =	rddreg [dreg:$0x0]  }
0x2: {  	s0 =	rddreg [dreg:$0x1]  }
0x3: {  	s1 =	srdreg.scid;
	_ =	strace $0x8000004A;
	s4 =	simm.s32 $0x1  }
0x4: {  	s9 =	simm.s32 $0x3;
	s12 =	simm.s32 $0x0;
	s5 =	sshll.u32 s1, $0x4  }
.Ltmp0:
0x5: {  	s1 =	stileid.u32;
	s5 =	sand.u32 $0x10, s5;
	(pc) =	sbr.rel .LBB2_1-.Ltmp0, $4  }
0x6: {  	s10 =	simm.s32 $0x0;
	s3 =	sadd.s32 $0x80400, s2;
	s6 =	sor.u32 s1, s5  }
0x7: {  	[sflag:s4] =	ssyncpa.u1 $0x0;
	s5 =	simm.s32 $0x2;
	s6 =	sshll.u32 s6, $0x6  }
0x8: {  	s7 =	sadd.s32 $0xA0400, s2;
	[sflag:s5] =	ssyncpa.u1 $0x0;
	s8 =	sadd.s32 $0x40, s6  }
0x9: {  	vm0 =	vmmov $0xff;
	vm1 =	vcmask $0x3F20;
	[sflag:s9] =	ssyncpa.u1 $0x0;
	s9 =	simm.s32 $0x40;
	s11 =	smov.u32 s6  }
.LBB2_9:
0xa: {  	p0 =	seq.s32 s10, $0x2  }
.Ltmp1:
0xb: {  	_ = 	snop;
	(pc) =	sbr.rel @p0 .LBB2_11-.Ltmp1, $1  }
0xc: {  	_ =	sdelay $0x3  }
.LBB2_10:
0xd: {  	s12 =	sadd.s32 $0x40, s11  }
0xe: {  	s13 =	smov.u32 s6;
	p0 =	slt.s32 s12, s8  }
0xf: {  	s13 =	smov.u32 @p0 s12  }
0x10: {  	s10 =	sadd.s32 $0x1, s10;
	s12 =	smov.u32 s11;
	s11 =	smov.u32 s13  }
.LBB2_1:
0x11: {  	p0 =	sne.s32 s10, $0x0  }
.Ltmp2:
0x12: {  	_ = 	snop;
	(pc) =	sbr.rel @!p0 .LBB2_2-.Ltmp2, $1  }
0x13: {  	_ =	sdelay $0x3  }
0x14: {  	s13 =	sand.u32 $0x1, s10  }
0x15: {  	p0 =	seq.s32 s13, $0x0  }
.Ltmp3:
0x16: {  	_ = 	snop;
	(pc) =	sbr.rel @p0 .LBB2_9-.Ltmp3, $1  }
0x17: {  	_ =	sdelay $0x3  }
0x18: {  	_ =	swait.ge [sflag:s5], $0x40  }
0x19: {  	[sflag:s5] =	ssyncset.done $0x0  }
0x1a: {  	s13 =	simm.s32 $0x0;
	[sflag:s5] =	ssyncadd.s32 $0xFFFFFFC0  }
0x1b: {  	v0 =	vld.msk [tilespmem:s13+$0x40 ss:$0x1], $0xffff;
	_ =	sdelay $0x4  }
0x1c: {  	v1 =	vshll.u32 v0, $0x6  }
0x1d: {  	vm2 =	veq.s32 v0, $0x80000000;
	v0 =	vshll.u32 v0, $0x13;
	v1 =	vand.u32 $0x7FF80, v1  }
0x1e: {  	v0 =	vand.u32 $0x80000, v0;
	v1 =	vsel vm2, $0xFFFFFF80, v1  }
0x1f: {  	v0 =	vsel vm2, $0xFFF80000, v0;
	v2 =	vand.u32 $0xFFFFFC00, v1  }
0x20: {  	v1 =	vand.u32 $0x380, v1;
	v0 =	vadd.s32 v0, v2  }
0x21: {  	v0 =	vor.u32 v1, v0  }
0x22: {  	v0 =	vshrl.u32 v0, $0x3;
	_ =	sdelay $0x3  }
0x23: {  	s13 =	simm.s32 $0x2080  }
0x24: {  	[tilespmem:s13], [sflag:$0x1] =	stream.indirect_vreg.gather [hbm:s3], $0x80, v0, vm0, $0x38;
	[tilespmem:$0x4080] =	vst v63  }
0x25: {  	s14 =	simm.s32 $0x2480;
	s31 =	simm.s32 $0x10  }
0x26: {  	[tilespmem:s14], [sflag:$0x1] =	stream.indirect_vreg.gather [hbm:s3], $0x80, v0, vm1, $0x38;
	[tilespmem:$0x4080] =	vst v63  }
0x27: {  	s14 =	simm.s32 $0x80;
	v0 =	vld.msk [tilespmem:s31+$0x40 ss:$0x1], $0xffff  }
.LBB2_5:
0x28: {  	p0 =	sne.s32 s14, $0xC0;
	_ =	sdelay $0x4  }
0x29: {  	v1 =	vshll.u32 v0, $0x6  }
0x2a: {  	vm2 =	veq.s32 v0, $0x80000000;
	v0 =	vshll.u32 v0, $0x13;
	v1 =	vand.u32 $0x7FF80, v1  }
0x2b: {  	v0 =	vand.u32 $0x80000, v0;
	v1 =	vsel vm2, $0xFFFFFF80, v1  }
0x2c: {  	v0 =	vsel vm2, $0xFFF80000, v0;
	v2 =	vand.u32 $0xFFFFFC00, v1  }
0x2d: {  	v1 =	vand.u32 $0x380, v1;
	v0 =	vadd.s32 v0, v2  }
0x2e: {  	v0 =	vor.u32 v1, v0  }
0x2f: {  	v0 =	vshrl.u32 v0, $0x3;
	_ =	sdelay $0x3  }
.Ltmp4:
0x30: {  	s13 =	sadd.s32 $0x800, s13;
	(pc) =	sbr.rel @p0 .LBB2_5-.Ltmp4, $4  }
0x31: {  	[tilespmem:s13], [sflag:$0x1] =	stream.indirect_vreg.gather [hbm:s3], $0x80, v0, vm0, $0x38;
	[tilespmem:$0x4080] =	vst v63  }
0x32: {  	s15 =	sshra.s32 s14, $0x2;
	s16 =	sadd.s32 $0x400, s13  }
0x33: {  	[tilespmem:s16], [sflag:$0x1] =	stream.indirect_vreg.gather [hbm:s3], $0x80, v0, vm1, $0x38;
	[tilespmem:$0x4080] =	vst v63  }
0x34: {  	s14 =	sadd.s32 $0x40, s14;
	v0 =	vld.msk [tilespmem:s15+$0x40 ss:$0x1], $0xffff  }
0x35: {  	_ =	sdelay $0x3  }
0x36: {  	v1 =	vshll.u32 v0, $0x6  }
0x37: {  	vm2 =	veq.s32 v0, $0x80000000;
	v63 =	vshll.u32 v0, $0x13;
	v1 =	vand.u32 $0x7FF80, v1  }
0x38: {  	v0 =	vand.u32 $0x80000, v63;
	v1 =	vsel vm2, $0xFFFFFF80, v1  }
0x39: {  	v0 =	vsel vm2, $0xFFF80000, v0;
	v2 =	vand.u32 $0xFFFFFC00, v1  }
0x3a: {  	v1 =	vand.u32 $0x380, v1;
	v0 =	vadd.s32 v0, v2  }
0x3b: {  	v0 =	vor.u32 v1, v0  }
0x3c: {  	v0 =	vshrl.u32 v0, $0x3;
	_ =	sdelay $0x3  }
0x3d: {  	s13 =	sadd.s32 $0x800, s13  }
0x3e: {  	[tilespmem:s13], [sflag:$0x1] =	stream.indirect_vreg.gather [hbm:s3], $0x80, v0, vm0, $0x38;
	[tilespmem:$0x4080] =	vst v63  }
0x3f: {  	s13 =	sadd.s32 $0x400, s13  }
0x40: {  	[tilespmem:s13], [sflag:$0x1] =	stream.indirect_vreg.gather [hbm:s3], $0x80, v0, vm1, $0x38;
	[tilespmem:$0x4080] =	vst v63  }
0x41: {  	s12 =	sshll.u32 s12, $0x4;
	s14 =	simm.s32 $0x80;
	_ =	swait.ge [sflag:s4], $0x2000  }
0x42: {  	s15 =	simm.s32 $0x2480;
	s12 =	sadd.s32 s12, s7;
	[sflag:s4] =	ssyncset.done $0x0  }
0x43: {  	s16 =	sadd.s32 $0x0, s12;
	s13 =	simm.s32 $0x2080;
	[sflag:s4] =	ssyncadd.s32 $0xFFFFE000  }
.LBB2_7:
0x44: {  	[hbm:s16] =	stream.linear.scatter [tilespmem:s13], [sflag:$0x3], $0x400, $0x38;
	[tilespmem:$0x4080] =	vst v63  }
0x45: {  	s16 =	smov.u32 s14;
	s13 =	smov.u32 s15;
	p0 =	sne.s32 s14, $0x380  }
.Ltmp5:
0x46: {  	s14 =	sadd.s32 $0x80, s14;
	(pc) =	sbr.rel @p0 .LBB2_7-.Ltmp5, $2  }
0x47: {  	_ =	sdelay $0x2  }
0x48: {  	s15 =	sadd.s32 $0x400, s15;
	s16 =	sadd.s32 s16, s12  }
.Ltmp6:
0x49: {  	(pc) =	sbr.rel .LBB2_9-.Ltmp6, $2  }
0x4a: {  	_ =	sdelay $0x2  }
0x4b: {  	[hbm:s16] =	stream.linear.scatter [tilespmem:s13], [sflag:$0x3], $0x400, $0x38;
	[tilespmem:$0x4080] =	vst v63  }
.LBB2_2:
.Ltmp7:
0x4c: {  	(pc) =	sbr.rel .LBB2_10-.Ltmp7, $4  }
0x4d: {  	_ = 	snop  }
0x4e: {  	s12 =	sshrl.u32 s11, $0x3  }
0x4f: {  	s13 =	sand.u32 $0x7, s11;
	s12 =	sadd.s32 s2, s12  }
0x50: {  	[tilespmem:s9], [sflag:$0x2] =	stream.linear.gather [hbm4b:s12+s13], $0x40, $0x38;
	[tilespmem:$0x4080] =	vst v63  }
.LBB2_11:
0x51: {  	s2 =	simm.s32 $0x3  }
0x52: {  	_ =	swait.ge [sflag:s2], $0x2000  }
0x53: {  	[sflag:s2] =	ssyncset.done $0x0  }
0x54: {  	[sflag:s2] =	ssyncadd.s32 $0xFFFFE000  }
0x55: {  	_ =	sfence.sel $0x180000  }
0x56: {  	s3 =	simm.s32 $0x2;
	[bflag:$0x0] =	sbarrier.arrive $0xFFFF  }
0x57: {  	[sflag:s3] =	ssyncpa.u1 $0x1  }
0x58: {  	s31 =	simm.s32 $0x1;
	[sflag:s2] =	ssyncpa.u1 $0x1  }
0x59: {  	[sflag:s31] =	ssyncpa.u1 $0x1  }
0x5a: {  	p0 =	sne.s32 s1, $0x0;
	_ =	strace $0x9000004A  }
0x5b: {  	s0 =	sadd.s32 @!p0 $0x100000, s0;
	[bflag:$0x2] =	sbarrier.arrive $0xFFFF  }
0x5c: {  	[sflag:s0] =	ssyncadd.tile.s32 @!p0 $0x1;
	_ =	shalt  }
.Lfunc_end2:
_tile_overlayer_lowered:
.L_overlay_start_2:
0x5d: {  	(tag) =	ssettag $0x2  }
0x5e: {  	s0 =	rddreg [dreg:$0x0];
	s2 =	stileid.u32  }
0x5f: {  	s1 =	rddreg [dreg:$0x1];
	p0 =	sne.s32 s2, $0x0  }
0x60: {  	s3 =	rddreg [dreg:$0x2];
	[bflag:$0x3] =	sbarrier.arrive $0xFFFF;
	s2 =	simm.s32 @!p0 $0x1C01  }
0x61: {  	[timem:s3], [sflag:s2] =	dma.local @!p0 [hbm:s0], s1  }
0x62: {  	s0 =	simm.s32 @!p0 $0x1  }
0x63: {  	_ =	swait.ge @!p0 [sflag:s0], s1  }
0x64: {  	s1 =	ssub.s32 @!p0 $0x0, s1;
	[sflag:s0] =	ssyncset.done @!p0 $0x0  }
0x65: {  	[sflag:s0] =	ssyncadd.s32 @!p0 s1  }
0x66: {  	[bflag:$0x3] =	sbarrier.arrive $0xFFFF  }
0x67: {  	_ =	shalt  }

// kernel: gather_offload_async_start
scs
__scs_entry_jumppad:
0x0: {  	(pc) =	sbr.rel $0x88, $3  }
0x1: {  	(tag) =	ssettag $0x0;
	lr =	simm.s32 $0x1  }
0x2: {  	[smem:$0x3F40] =	sst lr;
	_ =	strace $0xD0000000  }
0x3: {  	_ = 	snop  }
0x4: {  	_ = 	snop  }
0x5: {  	_ = 	snop  }
0x6: {  	_ = 	snop  }
0x7: {  	_ = 	snop  }
__scs_overlays_trampoline_lowered:
0x8: {  	[smem:$0x3F4F] =	sst s0  }
0x9: {  	[smem:$0x3F50] =	sst s1  }
0xa: {  	[smem:$0x3F51] =	sst s2  }
0xb: {  	[smem:$0x3F52] =	sst s3  }
0xc: {  	[smem:$0x3F53] =	sst s4  }
0xd: {  	[smem:$0x3F54] =	sst s5  }
0xe: {  	[smem:$0x3F55] =	sst s6  }
0xf: {  	[smem:$0x3F56] =	sst s7  }
0x10: {  	[smem:$0x3F57] =	sst s8  }
0x11: {  	[smem:$0x3F58] =	sst s9;
	s0 =	simm.s32 @!p0 $0x0  }
0x12: {  	s1 =	sld [smem:$0x3F3E];
	s0 =	simm.s32 @p0 $0x1  }
0x13: {  	[smem:$0x3F59] =	sst s0;
	s0 =	simm.s32 @!p1 $0x0  }
0x14: {  	s2 =	sld [smem:$0x3F3D];
	s0 =	simm.s32 @p1 $0x1  }
0x15: {  	[smem:$0x3F5A] =	sst s0;
	s0 =	simm.s32 @!p2 $0x0  }
0x16: {  	s3 =	sld [smem:$0x3FDB];
	s0 =	simm.s32 @p2 $0x1  }
0x17: {  	s4 =	simm.s32 $0x1BF5;
	[smem:$0x3F5C] =	sst s0  }
0x18: {  	s0 =	sld [smem:$0x3F3F];
	_ =	swait.ge [sflag:s4], $0x0  }
0x19: {  	s7 =	sld [smem:$0x3F40]  }
0x1a: {  	s8 =	sadd.s32 $0xFFFFE003, lr  }
0x1b: {  	s9 =	sadd.s32 $0xFFFFFEF7, lr;
	s5 =	simm.s32 $0xFFFFFFFF;
	p2 =	slt.u32 s8, $0xFFFFF086  }
0x1c: {  	p1 =	slt.u32 s9, $0xF7A;
	s5 =	simm.s32 @!p2 $0x0  }
0x1d: {  	s5 =	simm.s32 @p1 $0x1;
	p0 =	seq.s32 s7, s2  }
0x1e: {  	s7 =	smul.u32 @!p0 $0xF7A, s2;
	p2 =	seq.s32 @!p0 s5, $0x0  }
0x1f: {  	s9 =	smul.u32 $0xF7A, s1;
	s8 =	simm.s32 @!p0 $0x1BF5;
	p2 =	por !p2, p0  }
0x20: {  	[sflag:s8] =	ssyncset.s32 @!p0 $0xFFFFF086;
	s6 =	sadd.s32 @!p0 s3, s7;
	s7 =	simm.s32 @!p0 $0x108  }
0x21: {  	s3 =	sadd.s32 s3, s9;
	s6 =	sadd.s32 @!p0 $0x88, s6;
	s7 =	simm.s32 @p2 $0x1082  }
0x22: {  	[simem:s7], [sflag:s8] =	dma.local @!p0 [hbm:s6], $0xF7A  }
0x23: {  	s9 =	sor.u32 $0xD0000000, s2;
	s6 =	simm.s32 $0x108;
	_ =	swait.ge @!p0 [sflag:s8], $0x0  }
0x24: {  	s3 =	sadd.s32 $0x88, s3;
	s6 =	simm.s32 @!p1 $0x1082;
	[sflag:s4] =	ssyncset.s32 $0xFFFFF086  }
0x25: {  	[simem:s6], [sflag:s4] =	dma.local [hbm:s3], $0xF7A  }
0x26: {  	[smem:$0x3F40] =	sst s1;
	(tag) =	ssettag s2;
	_ =	strace s9  }
0x27: {  	s1 =	sld [smem:$0x3F50]  }
0x28: {  	s2 =	sld [smem:$0x3F51]  }
0x29: {  	s4 =	sld [smem:$0x3F53]  }
0x2a: {  	p0 =	seq.s32 s5, $0x0;
	s5 =	sld [smem:$0x3F54]  }
0x2b: {  	s6 =	sld [smem:$0x3F55]  }
0x2c: {  	s7 =	sld [smem:$0x3F56]  }
0x2d: {  	s3 =	simm.s32 $0x108;
	s8 =	sld [smem:$0x3F57]  }
0x2e: {  	s3 =	simm.s32 @!p0 $0x1082;
	s9 =	sld [smem:$0x3F58]  }
0x2f: {  	lr =	sadd.s32 s0, s3;
	s0 =	sld [smem:$0x3F4F]  }
0x30: {  	s3 =	sld [smem:$0x3F52]  }
0x31: {  	[smem:$0x3F5B] =	sst s10  }
0x32: {  	s10 =	sld [smem:$0x3F59];
	_ =	sdelay $0x3  }
0x33: {  	p0 =	seq.s32 s10, $0x1;
	s10 =	sld [smem:$0x3F5B];
	_ =	sdelay $0x3  }
0x34: {  	[smem:$0x3F5B] =	sst s10  }
0x35: {  	s10 =	sld [smem:$0x3F5A];
	_ =	sdelay $0x3  }
0x36: {  	p1 =	seq.s32 s10, $0x1;
	s10 =	sld [smem:$0x3F5B];
	_ =	sdelay $0x3  }
0x37: {  	[smem:$0x3F5B] =	sst s10  }
0x38: {  	s10 =	sld [smem:$0x3F5C]  }
0x39: {  	_ = 	snop;
	(pc) =	sbr.ind lr, $3  }
0x3a: {  	_ = 	snop  }
0x3b: {  	_ = 	snop  }
0x3c: {  	p2 =	seq.s32 s10, $0x1;
	s10 =	sld [smem:$0x3F5B]  }
0x3d: {  	_ =	shalt  }
0x3e: {  	_ =	shalt  }
0x3f: {  	_ =	shalt  }
0x40: {  	_ =	shalt  }
0x41: {  	_ =	shalt  }
0x42: {  	_ =	shalt  }
0x43: {  	_ =	shalt  }
0x44: {  	_ =	shalt  }
0x45: {  	_ =	shalt  }
0x46: {  	_ =	shalt  }
0x47: {  	_ =	shalt  }
0x48: {  	_ =	shalt  }
0x49: {  	_ =	shalt  }
0x4a: {  	_ =	shalt  }
0x4b: {  	_ =	shalt  }
0x4c: {  	_ =	shalt  }
0x4d: {  	_ =	shalt  }
0x4e: {  	_ =	shalt  }
0x4f: {  	_ =	shalt  }
0x50: {  	_ =	shalt  }
0x51: {  	_ =	shalt  }
0x52: {  	_ =	shalt  }
0x53: {  	_ =	shalt  }
0x54: {  	_ =	shalt  }
0x55: {  	_ =	shalt  }
0x56: {  	_ =	shalt  }
0x57: {  	_ =	shalt  }
0x58: {  	_ =	shalt  }
0x59: {  	_ =	shalt  }
0x5a: {  	_ =	shalt  }
0x5b: {  	_ =	shalt  }
0x5c: {  	_ =	shalt  }
0x5d: {  	_ =	shalt  }
0x5e: {  	_ =	shalt  }
0x5f: {  	_ =	shalt  }
0x60: {  	_ =	shalt  }
0x61: {  	_ =	shalt  }
0x62: {  	_ =	shalt  }
0x63: {  	_ =	shalt  }
0x64: {  	_ =	shalt  }
0x65: {  	_ =	shalt  }
0x66: {  	_ =	shalt  }
0x67: {  	_ =	shalt  }
0x68: {  	_ =	shalt  }
0x69: {  	_ =	shalt  }
0x6a: {  	_ =	shalt  }
0x6b: {  	_ =	shalt  }
0x6c: {  	_ =	shalt  }
0x6d: {  	_ =	shalt  }
0x6e: {  	_ =	shalt  }
0x6f: {  	_ =	shalt  }
0x70: {  	_ =	shalt  }
0x71: {  	_ =	shalt  }
0x72: {  	_ =	shalt  }
0x73: {  	_ =	shalt  }
0x74: {  	_ =	shalt  }
0x75: {  	_ =	shalt  }
0x76: {  	_ =	shalt  }
0x77: {  	_ =	shalt  }
0x78: {  	_ =	shalt  }
0x79: {  	_ =	shalt  }
0x7a: {  	_ =	shalt  }
0x7b: {  	_ =	shalt  }
0x7c: {  	_ =	shalt  }
0x7d: {  	_ =	shalt  }
0x7e: {  	_ =	shalt  }
0x7f: {  	_ =	shalt  }
0x80: {  	_ =	shalt  }
0x81: {  	_ =	shalt  }
0x82: {  	_ =	shalt  }
0x83: {  	_ =	shalt  }
0x84: {  	_ =	shalt  }
0x85: {  	_ =	shalt  }
0x86: {  	_ =	shalt  }
0x87: {  	_ =	shalt  }
.Lfunc_end0:
.L_simem_size_0:
called_computation.1_lowered:
.L_overlay_start_0:
0x88: {  	s2 =	sld [smem:$0x3FD9]  }
0x89: {  	s3 =	sld [smem:$0x3FFE];
	_ =	sdelay $0x1  }
0x8a: {  	s1 =	srdreg.scid  }
0x8b: {  	s0 =	sand.u32 $0x1, s1  }
0x8c: {  	s16 =	sshll.u32 s0, $0xA;
	s2 =	sadd.s32 s3, s2  }
0x8d: {  	s2 =	sadd.s32 s2, s16  }
0x8e: {  	[smem:$0x3F67] =	sst s2  }
0x8f: {  	_ = 	snop  }
0x90: {  	(tm) =	ssettm $0x1  }
0x91: {  	s17 =	sld [smem:$0x3FFB];
	_ =	sdelay $0x3  }
0x92: {  	_ =	strace s17  }
0x93: {  	s2 =	sld [smem:$0x3FFC];
	_ =	sdelay $0x3  }
0x94: {  	_ =	strace s2  }
0x95: {  	s2 =	sld [smem:$0x3FFD];
	_ =	sdelay $0x3  }
0x96: {  	_ =	strace s2  }
0x97: {  	_ =	strace $0x8FFFFFFF  }
0x98: {  	s18 =	sld [smem:$0x3FDB];
	_ =	sdelay $0x1  }
0x99: {  	s19 =	simm.s32 $_scs_section_size  }
0x9a: {  	s4 =	simm.s32 $_size__tile_overlayer_lowered;
	s5 =	simm.s32 $_tile_overlayer_lowered  }
0x9b: {  	s22 =	simm.s32 $0x1BFF;
	s21 =	sshll.u32 s5, $0x1;
	s2 =	sadd.s32 s19, s18  }
0x9c: {  	s6 =	simm.s32 $0x0;
	s20 =	sshll.u32 s4, $0x1;
	s4 =	sadd.s32 s21, s2  }
0x9d: {  	[timem:s6], [sflag:s22] =	dma.local [hbm:s4], s20  }
0x9e: {  	_ =	swait.ge [sflag:s22], s20  }
0x9f: {  	s3 =	ssub.s32 $0x0, s20;
	[sflag:s22] =	ssyncset.done $0x0  }
0xa0: {  	[sflag:s22] =	ssyncadd.s32 s3;
	_ =	sdelay $0x1  }
0xa1: {  	s23 =	simm.s32 $0x1B8B  }
0xa2: {  	_ =	swait.ge [sflag:s23], $0x1  }
0xa3: {  	[sflag:s23] =	ssyncset.done $0x0  }
0xa4: {  	s25 =	simm.s32 $0x1B8E;
	s24 =	sld [smem:$0x3FFE];
	[sflag:s23] =	ssyncadd.s32 $0xFFFFFFFF  }
0xa5: {  	s26 =	simm.s32 $execute0_lowered;
	[smem:$0x3FD2] =	sst s25  }
0xa6: {  	s4 =	sshll.u32 s26, $0x1;
	_ =	strace $0x80000046;
	[dreg:$0x1] =	wrdreg $0xFFFFFFFF  }
0xa7: {  	s28 =	simm.s32 $_size_execute0_lowered;
	s2 =	sadd.s32 s2, s4;
	[dreg:$0x0] =	wrdreg $0x0  }
0xa8: {  	s4 =	sshll.u32 s28, $0x1;
	[dreg:$0x2] =	wrdreg s2  }
0xa9: {  	[dreg:$0x3] =	wrdreg s4  }
0xaa: {  	[dreg:$0x4] =	wrdreg $0xC0  }
0xab: {  	_ =	task [dreg:s6], $0x5FFFF  }
0xac: {  	[dreg:$0x1] =	wrdreg $0xFFFFFFFF  }
0xad: {  	[dreg:$0x0] =	wrdreg $0x60  }
0xae: {  	[dreg:$0x2] =	wrdreg s24  }
0xaf: {  	[dreg:$0x3] =	wrdreg $0x9  }
0xb0: {  	_ =	task.clear_ibuf [dreg:s6], $0x4FFFF;
	_ =	strace $0x90000046  }
0xb1: {  	s29 =	simm.s32 $0x9;
	_ =	strace $0x80000048  }
0xb2: {  	_ =	swait.ge [sflag:s29], $0x1  }
0xb3: {  	[sflag:s29] =	ssyncadd.s32 $0xFFFFFFFF  }
0xb4: {  	_ =	strace $0x90000048  }
0xb5: {  	_ =	sfence  }
0xb6: {  	s30 =	sld [smem:$0x0];
	_ =	sdelay $0x2  }
0xb7: {  	s31 =	sshll.u32 s1, $0xD;
	s1 =	sshrl.u32 s1, $0x2  }
0xb8: {  	s3 =	sand.u32 $0x4000, s31;
	s1 =	sadd.s32 s1, s30  }
0xb9: {  	s0 =	sor.u32 s3, s0;
	s1 =	sshll.u32 s1, $0x11  }
0xba: {  	s0 =	sor.u32 s1, s0  }
0xbb: {  	s0 =	sadd.s32 $0x8F2B, s0  }
0xbc: {  	[sflag:s0] =	ssyncadd.remote.s32 $0x1  }
0xbd: {  	_ =	sfence.sel $0xFFFF  }
0xbe: {  	[dreg:$0x0] =	wrdreg $0xFFFFFFFF;
	(pc) =	sbr.abs _section_cstart, $3  }
0xbf: {  	[dreg:$0x1] =	wrdreg $0xFFFFFFFF  }
0xc0: {  	_ =	task.clear_ibuf [dreg:s6], $0x2FFFF;
	_ =	strace $0x9FFFFFFF  }
0xc1: {  	(tm) =	ssettm $0x7FFFFFFF  }
tec
execute0_lowered:
.L_overlay_start_1:
0x0: {  	(tag) =	ssettag $0x1  }
0x1: {  	s2 =	rddreg [dreg:$0x0]  }
0x2: {  	s0 =	rddreg [dreg:$0x1]  }
0x3: {  	s1 =	srdreg.scid;
	_ =	strace $0x80000047;
	s4 =	simm.s32 $0x1  }
0x4: {  	s9 =	simm.s32 $0x3;
	s12 =	simm.s32 $0x0;
	s5 =	sshll.u32 s1, $0x4  }
.Ltmp0:
0x5: {  	s1 =	stileid.u32;
	s5 =	sand.u32 $0x10, s5;
	(pc) =	sbr.rel .LBB2_1-.Ltmp0, $4  }
0x6: {  	s10 =	simm.s32 $0x0;
	s3 =	sadd.s32 $0x400, s2;
	s6 =	sor.u32 s1, s5  }
0x7: {  	[sflag:s4] =	ssyncpa.u1 $0x0;
	s5 =	simm.s32 $0x2;
	s6 =	sshll.u32 s6, $0x8  }
0x8: {  	s7 =	sadd.s32 $0x80400, s2;
	[sflag:s5] =	ssyncpa.u1 $0x0;
	s8 =	sadd.s32 $0x100, s6  }
0x9: {  	vm0 =	vmmov $0xff;
	vm1 =	vcmask $0x3F20;
	[sflag:s9] =	ssyncpa.u1 $0x0;
	s9 =	simm.s32 $0x100;
	s11 =	smov.u32 s6  }
.LBB2_9:
0xa: {  	p0 =	seq.s32 s10, $0x2  }
.Ltmp1:
0xb: {  	_ = 	snop;
	(pc) =	sbr.rel @p0 .LBB2_11-.Ltmp1, $1  }
0xc: {  	_ =	sdelay $0x3  }
.LBB2_10:
0xd: {  	s12 =	sadd.s32 $0x100, s11  }
0xe: {  	s13 =	smov.u32 s6;
	p0 =	slt.s32 s12, s8  }
0xf: {  	s13 =	smov.u32 @p0 s12  }
0x10: {  	s10 =	sadd.s32 $0x1, s10;
	s12 =	smov.u32 s11;
	s11 =	smov.u32 s13  }
.LBB2_1:
0x11: {  	p0 =	sne.s32 s10, $0x0  }
.Ltmp2:
0x12: {  	_ = 	snop;
	(pc) =	sbr.rel @!p0 .LBB2_2-.Ltmp2, $1  }
0x13: {  	_ =	sdelay $0x3  }
0x14: {  	s13 =	sand.u32 $0x1, s10  }
0x15: {  	p0 =	seq.s32 s13, $0x0  }
.Ltmp3:
0x16: {  	_ = 	snop;
	(pc) =	sbr.rel @p0 .LBB2_9-.Ltmp3, $1  }
0x17: {  	_ =	sdelay $0x3  }
0x18: {  	_ =	swait.ge [sflag:s5], $0x100  }
0x19: {  	[sflag:s5] =	ssyncset.done $0x0  }
0x1a: {  	s13 =	simm.s32 $0x0;
	[sflag:s5] =	ssyncadd.s32 $0xFFFFFF00  }
0x1b: {  	v0 =	vld.msk [tilespmem:s13+$0x100 ss:$0x1], $0xffff;
	_ =	sdelay $0x4  }
0x1c: {  	v1 =	vshll.u32 v0, $0x6  }
0x1d: {  	vm2 =	veq.s32 v0, $0x80000000;
	v0 =	vshll.u32 v0, $0x15;
	v1 =	vand.u32 $0x1FFF80, v1  }
0x1e: {  	v0 =	vand.u32 $0x200000, v0;
	v1 =	vsel vm2, $0xFFFFFF80, v1  }
0x1f: {  	v0 =	vsel vm2, $0xFFE00000, v0;
	v2 =	vand.u32 $0xFFFFFC00, v1  }
0x20: {  	v1 =	vand.u32 $0x380, v1;
	v0 =	vadd.s32 v0, v2  }
0x21: {  	v0 =	vor.u32 v1, v0  }
0x22: {  	v0 =	vshrl.u32 v0, $0x3;
	_ =	sdelay $0x3  }
0x23: {  	s13 =	simm.s32 $0x8200  }
0x24: {  	[tilespmem:s13], [sflag:$0x1] =	stream.indirect_vreg.gather [hbm:s3], $0x80, v0, vm0, $0x38;
	[tilespmem:$0x10200] =	vst v63  }
0x25: {  	s14 =	simm.s32 $0x8600;
	s31 =	simm.s32 $0x10  }
0x26: {  	[tilespmem:s14], [sflag:$0x1] =	stream.indirect_vreg.gather [hbm:s3], $0x80, v0, vm1, $0x38;
	[tilespmem:$0x10200] =	vst v63  }
0x27: {  	s14 =	simm.s32 $0x80;
	v0 =	vld.msk [tilespmem:s31+$0x100 ss:$0x1], $0xffff  }
.LBB2_5:
0x28: {  	p0 =	sne.s32 s14, $0x3C0;
	_ =	sdelay $0x4  }
0x29: {  	v1 =	vshll.u32 v0, $0x6  }
0x2a: {  	vm2 =	veq.s32 v0, $0x80000000;
	v0 =	vshll.u32 v0, $0x15;
	v1 =	vand.u32 $0x1FFF80, v1  }
0x2b: {  	v0 =	vand.u32 $0x200000, v0;
	v1 =	vsel vm2, $0xFFFFFF80, v1  }
0x2c: {  	v0 =	vsel vm2, $0xFFE00000, v0;
	v2 =	vand.u32 $0xFFFFFC00, v1  }
0x2d: {  	v1 =	vand.u32 $0x380, v1;
	v0 =	vadd.s32 v0, v2  }
0x2e: {  	v0 =	vor.u32 v1, v0  }
0x2f: {  	v0 =	vshrl.u32 v0, $0x3;
	_ =	sdelay $0x3  }
.Ltmp4:
0x30: {  	s13 =	sadd.s32 $0x800, s13;
	(pc) =	sbr.rel @p0 .LBB2_5-.Ltmp4, $4  }
0x31: {  	[tilespmem:s13], [sflag:$0x1] =	stream.indirect_vreg.gather [hbm:s3], $0x80, v0, vm0, $0x38;
	[tilespmem:$0x10200] =	vst v63  }
0x32: {  	s15 =	sshra.s32 s14, $0x2;
	s16 =	sadd.s32 $0x400, s13  }
0x33: {  	[tilespmem:s16], [sflag:$0x1] =	stream.indirect_vreg.gather [hbm:s3], $0x80, v0, vm1, $0x38;
	[tilespmem:$0x10200] =	vst v63  }
0x34: {  	s14 =	sadd.s32 $0x40, s14;
	v0 =	vld.msk [tilespmem:s15+$0x100 ss:$0x1], $0xffff  }
0x35: {  	_ =	sdelay $0x3  }
0x36: {  	v1 =	vshll.u32 v0, $0x6  }
0x37: {  	vm2 =	veq.s32 v0, $0x80000000;
	v63 =	vshll.u32 v0, $0x15;
	v1 =	vand.u32 $0x1FFF80, v1  }
0x38: {  	v0 =	vand.u32 $0x200000, v63;
	v1 =	vsel vm2, $0xFFFFFF80, v1  }
0x39: {  	v0 =	vsel vm2, $0xFFE00000, v0;
	v2 =	vand.u32 $0xFFFFFC00, v1  }
0x3a: {  	v1 =	vand.u32 $0x380, v1;
	v0 =	vadd.s32 v0, v2  }
0x3b: {  	v0 =	vor.u32 v1, v0  }
0x3c: {  	v0 =	vshrl.u32 v0, $0x3;
	_ =	sdelay $0x3  }
0x3d: {  	s13 =	sadd.s32 $0x800, s13  }
0x3e: {  	[tilespmem:s13], [sflag:$0x1] =	stream.indirect_vreg.gather [hbm:s3], $0x80, v0, vm0, $0x38;
	[tilespmem:$0x10200] =	vst v63  }
0x3f: {  	s13 =	sadd.s32 $0x400, s13  }
0x40: {  	[tilespmem:s13], [sflag:$0x1] =	stream.indirect_vreg.gather [hbm:s3], $0x80, v0, vm1, $0x38;
	[tilespmem:$0x10200] =	vst v63  }
0x41: {  	s12 =	sshll.u32 s12, $0x4;
	s14 =	simm.s32 $0x80;
	_ =	swait.ge [sflag:s4], $0x8000  }
0x42: {  	s15 =	simm.s32 $0x8600;
	s12 =	sadd.s32 s12, s7;
	[sflag:s4] =	ssyncset.done $0x0  }
0x43: {  	s16 =	sadd.s32 $0x0, s12;
	s13 =	simm.s32 $0x8200;
	[sflag:s4] =	ssyncadd.s32 $0xFFFF8000  }
.LBB2_7:
0x44: {  	[hbm:s16] =	stream.linear.scatter [tilespmem:s13], [sflag:$0x3], $0x400, $0x38;
	[tilespmem:$0x10200] =	vst v63  }
0x45: {  	s16 =	smov.u32 s14;
	s13 =	smov.u32 s15;
	p0 =	sne.s32 s14, $0xF80  }
.Ltmp5:
0x46: {  	s14 =	sadd.s32 $0x80, s14;
	(pc) =	sbr.rel @p0 .LBB2_7-.Ltmp5, $2  }
0x47: {  	_ =	sdelay $0x2  }
0x48: {  	s15 =	sadd.s32 $0x400, s15;
	s16 =	sadd.s32 s16, s12  }
.Ltmp6:
0x49: {  	(pc) =	sbr.rel .LBB2_9-.Ltmp6, $2  }
0x4a: {  	_ =	sdelay $0x2  }
0x4b: {  	[hbm:s16] =	stream.linear.scatter [tilespmem:s13], [sflag:$0x3], $0x400, $0x38;
	[tilespmem:$0x10200] =	vst v63  }
.LBB2_2:
.Ltmp7:
0x4c: {  	(pc) =	sbr.rel .LBB2_10-.Ltmp7, $4  }
0x4d: {  	_ = 	snop  }
0x4e: {  	s12 =	sshrl.u32 s11, $0x3  }
0x4f: {  	s13 =	sand.u32 $0x7, s11;
	s12 =	sadd.s32 s2, s12  }
0x50: {  	[tilespmem:s9], [sflag:$0x2] =	stream.linear.gather [hbm4b:s12+s13], $0x100, $0x38;
	[tilespmem:$0x10200] =	vst v63  }
.LBB2_11:
0x51: {  	s2 =	simm.s32 $0x3  }
0x52: {  	_ =	swait.ge [sflag:s2], $0x8000  }
0x53: {  	[sflag:s2] =	ssyncset.done $0x0  }
0x54: {  	[sflag:s2] =	ssyncadd.s32 $0xFFFF8000  }
0x55: {  	_ =	sfence.sel $0x180000  }
0x56: {  	s3 =	simm.s32 $0x2;
	[bflag:$0x0] =	sbarrier.arrive $0xFFFF  }
0x57: {  	[sflag:s3] =	ssyncpa.u1 $0x1  }
0x58: {  	s31 =	simm.s32 $0x1;
	[sflag:s2] =	ssyncpa.u1 $0x1  }
0x59: {  	[sflag:s31] =	ssyncpa.u1 $0x1  }
0x5a: {  	p0 =	sne.s32 s1, $0x0;
	_ =	strace $0x90000047  }
0x5b: {  	s0 =	sadd.s32 @!p0 $0x100000, s0;
	[bflag:$0x2] =	sbarrier.arrive $0xFFFF  }
0x5c: {  	[sflag:s0] =	ssyncadd.tile.s32 @!p0 $0x1;
	_ =	shalt  }
.Lfunc_end2:
_tile_overlayer_lowered:
.L_overlay_start_2:
0x5d: {  	(tag) =	ssettag $0x2  }
0x5e: {  	s0 =	rddreg [dreg:$0x0];
	s2 =	stileid.u32  }
0x5f: {  	s1 =	rddreg [dreg:$0x1];
	p0 =	sne.s32 s2, $0x0  }
0x60: {  	s3 =	rddreg [dreg:$0x2];
	[bflag:$0x3] =	sbarrier.arrive $0xFFFF;
	s2 =	simm.s32 @!p0 $0x1C01  }
0x61: {  	[timem:s3], [sflag:s2] =	dma.local @!p0 [hbm:s0], s1  }
0x62: {  	s0 =	simm.s32 @!p0 $0x1  }
0x63: {  	_ =	swait.ge @!p0 [sflag:s0], s1  }
0x64: {  	s1 =	ssub.s32 @!p0 $0x0, s1;
	[sflag:s0] =	ssyncset.done @!p0 $0x0  }
0x65: {  	[sflag:s0] =	ssyncadd.s32 @!p0 s1  }
0x66: {  	[bflag:$0x3] =	sbarrier.arrive $0xFFFF  }
0x67: {  	_ =	shalt  }

// kernel: kernel.10.cloned.1.call-start
scs
__scs_entry_jumppad:
0x0: {  	(pc) =	sbr.rel $0x88, $3  }
0x1: {  	(tag) =	ssettag $0x0;
	lr =	simm.s32 $0x1  }
0x2: {  	[smem:$0x3F40] =	sst lr;
	_ =	strace $0xD0000000  }
0x3: {  	_ = 	snop  }
0x4: {  	_ = 	snop  }
0x5: {  	_ = 	snop  }
0x6: {  	_ = 	snop  }
0x7: {  	_ = 	snop  }
__scs_overlays_trampoline_lowered:
0x8: {  	[smem:$0x3F4F] =	sst s0  }
0x9: {  	[smem:$0x3F50] =	sst s1  }
0xa: {  	[smem:$0x3F51] =	sst s2  }
0xb: {  	[smem:$0x3F52] =	sst s3  }
0xc: {  	[smem:$0x3F53] =	sst s4  }
0xd: {  	[smem:$0x3F54] =	sst s5  }
0xe: {  	[smem:$0x3F55] =	sst s6  }
0xf: {  	[smem:$0x3F56] =	sst s7  }
0x10: {  	[smem:$0x3F57] =	sst s8  }
0x11: {  	[smem:$0x3F58] =	sst s9;
	s0 =	simm.s32 @!p0 $0x0  }
0x12: {  	s1 =	sld [smem:$0x3F3E];
	s0 =	simm.s32 @p0 $0x1  }
0x13: {  	[smem:$0x3F59] =	sst s0;
	s0 =	simm.s32 @!p1 $0x0  }
0x14: {  	s2 =	sld [smem:$0x3F3D];
	s0 =	simm.s32 @p1 $0x1  }
0x15: {  	[smem:$0x3F5A] =	sst s0;
	s0 =	simm.s32 @!p2 $0x0  }
0x16: {  	s3 =	sld [smem:$0x3FDB];
	s0 =	simm.s32 @p2 $0x1  }
0x17: {  	s4 =	simm.s32 $0x1BF5;
	[smem:$0x3F5C] =	sst s0  }
0x18: {  	s0 =	sld [smem:$0x3F3F];
	_ =	swait.ge [sflag:s4], $0x0  }
0x19: {  	s7 =	sld [smem:$0x3F40]  }
0x1a: {  	s8 =	sadd.s32 $0xFFFFE003, lr  }
0x1b: {  	s9 =	sadd.s32 $0xFFFFFEF7, lr;
	s5 =	simm.s32 $0xFFFFFFFF;
	p2 =	slt.u32 s8, $0xFFFFF086  }
0x1c: {  	p1 =	slt.u32 s9, $0xF7A;
	s5 =	simm.s32 @!p2 $0x0  }
0x1d: {  	s5 =	simm.s32 @p1 $0x1;
	p0 =	seq.s32 s7, s2  }
0x1e: {  	s7 =	smul.u32 @!p0 $0xF7A, s2;
	p2 =	seq.s32 @!p0 s5, $0x0  }
0x1f: {  	s9 =	smul.u32 $0xF7A, s1;
	s8 =	simm.s32 @!p0 $0x1BF5;
	p2 =	por !p2, p0  }
0x20: {  	[sflag:s8] =	ssyncset.s32 @!p0 $0xFFFFF086;
	s6 =	sadd.s32 @!p0 s3, s7;
	s7 =	simm.s32 @!p0 $0x108  }
0x21: {  	s3 =	sadd.s32 s3, s9;
	s6 =	sadd.s32 @!p0 $0x88, s6;
	s7 =	simm.s32 @p2 $0x1082  }
0x22: {  	[simem:s7], [sflag:s8] =	dma.local @!p0 [hbm:s6], $0xF7A  }
0x23: {  	s9 =	sor.u32 $0xD0000000, s2;
	s6 =	simm.s32 $0x108;
	_ =	swait.ge @!p0 [sflag:s8], $0x0  }
0x24: {  	s3 =	sadd.s32 $0x88, s3;
	s6 =	simm.s32 @!p1 $0x1082;
	[sflag:s4] =	ssyncset.s32 $0xFFFFF086  }
0x25: {  	[simem:s6], [sflag:s4] =	dma.local [hbm:s3], $0xF7A  }
0x26: {  	[smem:$0x3F40] =	sst s1;
	(tag) =	ssettag s2;
	_ =	strace s9  }
0x27: {  	s1 =	sld [smem:$0x3F50]  }
0x28: {  	s2 =	sld [smem:$0x3F51]  }
0x29: {  	s4 =	sld [smem:$0x3F53]  }
0x2a: {  	p0 =	seq.s32 s5, $0x0;
	s5 =	sld [smem:$0x3F54]  }
0x2b: {  	s6 =	sld [smem:$0x3F55]  }
0x2c: {  	s7 =	sld [smem:$0x3F56]  }
0x2d: {  	s3 =	simm.s32 $0x108;
	s8 =	sld [smem:$0x3F57]  }
0x2e: {  	s3 =	simm.s32 @!p0 $0x1082;
	s9 =	sld [smem:$0x3F58]  }
0x2f: {  	lr =	sadd.s32 s0, s3;
	s0 =	sld [smem:$0x3F4F]  }
0x30: {  	s3 =	sld [smem:$0x3F52]  }
0x31: {  	[smem:$0x3F5B] =	sst s10  }
0x32: {  	s10 =	sld [smem:$0x3F59];
	_ =	sdelay $0x3  }
0x33: {  	p0 =	seq.s32 s10, $0x1;
	s10 =	sld [smem:$0x3F5B];
	_ =	sdelay $0x3  }
0x34: {  	[smem:$0x3F5B] =	sst s10  }
0x35: {  	s10 =	sld [smem:$0x3F5A];
	_ =	sdelay $0x3  }
0x36: {  	p1 =	seq.s32 s10, $0x1;
	s10 =	sld [smem:$0x3F5B];
	_ =	sdelay $0x3  }
0x37: {  	[smem:$0x3F5B] =	sst s10  }
0x38: {  	s10 =	sld [smem:$0x3F5C]  }
0x39: {  	_ = 	snop;
	(pc) =	sbr.ind lr, $3  }
0x3a: {  	_ = 	snop  }
0x3b: {  	_ = 	snop  }
0x3c: {  	p2 =	seq.s32 s10, $0x1;
	s10 =	sld [smem:$0x3F5B]  }
0x3d: {  	_ =	shalt  }
0x3e: {  	_ =	shalt  }
0x3f: {  	_ =	shalt  }
0x40: {  	_ =	shalt  }
0x41: {  	_ =	shalt  }
0x42: {  	_ =	shalt  }
0x43: {  	_ =	shalt  }
0x44: {  	_ =	shalt  }
0x45: {  	_ =	shalt  }
0x46: {  	_ =	shalt  }
0x47: {  	_ =	shalt  }
0x48: {  	_ =	shalt  }
0x49: {  	_ =	shalt  }
0x4a: {  	_ =	shalt  }
0x4b: {  	_ =	shalt  }
0x4c: {  	_ =	shalt  }
0x4d: {  	_ =	shalt  }
0x4e: {  	_ =	shalt  }
0x4f: {  	_ =	shalt  }
0x50: {  	_ =	shalt  }
0x51: {  	_ =	shalt  }
0x52: {  	_ =	shalt  }
0x53: {  	_ =	shalt  }
0x54: {  	_ =	shalt  }
0x55: {  	_ =	shalt  }
0x56: {  	_ =	shalt  }
0x57: {  	_ =	shalt  }
0x58: {  	_ =	shalt  }
0x59: {  	_ =	shalt  }
0x5a: {  	_ =	shalt  }
0x5b: {  	_ =	shalt  }
0x5c: {  	_ =	shalt  }
0x5d: {  	_ =	shalt  }
0x5e: {  	_ =	shalt  }
0x5f: {  	_ =	shalt  }
0x60: {  	_ =	shalt  }
0x61: {  	_ =	shalt  }
0x62: {  	_ =	shalt  }
0x63: {  	_ =	shalt  }
0x64: {  	_ =	shalt  }
0x65: {  	_ =	shalt  }
0x66: {  	_ =	shalt  }
0x67: {  	_ =	shalt  }
0x68: {  	_ =	shalt  }
0x69: {  	_ =	shalt  }
0x6a: {  	_ =	shalt  }
0x6b: {  	_ =	shalt  }
0x6c: {  	_ =	shalt  }
0x6d: {  	_ =	shalt  }
0x6e: {  	_ =	shalt  }
0x6f: {  	_ =	shalt  }
0x70: {  	_ =	shalt  }
0x71: {  	_ =	shalt  }
0x72: {  	_ =	shalt  }
0x73: {  	_ =	shalt  }
0x74: {  	_ =	shalt  }
0x75: {  	_ =	shalt  }
0x76: {  	_ =	shalt  }
0x77: {  	_ =	shalt  }
0x78: {  	_ =	shalt  }
0x79: {  	_ =	shalt  }
0x7a: {  	_ =	shalt  }
0x7b: {  	_ =	shalt  }
0x7c: {  	_ =	shalt  }
0x7d: {  	_ =	shalt  }
0x7e: {  	_ =	shalt  }
0x7f: {  	_ =	shalt  }
0x80: {  	_ =	shalt  }
0x81: {  	_ =	shalt  }
0x82: {  	_ =	shalt  }
0x83: {  	_ =	shalt  }
0x84: {  	_ =	shalt  }
0x85: {  	_ =	shalt  }
0x86: {  	_ =	shalt  }
0x87: {  	_ =	shalt  }
.Lfunc_end0:
.L_simem_size_0:
called_computation.3_lowered:
.L_overlay_start_0:
0x88: {  	s2 =	sld [smem:$0x3FD9]  }
0x89: {  	s3 =	sld [smem:$0x3FFE];
	_ =	sdelay $0x1  }
0x8a: {  	s1 =	srdreg.scid  }
0x8b: {  	s0 =	sand.u32 $0x1, s1  }
0x8c: {  	s17 =	sshll.u32 s0, $0xA;
	s2 =	sadd.s32 s3, s2  }
0x8d: {  	s2 =	sadd.s32 s2, s17  }
0x8e: {  	[smem:$0x3F67] =	sst s2  }
0x8f: {  	_ = 	snop  }
0x90: {  	(tm) =	ssettm $0x1  }
0x91: {  	s18 =	sld [smem:$0x3FFB];
	_ =	sdelay $0x3  }
0x92: {  	_ =	strace s18  }
0x93: {  	s2 =	sld [smem:$0x3FFC];
	_ =	sdelay $0x3  }
0x94: {  	_ =	strace s2  }
0x95: {  	s2 =	sld [smem:$0x3FFD];
	_ =	sdelay $0x3  }
0x96: {  	_ =	strace s2  }
0x97: {  	_ =	strace $0x8FFFFFFF  }
0x98: {  	s19 =	sld [smem:$0x3FDB];
	_ =	sdelay $0x1  }
0x99: {  	s20 =	simm.s32 $_scs_section_size  }
0x9a: {  	s4 =	simm.s32 $_size__tile_overlayer_lowered;
	s5 =	simm.s32 $_tile_overlayer_lowered  }
0x9b: {  	s6 =	simm.s32 $0x1BFF;
	s21 =	sshll.u32 s5, $0x1;
	s3 =	sadd.s32 s20, s19  }
0x9c: {  	s22 =	simm.s32 $0x0;
	s4 =	sshll.u32 s4, $0x1;
	s5 =	sadd.s32 s21, s3  }
0x9d: {  	[timem:s22], [sflag:s6] =	dma.local [hbm:s5], s4  }
0x9e: {  	_ =	swait.ge [sflag:s6], s4  }
0x9f: {  	s4 =	ssub.s32 $0x0, s4;
	[sflag:s6] =	ssyncset.done $0x0  }
0xa0: {  	[sflag:s6] =	ssyncadd.s32 s4;
	_ =	sdelay $0x1  }
0xa1: {  	s23 =	simm.s32 $0x1B8B  }
0xa2: {  	_ =	swait.ge [sflag:s23], $0x1  }
0xa3: {  	[sflag:s23] =	ssyncset.done $0x0  }
0xa4: {  	[sflag:s23] =	ssyncadd.s32 $0xFFFFFFFF  }
0xa5: {  	s4 =	sld [smem:$0x0]  }
0xa6: {  	s5 =	sand.u32 $0xFFFFFFFE, s1  }
0xa7: {  	p0 =	sne.s32 s1, s5  }
0xa8: {  	s5 =	sshll.u32 @p0 s5, $0xE  }
0xa9: {  	s5 =	sadd.s32 @p0 $0x11B8D, s5;
	s6 =	sshll.u32 @p0 s4, $0x11  }
0xaa: {  	s5 =	sor.u32 @p0 s6, s5  }
0xab: {  	[sflag:s5] =	ssyncadd.remote.s32 @p0 $0x1;
	_ =	sdelay $0x1  }
0xac: {  	s5 =	simm.s32 @p0 $0x1B8D  }
0xad: {  	_ =	swait.eq @p0 [sflag:s5], $0x1  }
0xae: {  	[sflag:s5] =	ssyncadd.s32 @p0 $0xFFFFFFFF  }
0xaf: {  	s6 =	sshll.u32 @!p0 s1, $0xE  }
0xb0: {  	s6 =	sor.u32 @!p0 $0x4000, s6;
	s5 =	simm.s32 @!p0 $0x1B8D  }
0xb1: {  	s4 =	sshll.u32 @!p0 s4, $0x11;
	s6 =	sadd.s32 @!p0 $0x11B8D, s6;
	_ =	swait.eq @!p0 [sflag:s5], $0x1  }
0xb2: {  	s4 =	sor.u32 @!p0 s4, s6;
	[sflag:s5] =	ssyncadd.s32 @!p0 $0xFFFFFFFF  }
0xb3: {  	s25 =	simm.s32 $0x1B8E;
	s24 =	sld [smem:$0x3FFE];
	[sflag:s4] =	ssyncadd.remote.s32 @!p0 $0x1  }
0xb4: {  	s26 =	simm.s32 $execute0_lowered;
	[smem:$0x3FD2] =	sst s25  }
0xb5: {  	s5 =	sshll.u32 s26, $0x1;
	_ =	strace $0x8000004F;
	[dreg:$0x1] =	wrdreg $0xFFFFFFFF  }
0xb6: {  	s28 =	simm.s32 $_size_execute0_lowered;
	s3 =	sadd.s32 s3, s5;
	[dreg:$0x0] =	wrdreg $0x0  }
0xb7: {  	s5 =	sshll.u32 s28, $0x1;
	[dreg:$0x2] =	wrdreg s3  }
0xb8: {  	[dreg:$0x3] =	wrdreg s5  }
0xb9: {  	[dreg:$0x4] =	wrdreg $0xC0  }
0xba: {  	_ =	task [dreg:s22], $0x5FFFF  }
0xbb: {  	[dreg:$0x1] =	wrdreg $0xFFFFFFFF  }
0xbc: {  	[dreg:$0x0] =	wrdreg $0x60  }
0xbd: {  	[dreg:$0x2] =	wrdreg s24  }
0xbe: {  	[dreg:$0x3] =	wrdreg $0xA  }
0xbf: {  	_ =	task.clear_ibuf [dreg:s22], $0x4FFFF;
	_ =	strace $0x9000004F  }
0xc0: {  	s29 =	simm.s32 $0xA;
	_ =	strace $0x80000051  }
0xc1: {  	_ =	swait.ge [sflag:s29], $0x1  }
0xc2: {  	[sflag:s29] =	ssyncadd.s32 $0xFFFFFFFF  }
0xc3: {  	_ =	strace $0x90000051  }
0xc4: {  	_ =	sfence  }
0xc5: {  	s30 =	sld [smem:$0x0];
	_ =	sdelay $0x2  }
0xc6: {  	s31 =	sshll.u32 s1, $0xD;
	s1 =	sshrl.u32 s1, $0x2  }
0xc7: {  	s4 =	sand.u32 $0x4000, s31;
	s1 =	sadd.s32 s1, s30  }
0xc8: {  	s0 =	sor.u32 s4, s0;
	s1 =	sshll.u32 s1, $0x11  }
0xc9: {  	s0 =	sor.u32 s1, s0  }
0xca: {  	s0 =	sadd.s32 $0x8F2B, s0  }
0xcb: {  	[sflag:s0] =	ssyncadd.remote.s32 $0x1  }
0xcc: {  	_ =	sfence.sel $0xFFFF  }
0xcd: {  	[dreg:$0x0] =	wrdreg $0xFFFFFFFF;
	(pc) =	sbr.abs _section_cstart, $3  }
0xce: {  	[dreg:$0x1] =	wrdreg $0xFFFFFFFF  }
0xcf: {  	_ =	task.clear_ibuf [dreg:s22], $0x2FFFF;
	_ =	strace $0x9FFFFFFF  }
0xd0: {  	(tm) =	ssettm $0x7FFFFFFF  }
0xd1: {  	_ =	shalt  }
tec
execute0_lowered:
.L_overlay_start_1:
0x0: {  	(tag) =	ssettag $0x1  }
0x1: {  	s0 =	stileid.u32;
	s3 =	rddreg [dreg:$0x0]  }
0x2: {  	s1 =	rddreg [dreg:$0x1];
	s2 =	simm.s32 $0x0;
	s5 =	srdreg.scid  }
0x3: {  	s13 =	simm.s32 $0x4000;
	s14 =	simm.s32 $0x8000;
	s15 =	simm.s32 $0x10000  }
0x4: {  	s16 =	simm.s32 $0x10180;
	s17 =	simm.s32 $0x10300;
	s18 =	simm.s32 $0x10480  }
0x5: {  	s19 =	simm.s32 $0x11480;
	s20 =	simm.s32 $0x0;
	s4 =	sshrl.u32 s0, $0x3  }
0x6: {  	[smem:$0x7FF] =	sst s2;
	s5 =	sand.u32 $0x1, s5;
	s6 =	sshll.u32 s0, $0x1  }
0x7: {  	s4 =	smul.u32 $0xC000, s4;
	_ =	strace $0x80000050;
	s30 =	sor.u32 s5, s6  }
0x8: {  	s31 =	ssub.s32 $0x2, s5;
	s6 =	sshll.u32 s30, $0x5;
	s8 =	sshll.u32 s30, $0x9  }
0x9: {  	s4 =	sshrl.u32 s4, $0x3;
	s9 =	sadd.s32 s6, s3;
	s10 =	sadd.s32 s8, s3  }
0xa: {  	s7 =	sadd.s32 s4, s3;
	s4 =	sshll.u32 s30, $0xA;
	s6 =	sadd.s32 $0x2AB400, s9  }
0xb: {  	s8 =	sadd.s32 $0x2ABC00, s9;
	s11 =	sadd.s32 s4, s3;
	s3 =	sadd.s32 $0x2A8400, s7  }
0xc: {  	s12 =	sshrl.u32 s31, $0x1;
	s4 =	sadd.s32 $0x2A8C00, s7;
	s5 =	sadd.s32 $0x2A9400, s7  }
0xd: {  	s12 =	ssub.s32 s31, s12;
	s7 =	sadd.s32 $0x2AB800, s9;
	s9 =	sadd.s32 $0x2AC000, s10  }
0xe: {  	v0 =	vlaneseq.u32;
	s10 =	sadd.s32 $0x2B0000, s11;
	s11 =	smax.u32 s12, $0x1;
	s12 =	simm.s32 $0x1  }
.LBB2_1:
0xf: {  	[tilespmem:s2], [sflag:$0x1] =	stream.linear.gather [hbm4b:s3+s2], $0x4000, $0x38;
	[tilespmem:$0x13480] =	vst v63  }
0x10: {  	_ =	swait.ge [sflag:s12], $0x4000  }
0x11: {  	[sflag:s12] =	ssyncset.done $0x0  }
0x12: {  	[sflag:s12] =	ssyncadd.s32 $0xFFFFC000  }
0x13: {  	[tilespmem:s13], [sflag:$0x1] =	stream.linear.gather [hbm4b:s4+s2], $0x4000, $0x38;
	[tilespmem:$0x13480] =	vst v63  }
0x14: {  	_ =	swait.ge [sflag:s12], $0x4000  }
0x15: {  	[sflag:s12] =	ssyncset.done $0x0  }
0x16: {  	[sflag:s12] =	ssyncadd.s32 $0xFFFFC000  }
0x17: {  	[tilespmem:s14], [sflag:$0x1] =	stream.linear.gather [hbm4b:s5+s2], $0x4000, $0x38;
	[tilespmem:$0x13480] =	vst v63  }
0x18: {  	_ =	swait.ge [sflag:s12], $0x4000  }
0x19: {  	[sflag:s12] =	ssyncset.done $0x0  }
0x1a: {  	[sflag:s12] =	ssyncadd.s32 $0xFFFFC000  }
0x1b: {  	[tilespmem:s15], [sflag:$0x1] =	stream.linear.gather [hbm4b:s6+s2], $0x100, $0x38;
	[tilespmem:$0x13480] =	vst v63  }
0x1c: {  	_ =	swait.ge [sflag:s12], $0x100  }
0x1d: {  	[sflag:s12] =	ssyncset.done $0x0  }
0x1e: {  	[sflag:s12] =	ssyncadd.s32 $0xFFFFFF00  }
0x1f: {  	[tilespmem:s16], [sflag:$0x1] =	stream.linear.gather [hbm4b:s7+s2], $0x100, $0x38;
	[tilespmem:$0x13480] =	vst v63  }
0x20: {  	_ =	swait.ge [sflag:s12], $0x100  }
0x21: {  	[sflag:s12] =	ssyncset.done $0x0  }
0x22: {  	[sflag:s12] =	ssyncadd.s32 $0xFFFFFF00  }
0x23: {  	[tilespmem:s17], [sflag:$0x1] =	stream.linear.gather [hbm4b:s8+s2], $0x100, $0x38;
	[tilespmem:$0x13480] =	vst v63  }
0x24: {  	_ =	swait.ge [sflag:s12], $0x100  }
0x25: {  	[sflag:s12] =	ssyncset.done $0x0  }
0x26: {  	s21 =	simm.s32 $0x0;
	[sflag:s12] =	ssyncadd.s32 $0xFFFFFF00  }
0x27: {  	v1 =	vld [tilespmem:s21+$0x0];
	_ =	sdelay $0x1  }
0x28: {  	v2 =	vld [tilespmem:s21+$0x4000]  }
0x29: {  	v3 =	vld [tilespmem:s21+$0x8000];
	_ =	sdelay $0x1  }
0x2a: {  	v4 =	vshrl.u32 v1, $0x10  }
0x2b: {  	v4 =	vand.u32 $0x1, v4  }
0x2c: {  	v5 =	vmul.f32 v1, v1;
	v6 =	vshrl.u32 v2, $0x10;
	v1 =	vadd.s32 v4, v1  }
0x2d: {  	v4 =	vand.u32 $0x1, v6;
	v6 =	vshrl.u32 v3, $0x10;
	v1 =	vadd.s32 $0x7FFF, v1  }
0x2e: {  	v4 =	vadd.s32 v4, v2;
	v6 =	vand.u32 $0x1, v6;
	v2 =	vmul.f32 v2, v2  }
0x2f: {  	v1 =	vand.u32 $0xFFFF0000, v1;
	v4 =	vadd.s32 $0x7FFF, v4;
	v6 =	vadd.s32 v6, v3  }
0x30: {  	s22 =	simm.s32 $0x10;
	[tilespmem:s21+$0x0] =	vst v1;
	v4 =	vand.u32 $0xFFFF0000, v4;
	v6 =	vadd.s32 $0x7FFF, v6  }
0x31: {  	s23 =	simm.s32 $0x80;
	v3 =	vmul.f32 v3, v3;
	v2 =	vadd.f32 v2, v5;
	v1 =	vld [tilespmem:s22+$0x0];
	[tilespmem:s21+$0x4000] =	vst v4;
	v4 =	vand.u32 $0xFFFF0000, v6  }
.LBB2_2:
0x32: {  	p0 =	sne.s32 s23, $0xFFC0;
	v5 =	vld [tilespmem:s22+$0x4000];
	[tilespmem:s21+$0x8000] =	vst v4  }
0x33: {  	v4 =	vld [tilespmem:s22+$0x8000];
	v2 =	vadd.f32 v3, v2;
	_ =	sdelay $0x1  }
0x34: {  	[tilespmem:s21+$0xC000] =	vst v2;
	s21 =	smov.u32 s22  }
0x35: {  	v2 =	vmul.f32 v1, v1;
	v3 =	vshrl.u32 v1, $0x10  }
0x36: {  	v6 =	vmul.f32 v5, v5;
	v3 =	vand.u32 $0x1, v3;
	v7 =	vshrl.u32 v5, $0x10  }
.Ltmp0:
0x37: {  	v1 =	vadd.s32 v3, v1;
	v3 =	vand.u32 $0x1, v7;
	v7 =	vshrl.u32 v4, $0x10;
	(pc) =	sbr.rel @p0 .LBB2_2-.Ltmp0, $4  }
0x38: {  	v1 =	vadd.s32 $0x7FFF, v1;
	v3 =	vadd.s32 v3, v5;
	v5 =	vand.u32 $0x1, v7  }
0x39: {  	v1 =	vand.u32 $0xFFFF0000, v1;
	v3 =	vadd.s32 $0x7FFF, v3;
	v5 =	vadd.s32 v5, v4  }
0x3a: {  	s22 =	sshra.s32 s23, $0x2;
	v2 =	vadd.f32 v6, v2;
	[tilespmem:s21+$0x0] =	vst v1;
	v6 =	vand.u32 $0xFFFF0000, v3;
	v5 =	vadd.s32 $0x7FFF, v5  }
0x3b: {  	s23 =	sadd.s32 $0x40, s23;
	v3 =	vmul.f32 v4, v4;
	v1 =	vld [tilespmem:s22+$0x0];
	[tilespmem:s21+$0x4000] =	vst v6;
	v4 =	vand.u32 $0xFFFF0000, v5  }
0x3c: {  	v5 =	vld [tilespmem:s22+$0x4000]  }
0x3d: {  	[tilespmem:s21+$0x8000] =	vst v4  }
0x3e: {  	v4 =	vld [tilespmem:s22+$0x8000];
	_ =	sdelay $0x1  }
0x3f: {  	v2 =	vadd.f32 v3, v2;
	v3 =	vshrl.u32 v1, $0x10  }
0x40: {  	v6 =	vmul.f32 v1, v1;
	v3 =	vand.u32 $0x1, v3;
	v7 =	vshrl.u32 v5, $0x10  }
0x41: {  	v1 =	vadd.s32 v3, v1;
	v3 =	vmul.f32 v5, v5;
	v7 =	vand.u32 $0x1, v7  }
0x42: {  	v63 =	vshrl.u32 v4, $0x10;
	v5 =	vadd.s32 v7, v5;
	v1 =	vadd.s32 $0x7FFF, v1  }
0x43: {  	v7 =	vand.u32 $0x1, v63;
	v1 =	vand.u32 $0xFFFF0000, v1;
	v5 =	vadd.s32 $0x7FFF, v5  }
0x44: {  	[tilespmem:s21+$0xC000] =	vst v2;
	v2 =	vadd.s32 v7, v4;
	v3 =	vadd.f32 v3, v6;
	v4 =	vmul.f32 v4, v4  }
0x45: {  	[tilespmem:s22+$0x0] =	vst v1;
	v1 =	vand.u32 $0xFFFF0000, v5;
	v2 =	vadd.s32 $0x7FFF, v2  }
0x46: {  	[tilespmem:s22+$0x4000] =	vst v1;
	v1 =	vand.u32 $0xFFFF0000, v2;
	v2 =	vadd.f32 v4, v3  }
0x47: {  	[tilespmem:s22+$0x8000] =	vst v1  }
0x48: {  	s21 =	simm.s32 $0x0;
	[tilespmem:s22+$0xC000] =	vst v2;
	s22 =	simm.s32 $0x0  }
.LBB2_4:
0x49: {  	v1 =	vld [tilespmem:s22+$0x10000]  }
0x4a: {  	v2 =	vld [tilespmem:s22+$0x10180]  }
0x4b: {  	v3 =	vld [tilespmem:s22+$0x10300];
	_ =	sdelay $0x2  }
0x4c: {  	(v2sf) =	vpush v1, $0x0  }
0x4d: {  	(v2sf) =	vpush v2, $0x0  }
0x4e: {  	(v2sf) =	vpush v3, $0x0;
	_ =	sdelay $0xc  }
0x4f: {  	s30 =	simm.s32 $0x4000;
	s23 =	spop (v2sf)  }
0x50: {  	v5 =	vld [tilespmem:s30+$0x0];
	s30 =	simm.s32 $0x8000;
	s25 =	spop (v2sf)  }
0x51: {  	s24 =	sshrl.u32 s23, $0x10;
	s26 =	spop (v2sf);
	s28 =	sshrl.u32 s25, $0x10  }
0x52: {  	s24 =	sand.u32 $0x1, s24;
	s28 =	sand.u32 $0x1, s28;
	s29 =	sshrl.u32 s26, $0x10  }
0x53: {  	s24 =	sadd.s32 s24, s23;
	s28 =	sadd.s32 s28, s25;
	s29 =	sand.u32 $0x1, s29  }
0x54: {  	v4 =	vld [tilespmem:s21+$0x0];
	s24 =	sadd.s32 $0x7FFF, s24;
	s28 =	sadd.s32 $0x7FFF, s28;
	s29 =	sadd.s32 s29, s26  }
0x55: {  	s24 =	sand.u32 $0xFFFF0000, s24;
	s28 =	sand.u32 $0xFFFF0000, s28;
	s29 =	sadd.s32 $0x7FFF, s29  }
0x56: {  	v6 =	vld [tilespmem:s30+$0x0];
	v1 =	vmov s24;
	s31 =	sand.u32 $0xFFFF0000, s29;
	v3 =	vmov s28  }
0x57: {  	s30 =	smul.f32 s25, s25;
	v2 =	vbroadcast v1, $0x0;
	v3 =	vbroadcast v3, $0x0;
	v1 =	vmov s31  }
0x58: {  	s28 =	smul.f32 s23, s23;
	v1 =	vbroadcast v1, $0x0  }
0x59: {  	s23 =	simm.s32 $0xC000;
	v4 =	vmul.f32 v4, v2;
	v5 =	vmul.f32 v5, v3  }
0x5a: {  	s31 =	smul.f32 s26, s26;
	v7 =	vld [tilespmem:s23+$0x0];
	s24 =	sadd.f32 s30, s28  }
0x5b: {  	v4 =	vadd.f32 v5, v4;
	v5 =	vmul.f32 v6, v1  }
0x5c: {  	s24 =	sadd.f32 s31, s24  }
0x5d: {  	v5 =	vadd.f32 v5, v4  }
0x5e: {  	v4 =	vmov s24  }
0x5f: {  	v6 =	vadd.f32 v7, v4;
	v5 =	vadd.f32 v5, v5;
	_ =	sdelay $0x1  }
0x60: {  	v6 =	vsub.f32 v6, v5;
	_ =	sdelay $0x1  }
0x61: {  	v7 =	vor.u32 s21, v0;
	vm0 =	vle.f32 v6, $2.500000000e-01  }
0x62: {  	v5 =	vnsel vm0, $0x7FFFFFFF, v7  }
0x63: {  	v8 =	vxor.u32 $0xFFFFFFFF, v5  }
0x64: {  	(xrf1) =	vsort.ascd.msk.u32 $0xffff, v8, v5;
	_ =	sdelay $0xd  }
0x65: {  	s24 =	simm.s32 $0x10;
	vm14 =	vle.f32 v6, $9.999999770e-03;
	v5 =	vimm.s32 $0x7FFFFFFF;
	_, v8, _ =	vpop (xrf1)  }
0x66: {  	s25 =	simm.s32 $0x4010;
	v6 =	vnsel vm14, $0x7FFFFFFF, v7;
	v7 =	vld [tilespmem:s24+$0x0];
	vm15 =	vlt.s32 v5, v8  }
0x67: {  	v9 =	vxor.u32 $0xFFFFFFFF, v6;
	v10 =	vsel vm15, v5, v8;
	v8 =	vld [tilespmem:s25+$0x0]  }
0x68: {  	s26 =	simm.s32 $0x8010;
	(xrf1) =	vsort.ascd.msk.u32 $0xffff, v9, v6;
	v11 =	vxor.u32 $0xFFFFFFFF, v10  }
0x69: {  	v9 =	vld [tilespmem:s26+$0x0];
	(xrf1) =	vsort.ascd.msk.u32 $0xffff, v11, v10  }
0x6a: {  	s29 =	simm.s32 $0x10;
	s28 =	simm.s32 $0x20;
	v6 =	vimm.s32 $0x7FFFFFFF  }
.LBB2_5:
0x6b: {  	p0 =	sne.s32 s28, $0x3FF0  }
0x6c: {  	v7 =	vmul.f32 v7, v2;
	s23 =	sadd.s32 $0x10, s23;
	v8 =	vmul.f32 v8, v3  }
0x6d: {  	v10 =	vld [tilespmem:s23+$0x0]  }
0x6e: {  	v7 =	vadd.f32 v8, v7;
	v8 =	vmul.f32 v9, v1;
	_ =	sdelay $0x1  }
0x6f: {  	v7 =	vadd.f32 v8, v7;
	_ =	sdelay $0x1  }
0x70: {  	v8 =	vadd.f32 v10, v4;
	v7 =	vadd.f32 v7, v7;
	_ =	sdelay $0x1  }
0x71: {  	v7 =	vsub.f32 v8, v7;
	_ =	sdelay $0x1  }
0x72: {  	v8 =	vor.u32 s24, v0;
	s24 =	smov.u32 s28;
	vm0 =	vle.f32 v7, $2.500000000e-01;
	_, v9, _ =	vpop (xrf1)  }
0x73: {  	v10 =	vnsel vm0, $0x7FFFFFFF, v8;
	vm0 =	vlt.s32 v5, v9;
	_, v11, _ =	vpop (xrf1)  }
0x74: {  	v12 =	vxor.u32 $0xFFFFFFFF, v10;
	v5 =	vsel vm0, v5, v9;
	vm0 =	vgt.s32 v6, v11  }
0x75: {  	(xrf1) =	vsort.ascd.msk.u32 $0xffff, v12, v10;
	v9 =	vxor.u32 $0x80000000, v5;
	v10 =	vsel vm0, v11, v6;
	v6 =	vsel vm0, v6, v11  }
0x76: {  	v11 =	vxor.u32 $0x80000000, v10;
	v12 =	vxor.u32 $0x80000000, v6;
	(xrf1) =	vsort.ascd.msk.u32 $0xffff, v9, v5  }
0x77: {  	(xrf1) =	vsort.ascd.msk.u32 $0xffff, v12, v6  }
0x78: {  	(xrf1) =	vsort.ascd.msk.u32 $0xffff, v11, v10;
	_ =	sdelay $0xa  }
0x79: {  	_, v9, _ =	vpop (xrf1)  }
0x7a: {  	v5, _, _ =	vpop (xrf1)  }
0x7b: {  	v6, _, _ =	vpop (xrf1)  }
0x7c: {  	s29 =	sadd.s32 $0x10, s29;
	vm0 =	vle.f32 v7, $9.999999770e-03;
	v5 =	vxor.u32 $0x80000000, v5;
	v10 =	vxor.u32 $0x80000000, v6;
	v6, _, _ =	vpop (xrf1)  }
.Ltmp1:
0x7d: {  	s25 =	sadd.s32 $0x10, s25;
	v11 =	vnsel vm0, $0x7FFFFFFF, v8;
	v7 =	vld [tilespmem:s29+$0x0];
	vm0 =	vlt.s32 v10, v9;
	v6 =	vxor.u32 $0x80000000, v6;
	(pc) =	sbr.rel @p0 .LBB2_5-.Ltmp1, $4  }
0x7e: {  	v12 =	vxor.u32 $0xFFFFFFFF, v11;
	v8 =	vld [tilespmem:s25+$0x0];
	v10 =	vsel vm0, v10, v9  }
0x7f: {  	s26 =	sadd.s32 $0x10, s26;
	v13 =	vxor.u32 $0xFFFFFFFF, v10;
	(xrf1) =	vsort.ascd.msk.u32 $0xffff, v12, v11  }
0x80: {  	v9 =	vld [tilespmem:s26+$0x0];
	(xrf1) =	vsort.ascd.msk.u32 $0xffff, v13, v10  }
0x81: {  	s28 =	sadd.s32 $0x10, s28  }
0x82: {  	_ = 	snop  }
0x83: {  	v2 =	vmul.f32 v7, v2;
	s23 =	sadd.s32 $0x10, s23;
	v3 =	vmul.f32 v8, v3  }
0x84: {  	v49 =	vld [tilespmem:s23+$0x0]  }
0x85: {  	v2 =	vadd.f32 v3, v2;
	v1 =	vmul.f32 v9, v1;
	_ =	sdelay $0x1  }
0x86: {  	v1 =	vadd.f32 v1, v2;
	_ =	sdelay $0x1  }
0x87: {  	v2 =	vadd.f32 v49, v4;
	v1 =	vadd.f32 v1, v1;
	_ =	sdelay $0x1  }
0x88: {  	v1 =	vsub.f32 v2, v1;
	_ =	sdelay $0x1  }
0x89: {  	v2 =	vor.u32 s24, v0;
	vm0 =	vle.f32 v1, $2.500000000e-01;
	_, v3, _ =	vpop (xrf1)  }
0x8a: {  	v50 =	vnsel vm0, $0x7FFFFFFF, v2;
	vm7 =	vlt.s32 v5, v3;
	_, v51, _ =	vpop (xrf1)  }
0x8b: {  	v52 =	vxor.u32 $0xFFFFFFFF, v50;
	v3 =	vsel vm7, v5, v3;
	vm8 =	vgt.s32 v6, v51  }
0x8c: {  	(xrf1) =	vsort.ascd.msk.u32 $0xffff, v52, v50;
	v53 =	vxor.u32 $0x80000000, v3;
	v54 =	vsel vm8, v6, v51  }
0x8d: {  	v55 =	vxor.u32 $0x80000000, v54;
	(xrf1) =	vsort.ascd.msk.u32 $0xffff, v53, v3  }
0x8e: {  	(xrf1) =	vsort.ascd.msk.u32 $0xffff, v55, v54;
	_ =	sdelay $0xb  }
0x8f: {  	_, v3, _ =	vpop (xrf1)  }
0x90: {  	v4, _, _ =	vpop (xrf1)  }
0x91: {  	v5, _, _ =	vpop (xrf1)  }
0x92: {  	vm9 =	vle.f32 v1, $9.999999770e-03;
	v56 =	vsel vm8, v51, v6;
	v1 =	vxor.u32 $0x80000000, v5  }
0x93: {  	v2 =	vnsel vm9, $0x7FFFFFFF, v2;
	v57 =	vxor.u32 $0x80000000, v56;
	vm10 =	vlt.s32 v1, v3  }
0x94: {  	v58 =	vxor.u32 $0xFFFFFFFF, v2;
	(xrf1) =	vsort.ascd.msk.u32 $0xffff, v57, v56;
	v1 =	vsel vm10, v1, v3  }
0x95: {  	(xrf1) =	vsort.ascd.msk.u32 $0xffff, v58, v2;
	v3 =	vxor.u32 $0xFFFFFFFF, v1  }
0x96: {  	(xrf1) =	vsort.ascd.msk.u32 $0xffff, v3, v1;
	_ =	sdelay $0xb  }
0x97: {  	v1, _, _ =	vpop (xrf1)  }
0x98: {  	v2 =	vxor.u32 $0x80000000, v4;
	_, v3, _ =	vpop (xrf1)  }
0x99: {  	v1 =	vxor.u32 $0x80000000, v1;
	vm11 =	vlt.s32 v2, v3;
	_, v59, _ =	vpop (xrf1)  }
0x9a: {  	v2 =	vsel vm11, v2, v3;
	vm12 =	vgt.s32 v1, v59  }
0x9b: {  	v3 =	vxor.u32 $0x80000000, v2;
	v60 =	vsel vm12, v1, v59  }
0x9c: {  	(xrf1) =	vsort.ascd.msk.u32 $0xffff, v3, v2;
	v1 =	vsel vm12, v59, v1;
	v61 =	vxor.u32 $0x80000000, v60  }
0x9d: {  	v2 =	vxor.u32 $0x80000000, v1;
	(xrf1) =	vsort.ascd.msk.u32 $0xffff, v61, v60  }
0x9e: {  	(xrf1) =	vsort.ascd.msk.u32 $0xffff, v2, v1;
	_ =	sdelay $0xb  }
0x9f: {  	v1, _, _ =	vpop (xrf1)  }
0xa0: {  	v2, _, _ =	vpop (xrf1)  }
0xa1: {  	v3 =	vxor.u32 $0x80000000, v1;
	v62, _, _ =	vpop (xrf1)  }
0xa2: {  	(v2sf) =	vpush v3, $0x0;
	v63 =	vxor.u32 $0x80000000, v62  }
0xa3: {  	(v2sf) =	vpush v63, $0x0;
	_ =	sdelay $0xd  }
0xa4: {  	s25 =	sshll.u32 s22, $0x4;
	s23 =	spop (v2sf)  }
0xa5: {  	s30 =	sshll.u32 s22, $0x5;
	p0 =	seq.s32 s23, $0x7FFFFFFF;
	s24 =	spop (v2sf)  }
0xa6: {  	s22 =	sadd.s32 $0x1, s22;
	s23 =	simm.s32 @p0 $0x0;
	p0 =	seq.s32 s24, $0x7FFFFFFF  }
0xa7: {  	s24 =	simm.s32 @p0 $0x0;
	p0 =	sne.s32 s22, $0x100  }
.Ltmp2:
0xa8: {  	vm13 =	veq.s32 v1, $0xFFFFFFFF;
	(pc) =	sbr.rel @p0 .LBB2_4-.Ltmp2, $4  }
0xa9: {  	s29 =	sand.u32 $0x3FFFFFF0, s25;
	vm14 =	veq.s32 v62, $0xFFFFFFFF;
	v1 =	vsel vm13, s23, v3  }
0xaa: {  	s31 =	sand.u32 $0x3FFFFFE0, s30;
	vm15 =	veq.s32 v2, $0xFFFFFFFF;
	[tilespmem:s29+$0x10480] =	vst v1;
	v1 =	vxor.u32 $0x80000000, v2;
	v3 =	vsel vm14, s24, v63  }
0xab: {  	v1 =	vsel vm15, s24, v1;
	[tilespmem:s31+$0x11480] =	vst v3  }
0xac: {  	[tilespmem:s31+$0x11490] =	vst v1  }
0xad: {  	[hbm4b:s9+s2] =	stream.linear.scatter [tilespmem:s18], [sflag:$0x1], $0x1000, $0x38;
	[tilespmem:$0x13480] =	vst v63  }
0xae: {  	s20 =	sadd.s32 $0x1, s20;
	_ =	swait.ge [sflag:s12], $0x1000  }
0xaf: {  	p0 =	sne.s32 s20, s11;
	[sflag:s12] =	ssyncset.done $0x0  }
.Ltmp3:
0xb0: {  	[sflag:s12] =	ssyncadd.s32 $0xFFFFF000;
	(pc) =	sbr.rel @p0 .LBB2_1-.Ltmp3, $4  }
0xb1: {  	[hbm4b:s10+s2] =	stream.linear.scatter [tilespmem:s19], [sflag:$0x1], $0x2000, $0x38;
	[tilespmem:$0x13480] =	vst v63  }
0xb2: {  	_ =	swait.ge [sflag:s12], $0x2000  }
0xb3: {  	[sflag:s12] =	ssyncset.done $0x0  }
0xb4: {  	[sflag:s12] =	ssyncadd.s32 $0xFFFFE000  }
0xb5: {  	_ =	sfence.sel $0x180000  }
0xb6: {  	[bflag:$0x0] =	sbarrier.arrive $0xFFFF  }
0xb7: {  	p0 =	sne.s32 s0, $0x0;
	_ =	strace $0x90000050  }
0xb8: {  	s0 =	sadd.s32 @!p0 $0x100000, s1;
	[bflag:$0x2] =	sbarrier.arrive $0xFFFF  }
0xb9: {  	[sflag:s0] =	ssyncadd.tile.s32 @!p0 $0x1;
	_ =	shalt  }
.Lfunc_end2:
_tile_overlayer_lowered:
.L_overlay_start_2:
0xba: {  	(tag) =	ssettag $0x2  }
0xbb: {  	s0 =	rddreg [dreg:$0x0];
	s2 =	stileid.u32  }
0xbc: {  	s1 =	rddreg [dreg:$0x1];
	p0 =	sne.s32 s2, $0x0  }
0xbd: {  	s3 =	rddreg [dreg:$0x2];
	[bflag:$0x3] =	sbarrier.arrive $0xFFFF;
	s2 =	simm.s32 @!p0 $0x1C01  }
0xbe: {  	[timem:s3], [sflag:s2] =	dma.local @!p0 [hbm:s0], s1  }
0xbf: {  	s0 =	simm.s32 @!p0 $0x1  }
0xc0: {  	_ =	swait.ge @!p0 [sflag:s0], s1  }
0xc1: {  	s1 =	ssub.s32 @!p0 $0x0, s1;
	[sflag:s0] =	ssyncset.done @!p0 $0x0  }
0xc2: {  	[sflag:s0] =	ssyncadd.s32 @!p0 s1  }
0xc3: {  	[bflag:$0x3] =	sbarrier.arrive $0xFFFF  }
0xc4: {  	_ =	shalt  }

// kernel: kernel.13.cloned.1.call-start
scs
__scs_entry_jumppad:
0x0: {  	(pc) =	sbr.rel $0x88, $3  }
0x1: {  	(tag) =	ssettag $0x0;
	lr =	simm.s32 $0x1  }
0x2: {  	[smem:$0x3F40] =	sst lr;
	_ =	strace $0xD0000000  }
0x3: {  	_ = 	snop  }
0x4: {  	_ = 	snop  }
0x5: {  	_ = 	snop  }
0x6: {  	_ = 	snop  }
0x7: {  	_ = 	snop  }
__scs_overlays_trampoline_lowered:
0x8: {  	[smem:$0x3F4F] =	sst s0  }
0x9: {  	[smem:$0x3F50] =	sst s1  }
0xa: {  	[smem:$0x3F51] =	sst s2  }
0xb: {  	[smem:$0x3F52] =	sst s3  }
0xc: {  	[smem:$0x3F53] =	sst s4  }
0xd: {  	[smem:$0x3F54] =	sst s5  }
0xe: {  	[smem:$0x3F55] =	sst s6  }
0xf: {  	[smem:$0x3F56] =	sst s7  }
0x10: {  	[smem:$0x3F57] =	sst s8  }
0x11: {  	[smem:$0x3F58] =	sst s9;
	s0 =	simm.s32 @!p0 $0x0  }
0x12: {  	s1 =	sld [smem:$0x3F3E];
	s0 =	simm.s32 @p0 $0x1  }
0x13: {  	[smem:$0x3F59] =	sst s0;
	s0 =	simm.s32 @!p1 $0x0  }
0x14: {  	s2 =	sld [smem:$0x3F3D];
	s0 =	simm.s32 @p1 $0x1  }
0x15: {  	[smem:$0x3F5A] =	sst s0;
	s0 =	simm.s32 @!p2 $0x0  }
0x16: {  	s3 =	sld [smem:$0x3FDB];
	s0 =	simm.s32 @p2 $0x1  }
0x17: {  	s4 =	simm.s32 $0x1BF5;
	[smem:$0x3F5C] =	sst s0  }
0x18: {  	s0 =	sld [smem:$0x3F3F];
	_ =	swait.ge [sflag:s4], $0x0  }
0x19: {  	s7 =	sld [smem:$0x3F40]  }
0x1a: {  	s8 =	sadd.s32 $0xFFFFE003, lr  }
0x1b: {  	s9 =	sadd.s32 $0xFFFFFEF7, lr;
	s5 =	simm.s32 $0xFFFFFFFF;
	p2 =	slt.u32 s8, $0xFFFFF086  }
0x1c: {  	p1 =	slt.u32 s9, $0xF7A;
	s5 =	simm.s32 @!p2 $0x0  }
0x1d: {  	s5 =	simm.s32 @p1 $0x1;
	p0 =	seq.s32 s7, s2  }
0x1e: {  	s7 =	smul.u32 @!p0 $0xF7A, s2;
	p2 =	seq.s32 @!p0 s5, $0x0  }
0x1f: {  	s9 =	smul.u32 $0xF7A, s1;
	s8 =	simm.s32 @!p0 $0x1BF5;
	p2 =	por !p2, p0  }
0x20: {  	[sflag:s8] =	ssyncset.s32 @!p0 $0xFFFFF086;
	s6 =	sadd.s32 @!p0 s3, s7;
	s7 =	simm.s32 @!p0 $0x108  }
0x21: {  	s3 =	sadd.s32 s3, s9;
	s6 =	sadd.s32 @!p0 $0x88, s6;
	s7 =	simm.s32 @p2 $0x1082  }
0x22: {  	[simem:s7], [sflag:s8] =	dma.local @!p0 [hbm:s6], $0xF7A  }
0x23: {  	s9 =	sor.u32 $0xD0000000, s2;
	s6 =	simm.s32 $0x108;
	_ =	swait.ge @!p0 [sflag:s8], $0x0  }
0x24: {  	s3 =	sadd.s32 $0x88, s3;
	s6 =	simm.s32 @!p1 $0x1082;
	[sflag:s4] =	ssyncset.s32 $0xFFFFF086  }
0x25: {  	[simem:s6], [sflag:s4] =	dma.local [hbm:s3], $0xF7A  }
0x26: {  	[smem:$0x3F40] =	sst s1;
	(tag) =	ssettag s2;
	_ =	strace s9  }
0x27: {  	s1 =	sld [smem:$0x3F50]  }
0x28: {  	s2 =	sld [smem:$0x3F51]  }
0x29: {  	s4 =	sld [smem:$0x3F53]  }
0x2a: {  	p0 =	seq.s32 s5, $0x0;
	s5 =	sld [smem:$0x3F54]  }
0x2b: {  	s6 =	sld [smem:$0x3F55]  }
0x2c: {  	s7 =	sld [smem:$0x3F56]  }
0x2d: {  	s3 =	simm.s32 $0x108;
	s8 =	sld [smem:$0x3F57]  }
0x2e: {  	s3 =	simm.s32 @!p0 $0x1082;
	s9 =	sld [smem:$0x3F58]  }
0x2f: {  	lr =	sadd.s32 s0, s3;
	s0 =	sld [smem:$0x3F4F]  }
0x30: {  	s3 =	sld [smem:$0x3F52]  }
0x31: {  	[smem:$0x3F5B] =	sst s10  }
0x32: {  	s10 =	sld [smem:$0x3F59];
	_ =	sdelay $0x3  }
0x33: {  	p0 =	seq.s32 s10, $0x1;
	s10 =	sld [smem:$0x3F5B];
	_ =	sdelay $0x3  }
0x34: {  	[smem:$0x3F5B] =	sst s10  }
0x35: {  	s10 =	sld [smem:$0x3F5A];
	_ =	sdelay $0x3  }
0x36: {  	p1 =	seq.s32 s10, $0x1;
	s10 =	sld [smem:$0x3F5B];
	_ =	sdelay $0x3  }
0x37: {  	[smem:$0x3F5B] =	sst s10  }
0x38: {  	s10 =	sld [smem:$0x3F5C]  }
0x39: {  	_ = 	snop;
	(pc) =	sbr.ind lr, $3  }
0x3a: {  	_ = 	snop  }
0x3b: {  	_ = 	snop  }
0x3c: {  	p2 =	seq.s32 s10, $0x1;
	s10 =	sld [smem:$0x3F5B]  }
0x3d: {  	_ =	shalt  }
0x3e: {  	_ =	shalt  }
0x3f: {  	_ =	shalt  }
0x40: {  	_ =	shalt  }
0x41: {  	_ =	shalt  }
0x42: {  	_ =	shalt  }
0x43: {  	_ =	shalt  }
0x44: {  	_ =	shalt  }
0x45: {  	_ =	shalt  }
0x46: {  	_ =	shalt  }
0x47: {  	_ =	shalt  }
0x48: {  	_ =	shalt  }
0x49: {  	_ =	shalt  }
0x4a: {  	_ =	shalt  }
0x4b: {  	_ =	shalt  }
0x4c: {  	_ =	shalt  }
0x4d: {  	_ =	shalt  }
0x4e: {  	_ =	shalt  }
0x4f: {  	_ =	shalt  }
0x50: {  	_ =	shalt  }
0x51: {  	_ =	shalt  }
0x52: {  	_ =	shalt  }
0x53: {  	_ =	shalt  }
0x54: {  	_ =	shalt  }
0x55: {  	_ =	shalt  }
0x56: {  	_ =	shalt  }
0x57: {  	_ =	shalt  }
0x58: {  	_ =	shalt  }
0x59: {  	_ =	shalt  }
0x5a: {  	_ =	shalt  }
0x5b: {  	_ =	shalt  }
0x5c: {  	_ =	shalt  }
0x5d: {  	_ =	shalt  }
0x5e: {  	_ =	shalt  }
0x5f: {  	_ =	shalt  }
0x60: {  	_ =	shalt  }
0x61: {  	_ =	shalt  }
0x62: {  	_ =	shalt  }
0x63: {  	_ =	shalt  }
0x64: {  	_ =	shalt  }
0x65: {  	_ =	shalt  }
0x66: {  	_ =	shalt  }
0x67: {  	_ =	shalt  }
0x68: {  	_ =	shalt  }
0x69: {  	_ =	shalt  }
0x6a: {  	_ =	shalt  }
0x6b: {  	_ =	shalt  }
0x6c: {  	_ =	shalt  }
0x6d: {  	_ =	shalt  }
0x6e: {  	_ =	shalt  }
0x6f: {  	_ =	shalt  }
0x70: {  	_ =	shalt  }
0x71: {  	_ =	shalt  }
0x72: {  	_ =	shalt  }
0x73: {  	_ =	shalt  }
0x74: {  	_ =	shalt  }
0x75: {  	_ =	shalt  }
0x76: {  	_ =	shalt  }
0x77: {  	_ =	shalt  }
0x78: {  	_ =	shalt  }
0x79: {  	_ =	shalt  }
0x7a: {  	_ =	shalt  }
0x7b: {  	_ =	shalt  }
0x7c: {  	_ =	shalt  }
0x7d: {  	_ =	shalt  }
0x7e: {  	_ =	shalt  }
0x7f: {  	_ =	shalt  }
0x80: {  	_ =	shalt  }
0x81: {  	_ =	shalt  }
0x82: {  	_ =	shalt  }
0x83: {  	_ =	shalt  }
0x84: {  	_ =	shalt  }
0x85: {  	_ =	shalt  }
0x86: {  	_ =	shalt  }
0x87: {  	_ =	shalt  }
.Lfunc_end0:
.L_simem_size_0:
called_computation.4_lowered:
.L_overlay_start_0:
0x88: {  	s2 =	sld [smem:$0x3FD9]  }
0x89: {  	s3 =	sld [smem:$0x3FFE];
	_ =	sdelay $0x1  }
0x8a: {  	s1 =	srdreg.scid  }
0x8b: {  	s0 =	sand.u32 $0x1, s1  }
0x8c: {  	s17 =	sshll.u32 s0, $0xA;
	s2 =	sadd.s32 s3, s2  }
0x8d: {  	s2 =	sadd.s32 s2, s17  }
0x8e: {  	[smem:$0x3F67] =	sst s2  }
0x8f: {  	_ = 	snop  }
0x90: {  	(tm) =	ssettm $0x1  }
0x91: {  	s18 =	sld [smem:$0x3FFB];
	_ =	sdelay $0x3  }
0x92: {  	_ =	strace s18  }
0x93: {  	s2 =	sld [smem:$0x3FFC];
	_ =	sdelay $0x3  }
0x94: {  	_ =	strace s2  }
0x95: {  	s2 =	sld [smem:$0x3FFD];
	_ =	sdelay $0x3  }
0x96: {  	_ =	strace s2  }
0x97: {  	_ =	strace $0x8FFFFFFF  }
0x98: {  	s19 =	sld [smem:$0x3FDB];
	_ =	sdelay $0x1  }
0x99: {  	s20 =	simm.s32 $_scs_section_size  }
0x9a: {  	s4 =	simm.s32 $_size__tile_overlayer_lowered;
	s5 =	simm.s32 $_tile_overlayer_lowered  }
0x9b: {  	s6 =	simm.s32 $0x1BFF;
	s21 =	sshll.u32 s5, $0x1;
	s3 =	sadd.s32 s20, s19  }
0x9c: {  	s22 =	simm.s32 $0x0;
	s4 =	sshll.u32 s4, $0x1;
	s5 =	sadd.s32 s21, s3  }
0x9d: {  	[timem:s22], [sflag:s6] =	dma.local [hbm:s5], s4  }
0x9e: {  	_ =	swait.ge [sflag:s6], s4  }
0x9f: {  	s4 =	ssub.s32 $0x0, s4;
	[sflag:s6] =	ssyncset.done $0x0  }
0xa0: {  	[sflag:s6] =	ssyncadd.s32 s4;
	_ =	sdelay $0x1  }
0xa1: {  	s23 =	simm.s32 $0x1B8B  }
0xa2: {  	_ =	swait.ge [sflag:s23], $0x1  }
0xa3: {  	[sflag:s23] =	ssyncset.done $0x0  }
0xa4: {  	[sflag:s23] =	ssyncadd.s32 $0xFFFFFFFF  }
0xa5: {  	s4 =	sld [smem:$0x0]  }
0xa6: {  	s5 =	sand.u32 $0xFFFFFFFE, s1  }
0xa7: {  	p0 =	sne.s32 s1, s5  }
0xa8: {  	s5 =	sshll.u32 @p0 s5, $0xE  }
0xa9: {  	s5 =	sadd.s32 @p0 $0x11B8D, s5;
	s6 =	sshll.u32 @p0 s4, $0x11  }
0xaa: {  	s5 =	sor.u32 @p0 s6, s5  }
0xab: {  	[sflag:s5] =	ssyncadd.remote.s32 @p0 $0x1;
	_ =	sdelay $0x1  }
0xac: {  	s5 =	simm.s32 @p0 $0x1B8D  }
0xad: {  	_ =	swait.eq @p0 [sflag:s5], $0x1  }
0xae: {  	[sflag:s5] =	ssyncadd.s32 @p0 $0xFFFFFFFF  }
0xaf: {  	s6 =	sshll.u32 @!p0 s1, $0xE  }
0xb0: {  	s6 =	sor.u32 @!p0 $0x4000, s6;
	s5 =	simm.s32 @!p0 $0x1B8D  }
0xb1: {  	s4 =	sshll.u32 @!p0 s4, $0x11;
	s6 =	sadd.s32 @!p0 $0x11B8D, s6;
	_ =	swait.eq @!p0 [sflag:s5], $0x1  }
0xb2: {  	s4 =	sor.u32 @!p0 s4, s6;
	[sflag:s5] =	ssyncadd.s32 @!p0 $0xFFFFFFFF  }
0xb3: {  	s25 =	simm.s32 $0x1B8E;
	s24 =	sld [smem:$0x3FFE];
	[sflag:s4] =	ssyncadd.remote.s32 @!p0 $0x1  }
0xb4: {  	s26 =	simm.s32 $execute0_lowered;
	[smem:$0x3FD2] =	sst s25  }
0xb5: {  	s5 =	sshll.u32 s26, $0x1;
	_ =	strace $0x80000052;
	[dreg:$0x1] =	wrdreg $0xFFFFFFFF  }
0xb6: {  	s28 =	simm.s32 $_size_execute0_lowered;
	s3 =	sadd.s32 s3, s5;
	[dreg:$0x0] =	wrdreg $0x0  }
0xb7: {  	s5 =	sshll.u32 s28, $0x1;
	[dreg:$0x2] =	wrdreg s3  }
0xb8: {  	[dreg:$0x3] =	wrdreg s5  }
0xb9: {  	[dreg:$0x4] =	wrdreg $0xC0  }
0xba: {  	_ =	task [dreg:s22], $0x5FFFF  }
0xbb: {  	[dreg:$0x1] =	wrdreg $0xFFFFFFFF  }
0xbc: {  	[dreg:$0x0] =	wrdreg $0x60  }
0xbd: {  	[dreg:$0x2] =	wrdreg s24  }
0xbe: {  	[dreg:$0x3] =	wrdreg $0xB  }
0xbf: {  	_ =	task.clear_ibuf [dreg:s22], $0x4FFFF;
	_ =	strace $0x90000052  }
0xc0: {  	s29 =	simm.s32 $0xB;
	_ =	strace $0x80000054  }
0xc1: {  	_ =	swait.ge [sflag:s29], $0x1  }
0xc2: {  	[sflag:s29] =	ssyncadd.s32 $0xFFFFFFFF  }
0xc3: {  	_ =	strace $0x90000054  }
0xc4: {  	_ =	sfence  }
0xc5: {  	s30 =	sld [smem:$0x0];
	_ =	sdelay $0x2  }
0xc6: {  	s31 =	sshll.u32 s1, $0xD;
	s1 =	sshrl.u32 s1, $0x2  }
0xc7: {  	s4 =	sand.u32 $0x4000, s31;
	s1 =	sadd.s32 s1, s30  }
0xc8: {  	s0 =	sor.u32 s4, s0;
	s1 =	sshll.u32 s1, $0x11  }
0xc9: {  	s0 =	sor.u32 s1, s0  }
0xca: {  	s0 =	sadd.s32 $0x8F2B, s0  }
0xcb: {  	[sflag:s0] =	ssyncadd.remote.s32 $0x1  }
0xcc: {  	_ =	sfence.sel $0xFFFF  }
0xcd: {  	[dreg:$0x0] =	wrdreg $0xFFFFFFFF;
	(pc) =	sbr.abs _section_cstart, $3  }
0xce: {  	[dreg:$0x1] =	wrdreg $0xFFFFFFFF  }
0xcf: {  	_ =	task.clear_ibuf [dreg:s22], $0x2FFFF;
	_ =	strace $0x9FFFFFFF  }
0xd0: {  	(tm) =	ssettm $0x7FFFFFFF  }
0xd1: {  	_ =	shalt  }
tec
execute0_lowered:
.L_overlay_start_1:
0x0: {  	(tag) =	ssettag $0x1  }
0x1: {  	s0 =	stileid.u32;
	s3 =	rddreg [dreg:$0x0]  }
0x2: {  	s1 =	rddreg [dreg:$0x1];
	s2 =	simm.s32 $0x0;
	s5 =	srdreg.scid  }
0x3: {  	s13 =	simm.s32 $0x1000;
	s14 =	simm.s32 $0x2000;
	s15 =	simm.s32 $0x4000  }
0x4: {  	s16 =	simm.s32 $0x4080;
	s17 =	simm.s32 $0x4100;
	s18 =	simm.s32 $0x4180  }
0x5: {  	s19 =	simm.s32 $0x4580;
	s20 =	simm.s32 $0x0;
	s4 =	sshrl.u32 s0, $0x3  }
0x6: {  	[smem:$0x7FF] =	sst s2;
	s5 =	sand.u32 $0x1, s5;
	s6 =	sshll.u32 s0, $0x1  }
0x7: {  	s4 =	smul.u32 $0x3000, s4;
	_ =	strace $0x80000053;
	s30 =	sor.u32 s5, s6  }
0x8: {  	s31 =	ssub.s32 $0x2, s5;
	s6 =	sshll.u32 s30, $0x3;
	s8 =	sshll.u32 s30, $0x7  }
0x9: {  	s12 =	sshrl.u32 s31, $0x1;
	s4 =	sshrl.u32 s4, $0x3;
	s9 =	sadd.s32 s6, s3  }
0xa: {  	s10 =	sadd.s32 s8, s3;
	s12 =	ssub.s32 s31, s12;
	s7 =	sadd.s32 s4, s3  }
0xb: {  	s4 =	sshll.u32 s30, $0x8;
	s6 =	sadd.s32 $0x2B8C00, s9;
	s8 =	sadd.s32 $0x2B8E00, s9  }
0xc: {  	s11 =	sadd.s32 s4, s3;
	s4 =	sadd.s32 $0x2B8200, s7;
	s5 =	sadd.s32 $0x2B8400, s7  }
0xd: {  	s3 =	sadd.s32 $0x2B8000, s7;
	s7 =	sadd.s32 $0x2B8D00, s9;
	s9 =	sadd.s32 $0x2B9000, s10  }
0xe: {  	v0 =	vlaneseq.u32;
	s10 =	sadd.s32 $0x2BA000, s11;
	s11 =	smax.u32 s12, $0x1;
	s12 =	simm.s32 $0x1  }
.LBB2_1:
0xf: {  	[tilespmem:s2], [sflag:$0x1] =	stream.linear.gather [hbm4b:s3+s2], $0x1000, $0x38;
	[tilespmem:$0x4D80] =	vst v63  }
0x10: {  	_ =	swait.ge [sflag:s12], $0x1000  }
0x11: {  	[sflag:s12] =	ssyncset.done $0x0  }
0x12: {  	[sflag:s12] =	ssyncadd.s32 $0xFFFFF000  }
0x13: {  	[tilespmem:s13], [sflag:$0x1] =	stream.linear.gather [hbm4b:s4+s2], $0x1000, $0x38;
	[tilespmem:$0x4D80] =	vst v63  }
0x14: {  	_ =	swait.ge [sflag:s12], $0x1000  }
0x15: {  	[sflag:s12] =	ssyncset.done $0x0  }
0x16: {  	[sflag:s12] =	ssyncadd.s32 $0xFFFFF000  }
0x17: {  	[tilespmem:s14], [sflag:$0x1] =	stream.linear.gather [hbm4b:s5+s2], $0x1000, $0x38;
	[tilespmem:$0x4D80] =	vst v63  }
0x18: {  	_ =	swait.ge [sflag:s12], $0x1000  }
0x19: {  	[sflag:s12] =	ssyncset.done $0x0  }
0x1a: {  	[sflag:s12] =	ssyncadd.s32 $0xFFFFF000  }
0x1b: {  	[tilespmem:s15], [sflag:$0x1] =	stream.linear.gather [hbm4b:s6+s2], $0x40, $0x38;
	[tilespmem:$0x4D80] =	vst v63  }
0x1c: {  	_ =	swait.ge [sflag:s12], $0x40  }
0x1d: {  	[sflag:s12] =	ssyncset.done $0x0  }
0x1e: {  	[sflag:s12] =	ssyncadd.s32 $0xFFFFFFC0  }
0x1f: {  	[tilespmem:s16], [sflag:$0x1] =	stream.linear.gather [hbm4b:s7+s2], $0x40, $0x38;
	[tilespmem:$0x4D80] =	vst v63  }
0x20: {  	_ =	swait.ge [sflag:s12], $0x40  }
0x21: {  	[sflag:s12] =	ssyncset.done $0x0  }
0x22: {  	[sflag:s12] =	ssyncadd.s32 $0xFFFFFFC0  }
0x23: {  	[tilespmem:s17], [sflag:$0x1] =	stream.linear.gather [hbm4b:s8+s2], $0x40, $0x38;
	[tilespmem:$0x4D80] =	vst v63  }
0x24: {  	_ =	swait.ge [sflag:s12], $0x40  }
0x25: {  	[sflag:s12] =	ssyncset.done $0x0  }
0x26: {  	s21 =	simm.s32 $0x0;
	[sflag:s12] =	ssyncadd.s32 $0xFFFFFFC0  }
0x27: {  	v1 =	vld [tilespmem:s21+$0x0];
	_ =	sdelay $0x1  }
0x28: {  	v2 =	vld [tilespmem:s21+$0x1000]  }
0x29: {  	v3 =	vld [tilespmem:s21+$0x2000];
	_ =	sdelay $0x1  }
0x2a: {  	v4 =	vshrl.u32 v1, $0x10  }
0x2b: {  	v4 =	vand.u32 $0x1, v4  }
0x2c: {  	v5 =	vmul.f32 v1, v1;
	v6 =	vshrl.u32 v2, $0x10;
	v1 =	vadd.s32 v4, v1  }
0x2d: {  	v4 =	vand.u32 $0x1, v6;
	v6 =	vshrl.u32 v3, $0x10;
	v1 =	vadd.s32 $0x7FFF, v1  }
0x2e: {  	v4 =	vadd.s32 v4, v2;
	v6 =	vand.u32 $0x1, v6;
	v2 =	vmul.f32 v2, v2  }
0x2f: {  	v1 =	vand.u32 $0xFFFF0000, v1;
	v4 =	vadd.s32 $0x7FFF, v4;
	v6 =	vadd.s32 v6, v3  }
0x30: {  	s22 =	simm.s32 $0x10;
	[tilespmem:s21+$0x0] =	vst v1;
	v4 =	vand.u32 $0xFFFF0000, v4;
	v6 =	vadd.s32 $0x7FFF, v6  }
0x31: {  	s23 =	simm.s32 $0x80;
	v3 =	vmul.f32 v3, v3;
	v2 =	vadd.f32 v2, v5;
	v1 =	vld [tilespmem:s22+$0x0];
	[tilespmem:s21+$0x1000] =	vst v4;
	v4 =	vand.u32 $0xFFFF0000, v6  }
.LBB2_2:
0x32: {  	p0 =	sne.s32 s23, $0x3FC0;
	v5 =	vld [tilespmem:s22+$0x1000];
	[tilespmem:s21+$0x2000] =	vst v4  }
0x33: {  	v4 =	vld [tilespmem:s22+$0x2000];
	v2 =	vadd.f32 v3, v2;
	_ =	sdelay $0x1  }
0x34: {  	[tilespmem:s21+$0x3000] =	vst v2;
	s21 =	smov.u32 s22  }
0x35: {  	v2 =	vmul.f32 v1, v1;
	v3 =	vshrl.u32 v1, $0x10  }
0x36: {  	v6 =	vmul.f32 v5, v5;
	v3 =	vand.u32 $0x1, v3;
	v7 =	vshrl.u32 v5, $0x10  }
.Ltmp0:
0x37: {  	v1 =	vadd.s32 v3, v1;
	v3 =	vand.u32 $0x1, v7;
	v7 =	vshrl.u32 v4, $0x10;
	(pc) =	sbr.rel @p0 .LBB2_2-.Ltmp0, $4  }
0x38: {  	v1 =	vadd.s32 $0x7FFF, v1;
	v3 =	vadd.s32 v3, v5;
	v5 =	vand.u32 $0x1, v7  }
0x39: {  	v1 =	vand.u32 $0xFFFF0000, v1;
	v3 =	vadd.s32 $0x7FFF, v3;
	v5 =	vadd.s32 v5, v4  }
0x3a: {  	s22 =	sshra.s32 s23, $0x2;
	v2 =	vadd.f32 v6, v2;
	[tilespmem:s21+$0x0] =	vst v1;
	v6 =	vand.u32 $0xFFFF0000, v3;
	v5 =	vadd.s32 $0x7FFF, v5  }
0x3b: {  	s23 =	sadd.s32 $0x40, s23;
	v3 =	vmul.f32 v4, v4;
	v1 =	vld [tilespmem:s22+$0x0];
	[tilespmem:s21+$0x1000] =	vst v6;
	v4 =	vand.u32 $0xFFFF0000, v5  }
0x3c: {  	v5 =	vld [tilespmem:s22+$0x1000]  }
0x3d: {  	[tilespmem:s21+$0x2000] =	vst v4  }
0x3e: {  	v4 =	vld [tilespmem:s22+$0x2000];
	_ =	sdelay $0x1  }
0x3f: {  	v2 =	vadd.f32 v3, v2;
	v3 =	vshrl.u32 v1, $0x10  }
0x40: {  	v6 =	vmul.f32 v1, v1;
	v3 =	vand.u32 $0x1, v3;
	v7 =	vshrl.u32 v5, $0x10  }
0x41: {  	v1 =	vadd.s32 v3, v1;
	v3 =	vmul.f32 v5, v5;
	v7 =	vand.u32 $0x1, v7  }
0x42: {  	v63 =	vshrl.u32 v4, $0x10;
	v5 =	vadd.s32 v7, v5;
	v1 =	vadd.s32 $0x7FFF, v1  }
0x43: {  	v7 =	vand.u32 $0x1, v63;
	v1 =	vand.u32 $0xFFFF0000, v1;
	v5 =	vadd.s32 $0x7FFF, v5  }
0x44: {  	[tilespmem:s21+$0x3000] =	vst v2;
	v2 =	vadd.s32 v7, v4;
	v3 =	vadd.f32 v3, v6;
	v4 =	vmul.f32 v4, v4  }
0x45: {  	[tilespmem:s22+$0x0] =	vst v1;
	v1 =	vand.u32 $0xFFFF0000, v5;
	v2 =	vadd.s32 $0x7FFF, v2  }
0x46: {  	[tilespmem:s22+$0x1000] =	vst v1;
	v1 =	vand.u32 $0xFFFF0000, v2;
	v2 =	vadd.f32 v4, v3  }
0x47: {  	[tilespmem:s22+$0x2000] =	vst v1  }
0x48: {  	s21 =	simm.s32 $0x0;
	[tilespmem:s22+$0x3000] =	vst v2;
	s22 =	simm.s32 $0x0  }
.LBB2_4:
0x49: {  	v1 =	vld [tilespmem:s22+$0x4000]  }
0x4a: {  	v2 =	vld [tilespmem:s22+$0x4080]  }
0x4b: {  	v3 =	vld [tilespmem:s22+$0x4100];
	_ =	sdelay $0x2  }
0x4c: {  	(v2sf) =	vpush v1, $0x0  }
0x4d: {  	(v2sf) =	vpush v2, $0x0  }
0x4e: {  	(v2sf) =	vpush v3, $0x0;
	_ =	sdelay $0xc  }
0x4f: {  	s30 =	simm.s32 $0x1000;
	s23 =	spop (v2sf)  }
0x50: {  	v5 =	vld [tilespmem:s30+$0x0];
	s30 =	simm.s32 $0x2000;
	s25 =	spop (v2sf)  }
0x51: {  	s24 =	sshrl.u32 s23, $0x10;
	s26 =	spop (v2sf);
	s28 =	sshrl.u32 s25, $0x10  }
0x52: {  	s24 =	sand.u32 $0x1, s24;
	s28 =	sand.u32 $0x1, s28;
	s29 =	sshrl.u32 s26, $0x10  }
0x53: {  	s24 =	sadd.s32 s24, s23;
	s28 =	sadd.s32 s28, s25;
	s29 =	sand.u32 $0x1, s29  }
0x54: {  	v4 =	vld [tilespmem:s21+$0x0];
	s24 =	sadd.s32 $0x7FFF, s24;
	s28 =	sadd.s32 $0x7FFF, s28;
	s29 =	sadd.s32 s29, s26  }
0x55: {  	s24 =	sand.u32 $0xFFFF0000, s24;
	s28 =	sand.u32 $0xFFFF0000, s28;
	s29 =	sadd.s32 $0x7FFF, s29  }
0x56: {  	v6 =	vld [tilespmem:s30+$0x0];
	v1 =	vmov s24;
	s31 =	sand.u32 $0xFFFF0000, s29;
	v3 =	vmov s28  }
0x57: {  	s30 =	smul.f32 s25, s25;
	v2 =	vbroadcast v1, $0x0;
	v3 =	vbroadcast v3, $0x0;
	v1 =	vmov s31  }
0x58: {  	s28 =	smul.f32 s23, s23;
	v1 =	vbroadcast v1, $0x0  }
0x59: {  	s23 =	simm.s32 $0x3000;
	v4 =	vmul.f32 v4, v2;
	v5 =	vmul.f32 v5, v3  }
0x5a: {  	s31 =	smul.f32 s26, s26;
	v7 =	vld [tilespmem:s23+$0x0];
	s24 =	sadd.f32 s30, s28  }
0x5b: {  	v4 =	vadd.f32 v5, v4;
	v5 =	vmul.f32 v6, v1  }
0x5c: {  	s24 =	sadd.f32 s31, s24  }
0x5d: {  	v5 =	vadd.f32 v5, v4  }
0x5e: {  	v4 =	vmov s24  }
0x5f: {  	v6 =	vadd.f32 v7, v4;
	v5 =	vadd.f32 v5, v5;
	_ =	sdelay $0x1  }
0x60: {  	v6 =	vsub.f32 v6, v5;
	_ =	sdelay $0x1  }
0x61: {  	v7 =	vor.u32 s21, v0;
	vm0 =	vle.f32 v6, $1.000000000e+00  }
0x62: {  	v5 =	vnsel vm0, $0x7FFFFFFF, v7  }
0x63: {  	v8 =	vxor.u32 $0xFFFFFFFF, v5  }
0x64: {  	(xrf1) =	vsort.ascd.msk.u32 $0xffff, v8, v5;
	_ =	sdelay $0xd  }
0x65: {  	s24 =	simm.s32 $0x10;
	vm14 =	vle.f32 v6, $2.500000000e-01;
	v5 =	vimm.s32 $0x7FFFFFFF;
	_, v8, _ =	vpop (xrf1)  }
0x66: {  	s25 =	simm.s32 $0x1010;
	v6 =	vnsel vm14, $0x7FFFFFFF, v7;
	v7 =	vld [tilespmem:s24+$0x0];
	vm15 =	vlt.s32 v5, v8  }
0x67: {  	v9 =	vxor.u32 $0xFFFFFFFF, v6;
	v10 =	vsel vm15, v5, v8;
	v8 =	vld [tilespmem:s25+$0x0]  }
0x68: {  	s26 =	simm.s32 $0x2010;
	(xrf1) =	vsort.ascd.msk.u32 $0xffff, v9, v6;
	v11 =	vxor.u32 $0xFFFFFFFF, v10  }
0x69: {  	v9 =	vld [tilespmem:s26+$0x0];
	(xrf1) =	vsort.ascd.msk.u32 $0xffff, v11, v10  }
0x6a: {  	s29 =	simm.s32 $0x10;
	s28 =	simm.s32 $0x20;
	v6 =	vimm.s32 $0x7FFFFFFF  }
.LBB2_5:
0x6b: {  	p0 =	sne.s32 s28, $0xFF0  }
0x6c: {  	v7 =	vmul.f32 v7, v2;
	s23 =	sadd.s32 $0x10, s23;
	v8 =	vmul.f32 v8, v3  }
0x6d: {  	v10 =	vld [tilespmem:s23+$0x0]  }
0x6e: {  	v7 =	vadd.f32 v8, v7;
	v8 =	vmul.f32 v9, v1;
	_ =	sdelay $0x1  }
0x6f: {  	v7 =	vadd.f32 v8, v7;
	_ =	sdelay $0x1  }
0x70: {  	v8 =	vadd.f32 v10, v4;
	v7 =	vadd.f32 v7, v7;
	_ =	sdelay $0x1  }
0x71: {  	v7 =	vsub.f32 v8, v7;
	_ =	sdelay $0x1  }
0x72: {  	v8 =	vor.u32 s24, v0;
	s24 =	smov.u32 s28;
	vm0 =	vle.f32 v7, $1.000000000e+00;
	_, v9, _ =	vpop (xrf1)  }
0x73: {  	v10 =	vnsel vm0, $0x7FFFFFFF, v8;
	vm0 =	vlt.s32 v5, v9;
	_, v11, _ =	vpop (xrf1)  }
0x74: {  	v12 =	vxor.u32 $0xFFFFFFFF, v10;
	v5 =	vsel vm0, v5, v9;
	vm0 =	vgt.s32 v6, v11  }
0x75: {  	(xrf1) =	vsort.ascd.msk.u32 $0xffff, v12, v10;
	v9 =	vxor.u32 $0x80000000, v5;
	v10 =	vsel vm0, v11, v6;
	v6 =	vsel vm0, v6, v11  }
0x76: {  	v11 =	vxor.u32 $0x80000000, v10;
	v12 =	vxor.u32 $0x80000000, v6;
	(xrf1) =	vsort.ascd.msk.u32 $0xffff, v9, v5  }
0x77: {  	(xrf1) =	vsort.ascd.msk.u32 $0xffff, v12, v6  }
0x78: {  	(xrf1) =	vsort.ascd.msk.u32 $0xffff, v11, v10;
	_ =	sdelay $0xa  }
0x79: {  	_, v9, _ =	vpop (xrf1)  }
0x7a: {  	v5, _, _ =	vpop (xrf1)  }
0x7b: {  	v6, _, _ =	vpop (xrf1)  }
0x7c: {  	s29 =	sadd.s32 $0x10, s29;
	vm0 =	vle.f32 v7, $2.500000000e-01;
	v5 =	vxor.u32 $0x80000000, v5;
	v10 =	vxor.u32 $0x80000000, v6;
	v6, _, _ =	vpop (xrf1)  }
.Ltmp1:
0x7d: {  	s25 =	sadd.s32 $0x10, s25;
	v11 =	vnsel vm0, $0x7FFFFFFF, v8;
	v7 =	vld [tilespmem:s29+$0x0];
	vm0 =	vlt.s32 v10, v9;
	v6 =	vxor.u32 $0x80000000, v6;
	(pc) =	sbr.rel @p0 .LBB2_5-.Ltmp1, $4  }
0x7e: {  	v12 =	vxor.u32 $0xFFFFFFFF, v11;
	v8 =	vld [tilespmem:s25+$0x0];
	v10 =	vsel vm0, v10, v9  }
0x7f: {  	s26 =	sadd.s32 $0x10, s26;
	v13 =	vxor.u32 $0xFFFFFFFF, v10;
	(xrf1) =	vsort.ascd.msk.u32 $0xffff, v12, v11  }
0x80: {  	v9 =	vld [tilespmem:s26+$0x0];
	(xrf1) =	vsort.ascd.msk.u32 $0xffff, v13, v10  }
0x81: {  	s28 =	sadd.s32 $0x10, s28  }
0x82: {  	_ = 	snop  }
0x83: {  	v2 =	vmul.f32 v7, v2;
	s23 =	sadd.s32 $0x10, s23;
	v3 =	vmul.f32 v8, v3  }
0x84: {  	v49 =	vld [tilespmem:s23+$0x0]  }
0x85: {  	v2 =	vadd.f32 v3, v2;
	v1 =	vmul.f32 v9, v1;
	_ =	sdelay $0x1  }
0x86: {  	v1 =	vadd.f32 v1, v2;
	_ =	sdelay $0x1  }
0x87: {  	v2 =	vadd.f32 v49, v4;
	v1 =	vadd.f32 v1, v1;
	_ =	sdelay $0x1  }
0x88: {  	v1 =	vsub.f32 v2, v1;
	_ =	sdelay $0x1  }
0x89: {  	v2 =	vor.u32 s24, v0;
	vm0 =	vle.f32 v1, $1.000000000e+00;
	_, v3, _ =	vpop (xrf1)  }
0x8a: {  	v50 =	vnsel vm0, $0x7FFFFFFF, v2;
	vm7 =	vlt.s32 v5, v3;
	_, v51, _ =	vpop (xrf1)  }
0x8b: {  	v52 =	vxor.u32 $0xFFFFFFFF, v50;
	v3 =	vsel vm7, v5, v3;
	vm8 =	vgt.s32 v6, v51  }
0x8c: {  	(xrf1) =	vsort.ascd.msk.u32 $0xffff, v52, v50;
	v53 =	vxor.u32 $0x80000000, v3;
	v54 =	vsel vm8, v6, v51  }
0x8d: {  	v55 =	vxor.u32 $0x80000000, v54;
	(xrf1) =	vsort.ascd.msk.u32 $0xffff, v53, v3  }
0x8e: {  	(xrf1) =	vsort.ascd.msk.u32 $0xffff, v55, v54;
	_ =	sdelay $0xb  }
0x8f: {  	_, v3, _ =	vpop (xrf1)  }
0x90: {  	v4, _, _ =	vpop (xrf1)  }
0x91: {  	v5, _, _ =	vpop (xrf1)  }
0x92: {  	vm9 =	vle.f32 v1, $2.500000000e-01;
	v56 =	vsel vm8, v51, v6;
	v1 =	vxor.u32 $0x80000000, v5  }
0x93: {  	v2 =	vnsel vm9, $0x7FFFFFFF, v2;
	v57 =	vxor.u32 $0x80000000, v56;
	vm10 =	vlt.s32 v1, v3  }
0x94: {  	v58 =	vxor.u32 $0xFFFFFFFF, v2;
	(xrf1) =	vsort.ascd.msk.u32 $0xffff, v57, v56;
	v1 =	vsel vm10, v1, v3  }
0x95: {  	(xrf1) =	vsort.ascd.msk.u32 $0xffff, v58, v2;
	v3 =	vxor.u32 $0xFFFFFFFF, v1  }
0x96: {  	(xrf1) =	vsort.ascd.msk.u32 $0xffff, v3, v1;
	_ =	sdelay $0xb  }
0x97: {  	v1, _, _ =	vpop (xrf1)  }
0x98: {  	v2 =	vxor.u32 $0x80000000, v4;
	_, v3, _ =	vpop (xrf1)  }
0x99: {  	v1 =	vxor.u32 $0x80000000, v1;
	vm11 =	vlt.s32 v2, v3;
	_, v59, _ =	vpop (xrf1)  }
0x9a: {  	v2 =	vsel vm11, v2, v3;
	vm12 =	vgt.s32 v1, v59  }
0x9b: {  	v3 =	vxor.u32 $0x80000000, v2;
	v60 =	vsel vm12, v1, v59  }
0x9c: {  	(xrf1) =	vsort.ascd.msk.u32 $0xffff, v3, v2;
	v1 =	vsel vm12, v59, v1;
	v61 =	vxor.u32 $0x80000000, v60  }
0x9d: {  	v2 =	vxor.u32 $0x80000000, v1;
	(xrf1) =	vsort.ascd.msk.u32 $0xffff, v61, v60  }
0x9e: {  	(xrf1) =	vsort.ascd.msk.u32 $0xffff, v2, v1;
	_ =	sdelay $0xb  }
0x9f: {  	v1, _, _ =	vpop (xrf1)  }
0xa0: {  	v2, _, _ =	vpop (xrf1)  }
0xa1: {  	v3 =	vxor.u32 $0x80000000, v1;
	v62, _, _ =	vpop (xrf1)  }
0xa2: {  	(v2sf) =	vpush v3, $0x0;
	v63 =	vxor.u32 $0x80000000, v62  }
0xa3: {  	(v2sf) =	vpush v63, $0x0;
	_ =	sdelay $0xd  }
0xa4: {  	s25 =	sshll.u32 s22, $0x4;
	s23 =	spop (v2sf)  }
0xa5: {  	s30 =	sshll.u32 s22, $0x5;
	p0 =	seq.s32 s23, $0x7FFFFFFF;
	s24 =	spop (v2sf)  }
0xa6: {  	s22 =	sadd.s32 $0x1, s22;
	s23 =	simm.s32 @p0 $0x0;
	p0 =	seq.s32 s24, $0x7FFFFFFF  }
0xa7: {  	s24 =	simm.s32 @p0 $0x0;
	p0 =	sne.s32 s22, $0x40  }
.Ltmp2:
0xa8: {  	vm13 =	veq.s32 v1, $0xFFFFFFFF;
	(pc) =	sbr.rel @p0 .LBB2_4-.Ltmp2, $4  }
0xa9: {  	s29 =	sand.u32 $0x3FFFFFF0, s25;
	vm14 =	veq.s32 v62, $0xFFFFFFFF;
	v1 =	vsel vm13, s23, v3  }
0xaa: {  	s31 =	sand.u32 $0x3FFFFFE0, s30;
	vm15 =	veq.s32 v2, $0xFFFFFFFF;
	[tilespmem:s29+$0x4180] =	vst v1;
	v1 =	vxor.u32 $0x80000000, v2;
	v3 =	vsel vm14, s24, v63  }
0xab: {  	v1 =	vsel vm15, s24, v1;
	[tilespmem:s31+$0x4580] =	vst v3  }
0xac: {  	[tilespmem:s31+$0x4590] =	vst v1  }
0xad: {  	[hbm4b:s9+s2] =	stream.linear.scatter [tilespmem:s18], [sflag:$0x1], $0x400, $0x38;
	[tilespmem:$0x4D80] =	vst v63  }
0xae: {  	s20 =	sadd.s32 $0x1, s20;
	_ =	swait.ge [sflag:s12], $0x400  }
0xaf: {  	p0 =	sne.s32 s20, s11;
	[sflag:s12] =	ssyncset.done $0x0  }
.Ltmp3:
0xb0: {  	[sflag:s12] =	ssyncadd.s32 $0xFFFFFC00;
	(pc) =	sbr.rel @p0 .LBB2_1-.Ltmp3, $4  }
0xb1: {  	[hbm4b:s10+s2] =	stream.linear.scatter [tilespmem:s19], [sflag:$0x1], $0x800, $0x38;
	[tilespmem:$0x4D80] =	vst v63  }
0xb2: {  	_ =	swait.ge [sflag:s12], $0x800  }
0xb3: {  	[sflag:s12] =	ssyncset.done $0x0  }
0xb4: {  	[sflag:s12] =	ssyncadd.s32 $0xFFFFF800  }
0xb5: {  	_ =	sfence.sel $0x180000  }
0xb6: {  	[bflag:$0x0] =	sbarrier.arrive $0xFFFF  }
0xb7: {  	p0 =	sne.s32 s0, $0x0;
	_ =	strace $0x90000053  }
0xb8: {  	s0 =	sadd.s32 @!p0 $0x100000, s1;
	[bflag:$0x2] =	sbarrier.arrive $0xFFFF  }
0xb9: {  	[sflag:s0] =	ssyncadd.tile.s32 @!p0 $0x1;
	_ =	shalt  }
.Lfunc_end2:
_tile_overlayer_lowered:
.L_overlay_start_2:
0xba: {  	(tag) =	ssettag $0x2  }
0xbb: {  	s0 =	rddreg [dreg:$0x0];
	s2 =	stileid.u32  }
0xbc: {  	s1 =	rddreg [dreg:$0x1];
	p0 =	sne.s32 s2, $0x0  }
0xbd: {  	s3 =	rddreg [dreg:$0x2];
	[bflag:$0x3] =	sbarrier.arrive $0xFFFF;
	s2 =	simm.s32 @!p0 $0x1C01  }
0xbe: {  	[timem:s3], [sflag:s2] =	dma.local @!p0 [hbm:s0], s1  }
0xbf: {  	s0 =	simm.s32 @!p0 $0x1  }
0xc0: {  	_ =	swait.ge @!p0 [sflag:s0], s1  }
0xc1: {  	s1 =	ssub.s32 @!p0 $0x0, s1;
	[sflag:s0] =	ssyncset.done @!p0 $0x0  }
0xc2: {  	[sflag:s0] =	ssyncadd.s32 @!p0 s1  }
0xc3: {  	[bflag:$0x3] =	sbarrier.arrive $0xFFFF  }
0xc4: {  	_ =	shalt  }

// kernel: kernel.16.cloned.1.call-start
scs
__scs_entry_jumppad:
0x0: {  	(pc) =	sbr.rel $0x88, $3  }
0x1: {  	(tag) =	ssettag $0x0;
	lr =	simm.s32 $0x1  }
0x2: {  	[smem:$0x3F40] =	sst lr;
	_ =	strace $0xD0000000  }
0x3: {  	_ = 	snop  }
0x4: {  	_ = 	snop  }
0x5: {  	_ = 	snop  }
0x6: {  	_ = 	snop  }
0x7: {  	_ = 	snop  }
__scs_overlays_trampoline_lowered:
0x8: {  	[smem:$0x3F4F] =	sst s0  }
0x9: {  	[smem:$0x3F50] =	sst s1  }
0xa: {  	[smem:$0x3F51] =	sst s2  }
0xb: {  	[smem:$0x3F52] =	sst s3  }
0xc: {  	[smem:$0x3F53] =	sst s4  }
0xd: {  	[smem:$0x3F54] =	sst s5  }
0xe: {  	[smem:$0x3F55] =	sst s6  }
0xf: {  	[smem:$0x3F56] =	sst s7  }
0x10: {  	[smem:$0x3F57] =	sst s8  }
0x11: {  	[smem:$0x3F58] =	sst s9;
	s0 =	simm.s32 @!p0 $0x0  }
0x12: {  	s1 =	sld [smem:$0x3F3E];
	s0 =	simm.s32 @p0 $0x1  }
0x13: {  	[smem:$0x3F59] =	sst s0;
	s0 =	simm.s32 @!p1 $0x0  }
0x14: {  	s2 =	sld [smem:$0x3F3D];
	s0 =	simm.s32 @p1 $0x1  }
0x15: {  	[smem:$0x3F5A] =	sst s0;
	s0 =	simm.s32 @!p2 $0x0  }
0x16: {  	s3 =	sld [smem:$0x3FDB];
	s0 =	simm.s32 @p2 $0x1  }
0x17: {  	s4 =	simm.s32 $0x1BF5;
	[smem:$0x3F5C] =	sst s0  }
0x18: {  	s0 =	sld [smem:$0x3F3F];
	_ =	swait.ge [sflag:s4], $0x0  }
0x19: {  	s7 =	sld [smem:$0x3F40]  }
0x1a: {  	s8 =	sadd.s32 $0xFFFFE003, lr  }
0x1b: {  	s9 =	sadd.s32 $0xFFFFFEF7, lr;
	s5 =	simm.s32 $0xFFFFFFFF;
	p2 =	slt.u32 s8, $0xFFFFF086  }
0x1c: {  	p1 =	slt.u32 s9, $0xF7A;
	s5 =	simm.s32 @!p2 $0x0  }
0x1d: {  	s5 =	simm.s32 @p1 $0x1;
	p0 =	seq.s32 s7, s2  }
0x1e: {  	s7 =	smul.u32 @!p0 $0xF7A, s2;
	p2 =	seq.s32 @!p0 s5, $0x0  }
0x1f: {  	s9 =	smul.u32 $0xF7A, s1;
	s8 =	simm.s32 @!p0 $0x1BF5;
	p2 =	por !p2, p0  }
0x20: {  	[sflag:s8] =	ssyncset.s32 @!p0 $0xFFFFF086;
	s6 =	sadd.s32 @!p0 s3, s7;
	s7 =	simm.s32 @!p0 $0x108  }
0x21: {  	s3 =	sadd.s32 s3, s9;
	s6 =	sadd.s32 @!p0 $0x88, s6;
	s7 =	simm.s32 @p2 $0x1082  }
0x22: {  	[simem:s7], [sflag:s8] =	dma.local @!p0 [hbm:s6], $0xF7A  }
0x23: {  	s9 =	sor.u32 $0xD0000000, s2;
	s6 =	simm.s32 $0x108;
	_ =	swait.ge @!p0 [sflag:s8], $0x0  }
0x24: {  	s3 =	sadd.s32 $0x88, s3;
	s6 =	simm.s32 @!p1 $0x1082;
	[sflag:s4] =	ssyncset.s32 $0xFFFFF086  }
0x25: {  	[simem:s6], [sflag:s4] =	dma.local [hbm:s3], $0xF7A  }
0x26: {  	[smem:$0x3F40] =	sst s1;
	(tag) =	ssettag s2;
	_ =	strace s9  }
0x27: {  	s1 =	sld [smem:$0x3F50]  }
0x28: {  	s2 =	sld [smem:$0x3F51]  }
0x29: {  	s4 =	sld [smem:$0x3F53]  }
0x2a: {  	p0 =	seq.s32 s5, $0x0;
	s5 =	sld [smem:$0x3F54]  }
0x2b: {  	s6 =	sld [smem:$0x3F55]  }
0x2c: {  	s7 =	sld [smem:$0x3F56]  }
0x2d: {  	s3 =	simm.s32 $0x108;
	s8 =	sld [smem:$0x3F57]  }
0x2e: {  	s3 =	simm.s32 @!p0 $0x1082;
	s9 =	sld [smem:$0x3F58]  }
0x2f: {  	lr =	sadd.s32 s0, s3;
	s0 =	sld [smem:$0x3F4F]  }
0x30: {  	s3 =	sld [smem:$0x3F52]  }
0x31: {  	[smem:$0x3F5B] =	sst s10  }
0x32: {  	s10 =	sld [smem:$0x3F59];
	_ =	sdelay $0x3  }
0x33: {  	p0 =	seq.s32 s10, $0x1;
	s10 =	sld [smem:$0x3F5B];
	_ =	sdelay $0x3  }
0x34: {  	[smem:$0x3F5B] =	sst s10  }
0x35: {  	s10 =	sld [smem:$0x3F5A];
	_ =	sdelay $0x3  }
0x36: {  	p1 =	seq.s32 s10, $0x1;
	s10 =	sld [smem:$0x3F5B];
	_ =	sdelay $0x3  }
0x37: {  	[smem:$0x3F5B] =	sst s10  }
0x38: {  	s10 =	sld [smem:$0x3F5C]  }
0x39: {  	_ = 	snop;
	(pc) =	sbr.ind lr, $3  }
0x3a: {  	_ = 	snop  }
0x3b: {  	_ = 	snop  }
0x3c: {  	p2 =	seq.s32 s10, $0x1;
	s10 =	sld [smem:$0x3F5B]  }
0x3d: {  	_ =	shalt  }
0x3e: {  	_ =	shalt  }
0x3f: {  	_ =	shalt  }
0x40: {  	_ =	shalt  }
0x41: {  	_ =	shalt  }
0x42: {  	_ =	shalt  }
0x43: {  	_ =	shalt  }
0x44: {  	_ =	shalt  }
0x45: {  	_ =	shalt  }
0x46: {  	_ =	shalt  }
0x47: {  	_ =	shalt  }
0x48: {  	_ =	shalt  }
0x49: {  	_ =	shalt  }
0x4a: {  	_ =	shalt  }
0x4b: {  	_ =	shalt  }
0x4c: {  	_ =	shalt  }
0x4d: {  	_ =	shalt  }
0x4e: {  	_ =	shalt  }
0x4f: {  	_ =	shalt  }
0x50: {  	_ =	shalt  }
0x51: {  	_ =	shalt  }
0x52: {  	_ =	shalt  }
0x53: {  	_ =	shalt  }
0x54: {  	_ =	shalt  }
0x55: {  	_ =	shalt  }
0x56: {  	_ =	shalt  }
0x57: {  	_ =	shalt  }
0x58: {  	_ =	shalt  }
0x59: {  	_ =	shalt  }
0x5a: {  	_ =	shalt  }
0x5b: {  	_ =	shalt  }
0x5c: {  	_ =	shalt  }
0x5d: {  	_ =	shalt  }
0x5e: {  	_ =	shalt  }
0x5f: {  	_ =	shalt  }
0x60: {  	_ =	shalt  }
0x61: {  	_ =	shalt  }
0x62: {  	_ =	shalt  }
0x63: {  	_ =	shalt  }
0x64: {  	_ =	shalt  }
0x65: {  	_ =	shalt  }
0x66: {  	_ =	shalt  }
0x67: {  	_ =	shalt  }
0x68: {  	_ =	shalt  }
0x69: {  	_ =	shalt  }
0x6a: {  	_ =	shalt  }
0x6b: {  	_ =	shalt  }
0x6c: {  	_ =	shalt  }
0x6d: {  	_ =	shalt  }
0x6e: {  	_ =	shalt  }
0x6f: {  	_ =	shalt  }
0x70: {  	_ =	shalt  }
0x71: {  	_ =	shalt  }
0x72: {  	_ =	shalt  }
0x73: {  	_ =	shalt  }
0x74: {  	_ =	shalt  }
0x75: {  	_ =	shalt  }
0x76: {  	_ =	shalt  }
0x77: {  	_ =	shalt  }
0x78: {  	_ =	shalt  }
0x79: {  	_ =	shalt  }
0x7a: {  	_ =	shalt  }
0x7b: {  	_ =	shalt  }
0x7c: {  	_ =	shalt  }
0x7d: {  	_ =	shalt  }
0x7e: {  	_ =	shalt  }
0x7f: {  	_ =	shalt  }
0x80: {  	_ =	shalt  }
0x81: {  	_ =	shalt  }
0x82: {  	_ =	shalt  }
0x83: {  	_ =	shalt  }
0x84: {  	_ =	shalt  }
0x85: {  	_ =	shalt  }
0x86: {  	_ =	shalt  }
0x87: {  	_ =	shalt  }
.Lfunc_end0:
.L_simem_size_0:
called_computation.5_lowered:
.L_overlay_start_0:
0x88: {  	s2 =	sld [smem:$0x3FD9]  }
0x89: {  	s3 =	sld [smem:$0x3FFE];
	_ =	sdelay $0x1  }
0x8a: {  	s1 =	srdreg.scid  }
0x8b: {  	s0 =	sand.u32 $0x1, s1  }
0x8c: {  	s17 =	sshll.u32 s0, $0xA;
	s2 =	sadd.s32 s3, s2  }
0x8d: {  	s2 =	sadd.s32 s2, s17  }
0x8e: {  	[smem:$0x3F67] =	sst s2  }
0x8f: {  	_ = 	snop  }
0x90: {  	(tm) =	ssettm $0x1  }
0x91: {  	s18 =	sld [smem:$0x3FFB];
	_ =	sdelay $0x3  }
0x92: {  	_ =	strace s18  }
0x93: {  	s2 =	sld [smem:$0x3FFC];
	_ =	sdelay $0x3  }
0x94: {  	_ =	strace s2  }
0x95: {  	s2 =	sld [smem:$0x3FFD];
	_ =	sdelay $0x3  }
0x96: {  	_ =	strace s2  }
0x97: {  	_ =	strace $0x8FFFFFFF  }
0x98: {  	s19 =	sld [smem:$0x3FDB];
	_ =	sdelay $0x1  }
0x99: {  	s20 =	simm.s32 $_scs_section_size  }
0x9a: {  	s4 =	simm.s32 $_size__tile_overlayer_lowered;
	s5 =	simm.s32 $_tile_overlayer_lowered  }
0x9b: {  	s6 =	simm.s32 $0x1BFF;
	s21 =	sshll.u32 s5, $0x1;
	s3 =	sadd.s32 s20, s19  }
0x9c: {  	s22 =	simm.s32 $0x0;
	s4 =	sshll.u32 s4, $0x1;
	s5 =	sadd.s32 s21, s3  }
0x9d: {  	[timem:s22], [sflag:s6] =	dma.local [hbm:s5], s4  }
0x9e: {  	_ =	swait.ge [sflag:s6], s4  }
0x9f: {  	s4 =	ssub.s32 $0x0, s4;
	[sflag:s6] =	ssyncset.done $0x0  }
0xa0: {  	[sflag:s6] =	ssyncadd.s32 s4;
	_ =	sdelay $0x1  }
0xa1: {  	s23 =	simm.s32 $0x1B8B  }
0xa2: {  	_ =	swait.ge [sflag:s23], $0x1  }
0xa3: {  	[sflag:s23] =	ssyncset.done $0x0  }
0xa4: {  	[sflag:s23] =	ssyncadd.s32 $0xFFFFFFFF  }
0xa5: {  	s4 =	sld [smem:$0x0]  }
0xa6: {  	s5 =	sand.u32 $0xFFFFFFFE, s1  }
0xa7: {  	p0 =	sne.s32 s1, s5  }
0xa8: {  	s5 =	sshll.u32 @p0 s5, $0xE  }
0xa9: {  	s5 =	sadd.s32 @p0 $0x11B8D, s5;
	s6 =	sshll.u32 @p0 s4, $0x11  }
0xaa: {  	s5 =	sor.u32 @p0 s6, s5  }
0xab: {  	[sflag:s5] =	ssyncadd.remote.s32 @p0 $0x1;
	_ =	sdelay $0x1  }
0xac: {  	s5 =	simm.s32 @p0 $0x1B8D  }
0xad: {  	_ =	swait.eq @p0 [sflag:s5], $0x1  }
0xae: {  	[sflag:s5] =	ssyncadd.s32 @p0 $0xFFFFFFFF  }
0xaf: {  	s6 =	sshll.u32 @!p0 s1, $0xE  }
0xb0: {  	s6 =	sor.u32 @!p0 $0x4000, s6;
	s5 =	simm.s32 @!p0 $0x1B8D  }
0xb1: {  	s4 =	sshll.u32 @!p0 s4, $0x11;
	s6 =	sadd.s32 @!p0 $0x11B8D, s6;
	_ =	swait.eq @!p0 [sflag:s5], $0x1  }
0xb2: {  	s4 =	sor.u32 @!p0 s4, s6;
	[sflag:s5] =	ssyncadd.s32 @!p0 $0xFFFFFFFF  }
0xb3: {  	s25 =	simm.s32 $0x1B8E;
	s24 =	sld [smem:$0x3FFE];
	[sflag:s4] =	ssyncadd.remote.s32 @!p0 $0x1  }
0xb4: {  	s26 =	simm.s32 $execute0_lowered;
	[smem:$0x3FD2] =	sst s25  }
0xb5: {  	s5 =	sshll.u32 s26, $0x1;
	_ =	strace $0x80000055;
	[dreg:$0x1] =	wrdreg $0xFFFFFFFF  }
0xb6: {  	s28 =	simm.s32 $_size_execute0_lowered;
	s3 =	sadd.s32 s3, s5;
	[dreg:$0x0] =	wrdreg $0x0  }
0xb7: {  	s5 =	sshll.u32 s28, $0x1;
	[dreg:$0x2] =	wrdreg s3  }
0xb8: {  	[dreg:$0x3] =	wrdreg s5  }
0xb9: {  	[dreg:$0x4] =	wrdreg $0xC0  }
0xba: {  	_ =	task [dreg:s22], $0x5FFFF  }
0xbb: {  	[dreg:$0x1] =	wrdreg $0xFFFFFFFF  }
0xbc: {  	[dreg:$0x0] =	wrdreg $0x60  }
0xbd: {  	[dreg:$0x2] =	wrdreg s24  }
0xbe: {  	[dreg:$0x3] =	wrdreg $0xC  }
0xbf: {  	_ =	task.clear_ibuf [dreg:s22], $0x4FFFF;
	_ =	strace $0x90000055  }
0xc0: {  	s29 =	simm.s32 $0xC;
	_ =	strace $0x80000057  }
0xc1: {  	_ =	swait.ge [sflag:s29], $0x1  }
0xc2: {  	[sflag:s29] =	ssyncadd.s32 $0xFFFFFFFF  }
0xc3: {  	_ =	strace $0x90000057  }
0xc4: {  	_ =	sfence  }
0xc5: {  	s30 =	sld [smem:$0x0];
	_ =	sdelay $0x2  }
0xc6: {  	s31 =	sshll.u32 s1, $0xD;
	s1 =	sshrl.u32 s1, $0x2  }
0xc7: {  	s4 =	sand.u32 $0x4000, s31;
	s1 =	sadd.s32 s1, s30  }
0xc8: {  	s0 =	sor.u32 s4, s0;
	s1 =	sshll.u32 s1, $0x11  }
0xc9: {  	s0 =	sor.u32 s1, s0  }
0xca: {  	s0 =	sadd.s32 $0x8F2B, s0  }
0xcb: {  	[sflag:s0] =	ssyncadd.remote.s32 $0x1  }
0xcc: {  	_ =	sfence.sel $0xFFFF  }
0xcd: {  	[dreg:$0x0] =	wrdreg $0xFFFFFFFF;
	(pc) =	sbr.abs _section_cstart, $3  }
0xce: {  	[dreg:$0x1] =	wrdreg $0xFFFFFFFF  }
0xcf: {  	_ =	task.clear_ibuf [dreg:s22], $0x2FFFF;
	_ =	strace $0x9FFFFFFF  }
0xd0: {  	(tm) =	ssettm $0x7FFFFFFF  }
0xd1: {  	_ =	shalt  }
tec
execute0_lowered:
.L_overlay_start_1:
0x0: {  	(tag) =	ssettag $0x1  }
0x1: {  	s3 =	rddreg [dreg:$0x0]  }
0x2: {  	s0 =	rddreg [dreg:$0x1]  }
0x3: {  	s1 =	stileid.u32;
	s2 =	simm.s32 $0x0;
	s5 =	srdreg.scid  }
0x4: {  	s13 =	simm.s32 $0x400;
	s14 =	simm.s32 $0x800;
	s15 =	simm.s32 $0x1000  }
0x5: {  	s16 =	simm.s32 $0x1080;
	s17 =	simm.s32 $0x1100;
	s18 =	simm.s32 $0x1180  }
0x6: {  	s19 =	simm.s32 $0x1280;
	s20 =	simm.s32 $0x0;
	s4 =	sshrl.u32 s1, $0x3  }
0x7: {  	s5 =	sand.u32 $0x1, s5;
	s6 =	sshll.u32 s1, $0x1;
	[smem:$0x7FF] =	sst s2  }
0x8: {  	s4 =	smul.u32 $0xC00, s4;
	s6 =	sor.u32 s5, s6;
	_ =	strace $0x80000056  }
0x9: {  	s5 =	ssub.s32 $0x2, s5;
	s7 =	sshll.u32 s6, $0x1;
	s29 =	sshll.u32 s6, $0x5  }
0xa: {  	s30 =	sshll.u32 s6, $0x6;
	s31 =	sshrl.u32 s5, $0x1;
	s4 =	sshrl.u32 s4, $0x3  }
0xb: {  	s9 =	sadd.s32 s7, s3;
	s10 =	sadd.s32 s29, s3;
	s11 =	sadd.s32 s30, s3  }
0xc: {  	s8 =	sadd.s32 s4, s3;
	s6 =	sadd.s32 $0x200, s9;
	s7 =	sadd.s32 $0x240, s9  }
0xd: {  	s12 =	ssub.s32 s5, s31;
	s4 =	sadd.s32 $0x2BC080, s8;
	s5 =	sadd.s32 $0x2BC100, s8  }
0xe: {  	s3 =	sadd.s32 $0x2BC000, s8;
	s8 =	sadd.s32 $0x280, s9;
	s9 =	sadd.s32 $0x2BE400, s10  }
0xf: {  	v0 =	vlaneseq.u32;
	s10 =	sadd.s32 $0x2BE800, s11;
	s11 =	smax.u32 s12, $0x1;
	s12 =	simm.s32 $0x1  }
.LBB2_1:
0x10: {  	[tilespmem:s2], [sflag:$0x1] =	stream.linear.gather [hbm4b:s3+s2], $0x400, $0x38;
	[tilespmem:$0x1480] =	vst v63  }
0x11: {  	_ =	swait.ge [sflag:s12], $0x400  }
0x12: {  	[sflag:s12] =	ssyncset.done $0x0  }
0x13: {  	[sflag:s12] =	ssyncadd.s32 $0xFFFFFC00  }
0x14: {  	[tilespmem:s13], [sflag:$0x1] =	stream.linear.gather [hbm4b:s4+s2], $0x400, $0x38;
	[tilespmem:$0x1480] =	vst v63  }
0x15: {  	_ =	swait.ge [sflag:s12], $0x400  }
0x16: {  	[sflag:s12] =	ssyncset.done $0x0  }
0x17: {  	[sflag:s12] =	ssyncadd.s32 $0xFFFFFC00  }
0x18: {  	[tilespmem:s14], [sflag:$0x1] =	stream.linear.gather [hbm4b:s5+s2], $0x400, $0x38;
	[tilespmem:$0x1480] =	vst v63  }
0x19: {  	_ =	swait.ge [sflag:s12], $0x400  }
0x1a: {  	[sflag:s12] =	ssyncset.done $0x0  }
0x1b: {  	[sflag:s12] =	ssyncadd.s32 $0xFFFFFC00  }
0x1c: {  	[tilespmem:s15], [sflag:$0x1] =	stream.linear.gather [hbm4b:s6+s2], $0x10, $0x38;
	[tilespmem:$0x1480] =	vst v63  }
0x1d: {  	_ =	swait.ge [sflag:s12], $0x10  }
0x1e: {  	[sflag:s12] =	ssyncset.done $0x0  }
0x1f: {  	[sflag:s12] =	ssyncadd.s32 $0xFFFFFFF0  }
0x20: {  	[tilespmem:s16], [sflag:$0x1] =	stream.linear.gather [hbm4b:s7+s2], $0x10, $0x38;
	[tilespmem:$0x1480] =	vst v63  }
0x21: {  	_ =	swait.ge [sflag:s12], $0x10  }
0x22: {  	[sflag:s12] =	ssyncset.done $0x0  }
0x23: {  	[sflag:s12] =	ssyncadd.s32 $0xFFFFFFF0  }
0x24: {  	[tilespmem:s17], [sflag:$0x1] =	stream.linear.gather [hbm4b:s8+s2], $0x10, $0x38;
	[tilespmem:$0x1480] =	vst v63  }
0x25: {  	_ =	swait.ge [sflag:s12], $0x10  }
0x26: {  	[sflag:s12] =	ssyncset.done $0x0  }
0x27: {  	s21 =	simm.s32 $0x0;
	[sflag:s12] =	ssyncadd.s32 $0xFFFFFFF0  }
0x28: {  	v1 =	vld [tilespmem:s21+$0x0];
	_ =	sdelay $0x1  }
0x29: {  	v2 =	vld [tilespmem:s21+$0x400]  }
0x2a: {  	v3 =	vld [tilespmem:s21+$0x800];
	_ =	sdelay $0x1  }
0x2b: {  	v4 =	vshrl.u32 v1, $0x10  }
0x2c: {  	v4 =	vand.u32 $0x1, v4  }
0x2d: {  	v5 =	vmul.f32 v1, v1;
	v6 =	vshrl.u32 v2, $0x10;
	v1 =	vadd.s32 v4, v1  }
0x2e: {  	v4 =	vand.u32 $0x1, v6;
	v6 =	vshrl.u32 v3, $0x10;
	v1 =	vadd.s32 $0x7FFF, v1  }
0x2f: {  	v4 =	vadd.s32 v4, v2;
	v6 =	vand.u32 $0x1, v6;
	v2 =	vmul.f32 v2, v2  }
0x30: {  	v1 =	vand.u32 $0xFFFF0000, v1;
	v4 =	vadd.s32 $0x7FFF, v4;
	v6 =	vadd.s32 v6, v3  }
0x31: {  	s22 =	simm.s32 $0x10;
	[tilespmem:s21+$0x0] =	vst v1;
	v4 =	vand.u32 $0xFFFF0000, v4;
	v6 =	vadd.s32 $0x7FFF, v6  }
0x32: {  	s23 =	simm.s32 $0x80;
	v3 =	vmul.f32 v3, v3;
	v2 =	vadd.f32 v2, v5;
	v1 =	vld [tilespmem:s22+$0x0];
	[tilespmem:s21+$0x400] =	vst v4;
	v4 =	vand.u32 $0xFFFF0000, v6  }
.LBB2_2:
0x33: {  	p0 =	sne.s32 s23, $0xFC0;
	v5 =	vld [tilespmem:s22+$0x400];
	[tilespmem:s21+$0x800] =	vst v4  }
0x34: {  	v4 =	vld [tilespmem:s22+$0x800];
	v2 =	vadd.f32 v3, v2;
	_ =	sdelay $0x1  }
0x35: {  	[tilespmem:s21+$0xC00] =	vst v2;
	s21 =	smov.u32 s22  }
0x36: {  	v2 =	vmul.f32 v1, v1;
	v3 =	vshrl.u32 v1, $0x10  }
0x37: {  	v6 =	vmul.f32 v5, v5;
	v3 =	vand.u32 $0x1, v3;
	v7 =	vshrl.u32 v5, $0x10  }
.Ltmp0:
0x38: {  	v1 =	vadd.s32 v3, v1;
	v3 =	vand.u32 $0x1, v7;
	v7 =	vshrl.u32 v4, $0x10;
	(pc) =	sbr.rel @p0 .LBB2_2-.Ltmp0, $4  }
0x39: {  	v1 =	vadd.s32 $0x7FFF, v1;
	v3 =	vadd.s32 v3, v5;
	v5 =	vand.u32 $0x1, v7  }
0x3a: {  	v1 =	vand.u32 $0xFFFF0000, v1;
	v3 =	vadd.s32 $0x7FFF, v3;
	v5 =	vadd.s32 v5, v4  }
0x3b: {  	s22 =	sshra.s32 s23, $0x2;
	v2 =	vadd.f32 v6, v2;
	[tilespmem:s21+$0x0] =	vst v1;
	v6 =	vand.u32 $0xFFFF0000, v3;
	v5 =	vadd.s32 $0x7FFF, v5  }
0x3c: {  	s23 =	sadd.s32 $0x40, s23;
	v3 =	vmul.f32 v4, v4;
	v1 =	vld [tilespmem:s22+$0x0];
	[tilespmem:s21+$0x400] =	vst v6;
	v4 =	vand.u32 $0xFFFF0000, v5  }
0x3d: {  	v5 =	vld [tilespmem:s22+$0x400]  }
0x3e: {  	[tilespmem:s21+$0x800] =	vst v4  }
0x3f: {  	v4 =	vld [tilespmem:s22+$0x800];
	_ =	sdelay $0x1  }
0x40: {  	v2 =	vadd.f32 v3, v2;
	v3 =	vshrl.u32 v1, $0x10  }
0x41: {  	v6 =	vmul.f32 v1, v1;
	v3 =	vand.u32 $0x1, v3;
	v7 =	vshrl.u32 v5, $0x10  }
0x42: {  	v1 =	vadd.s32 v3, v1;
	v3 =	vmul.f32 v5, v5;
	v7 =	vand.u32 $0x1, v7  }
0x43: {  	v63 =	vshrl.u32 v4, $0x10;
	v5 =	vadd.s32 v7, v5;
	v1 =	vadd.s32 $0x7FFF, v1  }
0x44: {  	v7 =	vand.u32 $0x1, v63;
	v1 =	vand.u32 $0xFFFF0000, v1;
	v5 =	vadd.s32 $0x7FFF, v5  }
0x45: {  	[tilespmem:s21+$0xC00] =	vst v2;
	v2 =	vadd.s32 v7, v4;
	v3 =	vadd.f32 v3, v6;
	v4 =	vmul.f32 v4, v4  }
0x46: {  	[tilespmem:s22+$0x0] =	vst v1;
	v1 =	vand.u32 $0xFFFF0000, v5;
	v2 =	vadd.s32 $0x7FFF, v2  }
0x47: {  	[tilespmem:s22+$0x400] =	vst v1;
	v1 =	vand.u32 $0xFFFF0000, v2;
	v2 =	vadd.f32 v4, v3  }
0x48: {  	[tilespmem:s22+$0x800] =	vst v1  }
0x49: {  	s21 =	simm.s32 $0x0;
	[tilespmem:s22+$0xC00] =	vst v2;
	s22 =	simm.s32 $0x0  }
.LBB2_4:
0x4a: {  	v1 =	vld [tilespmem:s22+$0x1000]  }
0x4b: {  	v2 =	vld [tilespmem:s22+$0x1080]  }
0x4c: {  	v3 =	vld [tilespmem:s22+$0x1100];
	_ =	sdelay $0x2  }
0x4d: {  	(v2sf) =	vpush v1, $0x0  }
0x4e: {  	(v2sf) =	vpush v2, $0x0  }
0x4f: {  	(v2sf) =	vpush v3, $0x0;
	_ =	sdelay $0xc  }
0x50: {  	s30 =	simm.s32 $0x400;
	s23 =	spop (v2sf)  }
0x51: {  	v5 =	vld [tilespmem:s30+$0x0];
	s30 =	simm.s32 $0x800;
	s25 =	spop (v2sf)  }
0x52: {  	s24 =	sshrl.u32 s23, $0x10;
	s26 =	spop (v2sf);
	s28 =	sshrl.u32 s25, $0x10  }
0x53: {  	s24 =	sand.u32 $0x1, s24;
	s28 =	sand.u32 $0x1, s28;
	s29 =	sshrl.u32 s26, $0x10  }
0x54: {  	s24 =	sadd.s32 s24, s23;
	s28 =	sadd.s32 s28, s25;
	s29 =	sand.u32 $0x1, s29  }
0x55: {  	v4 =	vld [tilespmem:s21+$0x0];
	s24 =	sadd.s32 $0x7FFF, s24;
	s28 =	sadd.s32 $0x7FFF, s28;
	s29 =	sadd.s32 s29, s26  }
0x56: {  	s24 =	sand.u32 $0xFFFF0000, s24;
	s28 =	sand.u32 $0xFFFF0000, s28;
	s29 =	sadd.s32 $0x7FFF, s29  }
0x57: {  	v6 =	vld [tilespmem:s30+$0x0];
	v1 =	vmov s24;
	s31 =	sand.u32 $0xFFFF0000, s29;
	v3 =	vmov s28  }
0x58: {  	s30 =	smul.f32 s25, s25;
	v2 =	vbroadcast v1, $0x0;
	v3 =	vbroadcast v3, $0x0;
	v1 =	vmov s31  }
0x59: {  	s28 =	smul.f32 s23, s23;
	v1 =	vbroadcast v1, $0x0  }
0x5a: {  	s23 =	simm.s32 $0xC00;
	v4 =	vmul.f32 v4, v2;
	v5 =	vmul.f32 v5, v3  }
0x5b: {  	s31 =	smul.f32 s26, s26;
	v7 =	vld [tilespmem:s23+$0x0];
	s24 =	sadd.f32 s30, s28  }
0x5c: {  	v4 =	vadd.f32 v5, v4;
	v5 =	vmul.f32 v6, v1  }
0x5d: {  	s24 =	sadd.f32 s31, s24  }
0x5e: {  	v5 =	vadd.f32 v5, v4  }
0x5f: {  	v4 =	vmov s24  }
0x60: {  	v6 =	vadd.f32 v7, v4;
	v5 =	vadd.f32 v5, v5;
	_ =	sdelay $0x1  }
0x61: {  	v6 =	vsub.f32 v6, v5;
	_ =	sdelay $0x1  }
0x62: {  	v7 =	vor.u32 s21, v0;
	vm0 =	vle.f32 v6, $4.000000000e+00  }
0x63: {  	v5 =	vnsel vm0, $0x7FFFFFFF, v7  }
0x64: {  	v8 =	vxor.u32 $0xFFFFFFFF, v5  }
0x65: {  	(xrf1) =	vsort.ascd.msk.u32 $0xffff, v8, v5;
	_ =	sdelay $0xd  }
0x66: {  	s24 =	simm.s32 $0x10;
	vm14 =	vle.f32 v6, $1.000000000e+00;
	v5 =	vimm.s32 $0x7FFFFFFF;
	_, v8, _ =	vpop (xrf1)  }
0x67: {  	s25 =	simm.s32 $0x410;
	v6 =	vnsel vm14, $0x7FFFFFFF, v7;
	v7 =	vld [tilespmem:s24+$0x0];
	vm15 =	vlt.s32 v5, v8  }
0x68: {  	v9 =	vxor.u32 $0xFFFFFFFF, v6;
	v10 =	vsel vm15, v5, v8;
	v8 =	vld [tilespmem:s25+$0x0]  }
0x69: {  	s26 =	simm.s32 $0x810;
	(xrf1) =	vsort.ascd.msk.u32 $0xffff, v9, v6;
	v11 =	vxor.u32 $0xFFFFFFFF, v10  }
0x6a: {  	v9 =	vld [tilespmem:s26+$0x0];
	(xrf1) =	vsort.ascd.msk.u32 $0xffff, v11, v10  }
0x6b: {  	s29 =	simm.s32 $0x10;
	s28 =	simm.s32 $0x20;
	v6 =	vimm.s32 $0x7FFFFFFF  }
.LBB2_5:
0x6c: {  	p0 =	sne.s32 s28, $0x3F0  }
0x6d: {  	v7 =	vmul.f32 v7, v2;
	s23 =	sadd.s32 $0x10, s23;
	v8 =	vmul.f32 v8, v3  }
0x6e: {  	v10 =	vld [tilespmem:s23+$0x0]  }
0x6f: {  	v7 =	vadd.f32 v8, v7;
	v8 =	vmul.f32 v9, v1;
	_ =	sdelay $0x1  }
0x70: {  	v7 =	vadd.f32 v8, v7;
	_ =	sdelay $0x1  }
0x71: {  	v8 =	vadd.f32 v10, v4;
	v7 =	vadd.f32 v7, v7;
	_ =	sdelay $0x1  }
0x72: {  	v7 =	vsub.f32 v8, v7;
	_ =	sdelay $0x1  }
0x73: {  	v8 =	vor.u32 s24, v0;
	s24 =	smov.u32 s28;
	vm0 =	vle.f32 v7, $4.000000000e+00;
	_, v9, _ =	vpop (xrf1)  }
0x74: {  	v10 =	vnsel vm0, $0x7FFFFFFF, v8;
	vm0 =	vlt.s32 v5, v9;
	_, v11, _ =	vpop (xrf1)  }
0x75: {  	v12 =	vxor.u32 $0xFFFFFFFF, v10;
	v5 =	vsel vm0, v5, v9;
	vm0 =	vgt.s32 v6, v11  }
0x76: {  	(xrf1) =	vsort.ascd.msk.u32 $0xffff, v12, v10;
	v9 =	vxor.u32 $0x80000000, v5;
	v10 =	vsel vm0, v11, v6;
	v6 =	vsel vm0, v6, v11  }
0x77: {  	v11 =	vxor.u32 $0x80000000, v10;
	v12 =	vxor.u32 $0x80000000, v6;
	(xrf1) =	vsort.ascd.msk.u32 $0xffff, v9, v5  }
0x78: {  	(xrf1) =	vsort.ascd.msk.u32 $0xffff, v12, v6  }
0x79: {  	(xrf1) =	vsort.ascd.msk.u32 $0xffff, v11, v10;
	_ =	sdelay $0xa  }
0x7a: {  	_, v9, _ =	vpop (xrf1)  }
0x7b: {  	v5, _, _ =	vpop (xrf1)  }
0x7c: {  	v6, _, _ =	vpop (xrf1)  }
0x7d: {  	s29 =	sadd.s32 $0x10, s29;
	vm0 =	vle.f32 v7, $1.000000000e+00;
	v5 =	vxor.u32 $0x80000000, v5;
	v10 =	vxor.u32 $0x80000000, v6;
	v6, _, _ =	vpop (xrf1)  }
.Ltmp1:
0x7e: {  	s25 =	sadd.s32 $0x10, s25;
	v11 =	vnsel vm0, $0x7FFFFFFF, v8;
	v7 =	vld [tilespmem:s29+$0x0];
	vm0 =	vlt.s32 v10, v9;
	v6 =	vxor.u32 $0x80000000, v6;
	(pc) =	sbr.rel @p0 .LBB2_5-.Ltmp1, $4  }
0x7f: {  	v12 =	vxor.u32 $0xFFFFFFFF, v11;
	v8 =	vld [tilespmem:s25+$0x0];
	v10 =	vsel vm0, v10, v9  }
0x80: {  	s26 =	sadd.s32 $0x10, s26;
	v13 =	vxor.u32 $0xFFFFFFFF, v10;
	(xrf1) =	vsort.ascd.msk.u32 $0xffff, v12, v11  }
0x81: {  	v9 =	vld [tilespmem:s26+$0x0];
	(xrf1) =	vsort.ascd.msk.u32 $0xffff, v13, v10  }
0x82: {  	s28 =	sadd.s32 $0x10, s28  }
0x83: {  	_ = 	snop  }
0x84: {  	v2 =	vmul.f32 v7, v2;
	s23 =	sadd.s32 $0x10, s23;
	v3 =	vmul.f32 v8, v3  }
0x85: {  	v49 =	vld [tilespmem:s23+$0x0]  }
0x86: {  	v2 =	vadd.f32 v3, v2;
	v1 =	vmul.f32 v9, v1;
	_ =	sdelay $0x1  }
0x87: {  	v1 =	vadd.f32 v1, v2;
	_ =	sdelay $0x1  }
0x88: {  	v2 =	vadd.f32 v49, v4;
	v1 =	vadd.f32 v1, v1;
	_ =	sdelay $0x1  }
0x89: {  	v1 =	vsub.f32 v2, v1;
	_ =	sdelay $0x1  }
0x8a: {  	v2 =	vor.u32 s24, v0;
	vm0 =	vle.f32 v1, $4.000000000e+00;
	_, v3, _ =	vpop (xrf1)  }
0x8b: {  	v50 =	vnsel vm0, $0x7FFFFFFF, v2;
	vm7 =	vlt.s32 v5, v3;
	_, v51, _ =	vpop (xrf1)  }
0x8c: {  	v52 =	vxor.u32 $0xFFFFFFFF, v50;
	v3 =	vsel vm7, v5, v3;
	vm8 =	vgt.s32 v6, v51  }
0x8d: {  	(xrf1) =	vsort.ascd.msk.u32 $0xffff, v52, v50;
	v53 =	vxor.u32 $0x80000000, v3;
	v54 =	vsel vm8, v6, v51  }
0x8e: {  	v55 =	vxor.u32 $0x80000000, v54;
	(xrf1) =	vsort.ascd.msk.u32 $0xffff, v53, v3  }
0x8f: {  	(xrf1) =	vsort.ascd.msk.u32 $0xffff, v55, v54;
	_ =	sdelay $0xb  }
0x90: {  	_, v3, _ =	vpop (xrf1)  }
0x91: {  	v4, _, _ =	vpop (xrf1)  }
0x92: {  	v5, _, _ =	vpop (xrf1)  }
0x93: {  	vm9 =	vle.f32 v1, $1.000000000e+00;
	v56 =	vsel vm8, v51, v6;
	v1 =	vxor.u32 $0x80000000, v5  }
0x94: {  	v2 =	vnsel vm9, $0x7FFFFFFF, v2;
	v57 =	vxor.u32 $0x80000000, v56;
	vm10 =	vlt.s32 v1, v3  }
0x95: {  	v58 =	vxor.u32 $0xFFFFFFFF, v2;
	(xrf1) =	vsort.ascd.msk.u32 $0xffff, v57, v56;
	v1 =	vsel vm10, v1, v3  }
0x96: {  	(xrf1) =	vsort.ascd.msk.u32 $0xffff, v58, v2;
	v3 =	vxor.u32 $0xFFFFFFFF, v1  }
0x97: {  	(xrf1) =	vsort.ascd.msk.u32 $0xffff, v3, v1;
	_ =	sdelay $0xb  }
0x98: {  	v1, _, _ =	vpop (xrf1)  }
0x99: {  	v2 =	vxor.u32 $0x80000000, v4;
	_, v3, _ =	vpop (xrf1)  }
0x9a: {  	v1 =	vxor.u32 $0x80000000, v1;
	vm11 =	vlt.s32 v2, v3;
	_, v59, _ =	vpop (xrf1)  }
0x9b: {  	v2 =	vsel vm11, v2, v3;
	vm12 =	vgt.s32 v1, v59  }
0x9c: {  	v3 =	vxor.u32 $0x80000000, v2;
	v60 =	vsel vm12, v1, v59  }
0x9d: {  	(xrf1) =	vsort.ascd.msk.u32 $0xffff, v3, v2;
	v1 =	vsel vm12, v59, v1;
	v61 =	vxor.u32 $0x80000000, v60  }
0x9e: {  	v2 =	vxor.u32 $0x80000000, v1;
	(xrf1) =	vsort.ascd.msk.u32 $0xffff, v61, v60  }
0x9f: {  	(xrf1) =	vsort.ascd.msk.u32 $0xffff, v2, v1;
	_ =	sdelay $0xb  }
0xa0: {  	v1, _, _ =	vpop (xrf1)  }
0xa1: {  	v2, _, _ =	vpop (xrf1)  }
0xa2: {  	v3 =	vxor.u32 $0x80000000, v1;
	v62, _, _ =	vpop (xrf1)  }
0xa3: {  	(v2sf) =	vpush v3, $0x0;
	v63 =	vxor.u32 $0x80000000, v62  }
0xa4: {  	(v2sf) =	vpush v63, $0x0;
	_ =	sdelay $0xd  }
0xa5: {  	s25 =	sshll.u32 s22, $0x4;
	s23 =	spop (v2sf)  }
0xa6: {  	s30 =	sshll.u32 s22, $0x5;
	p0 =	seq.s32 s23, $0x7FFFFFFF;
	s24 =	spop (v2sf)  }
0xa7: {  	s22 =	sadd.s32 $0x1, s22;
	s23 =	simm.s32 @p0 $0x0;
	p0 =	seq.s32 s24, $0x7FFFFFFF  }
0xa8: {  	s24 =	simm.s32 @p0 $0x0;
	p0 =	sne.s32 s22, $0x10  }
.Ltmp2:
0xa9: {  	vm13 =	veq.s32 v1, $0xFFFFFFFF;
	(pc) =	sbr.rel @p0 .LBB2_4-.Ltmp2, $4  }
0xaa: {  	s29 =	sand.u32 $0x3FFFFFF0, s25;
	vm14 =	veq.s32 v62, $0xFFFFFFFF;
	v1 =	vsel vm13, s23, v3  }
0xab: {  	s31 =	sand.u32 $0x3FFFFFE0, s30;
	vm15 =	veq.s32 v2, $0xFFFFFFFF;
	[tilespmem:s29+$0x1180] =	vst v1;
	v1 =	vxor.u32 $0x80000000, v2;
	v3 =	vsel vm14, s24, v63  }
0xac: {  	v1 =	vsel vm15, s24, v1;
	[tilespmem:s31+$0x1280] =	vst v3  }
0xad: {  	[tilespmem:s31+$0x1290] =	vst v1  }
0xae: {  	[hbm4b:s9+s2] =	stream.linear.scatter [tilespmem:s18], [sflag:$0x1], $0x100, $0x38;
	[tilespmem:$0x1480] =	vst v63  }
0xaf: {  	s20 =	sadd.s32 $0x1, s20;
	_ =	swait.ge [sflag:s12], $0x100  }
0xb0: {  	p0 =	sne.s32 s20, s11;
	[sflag:s12] =	ssyncset.done $0x0  }
.Ltmp3:
0xb1: {  	[sflag:s12] =	ssyncadd.s32 $0xFFFFFF00;
	(pc) =	sbr.rel @p0 .LBB2_1-.Ltmp3, $4  }
0xb2: {  	[hbm4b:s10+s2] =	stream.linear.scatter [tilespmem:s19], [sflag:$0x1], $0x200, $0x38;
	[tilespmem:$0x1480] =	vst v63  }
0xb3: {  	_ =	swait.ge [sflag:s12], $0x200  }
0xb4: {  	[sflag:s12] =	ssyncset.done $0x0  }
0xb5: {  	[sflag:s12] =	ssyncadd.s32 $0xFFFFFE00  }
0xb6: {  	_ =	sfence.sel $0x180000  }
0xb7: {  	[bflag:$0x0] =	sbarrier.arrive $0xFFFF  }
0xb8: {  	p0 =	sne.s32 s1, $0x0;
	_ =	strace $0x90000056  }
0xb9: {  	s0 =	sadd.s32 @!p0 $0x100000, s0;
	[bflag:$0x2] =	sbarrier.arrive $0xFFFF  }
0xba: {  	[sflag:s0] =	ssyncadd.tile.s32 @!p0 $0x1;
	_ =	shalt  }
.Lfunc_end2:
_tile_overlayer_lowered:
.L_overlay_start_2:
0xbb: {  	(tag) =	ssettag $0x2  }
0xbc: {  	s0 =	rddreg [dreg:$0x0];
	s2 =	stileid.u32  }
0xbd: {  	s1 =	rddreg [dreg:$0x1];
	p0 =	sne.s32 s2, $0x0  }
0xbe: {  	s3 =	rddreg [dreg:$0x2];
	[bflag:$0x3] =	sbarrier.arrive $0xFFFF;
	s2 =	simm.s32 @!p0 $0x1C01  }
0xbf: {  	[timem:s3], [sflag:s2] =	dma.local @!p0 [hbm:s0], s1  }
0xc0: {  	s0 =	simm.s32 @!p0 $0x1  }
0xc1: {  	_ =	swait.ge @!p0 [sflag:s0], s1  }
0xc2: {  	s1 =	ssub.s32 @!p0 $0x0, s1;
	[sflag:s0] =	ssyncset.done @!p0 $0x0  }
0xc3: {  	[sflag:s0] =	ssyncadd.s32 @!p0 s1  }
0xc4: {  	[bflag:$0x3] =	sbarrier.arrive $0xFFFF  }
0xc5: {  	_ =	shalt  }

// kernel: kernel.19.cloned.1.call-start
scs
__scs_entry_jumppad:
0x0: {  	(pc) =	sbr.rel $0x88, $3  }
0x1: {  	(tag) =	ssettag $0x0;
	lr =	simm.s32 $0x1  }
0x2: {  	[smem:$0x3F40] =	sst lr;
	_ =	strace $0xD0000000  }
0x3: {  	_ = 	snop  }
0x4: {  	_ = 	snop  }
0x5: {  	_ = 	snop  }
0x6: {  	_ = 	snop  }
0x7: {  	_ = 	snop  }
__scs_overlays_trampoline_lowered:
0x8: {  	[smem:$0x3F4F] =	sst s0  }
0x9: {  	[smem:$0x3F50] =	sst s1  }
0xa: {  	[smem:$0x3F51] =	sst s2  }
0xb: {  	[smem:$0x3F52] =	sst s3  }
0xc: {  	[smem:$0x3F53] =	sst s4  }
0xd: {  	[smem:$0x3F54] =	sst s5  }
0xe: {  	[smem:$0x3F55] =	sst s6  }
0xf: {  	[smem:$0x3F56] =	sst s7  }
0x10: {  	[smem:$0x3F57] =	sst s8  }
0x11: {  	[smem:$0x3F58] =	sst s9;
	s0 =	simm.s32 @!p0 $0x0  }
0x12: {  	s1 =	sld [smem:$0x3F3E];
	s0 =	simm.s32 @p0 $0x1  }
0x13: {  	[smem:$0x3F59] =	sst s0;
	s0 =	simm.s32 @!p1 $0x0  }
0x14: {  	s2 =	sld [smem:$0x3F3D];
	s0 =	simm.s32 @p1 $0x1  }
0x15: {  	[smem:$0x3F5A] =	sst s0;
	s0 =	simm.s32 @!p2 $0x0  }
0x16: {  	s3 =	sld [smem:$0x3FDB];
	s0 =	simm.s32 @p2 $0x1  }
0x17: {  	s4 =	simm.s32 $0x1BF5;
	[smem:$0x3F5C] =	sst s0  }
0x18: {  	s0 =	sld [smem:$0x3F3F];
	_ =	swait.ge [sflag:s4], $0x0  }
0x19: {  	s7 =	sld [smem:$0x3F40]  }
0x1a: {  	s8 =	sadd.s32 $0xFFFFE003, lr  }
0x1b: {  	s9 =	sadd.s32 $0xFFFFFEF7, lr;
	s5 =	simm.s32 $0xFFFFFFFF;
	p2 =	slt.u32 s8, $0xFFFFF086  }
0x1c: {  	p1 =	slt.u32 s9, $0xF7A;
	s5 =	simm.s32 @!p2 $0x0  }
0x1d: {  	s5 =	simm.s32 @p1 $0x1;
	p0 =	seq.s32 s7, s2  }
0x1e: {  	s7 =	smul.u32 @!p0 $0xF7A, s2;
	p2 =	seq.s32 @!p0 s5, $0x0  }
0x1f: {  	s9 =	smul.u32 $0xF7A, s1;
	s8 =	simm.s32 @!p0 $0x1BF5;
	p2 =	por !p2, p0  }
0x20: {  	[sflag:s8] =	ssyncset.s32 @!p0 $0xFFFFF086;
	s6 =	sadd.s32 @!p0 s3, s7;
	s7 =	simm.s32 @!p0 $0x108  }
0x21: {  	s3 =	sadd.s32 s3, s9;
	s6 =	sadd.s32 @!p0 $0x88, s6;
	s7 =	simm.s32 @p2 $0x1082  }
0x22: {  	[simem:s7], [sflag:s8] =	dma.local @!p0 [hbm:s6], $0xF7A  }
0x23: {  	s9 =	sor.u32 $0xD0000000, s2;
	s6 =	simm.s32 $0x108;
	_ =	swait.ge @!p0 [sflag:s8], $0x0  }
0x24: {  	s3 =	sadd.s32 $0x88, s3;
	s6 =	simm.s32 @!p1 $0x1082;
	[sflag:s4] =	ssyncset.s32 $0xFFFFF086  }
0x25: {  	[simem:s6], [sflag:s4] =	dma.local [hbm:s3], $0xF7A  }
0x26: {  	[smem:$0x3F40] =	sst s1;
	(tag) =	ssettag s2;
	_ =	strace s9  }
0x27: {  	s1 =	sld [smem:$0x3F50]  }
0x28: {  	s2 =	sld [smem:$0x3F51]  }
0x29: {  	s4 =	sld [smem:$0x3F53]  }
0x2a: {  	p0 =	seq.s32 s5, $0x0;
	s5 =	sld [smem:$0x3F54]  }
0x2b: {  	s6 =	sld [smem:$0x3F55]  }
0x2c: {  	s7 =	sld [smem:$0x3F56]  }
0x2d: {  	s3 =	simm.s32 $0x108;
	s8 =	sld [smem:$0x3F57]  }
0x2e: {  	s3 =	simm.s32 @!p0 $0x1082;
	s9 =	sld [smem:$0x3F58]  }
0x2f: {  	lr =	sadd.s32 s0, s3;
	s0 =	sld [smem:$0x3F4F]  }
0x30: {  	s3 =	sld [smem:$0x3F52]  }
0x31: {  	[smem:$0x3F5B] =	sst s10  }
0x32: {  	s10 =	sld [smem:$0x3F59];
	_ =	sdelay $0x3  }
0x33: {  	p0 =	seq.s32 s10, $0x1;
	s10 =	sld [smem:$0x3F5B];
	_ =	sdelay $0x3  }
0x34: {  	[smem:$0x3F5B] =	sst s10  }
0x35: {  	s10 =	sld [smem:$0x3F5A];
	_ =	sdelay $0x3  }
0x36: {  	p1 =	seq.s32 s10, $0x1;
	s10 =	sld [smem:$0x3F5B];
	_ =	sdelay $0x3  }
0x37: {  	[smem:$0x3F5B] =	sst s10  }
0x38: {  	s10 =	sld [smem:$0x3F5C]  }
0x39: {  	_ = 	snop;
	(pc) =	sbr.ind lr, $3  }
0x3a: {  	_ = 	snop  }
0x3b: {  	_ = 	snop  }
0x3c: {  	p2 =	seq.s32 s10, $0x1;
	s10 =	sld [smem:$0x3F5B]  }
0x3d: {  	_ =	shalt  }
0x3e: {  	_ =	shalt  }
0x3f: {  	_ =	shalt  }
0x40: {  	_ =	shalt  }
0x41: {  	_ =	shalt  }
0x42: {  	_ =	shalt  }
0x43: {  	_ =	shalt  }
0x44: {  	_ =	shalt  }
0x45: {  	_ =	shalt  }
0x46: {  	_ =	shalt  }
0x47: {  	_ =	shalt  }
0x48: {  	_ =	shalt  }
0x49: {  	_ =	shalt  }
0x4a: {  	_ =	shalt  }
0x4b: {  	_ =	shalt  }
0x4c: {  	_ =	shalt  }
0x4d: {  	_ =	shalt  }
0x4e: {  	_ =	shalt  }
0x4f: {  	_ =	shalt  }
0x50: {  	_ =	shalt  }
0x51: {  	_ =	shalt  }
0x52: {  	_ =	shalt  }
0x53: {  	_ =	shalt  }
0x54: {  	_ =	shalt  }
0x55: {  	_ =	shalt  }
0x56: {  	_ =	shalt  }
0x57: {  	_ =	shalt  }
0x58: {  	_ =	shalt  }
0x59: {  	_ =	shalt  }
0x5a: {  	_ =	shalt  }
0x5b: {  	_ =	shalt  }
0x5c: {  	_ =	shalt  }
0x5d: {  	_ =	shalt  }
0x5e: {  	_ =	shalt  }
0x5f: {  	_ =	shalt  }
0x60: {  	_ =	shalt  }
0x61: {  	_ =	shalt  }
0x62: {  	_ =	shalt  }
0x63: {  	_ =	shalt  }
0x64: {  	_ =	shalt  }
0x65: {  	_ =	shalt  }
0x66: {  	_ =	shalt  }
0x67: {  	_ =	shalt  }
0x68: {  	_ =	shalt  }
0x69: {  	_ =	shalt  }
0x6a: {  	_ =	shalt  }
0x6b: {  	_ =	shalt  }
0x6c: {  	_ =	shalt  }
0x6d: {  	_ =	shalt  }
0x6e: {  	_ =	shalt  }
0x6f: {  	_ =	shalt  }
0x70: {  	_ =	shalt  }
0x71: {  	_ =	shalt  }
0x72: {  	_ =	shalt  }
0x73: {  	_ =	shalt  }
0x74: {  	_ =	shalt  }
0x75: {  	_ =	shalt  }
0x76: {  	_ =	shalt  }
0x77: {  	_ =	shalt  }
0x78: {  	_ =	shalt  }
0x79: {  	_ =	shalt  }
0x7a: {  	_ =	shalt  }
0x7b: {  	_ =	shalt  }
0x7c: {  	_ =	shalt  }
0x7d: {  	_ =	shalt  }
0x7e: {  	_ =	shalt  }
0x7f: {  	_ =	shalt  }
0x80: {  	_ =	shalt  }
0x81: {  	_ =	shalt  }
0x82: {  	_ =	shalt  }
0x83: {  	_ =	shalt  }
0x84: {  	_ =	shalt  }
0x85: {  	_ =	shalt  }
0x86: {  	_ =	shalt  }
0x87: {  	_ =	shalt  }
.Lfunc_end0:
.L_simem_size_0:
called_computation.6_lowered:
.L_overlay_start_0:
0x88: {  	s2 =	sld [smem:$0x3FD9]  }
0x89: {  	s3 =	sld [smem:$0x3FFE];
	_ =	sdelay $0x1  }
0x8a: {  	s1 =	srdreg.scid  }
0x8b: {  	s0 =	sand.u32 $0x1, s1  }
0x8c: {  	s17 =	sshll.u32 s0, $0xA;
	s2 =	sadd.s32 s3, s2  }
0x8d: {  	s2 =	sadd.s32 s2, s17  }
0x8e: {  	[smem:$0x3F67] =	sst s2  }
0x8f: {  	_ = 	snop  }
0x90: {  	(tm) =	ssettm $0x1  }
0x91: {  	s18 =	sld [smem:$0x3FFB];
	_ =	sdelay $0x3  }
0x92: {  	_ =	strace s18  }
0x93: {  	s2 =	sld [smem:$0x3FFC];
	_ =	sdelay $0x3  }
0x94: {  	_ =	strace s2  }
0x95: {  	s2 =	sld [smem:$0x3FFD];
	_ =	sdelay $0x3  }
0x96: {  	_ =	strace s2  }
0x97: {  	_ =	strace $0x8FFFFFFF  }
0x98: {  	s19 =	sld [smem:$0x3FDB];
	_ =	sdelay $0x1  }
0x99: {  	s20 =	simm.s32 $_scs_section_size  }
0x9a: {  	s4 =	simm.s32 $_size__tile_overlayer_lowered;
	s5 =	simm.s32 $_tile_overlayer_lowered  }
0x9b: {  	s6 =	simm.s32 $0x1BFF;
	s21 =	sshll.u32 s5, $0x1;
	s3 =	sadd.s32 s20, s19  }
0x9c: {  	s22 =	simm.s32 $0x0;
	s4 =	sshll.u32 s4, $0x1;
	s5 =	sadd.s32 s21, s3  }
0x9d: {  	[timem:s22], [sflag:s6] =	dma.local [hbm:s5], s4  }
0x9e: {  	_ =	swait.ge [sflag:s6], s4  }
0x9f: {  	s4 =	ssub.s32 $0x0, s4;
	[sflag:s6] =	ssyncset.done $0x0  }
0xa0: {  	[sflag:s6] =	ssyncadd.s32 s4;
	_ =	sdelay $0x1  }
0xa1: {  	s23 =	simm.s32 $0x1B8B  }
0xa2: {  	_ =	swait.ge [sflag:s23], $0x1  }
0xa3: {  	[sflag:s23] =	ssyncset.done $0x0  }
0xa4: {  	[sflag:s23] =	ssyncadd.s32 $0xFFFFFFFF  }
0xa5: {  	s4 =	sld [smem:$0x0]  }
0xa6: {  	s5 =	sand.u32 $0xFFFFFFFE, s1  }
0xa7: {  	p0 =	sne.s32 s1, s5  }
0xa8: {  	s5 =	sshll.u32 @p0 s5, $0xE  }
0xa9: {  	s5 =	sadd.s32 @p0 $0x11B8D, s5;
	s6 =	sshll.u32 @p0 s4, $0x11  }
0xaa: {  	s5 =	sor.u32 @p0 s6, s5  }
0xab: {  	[sflag:s5] =	ssyncadd.remote.s32 @p0 $0x1;
	_ =	sdelay $0x1  }
0xac: {  	s5 =	simm.s32 @p0 $0x1B8D  }
0xad: {  	_ =	swait.eq @p0 [sflag:s5], $0x1  }
0xae: {  	[sflag:s5] =	ssyncadd.s32 @p0 $0xFFFFFFFF  }
0xaf: {  	s6 =	sshll.u32 @!p0 s1, $0xE  }
0xb0: {  	s6 =	sor.u32 @!p0 $0x4000, s6;
	s5 =	simm.s32 @!p0 $0x1B8D  }
0xb1: {  	s4 =	sshll.u32 @!p0 s4, $0x11;
	s6 =	sadd.s32 @!p0 $0x11B8D, s6;
	_ =	swait.eq @!p0 [sflag:s5], $0x1  }
0xb2: {  	s4 =	sor.u32 @!p0 s4, s6;
	[sflag:s5] =	ssyncadd.s32 @!p0 $0xFFFFFFFF  }
0xb3: {  	s25 =	simm.s32 $0x1B8E;
	s24 =	sld [smem:$0x3FFE];
	[sflag:s4] =	ssyncadd.remote.s32 @!p0 $0x1  }
0xb4: {  	s26 =	simm.s32 $execute0_lowered;
	[smem:$0x3FD2] =	sst s25  }
0xb5: {  	s5 =	sshll.u32 s26, $0x1;
	_ =	strace $0x80000058;
	[dreg:$0x1] =	wrdreg $0xFFFFFFFF  }
0xb6: {  	s28 =	simm.s32 $_size_execute0_lowered;
	s3 =	sadd.s32 s3, s5;
	[dreg:$0x0] =	wrdreg $0x0  }
0xb7: {  	s5 =	sshll.u32 s28, $0x1;
	[dreg:$0x2] =	wrdreg s3  }
0xb8: {  	[dreg:$0x3] =	wrdreg s5  }
0xb9: {  	[dreg:$0x4] =	wrdreg $0xC0  }
0xba: {  	_ =	task [dreg:s22], $0x5FFFF  }
0xbb: {  	[dreg:$0x1] =	wrdreg $0xFFFFFFFF  }
0xbc: {  	[dreg:$0x0] =	wrdreg $0x60  }
0xbd: {  	[dreg:$0x2] =	wrdreg s24  }
0xbe: {  	[dreg:$0x3] =	wrdreg $0xD  }
0xbf: {  	_ =	task.clear_ibuf [dreg:s22], $0x4FFFF;
	_ =	strace $0x90000058  }
0xc0: {  	s29 =	simm.s32 $0xD;
	_ =	strace $0x8000005A  }
0xc1: {  	_ =	swait.ge [sflag:s29], $0x1  }
0xc2: {  	[sflag:s29] =	ssyncadd.s32 $0xFFFFFFFF  }
0xc3: {  	_ =	strace $0x9000005A  }
0xc4: {  	_ =	sfence  }
0xc5: {  	s30 =	sld [smem:$0x0];
	_ =	sdelay $0x2  }
0xc6: {  	s31 =	sshll.u32 s1, $0xD;
	s1 =	sshrl.u32 s1, $0x2  }
0xc7: {  	s4 =	sand.u32 $0x4000, s31;
	s1 =	sadd.s32 s1, s30  }
0xc8: {  	s0 =	sor.u32 s4, s0;
	s1 =	sshll.u32 s1, $0x11  }
0xc9: {  	s0 =	sor.u32 s1, s0  }
0xca: {  	s0 =	sadd.s32 $0x8F2B, s0  }
0xcb: {  	[sflag:s0] =	ssyncadd.remote.s32 $0x1  }
0xcc: {  	_ =	sfence.sel $0xFFFF  }
0xcd: {  	[dreg:$0x0] =	wrdreg $0xFFFFFFFF;
	(pc) =	sbr.abs _section_cstart, $3  }
0xce: {  	[dreg:$0x1] =	wrdreg $0xFFFFFFFF  }
0xcf: {  	_ =	task.clear_ibuf [dreg:s22], $0x2FFFF;
	_ =	strace $0x9FFFFFFF  }
0xd0: {  	(tm) =	ssettm $0x7FFFFFFF  }
0xd1: {  	_ =	shalt  }
tec
execute0_lowered:
.L_overlay_start_1:
0x0: {  	(tag) =	ssettag $0x1  }
0x1: {  	s1 =	stileid.u32  }
0x2: {  	p0 =	sgt.u32 s1, $0x7  }
.Ltmp0:
0x3: {  	_ = 	snop;
	(pc) =	sbr.rel @p0 .LBB2_9-.Ltmp0, $4  }
0x4: {  	_ = 	snop  }
0x5: {  	s4 =	rddreg [dreg:$0x0];
	s2 =	simm.s32 $0x0  }
0x6: {  	[smem:$0x7FF] =	sst s2  }
0x7: {  	s0 =	rddreg [dreg:$0x1];
	_ =	strace $0x80000059  }
0x8: {  	s3 =	srdreg.scid;
	s5 =	sshrl.u32 s1, $0x2  }
0x9: {  	s31 =	sshll.u32 s1, $0x1;
	s7 =	sadd.s32 $0x2BF000, s4;
	s13 =	simm.s32 $0x100  }
0xa: {  	s14 =	simm.s32 $0x200;
	s15 =	simm.s32 $0x400;
	s16 =	simm.s32 $0x480  }
0xb: {  	s17 =	simm.s32 $0x500;
	s18 =	simm.s32 $0x580;
	s19 =	simm.s32 $0x600  }
0xc: {  	s20 =	simm.s32 $0x0;
	s6 =	sand.u32 $0x1, s3;
	s5 =	smul.u32 $0x300, s5  }
0xd: {  	s29 =	simm.s32 $0x0;
	s3 =	sor.u32 s6, s31;
	s11 =	ssub.s32 $0x2, s6  }
0xe: {  	s8 =	sadd.s32 s3, s4;
	s9 =	sshll.u32 s3, $0x4;
	s5 =	sshrl.u32 s5, $0x3  }
0xf: {  	s10 =	sshll.u32 s3, $0x5;
	s12 =	sshrl.u32 s11, $0x1;
	s9 =	sadd.s32 s9, s4  }
0x10: {  	s3 =	sadd.s32 s7, s5;
	s10 =	sadd.s32 s10, s4;
	s6 =	sadd.s32 $0x2BFA00, s8  }
0x11: {  	s7 =	sadd.s32 $0x2BFA10, s8;
	s8 =	sadd.s32 $0x2BFA20, s8;
	s11 =	ssub.s32 s11, s12  }
0x12: {  	s12 =	simm.s32 $0x1;
	s4 =	sadd.s32 $0x20, s3;
	s5 =	sadd.s32 $0x40, s3  }
0x13: {  	v0 =	vlaneseq.u32;
	s9 =	sadd.s32 $0x2BFC00, s9;
	s10 =	sadd.s32 $0x2BFE00, s10;
	s11 =	smax.u32 s11, $0x1  }
.LBB2_2:
0x14: {  	s21 =	simm.s32 $0x0  }
0x15: {  	[tilespmem:s21], [sflag:$0x1] =	stream.linear.gather [hbm4b:s3+s21], $0x100, $0x38;
	[tilespmem:$0x700] =	vst v63  }
0x16: {  	_ =	swait.ge [sflag:s12], $0x100  }
0x17: {  	[sflag:s12] =	ssyncset.done $0x0  }
0x18: {  	[sflag:s12] =	ssyncadd.s32 $0xFFFFFF00  }
0x19: {  	[tilespmem:s13], [sflag:$0x1] =	stream.linear.gather [hbm4b:s4+s21], $0x100, $0x38;
	[tilespmem:$0x700] =	vst v63  }
0x1a: {  	_ =	swait.ge [sflag:s12], $0x100  }
0x1b: {  	[sflag:s12] =	ssyncset.done $0x0  }
0x1c: {  	[sflag:s12] =	ssyncadd.s32 $0xFFFFFF00  }
0x1d: {  	[tilespmem:s14], [sflag:$0x1] =	stream.linear.gather [hbm4b:s5+s21], $0x100, $0x38;
	[tilespmem:$0x700] =	vst v63  }
0x1e: {  	_ =	swait.ge [sflag:s12], $0x100  }
0x1f: {  	[sflag:s12] =	ssyncset.done $0x0  }
0x20: {  	[sflag:s12] =	ssyncadd.s32 $0xFFFFFF00  }
0x21: {  	[tilespmem:s15], [sflag:$0x1] =	stream.linear.gather [hbm4b:s6+s21], $0x8, $0x38;
	[tilespmem:$0x700] =	vst v63  }
0x22: {  	_ =	swait.ge [sflag:s12], $0x8  }
0x23: {  	[sflag:s12] =	ssyncset.done $0x0  }
0x24: {  	[sflag:s12] =	ssyncadd.s32 $0xFFFFFFF8  }
0x25: {  	[tilespmem:s16], [sflag:$0x1] =	stream.linear.gather [hbm4b:s7+s21], $0x8, $0x38;
	[tilespmem:$0x700] =	vst v63  }
0x26: {  	_ =	swait.ge [sflag:s12], $0x8  }
0x27: {  	[sflag:s12] =	ssyncset.done $0x0  }
0x28: {  	[sflag:s12] =	ssyncadd.s32 $0xFFFFFFF8  }
0x29: {  	[tilespmem:s17], [sflag:$0x1] =	stream.linear.gather [hbm4b:s8+s21], $0x8, $0x38;
	[tilespmem:$0x700] =	vst v63  }
0x2a: {  	_ =	swait.ge [sflag:s12], $0x8  }
0x2b: {  	[sflag:s12] =	ssyncset.done $0x0  }
0x2c: {  	s22 =	simm.s32 $0x0;
	[sflag:s12] =	ssyncadd.s32 $0xFFFFFFF8  }
0x2d: {  	v1 =	vld [tilespmem:s22+$0x0];
	_ =	sdelay $0x1  }
0x2e: {  	v2 =	vld [tilespmem:s22+$0x100]  }
0x2f: {  	v3 =	vld [tilespmem:s22+$0x200];
	_ =	sdelay $0x1  }
0x30: {  	v4 =	vshrl.u32 v1, $0x10  }
0x31: {  	v4 =	vand.u32 $0x1, v4  }
0x32: {  	v5 =	vmul.f32 v1, v1;
	v6 =	vshrl.u32 v2, $0x10;
	v1 =	vadd.s32 v4, v1  }
0x33: {  	v4 =	vand.u32 $0x1, v6;
	v6 =	vshrl.u32 v3, $0x10;
	v1 =	vadd.s32 $0x7FFF, v1  }
0x34: {  	v4 =	vadd.s32 v4, v2;
	v6 =	vand.u32 $0x1, v6;
	v2 =	vmul.f32 v2, v2  }
0x35: {  	v1 =	vand.u32 $0xFFFF0000, v1;
	v4 =	vadd.s32 $0x7FFF, v4;
	v6 =	vadd.s32 v6, v3  }
0x36: {  	s23 =	simm.s32 $0x10;
	[tilespmem:s22+$0x0] =	vst v1;
	v4 =	vand.u32 $0xFFFF0000, v4;
	v6 =	vadd.s32 $0x7FFF, v6  }
0x37: {  	s24 =	simm.s32 $0x80;
	v3 =	vmul.f32 v3, v3;
	v2 =	vadd.f32 v2, v5;
	v1 =	vld [tilespmem:s23+$0x0];
	[tilespmem:s22+$0x100] =	vst v4;
	v4 =	vand.u32 $0xFFFF0000, v6  }
.LBB2_3:
0x38: {  	p0 =	sne.s32 s24, $0x3C0;
	v5 =	vld [tilespmem:s23+$0x100];
	[tilespmem:s22+$0x200] =	vst v4  }
0x39: {  	v4 =	vld [tilespmem:s23+$0x200];
	v2 =	vadd.f32 v3, v2;
	_ =	sdelay $0x1  }
0x3a: {  	[tilespmem:s22+$0x300] =	vst v2;
	s22 =	smov.u32 s23  }
0x3b: {  	v2 =	vmul.f32 v1, v1;
	v3 =	vshrl.u32 v1, $0x10  }
0x3c: {  	v6 =	vmul.f32 v5, v5;
	v3 =	vand.u32 $0x1, v3;
	v7 =	vshrl.u32 v5, $0x10  }
.Ltmp1:
0x3d: {  	v1 =	vadd.s32 v3, v1;
	v3 =	vand.u32 $0x1, v7;
	v7 =	vshrl.u32 v4, $0x10;
	(pc) =	sbr.rel @p0 .LBB2_3-.Ltmp1, $4  }
0x3e: {  	v1 =	vadd.s32 $0x7FFF, v1;
	v3 =	vadd.s32 v3, v5;
	v5 =	vand.u32 $0x1, v7  }
0x3f: {  	v1 =	vand.u32 $0xFFFF0000, v1;
	v3 =	vadd.s32 $0x7FFF, v3;
	v5 =	vadd.s32 v5, v4  }
0x40: {  	s23 =	sshra.s32 s24, $0x2;
	v2 =	vadd.f32 v6, v2;
	[tilespmem:s22+$0x0] =	vst v1;
	v6 =	vand.u32 $0xFFFF0000, v3;
	v5 =	vadd.s32 $0x7FFF, v5  }
0x41: {  	s24 =	sadd.s32 $0x40, s24;
	v3 =	vmul.f32 v4, v4;
	v1 =	vld [tilespmem:s23+$0x0];
	[tilespmem:s22+$0x100] =	vst v6;
	v4 =	vand.u32 $0xFFFF0000, v5  }
0x42: {  	v5 =	vld [tilespmem:s23+$0x100]  }
0x43: {  	[tilespmem:s22+$0x200] =	vst v4  }
0x44: {  	v4 =	vld [tilespmem:s23+$0x200];
	_ =	sdelay $0x1  }
0x45: {  	v2 =	vadd.f32 v3, v2;
	v3 =	vshrl.u32 v1, $0x10  }
0x46: {  	v6 =	vmul.f32 v1, v1;
	v3 =	vand.u32 $0x1, v3;
	v7 =	vshrl.u32 v5, $0x10  }
0x47: {  	v1 =	vadd.s32 v3, v1;
	v3 =	vmul.f32 v5, v5;
	v7 =	vand.u32 $0x1, v7  }
0x48: {  	v63 =	vshrl.u32 v4, $0x10;
	v5 =	vadd.s32 v7, v5;
	v1 =	vadd.s32 $0x7FFF, v1  }
0x49: {  	v7 =	vand.u32 $0x1, v63;
	v1 =	vand.u32 $0xFFFF0000, v1;
	v5 =	vadd.s32 $0x7FFF, v5  }
0x4a: {  	[tilespmem:s22+$0x300] =	vst v2;
	v2 =	vadd.s32 v7, v4;
	v3 =	vadd.f32 v3, v6;
	v4 =	vmul.f32 v4, v4  }
0x4b: {  	[tilespmem:s23+$0x0] =	vst v1;
	v1 =	vand.u32 $0xFFFF0000, v5;
	v2 =	vadd.s32 $0x7FFF, v2  }
0x4c: {  	[tilespmem:s23+$0x100] =	vst v1;
	v1 =	vand.u32 $0xFFFF0000, v2;
	v2 =	vadd.f32 v4, v3  }
0x4d: {  	[tilespmem:s23+$0x200] =	vst v1  }
0x4e: {  	[tilespmem:s23+$0x300] =	vst v2  }
.LBB2_5:
0x4f: {  	v1 =	vld [tilespmem:s21+$0x400]  }
0x50: {  	v2 =	vld [tilespmem:s21+$0x480]  }
0x51: {  	v3 =	vld [tilespmem:s21+$0x500];
	_ =	sdelay $0x2  }
0x52: {  	(v2sf) =	vpush v1, $0x0  }
0x53: {  	(v2sf) =	vpush v2, $0x0  }
0x54: {  	(v2sf) =	vpush v3, $0x0;
	_ =	sdelay $0xc  }
0x55: {  	s22 =	spop (v2sf)  }
0x56: {  	s30 =	simm.s32 $0x100;
	s31 =	simm.s32 $0x200;
	s24 =	spop (v2sf)  }
0x57: {  	s23 =	sshrl.u32 s22, $0x10;
	s25 =	spop (v2sf);
	s26 =	sshrl.u32 s24, $0x10  }
0x58: {  	s23 =	sand.u32 $0x1, s23;
	s26 =	sand.u32 $0x1, s26;
	s28 =	sshrl.u32 s25, $0x10  }
0x59: {  	v4 =	vld [tilespmem:s29+$0x0];
	s23 =	sadd.s32 s23, s22;
	s26 =	sadd.s32 s26, s24;
	s28 =	sand.u32 $0x1, s28  }
0x5a: {  	v5 =	vld [tilespmem:s30+$0x0];
	s23 =	sadd.s32 $0x7FFF, s23;
	s26 =	sadd.s32 $0x7FFF, s26;
	s28 =	sadd.s32 s28, s25  }
0x5b: {  	s23 =	sand.u32 $0xFFFF0000, s23;
	s26 =	sand.u32 $0xFFFF0000, s26;
	s28 =	sadd.s32 $0x7FFF, s28  }
0x5c: {  	v6 =	vld [tilespmem:s31+$0x0];
	v1 =	vmov s23;
	v3 =	vmov s26;
	s26 =	sand.u32 $0xFFFF0000, s28  }
0x5d: {  	s31 =	smul.f32 s22, s22;
	v2 =	vbroadcast v1, $0x0;
	v3 =	vbroadcast v3, $0x0;
	v1 =	vmov s26  }
0x5e: {  	s30 =	smul.f32 s24, s24;
	v1 =	vbroadcast v1, $0x0  }
0x5f: {  	s22 =	simm.s32 $0x300;
	v4 =	vmul.f32 v4, v2;
	v5 =	vmul.f32 v5, v3  }
0x60: {  	v7 =	vld [tilespmem:s22+$0x0];
	s23 =	sadd.f32 s30, s31;
	s31 =	smul.f32 s25, s25  }
0x61: {  	v4 =	vadd.f32 v5, v4;
	v5 =	vmul.f32 v6, v1  }
0x62: {  	s23 =	sadd.f32 s31, s23  }
0x63: {  	v5 =	vadd.f32 v5, v4  }
0x64: {  	v4 =	vmov s23  }
0x65: {  	v6 =	vadd.f32 v7, v4;
	v5 =	vadd.f32 v5, v5;
	_ =	sdelay $0x1  }
0x66: {  	v6 =	vsub.f32 v6, v5;
	_ =	sdelay $0x1  }
0x67: {  	v7 =	vor.u32 s29, v0;
	vm0 =	vle.f32 v6, $1.600000000e+01  }
0x68: {  	v5 =	vnsel vm0, $0x7FFFFFFF, v7  }
0x69: {  	v8 =	vxor.u32 $0xFFFFFFFF, v5  }
0x6a: {  	(xrf1) =	vsort.ascd.msk.u32 $0xffff, v8, v5;
	_ =	sdelay $0xd  }
0x6b: {  	s23 =	simm.s32 $0x10;
	vm14 =	vle.f32 v6, $4.000000000e+00;
	v5 =	vimm.s32 $0x7FFFFFFF;
	_, v8, _ =	vpop (xrf1)  }
0x6c: {  	s24 =	simm.s32 $0x110;
	v6 =	vnsel vm14, $0x7FFFFFFF, v7;
	v7 =	vld [tilespmem:s23+$0x0];
	vm15 =	vlt.s32 v5, v8  }
0x6d: {  	v9 =	vxor.u32 $0xFFFFFFFF, v6;
	v10 =	vsel vm15, v5, v8;
	v8 =	vld [tilespmem:s24+$0x0]  }
0x6e: {  	s25 =	simm.s32 $0x210;
	(xrf1) =	vsort.ascd.msk.u32 $0xffff, v9, v6;
	v11 =	vxor.u32 $0xFFFFFFFF, v10  }
0x6f: {  	v9 =	vld [tilespmem:s25+$0x0];
	(xrf1) =	vsort.ascd.msk.u32 $0xffff, v11, v10  }
0x70: {  	s28 =	simm.s32 $0x10;
	s26 =	simm.s32 $0x20;
	v6 =	vimm.s32 $0x7FFFFFFF  }
.LBB2_6:
0x71: {  	p0 =	sne.s32 s26, $0xF0  }
0x72: {  	v7 =	vmul.f32 v7, v2;
	s22 =	sadd.s32 $0x10, s22;
	v8 =	vmul.f32 v8, v3  }
0x73: {  	v10 =	vld [tilespmem:s22+$0x0]  }
0x74: {  	v7 =	vadd.f32 v8, v7;
	v8 =	vmul.f32 v9, v1;
	_ =	sdelay $0x1  }
0x75: {  	v7 =	vadd.f32 v8, v7;
	_ =	sdelay $0x1  }
0x76: {  	v8 =	vadd.f32 v10, v4;
	v7 =	vadd.f32 v7, v7;
	_ =	sdelay $0x1  }
0x77: {  	v7 =	vsub.f32 v8, v7;
	_ =	sdelay $0x1  }
0x78: {  	v8 =	vor.u32 s23, v0;
	s23 =	smov.u32 s26;
	vm0 =	vle.f32 v7, $1.600000000e+01;
	_, v9, _ =	vpop (xrf1)  }
0x79: {  	v10 =	vnsel vm0, $0x7FFFFFFF, v8;
	vm0 =	vlt.s32 v5, v9;
	_, v11, _ =	vpop (xrf1)  }
0x7a: {  	v12 =	vxor.u32 $0xFFFFFFFF, v10;
	v5 =	vsel vm0, v5, v9;
	vm0 =	vgt.s32 v6, v11  }
0x7b: {  	(xrf1) =	vsort.ascd.msk.u32 $0xffff, v12, v10;
	v9 =	vxor.u32 $0x80000000, v5;
	v10 =	vsel vm0, v11, v6;
	v6 =	vsel vm0, v6, v11  }
0x7c: {  	v11 =	vxor.u32 $0x80000000, v10;
	v12 =	vxor.u32 $0x80000000, v6;
	(xrf1) =	vsort.ascd.msk.u32 $0xffff, v9, v5  }
0x7d: {  	(xrf1) =	vsort.ascd.msk.u32 $0xffff, v12, v6  }
0x7e: {  	(xrf1) =	vsort.ascd.msk.u32 $0xffff, v11, v10;
	_ =	sdelay $0xa  }
0x7f: {  	_, v9, _ =	vpop (xrf1)  }
0x80: {  	v5, _, _ =	vpop (xrf1)  }
0x81: {  	v6, _, _ =	vpop (xrf1)  }
0x82: {  	s28 =	sadd.s32 $0x10, s28;
	vm0 =	vle.f32 v7, $4.000000000e+00;
	v5 =	vxor.u32 $0x80000000, v5;
	v10 =	vxor.u32 $0x80000000, v6;
	v6, _, _ =	vpop (xrf1)  }
.Ltmp2:
0x83: {  	s24 =	sadd.s32 $0x10, s24;
	v11 =	vnsel vm0, $0x7FFFFFFF, v8;
	v7 =	vld [tilespmem:s28+$0x0];
	vm0 =	vlt.s32 v10, v9;
	v6 =	vxor.u32 $0x80000000, v6;
	(pc) =	sbr.rel @p0 .LBB2_6-.Ltmp2, $4  }
0x84: {  	v12 =	vxor.u32 $0xFFFFFFFF, v11;
	v8 =	vld [tilespmem:s24+$0x0];
	v10 =	vsel vm0, v10, v9  }
0x85: {  	s25 =	sadd.s32 $0x10, s25;
	v13 =	vxor.u32 $0xFFFFFFFF, v10;
	(xrf1) =	vsort.ascd.msk.u32 $0xffff, v12, v11  }
0x86: {  	v9 =	vld [tilespmem:s25+$0x0];
	(xrf1) =	vsort.ascd.msk.u32 $0xffff, v13, v10  }
0x87: {  	s26 =	sadd.s32 $0x10, s26  }
0x88: {  	_ = 	snop  }
0x89: {  	v2 =	vmul.f32 v7, v2;
	s22 =	sadd.s32 $0x10, s22;
	v3 =	vmul.f32 v8, v3  }
0x8a: {  	v49 =	vld [tilespmem:s22+$0x0]  }
0x8b: {  	v2 =	vadd.f32 v3, v2;
	v1 =	vmul.f32 v9, v1;
	_ =	sdelay $0x1  }
0x8c: {  	v1 =	vadd.f32 v1, v2;
	_ =	sdelay $0x1  }
0x8d: {  	v2 =	vadd.f32 v49, v4;
	v1 =	vadd.f32 v1, v1;
	_ =	sdelay $0x1  }
0x8e: {  	v1 =	vsub.f32 v2, v1;
	_ =	sdelay $0x1  }
0x8f: {  	v2 =	vor.u32 s23, v0;
	vm0 =	vle.f32 v1, $1.600000000e+01;
	_, v3, _ =	vpop (xrf1)  }
0x90: {  	v50 =	vnsel vm0, $0x7FFFFFFF, v2;
	vm7 =	vlt.s32 v5, v3;
	_, v51, _ =	vpop (xrf1)  }
0x91: {  	v52 =	vxor.u32 $0xFFFFFFFF, v50;
	v3 =	vsel vm7, v5, v3;
	vm8 =	vgt.s32 v6, v51  }
0x92: {  	(xrf1) =	vsort.ascd.msk.u32 $0xffff, v52, v50;
	v53 =	vxor.u32 $0x80000000, v3;
	v54 =	vsel vm8, v6, v51  }
0x93: {  	v55 =	vxor.u32 $0x80000000, v54;
	(xrf1) =	vsort.ascd.msk.u32 $0xffff, v53, v3  }
0x94: {  	(xrf1) =	vsort.ascd.msk.u32 $0xffff, v55, v54;
	_ =	sdelay $0xb  }
0x95: {  	_, v3, _ =	vpop (xrf1)  }
0x96: {  	v4, _, _ =	vpop (xrf1)  }
0x97: {  	v5, _, _ =	vpop (xrf1)  }
0x98: {  	vm9 =	vle.f32 v1, $4.000000000e+00;
	v56 =	vsel vm8, v51, v6;
	v1 =	vxor.u32 $0x80000000, v5  }
0x99: {  	v2 =	vnsel vm9, $0x7FFFFFFF, v2;
	v57 =	vxor.u32 $0x80000000, v56;
	vm10 =	vlt.s32 v1, v3  }
0x9a: {  	v58 =	vxor.u32 $0xFFFFFFFF, v2;
	(xrf1) =	vsort.ascd.msk.u32 $0xffff, v57, v56;
	v1 =	vsel vm10, v1, v3  }
0x9b: {  	(xrf1) =	vsort.ascd.msk.u32 $0xffff, v58, v2;
	v3 =	vxor.u32 $0xFFFFFFFF, v1  }
0x9c: {  	(xrf1) =	vsort.ascd.msk.u32 $0xffff, v3, v1;
	_ =	sdelay $0xb  }
0x9d: {  	v1, _, _ =	vpop (xrf1)  }
0x9e: {  	v2 =	vxor.u32 $0x80000000, v4;
	_, v3, _ =	vpop (xrf1)  }
0x9f: {  	v1 =	vxor.u32 $0x80000000, v1;
	vm11 =	vlt.s32 v2, v3;
	_, v59, _ =	vpop (xrf1)  }
0xa0: {  	v2 =	vsel vm11, v2, v3;
	vm12 =	vgt.s32 v1, v59  }
0xa1: {  	v3 =	vxor.u32 $0x80000000, v2;
	v60 =	vsel vm12, v1, v59  }
0xa2: {  	(xrf1) =	vsort.ascd.msk.u32 $0xffff, v3, v2;
	v1 =	vsel vm12, v59, v1;
	v61 =	vxor.u32 $0x80000000, v60  }
0xa3: {  	v2 =	vxor.u32 $0x80000000, v1;
	(xrf1) =	vsort.ascd.msk.u32 $0xffff, v61, v60  }
0xa4: {  	(xrf1) =	vsort.ascd.msk.u32 $0xffff, v2, v1;
	_ =	sdelay $0xb  }
0xa5: {  	v1, _, _ =	vpop (xrf1)  }
0xa6: {  	v2, _, _ =	vpop (xrf1)  }
0xa7: {  	v3 =	vxor.u32 $0x80000000, v1;
	v62, _, _ =	vpop (xrf1)  }
0xa8: {  	(v2sf) =	vpush v3, $0x0;
	v63 =	vxor.u32 $0x80000000, v62  }
0xa9: {  	(v2sf) =	vpush v63, $0x0;
	_ =	sdelay $0xd  }
0xaa: {  	s24 =	sshll.u32 s21, $0x4;
	s22 =	spop (v2sf)  }
0xab: {  	s30 =	sshll.u32 s21, $0x5;
	p0 =	seq.s32 s22, $0x7FFFFFFF;
	s23 =	spop (v2sf)  }
0xac: {  	s21 =	sadd.s32 $0x1, s21;
	s22 =	simm.s32 @p0 $0x0;
	p0 =	seq.s32 s23, $0x7FFFFFFF  }
0xad: {  	s23 =	simm.s32 @p0 $0x0;
	p0 =	sne.s32 s21, $0x8  }
.Ltmp3:
0xae: {  	vm13 =	veq.s32 v1, $0xFFFFFFFF;
	(pc) =	sbr.rel @p0 .LBB2_5-.Ltmp3, $4  }
0xaf: {  	s28 =	sand.u32 $0x3FFFFFF0, s24;
	vm14 =	veq.s32 v62, $0xFFFFFFFF;
	v1 =	vsel vm13, s22, v3  }
0xb0: {  	s31 =	sand.u32 $0x3FFFFFE0, s30;
	vm15 =	veq.s32 v2, $0xFFFFFFFF;
	[tilespmem:s28+$0x580] =	vst v1;
	v1 =	vxor.u32 $0x80000000, v2;
	v3 =	vsel vm14, s23, v63  }
0xb1: {  	v1 =	vsel vm15, s23, v1;
	[tilespmem:s31+$0x600] =	vst v3  }
0xb2: {  	[tilespmem:s31+$0x610] =	vst v1  }
0xb3: {  	[hbm4b:s9+s2] =	stream.linear.scatter [tilespmem:s18], [sflag:$0x1], $0x80, $0x38;
	[tilespmem:$0x700] =	vst v63  }
0xb4: {  	s20 =	sadd.s32 $0x1, s20;
	_ =	swait.ge [sflag:s12], $0x80  }
0xb5: {  	p0 =	sne.s32 s20, s11;
	[sflag:s12] =	ssyncset.done $0x0  }
.Ltmp4:
0xb6: {  	[sflag:s12] =	ssyncadd.s32 $0xFFFFFF80;
	(pc) =	sbr.rel @p0 .LBB2_2-.Ltmp4, $4  }
0xb7: {  	[hbm4b:s10+s2] =	stream.linear.scatter [tilespmem:s19], [sflag:$0x1], $0x100, $0x38;
	[tilespmem:$0x700] =	vst v63  }
0xb8: {  	_ =	swait.ge [sflag:s12], $0x100  }
0xb9: {  	[sflag:s12] =	ssyncset.done $0x0  }
0xba: {  	[sflag:s12] =	ssyncadd.s32 $0xFFFFFF00  }
.LBB2_9:
0xbb: {  	_ =	sfence.sel $0x180000  }
0xbc: {  	[bflag:$0x0] =	sbarrier.arrive $0xFFFF  }
0xbd: {  	p0 =	sne.s32 s1, $0x0;
	_ =	strace $0x90000059  }
0xbe: {  	s0 =	sadd.s32 @!p0 $0x100000, s0;
	[bflag:$0x2] =	sbarrier.arrive $0xFFFF  }
0xbf: {  	[sflag:s0] =	ssyncadd.tile.s32 @!p0 $0x1;
	_ =	shalt  }
.Lfunc_end2:
_tile_overlayer_lowered:
.L_overlay_start_2:
0xc0: {  	(tag) =	ssettag $0x2  }
0xc1: {  	s0 =	rddreg [dreg:$0x0];
	s2 =	stileid.u32  }
0xc2: {  	s1 =	rddreg [dreg:$0x1];
	p0 =	sne.s32 s2, $0x0  }
0xc3: {  	s3 =	rddreg [dreg:$0x2];
	[bflag:$0x3] =	sbarrier.arrive $0xFFFF;
	s2 =	simm.s32 @!p0 $0x1C01  }
0xc4: {  	[timem:s3], [sflag:s2] =	dma.local @!p0 [hbm:s0], s1  }
0xc5: {  	s0 =	simm.s32 @!p0 $0x1  }
0xc6: {  	_ =	swait.ge @!p0 [sflag:s0], s1  }
0xc7: {  	s1 =	ssub.s32 @!p0 $0x0, s1;
	[sflag:s0] =	ssyncset.done @!p0 $0x0  }
0xc8: {  	[sflag:s0] =	ssyncadd.s32 @!p0 s1  }
0xc9: {  	[bflag:$0x3] =	sbarrier.arrive $0xFFFF  }
0xca: {  	_ =	shalt  }

// kernel: sparse-core-data-format-call.cloned.1.call-start
scs
called_computation_lowered:
.L_overlay_start_0:
0x0: {  	s1 =	sld [smem:$0x3FD9]  }
0x1: {  	s2 =	sld [smem:$0x3FFE];
	_ =	sdelay $0x1  }
0x2: {  	s3 =	srdreg.scid  }
0x3: {  	s0 =	sand.u32 $0x1, s3  }
0x4: {  	s17 =	sshll.u32 s0, $0xA;
	s1 =	sadd.s32 s2, s1  }
0x5: {  	s1 =	sadd.s32 s1, s17  }
0x6: {  	[smem:$0x3F67] =	sst s1  }
0x7: {  	_ = 	snop  }
0x8: {  	(tm) =	ssettm $0x1  }
0x9: {  	s18 =	sld [smem:$0x3FFB];
	_ =	sdelay $0x3  }
0xa: {  	_ =	strace s18  }
0xb: {  	s1 =	sld [smem:$0x3FFC];
	_ =	sdelay $0x3  }
0xc: {  	_ =	strace s1  }
0xd: {  	s1 =	sld [smem:$0x3FFD];
	_ =	sdelay $0x3  }
0xe: {  	_ =	strace s1  }
0xf: {  	_ =	strace $0x8FFFFFFF  }
0x10: {  	s19 =	sld [smem:$0x3FDB];
	_ =	sdelay $0x1  }
0x11: {  	s20 =	simm.s32 $_scs_section_size  }
0x12: {  	s4 =	simm.s32 $_size__tile_overlayer_lowered;
	s5 =	simm.s32 $_tile_overlayer_lowered  }
0x13: {  	s23 =	simm.s32 $0x1BFF;
	s22 =	sshll.u32 s5, $0x1;
	s1 =	sadd.s32 s20, s19  }
0x14: {  	s6 =	simm.s32 $0x0;
	s21 =	sshll.u32 s4, $0x1;
	s4 =	sadd.s32 s22, s1  }
0x15: {  	[timem:s6], [sflag:s23] =	dma.local [hbm:s4], s21  }
0x16: {  	_ =	swait.ge [sflag:s23], s21  }
0x17: {  	s2 =	ssub.s32 $0x0, s21;
	[sflag:s23] =	ssyncset.done $0x0  }
0x18: {  	[sflag:s23] =	ssyncadd.s32 s2;
	_ =	sdelay $0x1  }
0x19: {  	s24 =	simm.s32 $0x1B8B  }
0x1a: {  	_ =	swait.ge [sflag:s24], $0x1  }
0x1b: {  	[sflag:s24] =	ssyncset.done $0x0  }
0x1c: {  	s26 =	simm.s32 $0x1B8E;
	s25 =	sld [smem:$0x3FFE];
	[sflag:s24] =	ssyncadd.s32 $0xFFFFFFFF  }
0x1d: {  	s27 =	simm.s32 $execute0_lowered;
	[smem:$0x3FD2] =	sst s26  }
0x1e: {  	s4 =	sshll.u32 s27, $0x1;
	_ =	strace $0x8000004C;
	[dreg:$0x1] =	wrdreg $0xFFFFFFFF  }
0x1f: {  	s28 =	simm.s32 $_size_execute0_lowered;
	s1 =	sadd.s32 s1, s4;
	[dreg:$0x0] =	wrdreg $0x0  }
0x20: {  	s4 =	sshll.u32 s28, $0x1;
	[dreg:$0x2] =	wrdreg s1  }
0x21: {  	[dreg:$0x3] =	wrdreg s4  }
0x22: {  	[dreg:$0x4] =	wrdreg $0xC0  }
0x23: {  	_ =	task [dreg:s6], $0x5FFFF  }
0x24: {  	[dreg:$0x1] =	wrdreg $0xFFFFFFFF  }
0x25: {  	[dreg:$0x0] =	wrdreg $0x60  }
0x26: {  	[dreg:$0x2] =	wrdreg s25  }
0x27: {  	[dreg:$0x3] =	wrdreg $0x9  }
0x28: {  	_ =	task.clear_ibuf [dreg:s6], $0x4FFFF;
	_ =	strace $0x9000004C  }
0x29: {  	s29 =	simm.s32 $0x9;
	_ =	strace $0x8000004E  }
0x2a: {  	_ =	swait.ge [sflag:s29], $0x1  }
0x2b: {  	[sflag:s29] =	ssyncadd.s32 $0xFFFFFFFF  }
0x2c: {  	_ =	strace $0x9000004E  }
0x2d: {  	_ =	sfence  }
0x2e: {  	s30 =	sld [smem:$0x0];
	_ =	sdelay $0x2  }
0x2f: {  	s31 =	sshll.u32 s3, $0xD;
	s3 =	sshrl.u32 s3, $0x2  }
0x30: {  	s2 =	sand.u32 $0x4000, s31;
	s1 =	sadd.s32 s3, s30  }
0x31: {  	s0 =	sor.u32 s2, s0;
	s1 =	sshll.u32 s1, $0x11  }
0x32: {  	s0 =	sor.u32 s1, s0  }
0x33: {  	s0 =	sadd.s32 $0x8F2B, s0  }
0x34: {  	[sflag:s0] =	ssyncadd.remote.s32 $0x1  }
0x35: {  	_ =	sfence.sel $0xFFFF  }
0x36: {  	[dreg:$0x0] =	wrdreg $0xFFFFFFFF;
	(pc) =	sbr.abs _section_cstart, $3  }
0x37: {  	[dreg:$0x1] =	wrdreg $0xFFFFFFFF  }
0x38: {  	_ =	task.clear_ibuf [dreg:s6], $0x2FFFF;
	_ =	strace $0x9FFFFFFF  }
0x39: {  	(tm) =	ssettm $0x7FFFFFFF  }
tec
execute0_lowered:
.L_overlay_start_1:
0x0: {  	(tag) =	ssettag $0x1  }
0x1: {  	s0 =	stileid.u32  }
0x2: {  	s1 =	srdreg.scid;
	s5 =	rddreg [dreg:$0x0];
	s31 =	simm.s32 $0x2  }
0x3: {  	s16 =	simm.s32 $0x0;
	s2 =	sshll.u32 s0, $0x6;
	s1 =	sshll.u32 s1, $0xA  }
0x4: {  	s9 =	simm.s32 $0x8000;
	s14 =	simm.s32 $0x0;
	s1 =	sor.u32 s2, s1  }
0x5: {  	s15 =	simm.s32 $0x0;
	s10 =	simm.s32 $0x0;
	s1 =	sand.u32 $0x780, s1  }
0x6: {  	s13 =	simm.s32 $0x0;
	s2 =	sand.u32 $0x1, s0;
	s3 =	ssub.s32 $0x1000, s1  }
0x7: {  	s4 =	ssub.s32 $0x2, s2;
	s12 =	smov.u32 s2;
	s6 =	sand.u32 $0x780, s3  }
0x8: {  	s7 =	sshrl.u32 s4, $0x1;
	p0 =	sne.s32 s6, $0x0;
	s6 =	simm.s32 $0x1  }
0x9: {  	s4 =	sand.u32 $0x1, s4;
	s8 =	sshrl.u32 s3, $0xB;
	s6 =	simm.s32 @!p0 $0x0  }
.Ltmp0:
0xa: {  	s4 =	sadd.s32 s4, s7;
	s6 =	sadd.s32 s6, s8;
	(pc) =	sbr.rel .LBB1_1-.Ltmp0, $4  }
0xb: {  	s11 =	smov.u32 s1;
	s3 =	rddreg [dreg:$0x1];
	s7 =	smul.u32 s6, s4  }
0xc: {  	_ =	strace $0x8000004D;
	p0 =	por $0x0, $0x0;
	s6 =	simm.s32 $0x1  }
0xd: {  	s4 =	sadd.s32 $0xA8400, s5;
	[sflag:s6] =	ssyncpa.u1 $0x0;
	s7 =	sshll.u32 s7, $0x3  }
0xe: {  	s5 =	sadd.s32 $0x1A8400, s5;
	[sflag:s31] =	ssyncpa.u1 $0x0;
	s8 =	sor.u32 $0x1, s7  }
.LBB1_4:
0xf: {  	v5 =	vld [tilespmem:s19+$0xFFFFFFD0]  }
0x10: {  	[tilespmem:s20+$0x2040 ss:$0x81] =	vst.msk $0xffff, v1;
	v58 =	vld [tilespmem:s19+$0xFFFFFFE0]  }
0x11: {  	[tilespmem:s20+$0x2850 ss:$0x81] =	vst.msk $0xffff, v2;
	v59 =	vld [tilespmem:s19+$0xFFFFFFF0]  }
0x12: {  	s21 =	sshra.s32 s21, $0x2;
	[tilespmem:s20+$0x3060 ss:$0x81] =	vst.msk $0xffff, v3;
	v60 =	vld [tilespmem:s19+$0x0]  }
0x13: {  	[tilespmem:s20+$0x0 ss:$0x81] =	vst.msk $0xffff, v0;
	v61 =	vld [tilespmem:s19+$0x10];
	s18 =	sadd.s32 s21, s18  }
0x14: {  	s26 =	sshll.u32 s16, $0xC;
	v62 =	vld [tilespmem:s19+$0x20];
	[tilespmem:s18+$0x3870 ss:$0x81] =	vst.msk $0xffff, v4  }
0x15: {  	s27 =	sand.u32 $0x78, s14;
	s22 =	sshll.u32 s14, $0x3;
	v63 =	vld [tilespmem:s19+$0xFFFFFFC0];
	s29 =	sshll.u32 s16, $0x7;
	[tilespmem:s18+$0x810 ss:$0x81] =	vst.msk $0xffff, v5  }
0x16: {  	s15 =	sshll.u32 s15, $0x13;
	s20 =	sand.u32 $0x3F8000, s26;
	s28 =	sand.u32 $0x3FFC00, s22;
	[tilespmem:s18+$0x1020 ss:$0x81] =	vst.msk $0xffff, v58  }
0x17: {  	s31 =	sand.u32 $0x7, s14;
	s22 =	sand.u32 $0xC00, s22;
	s19 =	sadd.s32 s28, s20;
	[tilespmem:s18+$0x1830 ss:$0x81] =	vst.msk $0xffff, v59  }
0x18: {  	s16 =	sand.u32 $0x380, s29;
	s30 =	sor.u32 s27, s22;
	s19 =	sshrl.u32 s19, $0x3;
	[tilespmem:s18+$0x2040 ss:$0x81] =	vst.msk $0xffff, v60  }
0x19: {  	s15 =	sadd.s32 s5, s15;
	s16 =	sor.u32 s16, s30;
	s19 =	sand.u32 $0x7FE00, s19;
	[tilespmem:s18+$0x2850 ss:$0x81] =	vst.msk $0xffff, v61  }
0x1a: {  	s14 =	sshll.u32 s31, $0x12;
	s16 =	sshrl.u32 s16, $0x3;
	[tilespmem:s18+$0x3060 ss:$0x81] =	vst.msk $0xffff, v62;
	s15 =	sadd.s32 s19, s15  }
0x1b: {  	s14 =	sor.u32 $0x400, s14;
	[tilespmem:s18+$0x0 ss:$0x81] =	vst.msk $0xffff, v63;
	s15 =	sadd.s32 s16, s15  }
0x1c: {  	[hbm4b:s15+s14] =	stream.strided.scatter [tilespmem:s17], [sflag:$0x2], $0x4000, s9, s14, $0x20;
	[tilespmem:$0x10100] =	vst v63  }
.LBB1_5:
0x1d: {  	s17 =	sadd.s32 $0x80, s10  }
0x1e: {  	s14 =	sadd.s32 $0x800, s11;
	s18 =	smov.u32 s11;
	p2 =	sgt.s32 s17, $0x3FF  }
0x1f: {  	s18 =	smov.u32 @p2 s14  }
0x20: {  	s20 =	smov.u32 s12;
	s14 =	sadd.s32 $0x2, s12;
	p3 =	sgt.s32 s18, $0xFFF  }
0x21: {  	s20 =	smov.u32 @p3 s14  }
0x22: {  	s17 =	simm.s32 @p2 $0x0;
	p2 =	sgt.s32 s20, $0x1  }
0x23: {  	p1 =	slt.u32 s13, $0x2;
	s20 =	smov.u32 @p2 s2;
	p2 =	sne.s32 s13, s8  }
.Ltmp1:
0x24: {  	s19 =	simm.s32 @!p1 $0x2;
	(pc) =	sbr.rel @!p2 .LBB1_6-.Ltmp1, $4  }
0x25: {  	s16 =	smov.u32 s10;
	s15 =	smov.u32 s12;
	_ =	swait.ge @!p1 [sflag:s19], $0x4000  }
0x26: {  	p0 =	por !p0, !p0;
	[sflag:s19] =	ssyncset.done @!p1 $0x0;
	s10 =	smov.u32 s17  }
0x27: {  	s18 =	smov.u32 @p3 s1;
	s14 =	smov.u32 s11;
	[sflag:s19] =	ssyncadd.s32 @!p1 $0xFFFFC000  }
0x28: {  	s11 =	smov.u32 s18;
	s13 =	sadd.s32 $0x1, s13;
	s12 =	smov.u32 s20  }
.LBB1_1:
0x29: {  	p1 =	sge.u32 s13, s7  }
0x2a: {  	s31 =	sadd.s32 $0xFFFFFFFF, s13;
	s17 =	sshll.u32 @!p1 s11, $0x7  }
0x2b: {  	s18 =	sxor.u32 @!p1 $0xFFFFFFFF, s13;
	s19 =	sand.u32 @!p1 $0x78, s10;
	s20 =	sand.u32 @!p1 $0x380, s17  }
0x2c: {  	s18 =	sshll.u32 @!p1 s18, $0xE;
	s19 =	sor.u32 @!p1 s19, s20;
	s20 =	sshll.u32 @!p1 s12, $0x13  }
0x2d: {  	s17 =	sand.u32 @!p1 $0x7FC00, s17;
	s19 =	sshrl.u32 @!p1 s19, $0x3;
	s20 =	sadd.s32 @!p1 s4, s20  }
0x2e: {  	s17 =	sadd.s32 @!p1 s10, s17;
	s19 =	sadd.s32 @!p1 s19, s20;
	s20 =	sand.u32 @!p1 $0x7, s10  }
0x2f: {  	s18 =	sand.u32 @!p1 $0x4000, s18;
	s17 =	sand.u32 @!p1 $0x7FF80, s17;
	s20 =	sshll.u32 @!p1 s20, $0x12  }
0x30: {  	s17 =	sadd.s32 @!p1 s17, s19;
	s19 =	sor.u32 @!p1 $0x400, s20;
	s20 =	simm.s32 @!p1 $0x2000  }
0x31: {  	[tilespmem:s18], [sflag:$0x1] =	stream.strided.gather @!p1 [hbm4b:s17+s19], $0x4000, s20, s19, $0x38;
	[tilespmem:$0x10100] =	vst v63  }
0x32: {  	p1 =	sge.u32 s31, s7  }
.Ltmp2:
0x33: {  	_ = 	snop;
	(pc) =	sbr.rel @p1 .LBB1_5-.Ltmp2, $1  }
0x34: {  	_ =	sdelay $0x3  }
0x35: {  	s17 =	simm.s32 $0x1  }
0x36: {  	_ =	swait.ge [sflag:s6], $0x4000;
	s17 =	simm.s32 @!p0 $0x0  }
0x37: {  	[sflag:s6] =	ssyncset.done $0x0;
	s18 =	sshll.u32 s17, $0xE  }
0x38: {  	[sflag:s6] =	ssyncadd.s32 $0xFFFFC000;
	s19 =	sor.u32 $0x40, s18  }
0x39: {  	s17 =	smul.u32 $0x10200, s17;
	v0 =	vld [tilespmem:s19+$0x30]  }
0x3a: {  	v3 =	vld [tilespmem:s19+$0xFFFFFFD0]  }
0x3b: {  	s17 =	sshrl.u32 s17, $0x2;
	v4 =	vld [tilespmem:s19+$0xFFFFFFE0]  }
0x3c: {  	v5 =	vld [tilespmem:s19+$0xFFFFFFF0];
	s18 =	sor.u32 $0x8000, s17  }
0x3d: {  	s31 =	sand.u32 $0x1, s13;
	v1 =	vld [tilespmem:s19+$0x0];
	s20 =	sadd.s32 $0x0, s18  }
0x3e: {  	v2 =	vld [tilespmem:s19+$0x10];
	s17 =	smul.u32 $0x10200, s31;
	[tilespmem:s20+$0x3870 ss:$0x81] =	vst.msk $0xffff, v0  }
0x3f: {  	[tilespmem:s20+$0x810 ss:$0x81] =	vst.msk $0xffff, v3;
	v3 =	vld [tilespmem:s19+$0x20]  }
0x40: {  	s17 =	sshrl.u32 s17, $0x2;
	v0 =	vld [tilespmem:s19+$0xFFFFFFC0];
	[tilespmem:s20+$0x1020 ss:$0x81] =	vst.msk $0xffff, v4;
	s19 =	sadd.s32 $0x80, s19  }
0x41: {  	s21 =	simm.s32 $0x4;
	s22 =	simm.s32 $0x8;
	s17 =	sor.u32 $0x8000, s17;
	[tilespmem:s20+$0x1830 ss:$0x81] =	vst.msk $0xffff, v5;
	v4 =	vld [tilespmem:s19+$0x30]  }
.LBB1_3:
0x42: {  	p1 =	sne.s32 s22, $0x1FC;
	v5 =	vld [tilespmem:s19+$0xFFFFFFD0];
	[tilespmem:s20+$0x2040 ss:$0x81] =	vst.msk $0xffff, v1  }
0x43: {  	v6 =	vld [tilespmem:s19+$0xFFFFFFE0];
	[tilespmem:s20+$0x2850 ss:$0x81] =	vst.msk $0xffff, v2  }
0x44: {  	s23 =	sshra.s32 s21, $0x2;
	s21 =	smov.u32 s22;
	v7 =	vld [tilespmem:s19+$0xFFFFFFF0];
	[tilespmem:s20+$0x3060 ss:$0x81] =	vst.msk $0xffff, v3  }
.Ltmp3:
0x45: {  	v1 =	vld [tilespmem:s19+$0x0];
	[tilespmem:s20+$0x0 ss:$0x81] =	vst.msk $0xffff, v0;
	s20 =	sadd.s32 s23, s18;
	(pc) =	sbr.rel @p1 .LBB1_3-.Ltmp3, $4  }
0x46: {  	v2 =	vld [tilespmem:s19+$0x10];
	[tilespmem:s20+$0x3870 ss:$0x81] =	vst.msk $0xffff, v4  }
0x47: {  	[tilespmem:s20+$0x810 ss:$0x81] =	vst.msk $0xffff, v5;
	v3 =	vld [tilespmem:s19+$0x20]  }
0x48: {  	v0 =	vld [tilespmem:s19+$0xFFFFFFC0];
	[tilespmem:s20+$0x1020 ss:$0x81] =	vst.msk $0xffff, v6;
	s19 =	sadd.s32 $0x80, s19  }
0x49: {  	s22 =	sadd.s32 $0x4, s22;
	v4 =	vld [tilespmem:s19+$0x30];
	[tilespmem:s20+$0x1830 ss:$0x81] =	vst.msk $0xffff, v7  }
.Ltmp4:
0x4a: {  	_ = 	snop;
	(pc) =	sbr.rel .LBB1_4-.Ltmp4, $1  }
0x4b: {  	_ =	sdelay $0x3  }
.LBB1_6:
0x4c: {  	_ =	sfence.sel $0x180000  }
0x4d: {  	s1 =	simm.s32 $0x1;
	[bflag:$0x0] =	sbarrier.arrive $0xFFFF  }
0x4e: {  	s31 =	simm.s32 $0x2;
	[sflag:s1] =	ssyncpa.u1 $0x1  }
0x4f: {  	[sflag:s31] =	ssyncpa.u1 $0x1  }
0x50: {  	p0 =	sne.s32 s0, $0x0;
	_ =	strace $0x9000004D  }
0x51: {  	s0 =	sadd.s32 @!p0 $0x100000, s3;
	[bflag:$0x2] =	sbarrier.arrive $0xFFFF  }
0x52: {  	[sflag:s0] =	ssyncadd.tile.s32 @!p0 $0x1;
	_ =	shalt  }
.Lfunc_end1:
_tile_overlayer_lowered:
.L_overlay_start_2:
0x53: {  	(tag) =	ssettag $0x2  }
0x54: {  	s0 =	rddreg [dreg:$0x0];
	s2 =	stileid.u32  }
0x55: {  	s1 =	rddreg [dreg:$0x1];
	p0 =	sne.s32 s2, $0x0  }
0x56: {  	s3 =	rddreg [dreg:$0x2];
	[bflag:$0x3] =	sbarrier.arrive $0xFFFF;
	s2 =	simm.s32 @!p0 $0x1C01  }
0x57: {  	[timem:s3], [sflag:s2] =	dma.local @!p0 [hbm:s0], s1  }
0x58: {  	s0 =	simm.s32 @!p0 $0x1  }
0x59: {  	_ =	swait.ge @!p0 [sflag:s0], s1  }
0x5a: {  	s1 =	ssub.s32 @!p0 $0x0, s1;
	[sflag:s0] =	ssyncset.done @!p0 $0x0  }
0x5b: {  	[sflag:s0] =	ssyncadd.s32 @!p0 s1  }
0x5c: {  	[bflag:$0x3] =	sbarrier.arrive $0xFFFF  }
0x5d: {  	_ =	shalt  }

</sc_bundles>
